<compile_context>
chip_gen: v7x
topology: tpu7x:2x2x1
jax: 0.10.2.dev20260603
libtpu: 0.0.44.dev20260713+nightly
codegen_flags: <defaults>
</compile_context>

<pallas_src>
import functools

import jax
import jax.numpy as jnp
from jax import lax
from jax.experimental import pallas as pl
from jax.experimental.pallas import tpu as pltpu
from jax.experimental.pallas import tpu_sc as plsc

_EPS = 1e-6
_L = 16
_NC = 2
_NS = 16
_NW = _NC * _NS


def _softplus16(s):
    t = jnp.exp(-jnp.abs(s))
    c = 1.0 + t
    y = t * (0.9991150 + t * (-0.4899597 + t * 0.1560245))
    y = y - 1.0 + c * jnp.exp(-y)
    y = y - 1.0 + c * jnp.exp(-y)
    return jnp.maximum(s, 0.0) + y


def kernel(x, attr, mus, sigmas):
    B, D = x.shape
    A = mus.shape[0]
    G = D // _L
    rows_w = B // _NW
    CH = min(128, rows_w)
    nch = rows_w // CH

    mesh = plsc.VectorSubcoreMesh(core_axis_name="c", subcore_axis_name="s")

    @functools.partial(
        pl.kernel,
        out_type=jax.ShapeDtypeStruct((B, D), jnp.float32),
        mesh=mesh,
        compiler_params=pltpu.CompilerParams(needs_layout_passes=False),
        scratch_types=[
            pltpu.VMEM((A, D), jnp.float32),
            pltpu.VMEM((A, D), jnp.float32),
            pltpu.VMEM((A, D), jnp.int32),
            pltpu.VMEM((2, CH, D), jnp.float32),
            pltpu.VMEM((2, CH, D), jnp.float32),
            pltpu.VMEM((CH + _L,), jnp.int32),
            pltpu.VMEM((CH + _L,), jnp.int32),
            pltpu.SemaphoreType.DMA,
            pltpu.SemaphoreType.DMA,
            pltpu.SemaphoreType.DMA,
            pltpu.SemaphoreType.DMA,
        ],
    )
    def sc_kernel(x_hbm, attr_hbm, mus_hbm, sig_hbm, out_hbm,
                  mus_v, sig_v, ptab_v, xb2, ob2, ab0, ab1,
                  isem0, isem1, osem0, osem1):
        abufs = (ab0, ab1)
        isems = (isem0, isem1)
        osems = (osem0, osem1)
        wid = lax.axis_index("s") * _NC + lax.axis_index("c")
        base = wid * rows_w

        def start_in(t):
            b = t % 2
            r0 = base + t * CH
            dx = pltpu.async_copy(x_hbm.at[pl.ds(r0, CH), :], xb2.at[b], isems[b])
            da = pltpu.async_copy(attr_hbm.at[pl.ds(r0, CH)],
                                  abufs[b].at[pl.ds(0, CH)], isems[b])
            return (dx, da)

        in_desc = {0: start_in(0)}

        pltpu.sync_copy(mus_hbm, mus_v)
        pltpu.sync_copy(sig_hbm, sig_v)

        def build_row(r, carry):
            for g in range(G):
                s = sig_v[r, pl.ds(g * _L, _L)]
                m = mus_v[r, pl.ds(g * _L, _L)]
                sc = 1.0 / (_softplus16(s) + _EPS)
                pk = plsc.pack(sc, -m * sc, format=plsc.PackFormat.INTERLEAVED)
                ptab_v[r, pl.ds(g * _L, _L)] = plsc.bitcast(pk, jnp.int32)
            return carry

        lax.fori_loop(0, A, build_row, 0)

        in_desc[1] = start_in(1)

        def chunk_pair(t2, carry):
            for b in range(2):
                t = t2 * 2 + b
                xb, ob, ab = xb2.at[b], ob2.at[b], abufs[b]
                r0 = base + t * CH
                pltpu.make_async_copy(
                    x_hbm.at[pl.ds(r0, CH), :], xb, isems[b]).wait()
                pltpu.make_async_copy(
                    attr_hbm.at[pl.ds(r0, CH)], abufs[b].at[pl.ds(0, CH)],
                    isems[b]).wait()

                @pl.when(t2 > 0)
                def _drain():
                    rp = base + (t - 2) * CH
                    pltpu.make_async_copy(
                        ob, out_hbm.at[pl.ds(rp, CH), :], osems[b]).wait()

                compute_chunk(xb, ob, ab)

                @pl.when(t + 2 < nch)
                def _prefetch():
                    rn = base + (t + 2) * CH
                    pltpu.async_copy(
                        x_hbm.at[pl.ds(rn, CH), :], xb, isems[b])
                    pltpu.async_copy(
                        attr_hbm.at[pl.ds(rn, CH)],
                        abufs[b].at[pl.ds(0, CH)], isems[b])

                pltpu.async_copy(ob, out_hbm.at[pl.ds(r0, CH), :], osems[b])
            return carry

        RB = 8

        def compute_chunk(xb, ob, ab):
            def row_body(jg, carry):
                av = ab[pl.ds(jg * RB, _L)]
                for l in range(RB):
                    j = jg * RB + l
                    a = av[l]
                    sls = [pl.ds(g * _L, _L) for g in range(G)]
                    xs = [xb[j, sl] for sl in sls]
                    pks = [plsc.unpack(
                        plsc.bitcast(ptab_v[a, sl], jnp.bfloat16),
                        format=plsc.PackFormat.INTERLEAVED) for sl in sls]
                    for g, sl in enumerate(sls):
                        scv, bsv = pks[g]
                        ob[j, sl] = xs[g] * scv + bsv
                return carry

            lax.fori_loop(0, CH // RB, row_body, 0)

        lax.fori_loop(0, nch // 2, chunk_pair, 0)
        for b in range(2):
            t = nch - 2 + b
            pltpu.make_async_copy(
                ob2.at[b], out_hbm.at[pl.ds(base + t * CH, CH), :],
                osems[b]).wait()

    return sc_kernel(x, attr, mus, sigmas)

# --- scband reference (transcript-rebuilt; emitter-appended) ---
"""Pipeline reference for scband-fair-identity-normalizer-26345329394226 (READ-ONLY COPY).

The authoritative reference and input builder live on the scoring server;
editing this copy changes nothing except your own understanding.
"""

import jax, jax.numpy as jnp
import numpy as np

NUM_ATTR = 8
DIM = 128
B = 16384
MU = 0.001
SIGMA = 0.1
MOMENTUM = 0.0
EPS = 1e-6

def setup_inputs(seed: int = 0) -> dict:
    key = jax.random.key(seed)
    k1, k2, k3, k4 = jax.random.split(key, 4)
    x = jax.random.normal(k1, (B, DIM), dtype=jnp.float32)
    attr = jax.random.randint(k2, (B,), 0, NUM_ATTR, dtype=jnp.int32)
    mus = jax.random.normal(k3, (NUM_ATTR, DIM), dtype=jnp.float32) * MU
    sigmas = jax.random.normal(k4, (NUM_ATTR, DIM), dtype=jnp.float32) * SIGMA
    return {"x": x, "attr": attr, "mus": mus, "sigmas": sigmas}

def reference(x, attr, mus, sigmas):
    # Vectorized form of the per-row loop in the torch module:
    #   x[i] = (x[i] - mus[attr[i]]) / (log(1 + exp(sigmas[attr[i]])) + eps)
    # followed by momentum blending with the original x (momentum = 0 here,
    # kept in the math for faithfulness).
    mu_g = jnp.take(mus, attr, axis=0)            # [B, DIM] gather
    sig_g = jnp.log1p(jnp.exp(jnp.take(sigmas, attr, axis=0))) + EPS
    x_norm = (x - mu_g) / sig_g
    return (1.0 - MOMENTUM) * x_norm + MOMENTUM * x

if __name__ == "__main__":
    import jax
    _d = setup_inputs()
    print(jax.jit(kernel)(*tuple(_d.values())))

</pallas_src>

<mosaic_0001>
#map = affine_map<(d0, d1) -> (0, 0)>
#map1 = affine_map<(d0, d1) -> (0)>
module attributes {stable_mosaic.version = 14 : i64} {
  func.func @sc_kernel(%arg0: i32, %arg1: i32, %arg2: memref<16384x128xf32, #tpu.memory_space<hbm>>, %arg3: memref<16384xi32, #tpu.memory_space<hbm>>, %arg4: memref<8x128xf32, #tpu.memory_space<hbm>>, %arg5: memref<8x128xf32, #tpu.memory_space<hbm>>, %arg6: memref<16384x128xf32, #tpu.memory_space<hbm>>, %arg7: memref<8x128xf32, #tpu.memory_space<vmem>>, %arg8: memref<8x128xf32, #tpu.memory_space<vmem>>, %arg9: memref<8x128xi32, #tpu.memory_space<vmem>>, %arg10: memref<2x128x128xf32, #tpu.memory_space<vmem>>, %arg11: memref<2x128x128xf32, #tpu.memory_space<vmem>>, %arg12: memref<144xi32, #tpu.memory_space<vmem>>, %arg13: memref<144xi32, #tpu.memory_space<vmem>>, %arg14: memref<!tpu.dma_semaphore, #tpu.memory_space<semaphore_mem>>, %arg15: memref<!tpu.dma_semaphore, #tpu.memory_space<semaphore_mem>>, %arg16: memref<!tpu.dma_semaphore, #tpu.memory_space<semaphore_mem>>, %arg17: memref<!tpu.dma_semaphore, #tpu.memory_space<semaphore_mem>>) attributes {dimension_semantics = [#tpu.dimension_semantics<core_parallel>, #tpu.dimension_semantics<subcore_parallel>], iteration_bounds = array<i64: 2, 16>, scalar_prefetch = 0 : i64, scratch_operands = 11 : i64, tpu.core_type = #tpu.core_type<sc_vector_subcore>, window_params = [{transform_indices = #map}, {transform_indices = #map1}, {transform_indices = #map}, {transform_indices = #map}, {transform_indices = #map}]} {
    %mul3A = arith.constant 2 : i32
    %mul3A_0 = arith.muli %arg1, %mul3A : i32
    %add3A = arith.addi %mul3A_0, %arg0 : i32
    %mul3A_1 = arith.constant 512 : i32
    %mul3A_2 = arith.muli %add3A, %mul3A_1 : i32
    %add3A_3 = arith.constant 0 : i32
    %add3A_4 = arith.addi %mul3A_2, %add3A_3 : i32
    %dma_start3A = arith.constant 0 : i32
    %dma_start3A_5 = arith.constant 0 : i32
    %dma_start3A_6 = arith.constant 0 : i32
    %dma_start3A_7 = tpu.memref_slice %arg10[%dma_start3A, %dma_start3A_5, %dma_start3A_6] : memref<2x128x128xf32, #tpu.memory_space<vmem>> -> memref<1x128x128xf32, #tpu.memory_space<vmem>>
    %dma_start3A_8 = tpu.memref_squeeze %dma_start3A_7 : memref<1x128x128xf32, #tpu.memory_space<vmem>> -> memref<128x128xf32, #tpu.memory_space<vmem>>
    %dma_start3A_9 = arith.constant 0 : i32
    %dma_start3A_10 = tpu.memref_slice %arg2[%add3A_4, %dma_start3A_9] : memref<16384x128xf32, #tpu.memory_space<hbm>> -> memref<128x128xf32, #tpu.memory_space<hbm>>
    %dma_start3A_11 = arith.constant 0 : i32
    %dma_start3A_12 = arith.constant 0 : i32
    %dma_start3A_13 = tpu.memref_slice %arg10[%dma_start3A, %dma_start3A_11, %dma_start3A_12] : memref<2x128x128xf32, #tpu.memory_space<vmem>> -> memref<1x128x128xf32, #tpu.memory_space<vmem>>
    %dma_start3A_14 = tpu.memref_squeeze %dma_start3A_13 : memref<1x128x128xf32, #tpu.memory_space<vmem>> -> memref<128x128xf32, #tpu.memory_space<vmem>>
    %dma_start3A_15 = arith.constant 0 : i32
    %dma_start3A_16 = tpu.memref_slice %arg2[%add3A_4, %dma_start3A_15] : memref<16384x128xf32, #tpu.memory_space<hbm>> -> memref<128x128xf32, #tpu.memory_space<hbm>>
    tpu.enqueue_dma source(%dma_start3A_16 : memref<128x128xf32, #tpu.memory_space<hbm>>) target(%dma_start3A_14 : memref<128x128xf32, #tpu.memory_space<vmem>>) target_semaphore(%arg14 : memref<!tpu.dma_semaphore, #tpu.memory_space<semaphore_mem>>)
    %dma_start3A_17 = arith.constant 0 : i32
    %dma_start3A_18 = tpu.memref_slice %arg12[%dma_start3A_17] : memref<144xi32, #tpu.memory_space<vmem>> -> memref<128xi32, #tpu.memory_space<vmem>>
    %dma_start3A_19 = tpu.memref_slice %arg3[%add3A_4] : memref<16384xi32, #tpu.memory_space<hbm>> -> memref<128xi32, #tpu.memory_space<hbm>>
    %dma_start3A_20 = arith.constant 0 : i32
    %dma_start3A_21 = tpu.memref_slice %arg12[%dma_start3A_20] : memref<144xi32, #tpu.memory_space<vmem>> -> memref<128xi32, #tpu.memory_space<vmem>>
    %dma_start3A_22 = tpu.memref_slice %arg3[%add3A_4] : memref<16384xi32, #tpu.memory_space<hbm>> -> memref<128xi32, #tpu.memory_space<hbm>>
    tpu.enqueue_dma source(%dma_start3A_22 : memref<128xi32, #tpu.memory_space<hbm>>) target(%dma_start3A_21 : memref<128xi32, #tpu.memory_space<vmem>>) target_semaphore(%arg14 : memref<!tpu.dma_semaphore, #tpu.memory_space<semaphore_mem>>)
    "tpu.region"() ({
      %run_scoped3A = tpu.sem_alloc : memref<!tpu.dma_semaphore, #tpu.memory_space<semaphore_mem>>
      tpu.enqueue_dma source(%arg4 : memref<8x128xf32, #tpu.memory_space<hbm>>) target(%arg7 : memref<8x128xf32, #tpu.memory_space<vmem>>) target_semaphore(%run_scoped3A : memref<!tpu.dma_semaphore, #tpu.memory_space<semaphore_mem>>)
      tpu.wait_dma2 semaphore(%run_scoped3A : memref<!tpu.dma_semaphore, #tpu.memory_space<semaphore_mem>>) src(%arg4 : memref<8x128xf32, #tpu.memory_space<hbm>>) dst(%arg7 : memref<8x128xf32, #tpu.memory_space<vmem>>)
      tpu.yield
    }) : () -> ()
    "tpu.region"() ({
      %run_scoped3A = tpu.sem_alloc : memref<!tpu.dma_semaphore, #tpu.memory_space<semaphore_mem>>
      tpu.enqueue_dma source(%arg5 : memref<8x128xf32, #tpu.memory_space<hbm>>) target(%arg8 : memref<8x128xf32, #tpu.memory_space<vmem>>) target_semaphore(%run_scoped3A : memref<!tpu.dma_semaphore, #tpu.memory_space<semaphore_mem>>)
      tpu.wait_dma2 semaphore(%run_scoped3A : memref<!tpu.dma_semaphore, #tpu.memory_space<semaphore_mem>>) src(%arg5 : memref<8x128xf32, #tpu.memory_space<hbm>>) dst(%arg8 : memref<8x128xf32, #tpu.memory_space<vmem>>)
      tpu.yield
    }) : () -> ()
    %scan3A = arith.constant 0 : i32
    %scan3A_23 = arith.constant 0 : i32
    %scan3A_24 = arith.constant 8 : i32
    %scan3A_25 = arith.addi %scan3A_23, %scan3A_24 : i32
    %scan3A_26 = arith.constant 1 : i32
    scf.for %scan3A_84 = %scan3A_23 to %scan3A_25 step %scan3A_26  : i32 {
      %get3A = arith.index_cast %scan3A_84 : i32 to index
      %get3A_85 = arith.constant 0 : index
      %get3A_86 = tpu.vector_load %arg8[%get3A, %get3A_85] {strides = array<i32>} : memref<8x128xf32, #tpu.memory_space<vmem>>, vector<16xf32>,
      %get3A_87 = arith.index_cast %scan3A_84 : i32 to index
      %get3A_88 = arith.constant 0 : index
      %get3A_89 = tpu.vector_load %arg7[%get3A_87, %get3A_88] {strides = array<i32>} : memref<8x128xf32, #tpu.memory_space<vmem>>, vector<16xf32>,
      %abs3A = math.absf %get3A_86 : vector<16xf32>
      %neg3A = arith.constant 0.000000e+00 : f32
      %neg3A_90 = vector.broadcast %neg3A : f32 to vector<16xf32>
      %neg3A_91 = arith.subf %neg3A_90, %abs3A : vector<16xf32>
      %exp3A = math.exp %neg3A_91 : vector<16xf32>
      %add3A_92 = arith.constant 1.000000e+00 : f32
      %add3A_93 = vector.broadcast %add3A_92 : f32 to vector<16xf32>
      %add3A_94 = arith.addf %add3A_93, %exp3A : vector<16xf32>
      %mul3A_95 = arith.constant 0.156024501 : f32
      %mul3A_96 = vector.broadcast %mul3A_95 : f32 to vector<16xf32>
      %mul3A_97 = arith.mulf %exp3A, %mul3A_96 : vector<16xf32>
      %add3A_98 = arith.constant -0.489959687 : f32
      %add3A_99 = vector.broadcast %add3A_98 : f32 to vector<16xf32>
      %add3A_100 = arith.addf %add3A_99, %mul3A_97 : vector<16xf32>
      %mul3A_101 = arith.mulf %exp3A, %add3A_100 : vector<16xf32>
      %add3A_102 = arith.constant 0.99911499 : f32
      %add3A_103 = vector.broadcast %add3A_102 : f32 to vector<16xf32>
      %add3A_104 = arith.addf %add3A_103, %mul3A_101 : vector<16xf32>
      %mul3A_105 = arith.mulf %exp3A, %add3A_104 : vector<16xf32>
      %sub3A = arith.constant 1.000000e+00 : f32
      %sub3A_106 = vector.broadcast %sub3A : f32 to vector<16xf32>
      %sub3A_107 = arith.subf %mul3A_105, %sub3A_106 : vector<16xf32>
      %neg3A_108 = arith.constant 0.000000e+00 : f32
      %neg3A_109 = vector.broadcast %neg3A_108 : f32 to vector<16xf32>
      %neg3A_110 = arith.subf %neg3A_109, %mul3A_105 : vector<16xf32>
      %exp3A_111 = math.exp %neg3A_110 : vector<16xf32>
      %mul3A_112 = arith.mulf %add3A_94, %exp3A_111 : vector<16xf32>
      %add3A_113 = arith.addf %sub3A_107, %mul3A_112 : vector<16xf32>
      %sub3A_114 = arith.constant 1.000000e+00 : f32
      %sub3A_115 = vector.broadcast %sub3A_114 : f32 to vector<16xf32>
      %sub3A_116 = arith.subf %add3A_113, %sub3A_115 : vector<16xf32>
      %neg3A_117 = arith.constant 0.000000e+00 : f32
      %neg3A_118 = vector.broadcast %neg3A_117 : f32 to vector<16xf32>
      %neg3A_119 = arith.subf %neg3A_118, %add3A_113 : vector<16xf32>
      %exp3A_120 = math.exp %neg3A_119 : vector<16xf32>
      %mul3A_121 = arith.mulf %add3A_94, %exp3A_120 : vector<16xf32>
      %add3A_122 = arith.addf %sub3A_116, %mul3A_121 : vector<16xf32>
      %max3A = arith.constant 0.000000e+00 : f32
      %max3A_123 = vector.broadcast %max3A : f32 to vector<16xf32>
      %max3A_124 = arith.maximumf %get3A_86, %max3A_123 : vector<16xf32>
      %add3A_125 = arith.addf %max3A_124, %add3A_122 : vector<16xf32>
      %add3A_126 = arith.constant 9.99999997E-7 : f32
      %add3A_127 = vector.broadcast %add3A_126 : f32 to vector<16xf32>
      %add3A_128 = arith.addf %add3A_125, %add3A_127 : vector<16xf32>
      %div3A = arith.constant 1.000000e+00 : f32
      %div3A_129 = vector.broadcast %div3A : f32 to vector<16xf32>
      %div3A_130 = arith.divf %div3A_129, %add3A_128 : vector<16xf32>
      %neg3A_131 = arith.constant 0.000000e+00 : f32
      %neg3A_132 = vector.broadcast %neg3A_131 : f32 to vector<16xf32>
      %neg3A_133 = arith.subf %neg3A_132, %get3A_89 : vector<16xf32>
      %mul3A_134 = arith.mulf %neg3A_133, %div3A_130 : vector<16xf32>
      %pack3A = tpu.pack_subelements %div3A_130, %mul3A_134 {pack_format = #tpu.pack_format<interleaved>, positions = array<i32: 0, 1>} : vector<16xf32>, vector<16xf32> -> vector<32xbf16>
      %bitcast3A = vector.bitcast %pack3A : vector<32xbf16> to vector<16xi32>
      %swap3A = arith.index_cast %scan3A_84 : i32 to index
      %swap3A_135 = arith.constant 0 : index
      %swap3A_136 = tpu.vector_load %arg9[%swap3A, %swap3A_135] {strides = array<i32>} : memref<8x128xi32, #tpu.memory_space<vmem>>, vector<16xi32>,
      tpu.vector_store %arg9[%swap3A, %swap3A_135], %bitcast3A {strides = array<i32>} : memref<8x128xi32, #tpu.memory_space<vmem>>, vector<16xi32>,
      %get3A_137 = arith.index_cast %scan3A_84 : i32 to index
      %get3A_138 = arith.constant 16 : index
      %get3A_139 = tpu.vector_load %arg8[%get3A_137, %get3A_138] {strides = array<i32>} : memref<8x128xf32, #tpu.memory_space<vmem>>, vector<16xf32>,
      %get3A_140 = arith.index_cast %scan3A_84 : i32 to index
      %get3A_141 = arith.constant 16 : index
      %get3A_142 = tpu.vector_load %arg7[%get3A_140, %get3A_141] {strides = array<i32>} : memref<8x128xf32, #tpu.memory_space<vmem>>, vector<16xf32>,
      %abs3A_143 = math.absf %get3A_139 : vector<16xf32>
      %neg3A_144 = arith.constant 0.000000e+00 : f32
      %neg3A_145 = vector.broadcast %neg3A_144 : f32 to vector<16xf32>
      %neg3A_146 = arith.subf %neg3A_145, %abs3A_143 : vector<16xf32>
      %exp3A_147 = math.exp %neg3A_146 : vector<16xf32>
      %add3A_148 = arith.constant 1.000000e+00 : f32
      %add3A_149 = vector.broadcast %add3A_148 : f32 to vector<16xf32>
      %add3A_150 = arith.addf %add3A_149, %exp3A_147 : vector<16xf32>
      %mul3A_151 = arith.constant 0.156024501 : f32
      %mul3A_152 = vector.broadcast %mul3A_151 : f32 to vector<16xf32>
      %mul3A_153 = arith.mulf %exp3A_147, %mul3A_152 : vector<16xf32>
      %add3A_154 = arith.constant -0.489959687 : f32
      %add3A_155 = vector.broadcast %add3A_154 : f32 to vector<16xf32>
      %add3A_156 = arith.addf %add3A_155, %mul3A_153 : vector<16xf32>
      %mul3A_157 = arith.mulf %exp3A_147, %add3A_156 : vector<16xf32>
      %add3A_158 = arith.constant 0.99911499 : f32
      %add3A_159 = vector.broadcast %add3A_158 : f32 to vector<16xf32>
      %add3A_160 = arith.addf %add3A_159, %mul3A_157 : vector<16xf32>
      %mul3A_161 = arith.mulf %exp3A_147, %add3A_160 : vector<16xf32>
      %sub3A_162 = arith.constant 1.000000e+00 : f32
      %sub3A_163 = vector.broadcast %sub3A_162 : f32 to vector<16xf32>
      %sub3A_164 = arith.subf %mul3A_161, %sub3A_163 : vector<16xf32>
      %neg3A_165 = arith.constant 0.000000e+00 : f32
      %neg3A_166 = vector.broadcast %neg3A_165 : f32 to vector<16xf32>
      %neg3A_167 = arith.subf %neg3A_166, %mul3A_161 : vector<16xf32>
      %exp3A_168 = math.exp %neg3A_167 : vector<16xf32>
      %mul3A_169 = arith.mulf %add3A_150, %exp3A_168 : vector<16xf32>
      %add3A_170 = arith.addf %sub3A_164, %mul3A_169 : vector<16xf32>
      %sub3A_171 = arith.constant 1.000000e+00 : f32
      %sub3A_172 = vector.broadcast %sub3A_171 : f32 to vector<16xf32>
      %sub3A_173 = arith.subf %add3A_170, %sub3A_172 : vector<16xf32>
      %neg3A_174 = arith.constant 0.000000e+00 : f32
      %neg3A_175 = vector.broadcast %neg3A_174 : f32 to vector<16xf32>
      %neg3A_176 = arith.subf %neg3A_175, %add3A_170 : vector<16xf32>
      %exp3A_177 = math.exp %neg3A_176 : vector<16xf32>
      %mul3A_178 = arith.mulf %add3A_150, %exp3A_177 : vector<16xf32>
      %add3A_179 = arith.addf %sub3A_173, %mul3A_178 : vector<16xf32>
      %max3A_180 = arith.constant 0.000000e+00 : f32
      %max3A_181 = vector.broadcast %max3A_180 : f32 to vector<16xf32>
      %max3A_182 = arith.maximumf %get3A_139, %max3A_181 : vector<16xf32>
      %add3A_183 = arith.addf %max3A_182, %add3A_179 : vector<16xf32>
      %add3A_184 = arith.constant 9.99999997E-7 : f32
      %add3A_185 = vector.broadcast %add3A_184 : f32 to vector<16xf32>
      %add3A_186 = arith.addf %add3A_183, %add3A_185 : vector<16xf32>
      %div3A_187 = arith.constant 1.000000e+00 : f32
      %div3A_188 = vector.broadcast %div3A_187 : f32 to vector<16xf32>
      %div3A_189 = arith.divf %div3A_188, %add3A_186 : vector<16xf32>
      %neg3A_190 = arith.constant 0.000000e+00 : f32
      %neg3A_191 = vector.broadcast %neg3A_190 : f32 to vector<16xf32>
      %neg3A_192 = arith.subf %neg3A_191, %get3A_142 : vector<16xf32>
      %mul3A_193 = arith.mulf %neg3A_192, %div3A_189 : vector<16xf32>
      %pack3A_194 = tpu.pack_subelements %div3A_189, %mul3A_193 {pack_format = #tpu.pack_format<interleaved>, positions = array<i32: 0, 1>} : vector<16xf32>, vector<16xf32> -> vector<32xbf16>
      %bitcast3A_195 = vector.bitcast %pack3A_194 : vector<32xbf16> to vector<16xi32>
      %swap3A_196 = arith.index_cast %scan3A_84 : i32 to index
      %swap3A_197 = arith.constant 16 : index
      %swap3A_198 = tpu.vector_load %arg9[%swap3A_196, %swap3A_197] {strides = array<i32>} : memref<8x128xi32, #tpu.memory_space<vmem>>, vector<16xi32>,
      tpu.vector_store %arg9[%swap3A_196, %swap3A_197], %bitcast3A_195 {strides = array<i32>} : memref<8x128xi32, #tpu.memory_space<vmem>>, vector<16xi32>,
      %get3A_199 = arith.index_cast %scan3A_84 : i32 to index
      %get3A_200 = arith.constant 32 : index
      %get3A_201 = tpu.vector_load %arg8[%get3A_199, %get3A_200] {strides = array<i32>} : memref<8x128xf32, #tpu.memory_space<vmem>>, vector<16xf32>,
      %get3A_202 = arith.index_cast %scan3A_84 : i32 to index
      %get3A_203 = arith.constant 32 : index
      %get3A_204 = tpu.vector_load %arg7[%get3A_202, %get3A_203] {strides = array<i32>} : memref<8x128xf32, #tpu.memory_space<vmem>>, vector<16xf32>,
      %abs3A_205 = math.absf %get3A_201 : vector<16xf32>
      %neg3A_206 = arith.constant 0.000000e+00 : f32
      %neg3A_207 = vector.broadcast %neg3A_206 : f32 to vector<16xf32>
      %neg3A_208 = arith.subf %neg3A_207, %abs3A_205 : vector<16xf32>
      %exp3A_209 = math.exp %neg3A_208 : vector<16xf32>
      %add3A_210 = arith.constant 1.000000e+00 : f32
      %add3A_211 = vector.broadcast %add3A_210 : f32 to vector<16xf32>
      %add3A_212 = arith.addf %add3A_211, %exp3A_209 : vector<16xf32>
      %mul3A_213 = arith.constant 0.156024501 : f32
      %mul3A_214 = vector.broadcast %mul3A_213 : f32 to vector<16xf32>
      %mul3A_215 = arith.mulf %exp3A_209, %mul3A_214 : vector<16xf32>
      %add3A_216 = arith.constant -0.489959687 : f32
      %add3A_217 = vector.broadcast %add3A_216 : f32 to vector<16xf32>
      %add3A_218 = arith.addf %add3A_217, %mul3A_215 : vector<16xf32>
      %mul3A_219 = arith.mulf %exp3A_209, %add3A_218 : vector<16xf32>
      %add3A_220 = arith.constant 0.99911499 : f32
      %add3A_221 = vector.broadcast %add3A_220 : f32 to vector<16xf32>
      %add3A_222 = arith.addf %add3A_221, %mul3A_219 : vector<16xf32>
      %mul3A_223 = arith.mulf %exp3A_209, %add3A_222 : vector<16xf32>
      %sub3A_224 = arith.constant 1.000000e+00 : f32
      %sub3A_225 = vector.broadcast %sub3A_224 : f32 to vector<16xf32>
      %sub3A_226 = arith.subf %mul3A_223, %sub3A_225 : vector<16xf32>
      %neg3A_227 = arith.constant 0.000000e+00 : f32
      %neg3A_228 = vector.broadcast %neg3A_227 : f32 to vector<16xf32>
      %neg3A_229 = arith.subf %neg3A_228, %mul3A_223 : vector<16xf32>
      %exp3A_230 = math.exp %neg3A_229 : vector<16xf32>
      %mul3A_231 = arith.mulf %add3A_212, %exp3A_230 : vector<16xf32>
      %add3A_232 = arith.addf %sub3A_226, %mul3A_231 : vector<16xf32>
      %sub3A_233 = arith.constant 1.000000e+00 : f32
      %sub3A_234 = vector.broadcast %sub3A_233 : f32 to vector<16xf32>
      %sub3A_235 = arith.subf %add3A_232, %sub3A_234 : vector<16xf32>
      %neg3A_236 = arith.constant 0.000000e+00 : f32
      %neg3A_237 = vector.broadcast %neg3A_236 : f32 to vector<16xf32>
      %neg3A_238 = arith.subf %neg3A_237, %add3A_232 : vector<16xf32>
      %exp3A_239 = math.exp %neg3A_238 : vector<16xf32>
      %mul3A_240 = arith.mulf %add3A_212, %exp3A_239 : vector<16xf32>
      %add3A_241 = arith.addf %sub3A_235, %mul3A_240 : vector<16xf32>
      %max3A_242 = arith.constant 0.000000e+00 : f32
      %max3A_243 = vector.broadcast %max3A_242 : f32 to vector<16xf32>
      %max3A_244 = arith.maximumf %get3A_201, %max3A_243 : vector<16xf32>
      %add3A_245 = arith.addf %max3A_244, %add3A_241 : vector<16xf32>
      %add3A_246 = arith.constant 9.99999997E-7 : f32
      %add3A_247 = vector.broadcast %add3A_246 : f32 to vector<16xf32>
      %add3A_248 = arith.addf %add3A_245, %add3A_247 : vector<16xf32>
      %div3A_249 = arith.constant 1.000000e+00 : f32
      %div3A_250 = vector.broadcast %div3A_249 : f32 to vector<16xf32>
      %div3A_251 = arith.divf %div3A_250, %add3A_248 : vector<16xf32>
      %neg3A_252 = arith.constant 0.000000e+00 : f32
      %neg3A_253 = vector.broadcast %neg3A_252 : f32 to vector<16xf32>
      %neg3A_254 = arith.subf %neg3A_253, %get3A_204 : vector<16xf32>
      %mul3A_255 = arith.mulf %neg3A_254, %div3A_251 : vector<16xf32>
      %pack3A_256 = tpu.pack_subelements %div3A_251, %mul3A_255 {pack_format = #tpu.pack_format<interleaved>, positions = array<i32: 0, 1>} : vector<16xf32>, vector<16xf32> -> vector<32xbf16>
      %bitcast3A_257 = vector.bitcast %pack3A_256 : vector<32xbf16> to vector<16xi32>
      %swap3A_258 = arith.index_cast %scan3A_84 : i32 to index
      %swap3A_259 = arith.constant 32 : index
      %swap3A_260 = tpu.vector_load %arg9[%swap3A_258, %swap3A_259] {strides = array<i32>} : memref<8x128xi32, #tpu.memory_space<vmem>>, vector<16xi32>,
      tpu.vector_store %arg9[%swap3A_258, %swap3A_259], %bitcast3A_257 {strides = array<i32>} : memref<8x128xi32, #tpu.memory_space<vmem>>, vector<16xi32>,
      %get3A_261 = arith.index_cast %scan3A_84 : i32 to index
      %get3A_262 = arith.constant 48 : index
      %get3A_263 = tpu.vector_load %arg8[%get3A_261, %get3A_262] {strides = array<i32>} : memref<8x128xf32, #tpu.memory_space<vmem>>, vector<16xf32>,
      %get3A_264 = arith.index_cast %scan3A_84 : i32 to index
      %get3A_265 = arith.constant 48 : index
      %get3A_266 = tpu.vector_load %arg7[%get3A_264, %get3A_265] {strides = array<i32>} : memref<8x128xf32, #tpu.memory_space<vmem>>, vector<16xf32>,
      %abs3A_267 = math.absf %get3A_263 : vector<16xf32>
      %neg3A_268 = arith.constant 0.000000e+00 : f32
      %neg3A_269 = vector.broadcast %neg3A_268 : f32 to vector<16xf32>
      %neg3A_270 = arith.subf %neg3A_269, %abs3A_267 : vector<16xf32>
      %exp3A_271 = math.exp %neg3A_270 : vector<16xf32>
      %add3A_272 = arith.constant 1.000000e+00 : f32
      %add3A_273 = vector.broadcast %add3A_272 : f32 to vector<16xf32>
      %add3A_274 = arith.addf %add3A_273, %exp3A_271 : vector<16xf32>
      %mul3A_275 = arith.constant 0.156024501 : f32
      %mul3A_276 = vector.broadcast %mul3A_275 : f32 to vector<16xf32>
      %mul3A_277 = arith.mulf %exp3A_271, %mul3A_276 : vector<16xf32>
      %add3A_278 = arith.constant -0.489959687 : f32
      %add3A_279 = vector.broadcast %add3A_278 : f32 to vector<16xf32>
      %add3A_280 = arith.addf %add3A_279, %mul3A_277 : vector<16xf32>
      %mul3A_281 = arith.mulf %exp3A_271, %add3A_280 : vector<16xf32>
      %add3A_282 = arith.constant 0.99911499 : f32
      %add3A_283 = vector.broadcast %add3A_282 : f32 to vector<16xf32>
      %add3A_284 = arith.addf %add3A_283, %mul3A_281 : vector<16xf32>
      %mul3A_285 = arith.mulf %exp3A_271, %add3A_284 : vector<16xf32>
      %sub3A_286 = arith.constant 1.000000e+00 : f32
      %sub3A_287 = vector.broadcast %sub3A_286 : f32 to vector<16xf32>
      %sub3A_288 = arith.subf %mul3A_285, %sub3A_287 : vector<16xf32>
      %neg3A_289 = arith.constant 0.000000e+00 : f32
      %neg3A_290 = vector.broadcast %neg3A_289 : f32 to vector<16xf32>
      %neg3A_291 = arith.subf %neg3A_290, %mul3A_285 : vector<16xf32>
      %exp3A_292 = math.exp %neg3A_291 : vector<16xf32>
      %mul3A_293 = arith.mulf %add3A_274, %exp3A_292 : vector<16xf32>
      %add3A_294 = arith.addf %sub3A_288, %mul3A_293 : vector<16xf32>
      %sub3A_295 = arith.constant 1.000000e+00 : f32
      %sub3A_296 = vector.broadcast %sub3A_295 : f32 to vector<16xf32>
      %sub3A_297 = arith.subf %add3A_294, %sub3A_296 : vector<16xf32>
      %neg3A_298 = arith.constant 0.000000e+00 : f32
      %neg3A_299 = vector.broadcast %neg3A_298 : f32 to vector<16xf32>
      %neg3A_300 = arith.subf %neg3A_299, %add3A_294 : vector<16xf32>
      %exp3A_301 = math.exp %neg3A_300 : vector<16xf32>
      %mul3A_302 = arith.mulf %add3A_274, %exp3A_301 : vector<16xf32>
      %add3A_303 = arith.addf %sub3A_297, %mul3A_302 : vector<16xf32>
      %max3A_304 = arith.constant 0.000000e+00 : f32
      %max3A_305 = vector.broadcast %max3A_304 : f32 to vector<16xf32>
      %max3A_306 = arith.maximumf %get3A_263, %max3A_305 : vector<16xf32>
      %add3A_307 = arith.addf %max3A_306, %add3A_303 : vector<16xf32>
      %add3A_308 = arith.constant 9.99999997E-7 : f32
      %add3A_309 = vector.broadcast %add3A_308 : f32 to vector<16xf32>
      %add3A_310 = arith.addf %add3A_307, %add3A_309 : vector<16xf32>
      %div3A_311 = arith.constant 1.000000e+00 : f32
      %div3A_312 = vector.broadcast %div3A_311 : f32 to vector<16xf32>
      %div3A_313 = arith.divf %div3A_312, %add3A_310 : vector<16xf32>
      %neg3A_314 = arith.constant 0.000000e+00 : f32
      %neg3A_315 = vector.broadcast %neg3A_314 : f32 to vector<16xf32>
      %neg3A_316 = arith.subf %neg3A_315, %get3A_266 : vector<16xf32>
      %mul3A_317 = arith.mulf %neg3A_316, %div3A_313 : vector<16xf32>
      %pack3A_318 = tpu.pack_subelements %div3A_313, %mul3A_317 {pack_format = #tpu.pack_format<interleaved>, positions = array<i32: 0, 1>} : vector<16xf32>, vector<16xf32> -> vector<32xbf16>
      %bitcast3A_319 = vector.bitcast %pack3A_318 : vector<32xbf16> to vector<16xi32>
      %swap3A_320 = arith.index_cast %scan3A_84 : i32 to index
      %swap3A_321 = arith.constant 48 : index
      %swap3A_322 = tpu.vector_load %arg9[%swap3A_320, %swap3A_321] {strides = array<i32>} : memref<8x128xi32, #tpu.memory_space<vmem>>, vector<16xi32>,
      tpu.vector_store %arg9[%swap3A_320, %swap3A_321], %bitcast3A_319 {strides = array<i32>} : memref<8x128xi32, #tpu.memory_space<vmem>>, vector<16xi32>,
      %get3A_323 = arith.index_cast %scan3A_84 : i32 to index
      %get3A_324 = arith.constant 64 : index
      %get3A_325 = tpu.vector_load %arg8[%get3A_323, %get3A_324] {strides = array<i32>} : memref<8x128xf32, #tpu.memory_space<vmem>>, vector<16xf32>,
      %get3A_326 = arith.index_cast %scan3A_84 : i32 to index
      %get3A_327 = arith.constant 64 : index
      %get3A_328 = tpu.vector_load %arg7[%get3A_326, %get3A_327] {strides = array<i32>} : memref<8x128xf32, #tpu.memory_space<vmem>>, vector<16xf32>,
      %abs3A_329 = math.absf %get3A_325 : vector<16xf32>
      %neg3A_330 = arith.constant 0.000000e+00 : f32
      %neg3A_331 = vector.broadcast %neg3A_330 : f32 to vector<16xf32>
      %neg3A_332 = arith.subf %neg3A_331, %abs3A_329 : vector<16xf32>
      %exp3A_333 = math.exp %neg3A_332 : vector<16xf32>
      %add3A_334 = arith.constant 1.000000e+00 : f32
      %add3A_335 = vector.broadcast %add3A_334 : f32 to vector<16xf32>
      %add3A_336 = arith.addf %add3A_335, %exp3A_333 : vector<16xf32>
      %mul3A_337 = arith.constant 0.156024501 : f32
      %mul3A_338 = vector.broadcast %mul3A_337 : f32 to vector<16xf32>
      %mul3A_339 = arith.mulf %exp3A_333, %mul3A_338 : vector<16xf32>
      %add3A_340 = arith.constant -0.489959687 : f32
      %add3A_341 = vector.broadcast %add3A_340 : f32 to vector<16xf32>
      %add3A_342 = arith.addf %add3A_341, %mul3A_339 : vector<16xf32>
      %mul3A_343 = arith.mulf %exp3A_333, %add3A_342 : vector<16xf32>
      %add3A_344 = arith.constant 0.99911499 : f32
      %add3A_345 = vector.broadcast %add3A_344 : f32 to vector<16xf32>
      %add3A_346 = arith.addf %add3A_345, %mul3A_343 : vector<16xf32>
      %mul3A_347 = arith.mulf %exp3A_333, %add3A_346 : vector<16xf32>
      %sub3A_348 = arith.constant 1.000000e+00 : f32
      %sub3A_349 = vector.broadcast %sub3A_348 : f32 to vector<16xf32>
      %sub3A_350 = arith.subf %mul3A_347, %sub3A_349 : vector<16xf32>
      %neg3A_351 = arith.constant 0.000000e+00 : f32
      %neg3A_352 = vector.broadcast %neg3A_351 : f32 to vector<16xf32>
      %neg3A_353 = arith.subf %neg3A_352, %mul3A_347 : vector<16xf32>
      %exp3A_354 = math.exp %neg3A_353 : vector<16xf32>
      %mul3A_355 = arith.mulf %add3A_336, %exp3A_354 : vector<16xf32>
      %add3A_356 = arith.addf %sub3A_350, %mul3A_355 : vector<16xf32>
      %sub3A_357 = arith.constant 1.000000e+00 : f32
      %sub3A_358 = vector.broadcast %sub3A_357 : f32 to vector<16xf32>
      %sub3A_359 = arith.subf %add3A_356, %sub3A_358 : vector<16xf32>
      %neg3A_360 = arith.constant 0.000000e+00 : f32
      %neg3A_361 = vector.broadcast %neg3A_360 : f32 to vector<16xf32>
      %neg3A_362 = arith.subf %neg3A_361, %add3A_356 : vector<16xf32>
      %exp3A_363 = math.exp %neg3A_362 : vector<16xf32>
      %mul3A_364 = arith.mulf %add3A_336, %exp3A_363 : vector<16xf32>
      %add3A_365 = arith.addf %sub3A_359, %mul3A_364 : vector<16xf32>
      %max3A_366 = arith.constant 0.000000e+00 : f32
      %max3A_367 = vector.broadcast %max3A_366 : f32 to vector<16xf32>
      %max3A_368 = arith.maximumf %get3A_325, %max3A_367 : vector<16xf32>
      %add3A_369 = arith.addf %max3A_368, %add3A_365 : vector<16xf32>
      %add3A_370 = arith.constant 9.99999997E-7 : f32
      %add3A_371 = vector.broadcast %add3A_370 : f32 to vector<16xf32>
      %add3A_372 = arith.addf %add3A_369, %add3A_371 : vector<16xf32>
      %div3A_373 = arith.constant 1.000000e+00 : f32
      %div3A_374 = vector.broadcast %div3A_373 : f32 to vector<16xf32>
      %div3A_375 = arith.divf %div3A_374, %add3A_372 : vector<16xf32>
      %neg3A_376 = arith.constant 0.000000e+00 : f32
      %neg3A_377 = vector.broadcast %neg3A_376 : f32 to vector<16xf32>
      %neg3A_378 = arith.subf %neg3A_377, %get3A_328 : vector<16xf32>
      %mul3A_379 = arith.mulf %neg3A_378, %div3A_375 : vector<16xf32>
      %pack3A_380 = tpu.pack_subelements %div3A_375, %mul3A_379 {pack_format = #tpu.pack_format<interleaved>, positions = array<i32: 0, 1>} : vector<16xf32>, vector<16xf32> -> vector<32xbf16>
      %bitcast3A_381 = vector.bitcast %pack3A_380 : vector<32xbf16> to vector<16xi32>
      %swap3A_382 = arith.index_cast %scan3A_84 : i32 to index
      %swap3A_383 = arith.constant 64 : index
      %swap3A_384 = tpu.vector_load %arg9[%swap3A_382, %swap3A_383] {strides = array<i32>} : memref<8x128xi32, #tpu.memory_space<vmem>>, vector<16xi32>,
      tpu.vector_store %arg9[%swap3A_382, %swap3A_383], %bitcast3A_381 {strides = array<i32>} : memref<8x128xi32, #tpu.memory_space<vmem>>, vector<16xi32>,
      %get3A_385 = arith.index_cast %scan3A_84 : i32 to index
      %get3A_386 = arith.constant 80 : index
      %get3A_387 = tpu.vector_load %arg8[%get3A_385, %get3A_386] {strides = array<i32>} : memref<8x128xf32, #tpu.memory_space<vmem>>, vector<16xf32>,
      %get3A_388 = arith.index_cast %scan3A_84 : i32 to index
      %get3A_389 = arith.constant 80 : index
      %get3A_390 = tpu.vector_load %arg7[%get3A_388, %get3A_389] {strides = array<i32>} : memref<8x128xf32, #tpu.memory_space<vmem>>, vector<16xf32>,
      %abs3A_391 = math.absf %get3A_387 : vector<16xf32>
      %neg3A_392 = arith.constant 0.000000e+00 : f32
      %neg3A_393 = vector.broadcast %neg3A_392 : f32 to vector<16xf32>
      %neg3A_394 = arith.subf %neg3A_393, %abs3A_391 : vector<16xf32>
      %exp3A_395 = math.exp %neg3A_394 : vector<16xf32>
      %add3A_396 = arith.constant 1.000000e+00 : f32
      %add3A_397 = vector.broadcast %add3A_396 : f32 to vector<16xf32>
      %add3A_398 = arith.addf %add3A_397, %exp3A_395 : vector<16xf32>
      %mul3A_399 = arith.constant 0.156024501 : f32
      %mul3A_400 = vector.broadcast %mul3A_399 : f32 to vector<16xf32>
      %mul3A_401 = arith.mulf %exp3A_395, %mul3A_400 : vector<16xf32>
      %add3A_402 = arith.constant -0.489959687 : f32
      %add3A_403 = vector.broadcast %add3A_402 : f32 to vector<16xf32>
      %add3A_404 = arith.addf %add3A_403, %mul3A_401 : vector<16xf32>
      %mul3A_405 = arith.mulf %exp3A_395, %add3A_404 : vector<16xf32>
      %add3A_406 = arith.constant 0.99911499 : f32
      %add3A_407 = vector.broadcast %add3A_406 : f32 to vector<16xf32>
      %add3A_408 = arith.addf %add3A_407, %mul3A_405 : vector<16xf32>
      %mul3A_409 = arith.mulf %exp3A_395, %add3A_408 : vector<16xf32>
      %sub3A_410 = arith.constant 1.000000e+00 : f32
      %sub3A_411 = vector.broadcast %sub3A_410 : f32 to vector<16xf32>
      %sub3A_412 = arith.subf %mul3A_409, %sub3A_411 : vector<16xf32>
      %neg3A_413 = arith.constant 0.000000e+00 : f32
      %neg3A_414 = vector.broadcast %neg3A_413 : f32 to vector<16xf32>
      %neg3A_415 = arith.subf %neg3A_414, %mul3A_409 : vector<16xf32>
      %exp3A_416 = math.exp %neg3A_415 : vector<16xf32>
      %mul3A_417 = arith.mulf %add3A_398, %exp3A_416 : vector<16xf32>
      %add3A_418 = arith.addf %sub3A_412, %mul3A_417 : vector<16xf32>
      %sub3A_419 = arith.constant 1.000000e+00 : f32
      %sub3A_420 = vector.broadcast %sub3A_419 : f32 to vector<16xf32>
      %sub3A_421 = arith.subf %add3A_418, %sub3A_420 : vector<16xf32>
      %neg3A_422 = arith.constant 0.000000e+00 : f32
      %neg3A_423 = vector.broadcast %neg3A_422 : f32 to vector<16xf32>
      %neg3A_424 = arith.subf %neg3A_423, %add3A_418 : vector<16xf32>
      %exp3A_425 = math.exp %neg3A_424 : vector<16xf32>
      %mul3A_426 = arith.mulf %add3A_398, %exp3A_425 : vector<16xf32>
      %add3A_427 = arith.addf %sub3A_421, %mul3A_426 : vector<16xf32>
      %max3A_428 = arith.constant 0.000000e+00 : f32
      %max3A_429 = vector.broadcast %max3A_428 : f32 to vector<16xf32>
      %max3A_430 = arith.maximumf %get3A_387, %max3A_429 : vector<16xf32>
      %add3A_431 = arith.addf %max3A_430, %add3A_427 : vector<16xf32>
      %add3A_432 = arith.constant 9.99999997E-7 : f32
      %add3A_433 = vector.broadcast %add3A_432 : f32 to vector<16xf32>
      %add3A_434 = arith.addf %add3A_431, %add3A_433 : vector<16xf32>
      %div3A_435 = arith.constant 1.000000e+00 : f32
      %div3A_436 = vector.broadcast %div3A_435 : f32 to vector<16xf32>
      %div3A_437 = arith.divf %div3A_436, %add3A_434 : vector<16xf32>
      %neg3A_438 = arith.constant 0.000000e+00 : f32
      %neg3A_439 = vector.broadcast %neg3A_438 : f32 to vector<16xf32>
      %neg3A_440 = arith.subf %neg3A_439, %get3A_390 : vector<16xf32>
      %mul3A_441 = arith.mulf %neg3A_440, %div3A_437 : vector<16xf32>
      %pack3A_442 = tpu.pack_subelements %div3A_437, %mul3A_441 {pack_format = #tpu.pack_format<interleaved>, positions = array<i32: 0, 1>} : vector<16xf32>, vector<16xf32> -> vector<32xbf16>
      %bitcast3A_443 = vector.bitcast %pack3A_442 : vector<32xbf16> to vector<16xi32>
      %swap3A_444 = arith.index_cast %scan3A_84 : i32 to index
      %swap3A_445 = arith.constant 80 : index
      %swap3A_446 = tpu.vector_load %arg9[%swap3A_444, %swap3A_445] {strides = array<i32>} : memref<8x128xi32, #tpu.memory_space<vmem>>, vector<16xi32>,
      tpu.vector_store %arg9[%swap3A_444, %swap3A_445], %bitcast3A_443 {strides = array<i32>} : memref<8x128xi32, #tpu.memory_space<vmem>>, vector<16xi32>,
      %get3A_447 = arith.index_cast %scan3A_84 : i32 to index
      %get3A_448 = arith.constant 96 : index
      %get3A_449 = tpu.vector_load %arg8[%get3A_447, %get3A_448] {strides = array<i32>} : memref<8x128xf32, #tpu.memory_space<vmem>>, vector<16xf32>,
      %get3A_450 = arith.index_cast %scan3A_84 : i32 to index
      %get3A_451 = arith.constant 96 : index
      %get3A_452 = tpu.vector_load %arg7[%get3A_450, %get3A_451] {strides = array<i32>} : memref<8x128xf32, #tpu.memory_space<vmem>>, vector<16xf32>,
      %abs3A_453 = math.absf %get3A_449 : vector<16xf32>
      %neg3A_454 = arith.constant 0.000000e+00 : f32
      %neg3A_455 = vector.broadcast %neg3A_454 : f32 to vector<16xf32>
      %neg3A_456 = arith.subf %neg3A_455, %abs3A_453 : vector<16xf32>
      %exp3A_457 = math.exp %neg3A_456 : vector<16xf32>
      %add3A_458 = arith.constant 1.000000e+00 : f32
      %add3A_459 = vector.broadcast %add3A_458 : f32 to vector<16xf32>
      %add3A_460 = arith.addf %add3A_459, %exp3A_457 : vector<16xf32>
      %mul3A_461 = arith.constant 0.156024501 : f32
      %mul3A_462 = vector.broadcast %mul3A_461 : f32 to vector<16xf32>
      %mul3A_463 = arith.mulf %exp3A_457, %mul3A_462 : vector<16xf32>
      %add3A_464 = arith.constant -0.489959687 : f32
      %add3A_465 = vector.broadcast %add3A_464 : f32 to vector<16xf32>
      %add3A_466 = arith.addf %add3A_465, %mul3A_463 : vector<16xf32>
      %mul3A_467 = arith.mulf %exp3A_457, %add3A_466 : vector<16xf32>
      %add3A_468 = arith.constant 0.99911499 : f32
      %add3A_469 = vector.broadcast %add3A_468 : f32 to vector<16xf32>
      %add3A_470 = arith.addf %add3A_469, %mul3A_467 : vector<16xf32>
      %mul3A_471 = arith.mulf %exp3A_457, %add3A_470 : vector<16xf32>
      %sub3A_472 = arith.constant 1.000000e+00 : f32
      %sub3A_473 = vector.broadcast %sub3A_472 : f32 to vector<16xf32>
      %sub3A_474 = arith.subf %mul3A_471, %sub3A_473 : vector<16xf32>
      %neg3A_475 = arith.constant 0.000000e+00 : f32
      %neg3A_476 = vector.broadcast %neg3A_475 : f32 to vector<16xf32>
      %neg3A_477 = arith.subf %neg3A_476, %mul3A_471 : vector<16xf32>
      %exp3A_478 = math.exp %neg3A_477 : vector<16xf32>
      %mul3A_479 = arith.mulf %add3A_460, %exp3A_478 : vector<16xf32>
      %add3A_480 = arith.addf %sub3A_474, %mul3A_479 : vector<16xf32>
      %sub3A_481 = arith.constant 1.000000e+00 : f32
      %sub3A_482 = vector.broadcast %sub3A_481 : f32 to vector<16xf32>
      %sub3A_483 = arith.subf %add3A_480, %sub3A_482 : vector<16xf32>
      %neg3A_484 = arith.constant 0.000000e+00 : f32
      %neg3A_485 = vector.broadcast %neg3A_484 : f32 to vector<16xf32>
      %neg3A_486 = arith.subf %neg3A_485, %add3A_480 : vector<16xf32>
      %exp3A_487 = math.exp %neg3A_486 : vector<16xf32>
      %mul3A_488 = arith.mulf %add3A_460, %exp3A_487 : vector<16xf32>
      %add3A_489 = arith.addf %sub3A_483, %mul3A_488 : vector<16xf32>
      %max3A_490 = arith.constant 0.000000e+00 : f32
      %max3A_491 = vector.broadcast %max3A_490 : f32 to vector<16xf32>
      %max3A_492 = arith.maximumf %get3A_449, %max3A_491 : vector<16xf32>
      %add3A_493 = arith.addf %max3A_492, %add3A_489 : vector<16xf32>
      %add3A_494 = arith.constant 9.99999997E-7 : f32
      %add3A_495 = vector.broadcast %add3A_494 : f32 to vector<16xf32>
      %add3A_496 = arith.addf %add3A_493, %add3A_495 : vector<16xf32>
      %div3A_497 = arith.constant 1.000000e+00 : f32
      %div3A_498 = vector.broadcast %div3A_497 : f32 to vector<16xf32>
      %div3A_499 = arith.divf %div3A_498, %add3A_496 : vector<16xf32>
      %neg3A_500 = arith.constant 0.000000e+00 : f32
      %neg3A_501 = vector.broadcast %neg3A_500 : f32 to vector<16xf32>
      %neg3A_502 = arith.subf %neg3A_501, %get3A_452 : vector<16xf32>
      %mul3A_503 = arith.mulf %neg3A_502, %div3A_499 : vector<16xf32>
      %pack3A_504 = tpu.pack_subelements %div3A_499, %mul3A_503 {pack_format = #tpu.pack_format<interleaved>, positions = array<i32: 0, 1>} : vector<16xf32>, vector<16xf32> -> vector<32xbf16>
      %bitcast3A_505 = vector.bitcast %pack3A_504 : vector<32xbf16> to vector<16xi32>
      %swap3A_506 = arith.index_cast %scan3A_84 : i32 to index
      %swap3A_507 = arith.constant 96 : index
      %swap3A_508 = tpu.vector_load %arg9[%swap3A_506, %swap3A_507] {strides = array<i32>} : memref<8x128xi32, #tpu.memory_space<vmem>>, vector<16xi32>,
      tpu.vector_store %arg9[%swap3A_506, %swap3A_507], %bitcast3A_505 {strides = array<i32>} : memref<8x128xi32, #tpu.memory_space<vmem>>, vector<16xi32>,
      %get3A_509 = arith.index_cast %scan3A_84 : i32 to index
      %get3A_510 = arith.constant 112 : index
      %get3A_511 = tpu.vector_load %arg8[%get3A_509, %get3A_510] {strides = array<i32>} : memref<8x128xf32, #tpu.memory_space<vmem>>, vector<16xf32>,
      %get3A_512 = arith.index_cast %scan3A_84 : i32 to index
      %get3A_513 = arith.constant 112 : index
      %get3A_514 = tpu.vector_load %arg7[%get3A_512, %get3A_513] {strides = array<i32>} : memref<8x128xf32, #tpu.memory_space<vmem>>, vector<16xf32>,
      %abs3A_515 = math.absf %get3A_511 : vector<16xf32>
      %neg3A_516 = arith.constant 0.000000e+00 : f32
      %neg3A_517 = vector.broadcast %neg3A_516 : f32 to vector<16xf32>
      %neg3A_518 = arith.subf %neg3A_517, %abs3A_515 : vector<16xf32>
      %exp3A_519 = math.exp %neg3A_518 : vector<16xf32>
      %add3A_520 = arith.constant 1.000000e+00 : f32
      %add3A_521 = vector.broadcast %add3A_520 : f32 to vector<16xf32>
      %add3A_522 = arith.addf %add3A_521, %exp3A_519 : vector<16xf32>
      %mul3A_523 = arith.constant 0.156024501 : f32
      %mul3A_524 = vector.broadcast %mul3A_523 : f32 to vector<16xf32>
      %mul3A_525 = arith.mulf %exp3A_519, %mul3A_524 : vector<16xf32>
      %add3A_526 = arith.constant -0.489959687 : f32
      %add3A_527 = vector.broadcast %add3A_526 : f32 to vector<16xf32>
      %add3A_528 = arith.addf %add3A_527, %mul3A_525 : vector<16xf32>
      %mul3A_529 = arith.mulf %exp3A_519, %add3A_528 : vector<16xf32>
      %add3A_530 = arith.constant 0.99911499 : f32
      %add3A_531 = vector.broadcast %add3A_530 : f32 to vector<16xf32>
      %add3A_532 = arith.addf %add3A_531, %mul3A_529 : vector<16xf32>
      %mul3A_533 = arith.mulf %exp3A_519, %add3A_532 : vector<16xf32>
      %sub3A_534 = arith.constant 1.000000e+00 : f32
      %sub3A_535 = vector.broadcast %sub3A_534 : f32 to vector<16xf32>
      %sub3A_536 = arith.subf %mul3A_533, %sub3A_535 : vector<16xf32>
      %neg3A_537 = arith.constant 0.000000e+00 : f32
      %neg3A_538 = vector.broadcast %neg3A_537 : f32 to vector<16xf32>
      %neg3A_539 = arith.subf %neg3A_538, %mul3A_533 : vector<16xf32>
      %exp3A_540 = math.exp %neg3A_539 : vector<16xf32>
      %mul3A_541 = arith.mulf %add3A_522, %exp3A_540 : vector<16xf32>
      %add3A_542 = arith.addf %sub3A_536, %mul3A_541 : vector<16xf32>
      %sub3A_543 = arith.constant 1.000000e+00 : f32
      %sub3A_544 = vector.broadcast %sub3A_543 : f32 to vector<16xf32>
      %sub3A_545 = arith.subf %add3A_542, %sub3A_544 : vector<16xf32>
      %neg3A_546 = arith.constant 0.000000e+00 : f32
      %neg3A_547 = vector.broadcast %neg3A_546 : f32 to vector<16xf32>
      %neg3A_548 = arith.subf %neg3A_547, %add3A_542 : vector<16xf32>
      %exp3A_549 = math.exp %neg3A_548 : vector<16xf32>
      %mul3A_550 = arith.mulf %add3A_522, %exp3A_549 : vector<16xf32>
      %add3A_551 = arith.addf %sub3A_545, %mul3A_550 : vector<16xf32>
      %max3A_552 = arith.constant 0.000000e+00 : f32
      %max3A_553 = vector.broadcast %max3A_552 : f32 to vector<16xf32>
      %max3A_554 = arith.maximumf %get3A_511, %max3A_553 : vector<16xf32>
      %add3A_555 = arith.addf %max3A_554, %add3A_551 : vector<16xf32>
      %add3A_556 = arith.constant 9.99999997E-7 : f32
      %add3A_557 = vector.broadcast %add3A_556 : f32 to vector<16xf32>
      %add3A_558 = arith.addf %add3A_555, %add3A_557 : vector<16xf32>
      %div3A_559 = arith.constant 1.000000e+00 : f32
      %div3A_560 = vector.broadcast %div3A_559 : f32 to vector<16xf32>
      %div3A_561 = arith.divf %div3A_560, %add3A_558 : vector<16xf32>
      %neg3A_562 = arith.constant 0.000000e+00 : f32
      %neg3A_563 = vector.broadcast %neg3A_562 : f32 to vector<16xf32>
      %neg3A_564 = arith.subf %neg3A_563, %get3A_514 : vector<16xf32>
      %mul3A_565 = arith.mulf %neg3A_564, %div3A_561 : vector<16xf32>
      %pack3A_566 = tpu.pack_subelements %div3A_561, %mul3A_565 {pack_format = #tpu.pack_format<interleaved>, positions = array<i32: 0, 1>} : vector<16xf32>, vector<16xf32> -> vector<32xbf16>
      %bitcast3A_567 = vector.bitcast %pack3A_566 : vector<32xbf16> to vector<16xi32>
      %swap3A_568 = arith.index_cast %scan3A_84 : i32 to index
      %swap3A_569 = arith.constant 112 : index
      %swap3A_570 = tpu.vector_load %arg9[%swap3A_568, %swap3A_569] {strides = array<i32>} : memref<8x128xi32, #tpu.memory_space<vmem>>, vector<16xi32>,
      tpu.vector_store %arg9[%swap3A_568, %swap3A_569], %bitcast3A_567 {strides = array<i32>} : memref<8x128xi32, #tpu.memory_space<vmem>>, vector<16xi32>,
    }
    %scan3A_27 = arith.constant 8 : i32
    %add3A_28 = arith.constant 128 : i32
    %add3A_29 = arith.addi %mul3A_2, %add3A_28 : i32
    %dma_start3A_30 = arith.constant 1 : i32
    %dma_start3A_31 = arith.constant 0 : i32
    %dma_start3A_32 = arith.constant 0 : i32
    %dma_start3A_33 = tpu.memref_slice %arg10[%dma_start3A_30, %dma_start3A_31, %dma_start3A_32] : memref<2x128x128xf32, #tpu.memory_space<vmem>> -> memref<1x128x128xf32, #tpu.memory_space<vmem>>
    %dma_start3A_34 = tpu.memref_squeeze %dma_start3A_33 : memref<1x128x128xf32, #tpu.memory_space<vmem>> -> memref<128x128xf32, #tpu.memory_space<vmem>>
    %dma_start3A_35 = arith.constant 0 : i32
    %dma_start3A_36 = tpu.memref_slice %arg2[%add3A_29, %dma_start3A_35] : memref<16384x128xf32, #tpu.memory_space<hbm>> -> memref<128x128xf32, #tpu.memory_space<hbm>>
    %dma_start3A_37 = arith.constant 0 : i32
    %dma_start3A_38 = arith.constant 0 : i32
    %dma_start3A_39 = tpu.memref_slice %arg10[%dma_start3A_30, %dma_start3A_37, %dma_start3A_38] : memref<2x128x128xf32, #tpu.memory_space<vmem>> -> memref<1x128x128xf32, #tpu.memory_space<vmem>>
    %dma_start3A_40 = tpu.memref_squeeze %dma_start3A_39 : memref<1x128x128xf32, #tpu.memory_space<vmem>> -> memref<128x128xf32, #tpu.memory_space<vmem>>
    %dma_start3A_41 = arith.constant 0 : i32
    %dma_start3A_42 = tpu.memref_slice %arg2[%add3A_29, %dma_start3A_41] : memref<16384x128xf32, #tpu.memory_space<hbm>> -> memref<128x128xf32, #tpu.memory_space<hbm>>
    tpu.enqueue_dma source(%dma_start3A_42 : memref<128x128xf32, #tpu.memory_space<hbm>>) target(%dma_start3A_40 : memref<128x128xf32, #tpu.memory_space<vmem>>) target_semaphore(%arg15 : memref<!tpu.dma_semaphore, #tpu.memory_space<semaphore_mem>>)
    %dma_start3A_43 = arith.constant 0 : i32
    %dma_start3A_44 = tpu.memref_slice %arg13[%dma_start3A_43] : memref<144xi32, #tpu.memory_space<vmem>> -> memref<128xi32, #tpu.memory_space<vmem>>
    %dma_start3A_45 = tpu.memref_slice %arg3[%add3A_29] : memref<16384xi32, #tpu.memory_space<hbm>> -> memref<128xi32, #tpu.memory_space<hbm>>
    %dma_start3A_46 = arith.constant 0 : i32
    %dma_start3A_47 = tpu.memref_slice %arg13[%dma_start3A_46] : memref<144xi32, #tpu.memory_space<vmem>> -> memref<128xi32, #tpu.memory_space<vmem>>
    %dma_start3A_48 = tpu.memref_slice %arg3[%add3A_29] : memref<16384xi32, #tpu.memory_space<hbm>> -> memref<128xi32, #tpu.memory_space<hbm>>
    tpu.enqueue_dma source(%dma_start3A_48 : memref<128xi32, #tpu.memory_space<hbm>>) target(%dma_start3A_47 : memref<128xi32, #tpu.memory_space<vmem>>) target_semaphore(%arg15 : memref<!tpu.dma_semaphore, #tpu.memory_space<semaphore_mem>>)
    %scan3A_49 = arith.constant 0 : i32
    %scan3A_50 = arith.constant 0 : i32
    %scan3A_51 = arith.constant 2 : i32
    %scan3A_52 = arith.addi %scan3A_50, %scan3A_51 : i32
    %scan3A_53 = arith.constant 1 : i32
    scf.for %scan3A_84 = %scan3A_50 to %scan3A_52 step %scan3A_53  : i32 {
      %mul3A_85 = arith.constant 2 : i32
      %mul3A_86 = arith.muli %scan3A_84, %mul3A_85 : i32
      %add3A_87 = arith.constant 0 : i32
      %add3A_88 = arith.addi %mul3A_86, %add3A_87 : i32
      %mul3A_89 = arith.constant 128 : i32
      %mul3A_90 = arith.muli %add3A_88, %mul3A_89 : i32
      %add3A_91 = arith.addi %mul3A_2, %mul3A_90 : i32
      %dma_wait3A_92 = arith.constant 0 : i32
      %dma_wait3A_93 = arith.constant 0 : i32
      %dma_wait3A_94 = arith.constant 0 : i32
      %dma_wait3A_95 = tpu.memref_slice %arg10[%dma_wait3A_92, %dma_wait3A_93, %dma_wait3A_94] : memref<2x128x128xf32, #tpu.memory_space<vmem>> -> memref<1x128x128xf32, #tpu.memory_space<vmem>>
      %dma_wait3A_96 = tpu.memref_squeeze %dma_wait3A_95 : memref<1x128x128xf32, #tpu.memory_space<vmem>> -> memref<128x128xf32, #tpu.memory_space<vmem>>
      %dma_wait3A_97 = arith.constant 0 : i32
      %dma_wait3A_98 = tpu.memref_slice %arg2[%add3A_91, %dma_wait3A_97] : memref<16384x128xf32, #tpu.memory_space<hbm>> -> memref<128x128xf32, #tpu.memory_space<hbm>>
      %dma_wait3A_99 = arith.constant 0 : i32
      %dma_wait3A_100 = arith.constant 0 : i32
      %dma_wait3A_101 = tpu.memref_slice %arg10[%dma_wait3A_92, %dma_wait3A_99, %dma_wait3A_100] : memref<2x128x128xf32, #tpu.memory_space<vmem>> -> memref<1x128x128xf32, #tpu.memory_space<vmem>>
      %dma_wait3A_102 = tpu.memref_squeeze %dma_wait3A_101 : memref<1x128x128xf32, #tpu.memory_space<vmem>> -> memref<128x128xf32, #tpu.memory_space<vmem>>
      %dma_wait3A_103 = arith.constant 0 : i32
      %dma_wait3A_104 = tpu.memref_slice %arg2[%add3A_91, %dma_wait3A_103] : memref<16384x128xf32, #tpu.memory_space<hbm>> -> memref<128x128xf32, #tpu.memory_space<hbm>>
      tpu.wait_dma2 semaphore(%arg14 : memref<!tpu.dma_semaphore, #tpu.memory_space<semaphore_mem>>) src(%dma_wait3A_104 : memref<128x128xf32, #tpu.memory_space<hbm>>) dst(%dma_wait3A_102 : memref<128x128xf32, #tpu.memory_space<vmem>>)
      %dma_wait3A_105 = arith.constant 0 : i32
      %dma_wait3A_106 = tpu.memref_slice %arg12[%dma_wait3A_105] : memref<144xi32, #tpu.memory_space<vmem>> -> memref<128xi32, #tpu.memory_space<vmem>>
      %dma_wait3A_107 = tpu.memref_slice %arg3[%add3A_91] : memref<16384xi32, #tpu.memory_space<hbm>> -> memref<128xi32, #tpu.memory_space<hbm>>
      %dma_wait3A_108 = arith.constant 0 : i32
      %dma_wait3A_109 = tpu.memref_slice %arg12[%dma_wait3A_108] : memref<144xi32, #tpu.memory_space<vmem>> -> memref<128xi32, #tpu.memory_space<vmem>>
      %dma_wait3A_110 = tpu.memref_slice %arg3[%add3A_91] : memref<16384xi32, #tpu.memory_space<hbm>> -> memref<128xi32, #tpu.memory_space<hbm>>
      tpu.wait_dma2 semaphore(%arg14 : memref<!tpu.dma_semaphore, #tpu.memory_space<semaphore_mem>>) src(%dma_wait3A_110 : memref<128xi32, #tpu.memory_space<hbm>>) dst(%dma_wait3A_109 : memref<128xi32, #tpu.memory_space<vmem>>)
      %gt3A = arith.constant 0 : i32
      %gt3A_111 = arith.cmpi sgt, %scan3A_84, %gt3A : i32
      %convert_element_type3A = arith.extui %gt3A_111 : i1 to i32
      %cond3A = arith.constant 0 : i32
      %cond3A_112 = arith.constant 0 : i32
      %cond3A_113 = arith.cmpi ne, %convert_element_type3A, %cond3A_112 : i32
      scf.if %cond3A_113 {
        %sub3A = arith.constant 2 : i32
        %sub3A_203 = arith.subi %add3A_88, %sub3A : i32
        %mul3A_204 = arith.constant 128 : i32
        %mul3A_205 = arith.muli %sub3A_203, %mul3A_204 : i32
        %add3A_206 = arith.addi %mul3A_2, %mul3A_205 : i32
        %dma_wait3A_207 = arith.constant 0 : i32
        %dma_wait3A_208 = arith.constant 0 : i32
        %dma_wait3A_209 = tpu.memref_slice %arg11[%cond3A, %dma_wait3A_207, %dma_wait3A_208] : memref<2x128x128xf32, #tpu.memory_space<vmem>> -> memref<1x128x128xf32, #tpu.memory_space<vmem>>
        %dma_wait3A_210 = tpu.memref_squeeze %dma_wait3A_209 : memref<1x128x128xf32, #tpu.memory_space<vmem>> -> memref<128x128xf32, #tpu.memory_space<vmem>>
        %dma_wait3A_211 = arith.constant 0 : i32
        %dma_wait3A_212 = tpu.memref_slice %arg6[%add3A_206, %dma_wait3A_211] : memref<16384x128xf32, #tpu.memory_space<hbm>> -> memref<128x128xf32, #tpu.memory_space<hbm>>
        %dma_wait3A_213 = arith.constant 0 : i32
        %dma_wait3A_214 = tpu.memref_slice %arg6[%add3A_206, %dma_wait3A_213] : memref<16384x128xf32, #tpu.memory_space<hbm>> -> memref<128x128xf32, #tpu.memory_space<hbm>>
        %dma_wait3A_215 = arith.constant 0 : i32
        %dma_wait3A_216 = arith.constant 0 : i32
        %dma_wait3A_217 = tpu.memref_slice %arg11[%cond3A, %dma_wait3A_215, %dma_wait3A_216] : memref<2x128x128xf32, #tpu.memory_space<vmem>> -> memref<1x128x128xf32, #tpu.memory_space<vmem>>
        %dma_wait3A_218 = tpu.memref_squeeze %dma_wait3A_217 : memref<1x128x128xf32, #tpu.memory_space<vmem>> -> memref<128x128xf32, #tpu.memory_space<vmem>>
        tpu.wait_dma2 semaphore(%arg16 : memref<!tpu.dma_semaphore, #tpu.memory_space<semaphore_mem>>) src(%dma_wait3A_218 : memref<128x128xf32, #tpu.memory_space<vmem>>) dst(%dma_wait3A_214 : memref<128x128xf32, #tpu.memory_space<hbm>>)
      } else {
      }
      %scan3A_114 = arith.constant 0 : i32
      %scan3A_115 = arith.constant 0 : i32
      %scan3A_116 = arith.constant 0 : i32
      %scan3A_117 = arith.constant 0 : i32
      %scan3A_118 = arith.constant 16 : i32
      %scan3A_119 = arith.addi %scan3A_117, %scan3A_118 : i32
      %scan3A_120 = arith.constant 1 : i32
      scf.for %scan3A_203 = %scan3A_117 to %scan3A_119 step %scan3A_120  : i32 {
        %mul3A_204 = arith.constant 8 : i32
        %mul3A_205 = arith.muli %scan3A_203, %mul3A_204 : i32
        %get3A = arith.index_cast %mul3A_205 : i32 to index
        %get3A_206 = tpu.vector_load %arg12[%get3A] {strides = array<i32>} : memref<144xi32, #tpu.memory_space<vmem>>, vector<16xi32>,
        %mul3A_207 = arith.constant 8 : i32
        %mul3A_208 = arith.muli %scan3A_203, %mul3A_207 : i32
        %add3A_209 = arith.constant 0 : i32
        %add3A_210 = arith.addi %mul3A_208, %add3A_209 : i32
        %slice3A = vector.extract_strided_slice %get3A_206 {offsets = [0], sizes = [1], strides = [1]} : vector<16xi32> to vector<1xi32>
        %squeeze3A = vector.extract %slice3A[0] : i32 from vector<1xi32>
        %get3A_211 = arith.constant 0 : i32
        %get3A_212 = arith.constant 0 : i32
        %get3A_213 = tpu.memref_slice %arg10[%scan3A_115, %get3A_211, %get3A_212] : memref<2x128x128xf32, #tpu.memory_space<vmem>> -> memref<1x128x128xf32, #tpu.memory_space<vmem>>
        %get3A_214 = tpu.memref_squeeze %get3A_213 : memref<1x128x128xf32, #tpu.memory_space<vmem>> -> memref<128x128xf32, #tpu.memory_space<vmem>>
        %get3A_215 = arith.index_cast %add3A_210 : i32 to index
        %get3A_216 = arith.constant 0 : index
        %get3A_217 = tpu.vector_load %get3A_214[%get3A_215, %get3A_216] {strides = array<i32>} : memref<128x128xf32, #tpu.memory_space<vmem>>, vector<16xf32>,
        %get3A_218 = arith.constant 0 : i32
        %get3A_219 = arith.constant 0 : i32
        %get3A_220 = tpu.memref_slice %arg10[%scan3A_115, %get3A_218, %get3A_219] : memref<2x128x128xf32, #tpu.memory_space<vmem>> -> memref<1x128x128xf32, #tpu.memory_space<vmem>>
        %get3A_221 = tpu.memref_squeeze %get3A_220 : memref<1x128x128xf32, #tpu.memory_space<vmem>> -> memref<128x128xf32, #tpu.memory_space<vmem>>
        %get3A_222 = arith.index_cast %add3A_210 : i32 to index
        %get3A_223 = arith.constant 16 : index
        %get3A_224 = tpu.vector_load %get3A_221[%get3A_222, %get3A_223] {strides = array<i32>} : memref<128x128xf32, #tpu.memory_space<vmem>>, vector<16xf32>,
        %get3A_225 = arith.constant 0 : i32
        %get3A_226 = arith.constant 0 : i32
        %get3A_227 = tpu.memref_slice %arg10[%scan3A_115, %get3A_225, %get3A_226] : memref<2x128x128xf32, #tpu.memory_space<vmem>> -> memref<1x128x128xf32, #tpu.memory_space<vmem>>
        %get3A_228 = tpu.memref_squeeze %get3A_227 : memref<1x128x128xf32, #tpu.memory_space<vmem>> -> memref<128x128xf32, #tpu.memory_space<vmem>>
        %get3A_229 = arith.index_cast %add3A_210 : i32 to index
        %get3A_230 = arith.constant 32 : index
        %get3A_231 = tpu.vector_load %get3A_228[%get3A_229, %get3A_230] {strides = array<i32>} : memref<128x128xf32, #tpu.memory_space<vmem>>, vector<16xf32>,
        %get3A_232 = arith.constant 0 : i32
        %get3A_233 = arith.constant 0 : i32
        %get3A_234 = tpu.memref_slice %arg10[%scan3A_115, %get3A_232, %get3A_233] : memref<2x128x128xf32, #tpu.memory_space<vmem>> -> memref<1x128x128xf32, #tpu.memory_space<vmem>>
        %get3A_235 = tpu.memref_squeeze %get3A_234 : memref<1x128x128xf32, #tpu.memory_space<vmem>> -> memref<128x128xf32, #tpu.memory_space<vmem>>
        %get3A_236 = arith.index_cast %add3A_210 : i32 to index
        %get3A_237 = arith.constant 48 : index
        %get3A_238 = tpu.vector_load %get3A_235[%get3A_236, %get3A_237] {strides = array<i32>} : memref<128x128xf32, #tpu.memory_space<vmem>>, vector<16xf32>,
        %get3A_239 = arith.constant 0 : i32
        %get3A_240 = arith.constant 0 : i32
        %get3A_241 = tpu.memref_slice %arg10[%scan3A_115, %get3A_239, %get3A_240] : memref<2x128x128xf32, #tpu.memory_space<vmem>> -> memref<1x128x128xf32, #tpu.memory_space<vmem>>
        %get3A_242 = tpu.memref_squeeze %get3A_241 : memref<1x128x128xf32, #tpu.memory_space<vmem>> -> memref<128x128xf32, #tpu.memory_space<vmem>>
        %get3A_243 = arith.index_cast %add3A_210 : i32 to index
        %get3A_244 = arith.constant 64 : index
        %get3A_245 = tpu.vector_load %get3A_242[%get3A_243, %get3A_244] {strides = array<i32>} : memref<128x128xf32, #tpu.memory_space<vmem>>, vector<16xf32>,
        %get3A_246 = arith.constant 0 : i32
        %get3A_247 = arith.constant 0 : i32
        %get3A_248 = tpu.memref_slice %arg10[%scan3A_115, %get3A_246, %get3A_247] : memref<2x128x128xf32, #tpu.memory_space<vmem>> -> memref<1x128x128xf32, #tpu.memory_space<vmem>>
        %get3A_249 = tpu.memref_squeeze %get3A_248 : memref<1x128x128xf32, #tpu.memory_space<vmem>> -> memref<128x128xf32, #tpu.memory_space<vmem>>
        %get3A_250 = arith.index_cast %add3A_210 : i32 to index
        %get3A_251 = arith.constant 80 : index
        %get3A_252 = tpu.vector_load %get3A_249[%get3A_250, %get3A_251] {strides = array<i32>} : memref<128x128xf32, #tpu.memory_space<vmem>>, vector<16xf32>,
        %get3A_253 = arith.constant 0 : i32
        %get3A_254 = arith.constant 0 : i32
        %get3A_255 = tpu.memref_slice %arg10[%scan3A_115, %get3A_253, %get3A_254] : memref<2x128x128xf32, #tpu.memory_space<vmem>> -> memref<1x128x128xf32, #tpu.memory_space<vmem>>
        %get3A_256 = tpu.memref_squeeze %get3A_255 : memref<1x128x128xf32, #tpu.memory_space<vmem>> -> memref<128x128xf32, #tpu.memory_space<vmem>>
        %get3A_257 = arith.index_cast %add3A_210 : i32 to index
        %get3A_258 = arith.constant 96 : index
        %get3A_259 = tpu.vector_load %get3A_256[%get3A_257, %get3A_258] {strides = array<i32>} : memref<128x128xf32, #tpu.memory_space<vmem>>, vector<16xf32>,
        %get3A_260 = arith.constant 0 : i32
        %get3A_261 = arith.constant 0 : i32
        %get3A_262 = tpu.memref_slice %arg10[%scan3A_115, %get3A_260, %get3A_261] : memref<2x128x128xf32, #tpu.memory_space<vmem>> -> memref<1x128x128xf32, #tpu.memory_space<vmem>>
        %get3A_263 = tpu.memref_squeeze %get3A_262 : memref<1x128x128xf32, #tpu.memory_space<vmem>> -> memref<128x128xf32, #tpu.memory_space<vmem>>
        %get3A_264 = arith.index_cast %add3A_210 : i32 to index
        %get3A_265 = arith.constant 112 : index
        %get3A_266 = tpu.vector_load %get3A_263[%get3A_264, %get3A_265] {strides = array<i32>} : memref<128x128xf32, #tpu.memory_space<vmem>>, vector<16xf32>,
        %get3A_267 = arith.index_cast %squeeze3A : i32 to index
        %get3A_268 = arith.constant 0 : index
        %get3A_269 = tpu.vector_load %arg9[%get3A_267, %get3A_268] {strides = array<i32>} : memref<8x128xi32, #tpu.memory_space<vmem>>, vector<16xi32>,
        %bitcast3A = vector.bitcast %get3A_269 : vector<16xi32> to vector<32xbf16>
        %unpack3A = tpu.unpack_subelements %bitcast3A, 0 {pack_format = #tpu.pack_format<interleaved>} : vector<32xbf16> -> vector<16xf32>
        %unpack3A_270 = tpu.unpack_subelements %bitcast3A, 1 {pack_format = #tpu.pack_format<interleaved>} : vector<32xbf16> -> vector<16xf32>
        %get3A_271 = arith.index_cast %squeeze3A : i32 to index
        %get3A_272 = arith.constant 16 : index
        %get3A_273 = tpu.vector_load %arg9[%get3A_271, %get3A_272] {strides = array<i32>} : memref<8x128xi32, #tpu.memory_space<vmem>>, vector<16xi32>,
        %bitcast3A_274 = vector.bitcast %get3A_273 : vector<16xi32> to vector<32xbf16>
        %unpack3A_275 = tpu.unpack_subelements %bitcast3A_274, 0 {pack_format = #tpu.pack_format<interleaved>} : vector<32xbf16> -> vector<16xf32>
        %unpack3A_276 = tpu.unpack_subelements %bitcast3A_274, 1 {pack_format = #tpu.pack_format<interleaved>} : vector<32xbf16> -> vector<16xf32>
        %get3A_277 = arith.index_cast %squeeze3A : i32 to index
        %get3A_278 = arith.constant 32 : index
        %get3A_279 = tpu.vector_load %arg9[%get3A_277, %get3A_278] {strides = array<i32>} : memref<8x128xi32, #tpu.memory_space<vmem>>, vector<16xi32>,
        %bitcast3A_280 = vector.bitcast %get3A_279 : vector<16xi32> to vector<32xbf16>
        %unpack3A_281 = tpu.unpack_subelements %bitcast3A_280, 0 {pack_format = #tpu.pack_format<interleaved>} : vector<32xbf16> -> vector<16xf32>
        %unpack3A_282 = tpu.unpack_subelements %bitcast3A_280, 1 {pack_format = #tpu.pack_format<interleaved>} : vector<32xbf16> -> vector<16xf32>
        %get3A_283 = arith.index_cast %squeeze3A : i32 to index
        %get3A_284 = arith.constant 48 : index
        %get3A_285 = tpu.vector_load %arg9[%get3A_283, %get3A_284] {strides = array<i32>} : memref<8x128xi32, #tpu.memory_space<vmem>>, vector<16xi32>,
        %bitcast3A_286 = vector.bitcast %get3A_285 : vector<16xi32> to vector<32xbf16>
        %unpack3A_287 = tpu.unpack_subelements %bitcast3A_286, 0 {pack_format = #tpu.pack_format<interleaved>} : vector<32xbf16> -> vector<16xf32>
        %unpack3A_288 = tpu.unpack_subelements %bitcast3A_286, 1 {pack_format = #tpu.pack_format<interleaved>} : vector<32xbf16> -> vector<16xf32>
        %get3A_289 = arith.index_cast %squeeze3A : i32 to index
        %get3A_290 = arith.constant 64 : index
        %get3A_291 = tpu.vector_load %arg9[%get3A_289, %get3A_290] {strides = array<i32>} : memref<8x128xi32, #tpu.memory_space<vmem>>, vector<16xi32>,
        %bitcast3A_292 = vector.bitcast %get3A_291 : vector<16xi32> to vector<32xbf16>
        %unpack3A_293 = tpu.unpack_subelements %bitcast3A_292, 0 {pack_format = #tpu.pack_format<interleaved>} : vector<32xbf16> -> vector<16xf32>
        %unpack3A_294 = tpu.unpack_subelements %bitcast3A_292, 1 {pack_format = #tpu.pack_format<interleaved>} : vector<32xbf16> -> vector<16xf32>
        %get3A_295 = arith.index_cast %squeeze3A : i32 to index
        %get3A_296 = arith.constant 80 : index
        %get3A_297 = tpu.vector_load %arg9[%get3A_295, %get3A_296] {strides = array<i32>} : memref<8x128xi32, #tpu.memory_space<vmem>>, vector<16xi32>,
        %bitcast3A_298 = vector.bitcast %get3A_297 : vector<16xi32> to vector<32xbf16>
        %unpack3A_299 = tpu.unpack_subelements %bitcast3A_298, 0 {pack_format = #tpu.pack_format<interleaved>} : vector<32xbf16> -> vector<16xf32>
        %unpack3A_300 = tpu.unpack_subelements %bitcast3A_298, 1 {pack_format = #tpu.pack_format<interleaved>} : vector<32xbf16> -> vector<16xf32>
        %get3A_301 = arith.index_cast %squeeze3A : i32 to index
        %get3A_302 = arith.constant 96 : index
        %get3A_303 = tpu.vector_load %arg9[%get3A_301, %get3A_302] {strides = array<i32>} : memref<8x128xi32, #tpu.memory_space<vmem>>, vector<16xi32>,
        %bitcast3A_304 = vector.bitcast %get3A_303 : vector<16xi32> to vector<32xbf16>
        %unpack3A_305 = tpu.unpack_subelements %bitcast3A_304, 0 {pack_format = #tpu.pack_format<interleaved>} : vector<32xbf16> -> vector<16xf32>
        %unpack3A_306 = tpu.unpack_subelements %bitcast3A_304, 1 {pack_format = #tpu.pack_format<interleaved>} : vector<32xbf16> -> vector<16xf32>
        %get3A_307 = arith.index_cast %squeeze3A : i32 to index
        %get3A_308 = arith.constant 112 : index
        %get3A_309 = tpu.vector_load %arg9[%get3A_307, %get3A_308] {strides = array<i32>} : memref<8x128xi32, #tpu.memory_space<vmem>>, vector<16xi32>,
        %bitcast3A_310 = vector.bitcast %get3A_309 : vector<16xi32> to vector<32xbf16>
        %unpack3A_311 = tpu.unpack_subelements %bitcast3A_310, 0 {pack_format = #tpu.pack_format<interleaved>} : vector<32xbf16> -> vector<16xf32>
        %unpack3A_312 = tpu.unpack_subelements %bitcast3A_310, 1 {pack_format = #tpu.pack_format<interleaved>} : vector<32xbf16> -> vector<16xf32>
        %mul3A_313 = arith.mulf %get3A_217, %unpack3A : vector<16xf32>
        %add3A_314 = arith.addf %mul3A_313, %unpack3A_270 : vector<16xf32>
        %swap3A = arith.constant 0 : i32
        %swap3A_315 = arith.constant 0 : i32
        %swap3A_316 = tpu.memref_slice %arg11[%scan3A_116, %swap3A, %swap3A_315] : memref<2x128x128xf32, #tpu.memory_space<vmem>> -> memref<1x128x128xf32, #tpu.memory_space<vmem>>
        %swap3A_317 = tpu.memref_squeeze %swap3A_316 : memref<1x128x128xf32, #tpu.memory_space<vmem>> -> memref<128x128xf32, #tpu.memory_space<vmem>>
        %swap3A_318 = arith.index_cast %add3A_210 : i32 to index
        %swap3A_319 = arith.constant 0 : index
        %swap3A_320 = tpu.vector_load %swap3A_317[%swap3A_318, %swap3A_319] {strides = array<i32>} : memref<128x128xf32, #tpu.memory_space<vmem>>, vector<16xf32>,
        tpu.vector_store %swap3A_317[%swap3A_318, %swap3A_319], %add3A_314 {strides = array<i32>} : memref<128x128xf32, #tpu.memory_space<vmem>>, vector<16xf32>,
        %mul3A_321 = arith.mulf %get3A_224, %unpack3A_275 : vector<16xf32>
        %add3A_322 = arith.addf %mul3A_321, %unpack3A_276 : vector<16xf32>
        %swap3A_323 = arith.constant 0 : i32
        %swap3A_324 = arith.constant 0 : i32
        %swap3A_325 = tpu.memref_slice %arg11[%scan3A_116, %swap3A_323, %swap3A_324] : memref<2x128x128xf32, #tpu.memory_space<vmem>> -> memref<1x128x128xf32, #tpu.memory_space<vmem>>
        %swap3A_326 = tpu.memref_squeeze %swap3A_325 : memref<1x128x128xf32, #tpu.memory_space<vmem>> -> memref<128x128xf32, #tpu.memory_space<vmem>>
        %swap3A_327 = arith.index_cast %add3A_210 : i32 to index
        %swap3A_328 = arith.constant 16 : index
        %swap3A_329 = tpu.vector_load %swap3A_326[%swap3A_327, %swap3A_328] {strides = array<i32>} : memref<128x128xf32, #tpu.memory_space<vmem>>, vector<16xf32>,
        tpu.vector_store %swap3A_326[%swap3A_327, %swap3A_328], %add3A_322 {strides = array<i32>} : memref<128x128xf32, #tpu.memory_space<vmem>>, vector<16xf32>,
        %mul3A_330 = arith.mulf %get3A_231, %unpack3A_281 : vector<16xf32>
        %add3A_331 = arith.addf %mul3A_330, %unpack3A_282 : vector<16xf32>
        %swap3A_332 = arith.constant 0 : i32
        %swap3A_333 = arith.constant 0 : i32
        %swap3A_334 = tpu.memref_slice %arg11[%scan3A_116, %swap3A_332, %swap3A_333] : memref<2x128x128xf32, #tpu.memory_space<vmem>> -> memref<1x128x128xf32, #tpu.memory_space<vmem>>
        %swap3A_335 = tpu.memref_squeeze %swap3A_334 : memref<1x128x128xf32, #tpu.memory_space<vmem>> -> memref<128x128xf32, #tpu.memory_space<vmem>>
        %swap3A_336 = arith.index_cast %add3A_210 : i32 to index
        %swap3A_337 = arith.constant 32 : index
        %swap3A_338 = tpu.vector_load %swap3A_335[%swap3A_336, %swap3A_337] {strides = array<i32>} : memref<128x128xf32, #tpu.memory_space<vmem>>, vector<16xf32>,
        tpu.vector_store %swap3A_335[%swap3A_336, %swap3A_337], %add3A_331 {strides = array<i32>} : memref<128x128xf32, #tpu.memory_space<vmem>>, vector<16xf32>,
        %mul3A_339 = arith.mulf %get3A_238, %unpack3A_287 : vector<16xf32>
        %add3A_340 = arith.addf %mul3A_339, %unpack3A_288 : vector<16xf32>
        %swap3A_341 = arith.constant 0 : i32
        %swap3A_342 = arith.constant 0 : i32
        %swap3A_343 = tpu.memref_slice %arg11[%scan3A_116, %swap3A_341, %swap3A_342] : memref<2x128x128xf32, #tpu.memory_space<vmem>> -> memref<1x128x128xf32, #tpu.memory_space<vmem>>
        %swap3A_344 = tpu.memref_squeeze %swap3A_343 : memref<1x128x128xf32, #tpu.memory_space<vmem>> -> memref<128x128xf32, #tpu.memory_space<vmem>>
        %swap3A_345 = arith.index_cast %add3A_210 : i32 to index
        %swap3A_346 = arith.constant 48 : index
        %swap3A_347 = tpu.vector_load %swap3A_344[%swap3A_345, %swap3A_346] {strides = array<i32>} : memref<128x128xf32, #tpu.memory_space<vmem>>, vector<16xf32>,
        tpu.vector_store %swap3A_344[%swap3A_345, %swap3A_346], %add3A_340 {strides = array<i32>} : memref<128x128xf32, #tpu.memory_space<vmem>>, vector<16xf32>,
        %mul3A_348 = arith.mulf %get3A_245, %unpack3A_293 : vector<16xf32>
        %add3A_349 = arith.addf %mul3A_348, %unpack3A_294 : vector<16xf32>
        %swap3A_350 = arith.constant 0 : i32
        %swap3A_351 = arith.constant 0 : i32
        %swap3A_352 = tpu.memref_slice %arg11[%scan3A_116, %swap3A_350, %swap3A_351] : memref<2x128x128xf32, #tpu.memory_space<vmem>> -> memref<1x128x128xf32, #tpu.memory_space<vmem>>
        %swap3A_353 = tpu.memref_squeeze %swap3A_352 : memref<1x128x128xf32, #tpu.memory_space<vmem>> -> memref<128x128xf32, #tpu.memory_space<vmem>>
        %swap3A_354 = arith.index_cast %add3A_210 : i32 to index
        %swap3A_355 = arith.constant 64 : index
        %swap3A_356 = tpu.vector_load %swap3A_353[%swap3A_354, %swap3A_355] {strides = array<i32>} : memref<128x128xf32, #tpu.memory_space<vmem>>, vector<16xf32>,
        tpu.vector_store %swap3A_353[%swap3A_354, %swap3A_355], %add3A_349 {strides = array<i32>} : memref<128x128xf32, #tpu.memory_space<vmem>>, vector<16xf32>,
        %mul3A_357 = arith.mulf %get3A_252, %unpack3A_299 : vector<16xf32>
        %add3A_358 = arith.addf %mul3A_357, %unpack3A_300 : vector<16xf32>
        %swap3A_359 = arith.constant 0 : i32
        %swap3A_360 = arith.constant 0 : i32
        %swap3A_361 = tpu.memref_slice %arg11[%scan3A_116, %swap3A_359, %swap3A_360] : memref<2x128x128xf32, #tpu.memory_space<vmem>> -> memref<1x128x128xf32, #tpu.memory_space<vmem>>
        %swap3A_362 = tpu.memref_squeeze %swap3A_361 : memref<1x128x128xf32, #tpu.memory_space<vmem>> -> memref<128x128xf32, #tpu.memory_space<vmem>>
        %swap3A_363 = arith.index_cast %add3A_210 : i32 to index
        %swap3A_364 = arith.constant 80 : index
        %swap3A_365 = tpu.vector_load %swap3A_362[%swap3A_363, %swap3A_364] {strides = array<i32>} : memref<128x128xf32, #tpu.memory_space<vmem>>, vector<16xf32>,
        tpu.vector_store %swap3A_362[%swap3A_363, %swap3A_364], %add3A_358 {strides = array<i32>} : memref<128x128xf32, #tpu.memory_space<vmem>>, vector<16xf32>,
        %mul3A_366 = arith.mulf %get3A_259, %unpack3A_305 : vector<16xf32>
        %add3A_367 = arith.addf %mul3A_366, %unpack3A_306 : vector<16xf32>
        %swap3A_368 = arith.constant 0 : i32
        %swap3A_369 = arith.constant 0 : i32
        %swap3A_370 = tpu.memref_slice %arg11[%scan3A_116, %swap3A_368, %swap3A_369] : memref<2x128x128xf32, #tpu.memory_space<vmem>> -> memref<1x128x128xf32, #tpu.memory_space<vmem>>
        %swap3A_371 = tpu.memref_squeeze %swap3A_370 : memref<1x128x128xf32, #tpu.memory_space<vmem>> -> memref<128x128xf32, #tpu.memory_space<vmem>>
        %swap3A_372 = arith.index_cast %add3A_210 : i32 to index
        %swap3A_373 = arith.constant 96 : index
        %swap3A_374 = tpu.vector_load %swap3A_371[%swap3A_372, %swap3A_373] {strides = array<i32>} : memref<128x128xf32, #tpu.memory_space<vmem>>, vector<16xf32>,
        tpu.vector_store %swap3A_371[%swap3A_372, %swap3A_373], %add3A_367 {strides = array<i32>} : memref<128x128xf32, #tpu.memory_space<vmem>>, vector<16xf32>,
        %mul3A_375 = arith.mulf %get3A_266, %unpack3A_311 : vector<16xf32>
        %add3A_376 = arith.addf %mul3A_375, %unpack3A_312 : vector<16xf32>
        %swap3A_377 = arith.constant 0 : i32
        %swap3A_378 = arith.constant 0 : i32
        %swap3A_379 = tpu.memref_slice %arg11[%scan3A_116, %swap3A_377, %swap3A_378] : memref<2x128x128xf32, #tpu.memory_space<vmem>> -> memref<1x128x128xf32, #tpu.memory_space<vmem>>
        %swap3A_380 = tpu.memref_squeeze %swap3A_379 : memref<1x128x128xf32, #tpu.memory_space<vmem>> -> memref<128x128xf32, #tpu.memory_space<vmem>>
        %swap3A_381 = arith.index_cast %add3A_210 : i32 to index
        %swap3A_382 = arith.constant 112 : index
        %swap3A_383 = tpu.vector_load %swap3A_380[%swap3A_381, %swap3A_382] {strides = array<i32>} : memref<128x128xf32, #tpu.memory_space<vmem>>, vector<16xf32>,
        tpu.vector_store %swap3A_380[%swap3A_381, %swap3A_382], %add3A_376 {strides = array<i32>} : memref<128x128xf32, #tpu.memory_space<vmem>>, vector<16xf32>,
        %mul3A_384 = arith.constant 8 : i32
        %mul3A_385 = arith.muli %scan3A_203, %mul3A_384 : i32
        %add3A_386 = arith.constant 1 : i32
        %add3A_387 = arith.addi %mul3A_385, %add3A_386 : i32
        %slice3A_388 = vector.extract_strided_slice %get3A_206 {offsets = [1], sizes = [1], strides = [1]} : vector<16xi32> to vector<1xi32>
        %squeeze3A_389 = vector.extract %slice3A_388[0] : i32 from vector<1xi32>
        %get3A_390 = arith.constant 0 : i32
        %get3A_391 = arith.constant 0 : i32
        %get3A_392 = tpu.memref_slice %arg10[%scan3A_115, %get3A_390, %get3A_391] : memref<2x128x128xf32, #tpu.memory_space<vmem>> -> memref<1x128x128xf32, #tpu.memory_space<vmem>>
        %get3A_393 = tpu.memref_squeeze %get3A_392 : memref<1x128x128xf32, #tpu.memory_space<vmem>> -> memref<128x128xf32, #tpu.memory_space<vmem>>
        %get3A_394 = arith.index_cast %add3A_387 : i32 to index
        %get3A_395 = arith.constant 0 : index
        %get3A_396 = tpu.vector_load %get3A_393[%get3A_394, %get3A_395] {strides = array<i32>} : memref<128x128xf32, #tpu.memory_space<vmem>>, vector<16xf32>,
        %get3A_397 = arith.constant 0 : i32
        %get3A_398 = arith.constant 0 : i32
        %get3A_399 = tpu.memref_slice %arg10[%scan3A_115, %get3A_397, %get3A_398] : memref<2x128x128xf32, #tpu.memory_space<vmem>> -> memref<1x128x128xf32, #tpu.memory_space<vmem>>
        %get3A_400 = tpu.memref_squeeze %get3A_399 : memref<1x128x128xf32, #tpu.memory_space<vmem>> -> memref<128x128xf32, #tpu.memory_space<vmem>>
        %get3A_401 = arith.index_cast %add3A_387 : i32 to index
        %get3A_402 = arith.constant 16 : index
        %get3A_403 = tpu.vector_load %get3A_400[%get3A_401, %get3A_402] {strides = array<i32>} : memref<128x128xf32, #tpu.memory_space<vmem>>, vector<16xf32>,
        %get3A_404 = arith.constant 0 : i32
        %get3A_405 = arith.constant 0 : i32
        %get3A_406 = tpu.memref_slice %arg10[%scan3A_115, %get3A_404, %get3A_405] : memref<2x128x128xf32, #tpu.memory_space<vmem>> -> memref<1x128x128xf32, #tpu.memory_space<vmem>>
        %get3A_407 = tpu.memref_squeeze %get3A_406 : memref<1x128x128xf32, #tpu.memory_space<vmem>> -> memref<128x128xf32, #tpu.memory_space<vmem>>
        %get3A_408 = arith.index_cast %add3A_387 : i32 to index
        %get3A_409 = arith.constant 32 : index
        %get3A_410 = tpu.vector_load %get3A_407[%get3A_408, %get3A_409] {strides = array<i32>} : memref<128x128xf32, #tpu.memory_space<vmem>>, vector<16xf32>,
        %get3A_411 = arith.constant 0 : i32
        %get3A_412 = arith.constant 0 : i32
        %get3A_413 = tpu.memref_slice %arg10[%scan3A_115, %get3A_411, %get3A_412] : memref<2x128x128xf32, #tpu.memory_space<vmem>> -> memref<1x128x128xf32, #tpu.memory_space<vmem>>
        %get3A_414 = tpu.memref_squeeze %get3A_413 : memref<1x128x128xf32, #tpu.memory_space<vmem>> -> memref<128x128xf32, #tpu.memory_space<vmem>>
        %get3A_415 = arith.index_cast %add3A_387 : i32 to index
        %get3A_416 = arith.constant 48 : index
        %get3A_417 = tpu.vector_load %get3A_414[%get3A_415, %get3A_416] {strides = array<i32>} : memref<128x128xf32, #tpu.memory_space<vmem>>, vector<16xf32>,
        %get3A_418 = arith.constant 0 : i32
        %get3A_419 = arith.constant 0 : i32
        %get3A_420 = tpu.memref_slice %arg10[%scan3A_115, %get3A_418, %get3A_419] : memref<2x128x128xf32, #tpu.memory_space<vmem>> -> memref<1x128x128xf32, #tpu.memory_space<vmem>>
        %get3A_421 = tpu.memref_squeeze %get3A_420 : memref<1x128x128xf32, #tpu.memory_space<vmem>> -> memref<128x128xf32, #tpu.memory_space<vmem>>
        %get3A_422 = arith.index_cast %add3A_387 : i32 to index
        %get3A_423 = arith.constant 64 : index
        %get3A_424 = tpu.vector_load %get3A_421[%get3A_422, %get3A_423] {strides = array<i32>} : memref<128x128xf32, #tpu.memory_space<vmem>>, vector<16xf32>,
        %get3A_425 = arith.constant 0 : i32
        %get3A_426 = arith.constant 0 : i32
        %get3A_427 = tpu.memref_slice %arg10[%scan3A_115, %get3A_425, %get3A_426] : memref<2x128x128xf32, #tpu.memory_space<vmem>> -> memref<1x128x128xf32, #tpu.memory_space<vmem>>
        %get3A_428 = tpu.memref_squeeze %get3A_427 : memref<1x128x128xf32, #tpu.memory_space<vmem>> -> memref<128x128xf32, #tpu.memory_space<vmem>>
        %get3A_429 = arith.index_cast %add3A_387 : i32 to index
        %get3A_430 = arith.constant 80 : index
        %get3A_431 = tpu.vector_load %get3A_428[%get3A_429, %get3A_430] {strides = array<i32>} : memref<128x128xf32, #tpu.memory_space<vmem>>, vector<16xf32>,
        %get3A_432 = arith.constant 0 : i32
        %get3A_433 = arith.constant 0 : i32
        %get3A_434 = tpu.memref_slice %arg10[%scan3A_115, %get3A_432, %get3A_433] : memref<2x128x128xf32, #tpu.memory_space<vmem>> -> memref<1x128x128xf32, #tpu.memory_space<vmem>>
        %get3A_435 = tpu.memref_squeeze %get3A_434 : memref<1x128x128xf32, #tpu.memory_space<vmem>> -> memref<128x128xf32, #tpu.memory_space<vmem>>
        %get3A_436 = arith.index_cast %add3A_387 : i32 to index
        %get3A_437 = arith.constant 96 : index
        %get3A_438 = tpu.vector_load %get3A_435[%get3A_436, %get3A_437] {strides = array<i32>} : memref<128x128xf32, #tpu.memory_space<vmem>>, vector<16xf32>,
        %get3A_439 = arith.constant 0 : i32
        %get3A_440 = arith.constant 0 : i32
        %get3A_441 = tpu.memref_slice %arg10[%scan3A_115, %get3A_439, %get3A_440] : memref<2x128x128xf32, #tpu.memory_space<vmem>> -> memref<1x128x128xf32, #tpu.memory_space<vmem>>
        %get3A_442 = tpu.memref_squeeze %get3A_441 : memref<1x128x128xf32, #tpu.memory_space<vmem>> -> memref<128x128xf32, #tpu.memory_space<vmem>>
        %get3A_443 = arith.index_cast %add3A_387 : i32 to index
        %get3A_444 = arith.constant 112 : index
        %get3A_445 = tpu.vector_load %get3A_442[%get3A_443, %get3A_444] {strides = array<i32>} : memref<128x128xf32, #tpu.memory_space<vmem>>, vector<16xf32>,
        %get3A_446 = arith.index_cast %squeeze3A_389 : i32 to index
        %get3A_447 = arith.constant 0 : index
        %get3A_448 = tpu.vector_load %arg9[%get3A_446, %get3A_447] {strides = array<i32>} : memref<8x128xi32, #tpu.memory_space<vmem>>, vector<16xi32>,
        %bitcast3A_449 = vector.bitcast %get3A_448 : vector<16xi32> to vector<32xbf16>
        %unpack3A_450 = tpu.unpack_subelements %bitcast3A_449, 0 {pack_format = #tpu.pack_format<interleaved>} : vector<32xbf16> -> vector<16xf32>
        %unpack3A_451 = tpu.unpack_subelements %bitcast3A_449, 1 {pack_format = #tpu.pack_format<interleaved>} : vector<32xbf16> -> vector<16xf32>
        %get3A_452 = arith.index_cast %squeeze3A_389 : i32 to index
        %get3A_453 = arith.constant 16 : index
        %get3A_454 = tpu.vector_load %arg9[%get3A_452, %get3A_453] {strides = array<i32>} : memref<8x128xi32, #tpu.memory_space<vmem>>, vector<16xi32>,
        %bitcast3A_455 = vector.bitcast %get3A_454 : vector<16xi32> to vector<32xbf16>
        %unpack3A_456 = tpu.unpack_subelements %bitcast3A_455, 0 {pack_format = #tpu.pack_format<interleaved>} : vector<32xbf16> -> vector<16xf32>
        %unpack3A_457 = tpu.unpack_subelements %bitcast3A_455, 1 {pack_format = #tpu.pack_format<interleaved>} : vector<32xbf16> -> vector<16xf32>
        %get3A_458 = arith.index_cast %squeeze3A_389 : i32 to index
        %get3A_459 = arith.constant 32 : index
        %get3A_460 = tpu.vector_load %arg9[%get3A_458, %get3A_459] {strides = array<i32>} : memref<8x128xi32, #tpu.memory_space<vmem>>, vector<16xi32>,
        %bitcast3A_461 = vector.bitcast %get3A_460 : vector<16xi32> to vector<32xbf16>
        %unpack3A_462 = tpu.unpack_subelements %bitcast3A_461, 0 {pack_format = #tpu.pack_format<interleaved>} : vector<32xbf16> -> vector<16xf32>
        %unpack3A_463 = tpu.unpack_subelements %bitcast3A_461, 1 {pack_format = #tpu.pack_format<interleaved>} : vector<32xbf16> -> vector<16xf32>
        %get3A_464 = arith.index_cast %squeeze3A_389 : i32 to index
        %get3A_465 = arith.constant 48 : index
        %get3A_466 = tpu.vector_load %arg9[%get3A_464, %get3A_465] {strides = array<i32>} : memref<8x128xi32, #tpu.memory_space<vmem>>, vector<16xi32>,
        %bitcast3A_467 = vector.bitcast %get3A_466 : vector<16xi32> to vector<32xbf16>
        %unpack3A_468 = tpu.unpack_subelements %bitcast3A_467, 0 {pack_format = #tpu.pack_format<interleaved>} : vector<32xbf16> -> vector<16xf32>
        %unpack3A_469 = tpu.unpack_subelements %bitcast3A_467, 1 {pack_format = #tpu.pack_format<interleaved>} : vector<32xbf16> -> vector<16xf32>
        %get3A_470 = arith.index_cast %squeeze3A_389 : i32 to index
        %get3A_471 = arith.constant 64 : index
        %get3A_472 = tpu.vector_load %arg9[%get3A_470, %get3A_471] {strides = array<i32>} : memref<8x128xi32, #tpu.memory_space<vmem>>, vector<16xi32>,
        %bitcast3A_473 = vector.bitcast %get3A_472 : vector<16xi32> to vector<32xbf16>
        %unpack3A_474 = tpu.unpack_subelements %bitcast3A_473, 0 {pack_format = #tpu.pack_format<interleaved>} : vector<32xbf16> -> vector<16xf32>
        %unpack3A_475 = tpu.unpack_subelements %bitcast3A_473, 1 {pack_format = #tpu.pack_format<interleaved>} : vector<32xbf16> -> vector<16xf32>
        %get3A_476 = arith.index_cast %squeeze3A_389 : i32 to index
        %get3A_477 = arith.constant 80 : index
        %get3A_478 = tpu.vector_load %arg9[%get3A_476, %get3A_477] {strides = array<i32>} : memref<8x128xi32, #tpu.memory_space<vmem>>, vector<16xi32>,
        %bitcast3A_479 = vector.bitcast %get3A_478 : vector<16xi32> to vector<32xbf16>
        %unpack3A_480 = tpu.unpack_subelements %bitcast3A_479, 0 {pack_format = #tpu.pack_format<interleaved>} : vector<32xbf16> -> vector<16xf32>
        %unpack3A_481 = tpu.unpack_subelements %bitcast3A_479, 1 {pack_format = #tpu.pack_format<interleaved>} : vector<32xbf16> -> vector<16xf32>
        %get3A_482 = arith.index_cast %squeeze3A_389 : i32 to index
        %get3A_483 = arith.constant 96 : index
        %get3A_484 = tpu.vector_load %arg9[%get3A_482, %get3A_483] {strides = array<i32>} : memref<8x128xi32, #tpu.memory_space<vmem>>, vector<16xi32>,
        %bitcast3A_485 = vector.bitcast %get3A_484 : vector<16xi32> to vector<32xbf16>
        %unpack3A_486 = tpu.unpack_subelements %bitcast3A_485, 0 {pack_format = #tpu.pack_format<interleaved>} : vector<32xbf16> -> vector<16xf32>
        %unpack3A_487 = tpu.unpack_subelements %bitcast3A_485, 1 {pack_format = #tpu.pack_format<interleaved>} : vector<32xbf16> -> vector<16xf32>
        %get3A_488 = arith.index_cast %squeeze3A_389 : i32 to index
        %get3A_489 = arith.constant 112 : index
        %get3A_490 = tpu.vector_load %arg9[%get3A_488, %get3A_489] {strides = array<i32>} : memref<8x128xi32, #tpu.memory_space<vmem>>, vector<16xi32>,
        %bitcast3A_491 = vector.bitcast %get3A_490 : vector<16xi32> to vector<32xbf16>
        %unpack3A_492 = tpu.unpack_subelements %bitcast3A_491, 0 {pack_format = #tpu.pack_format<interleaved>} : vector<32xbf16> -> vector<16xf32>
        %unpack3A_493 = tpu.unpack_subelements %bitcast3A_491, 1 {pack_format = #tpu.pack_format<interleaved>} : vector<32xbf16> -> vector<16xf32>
        %mul3A_494 = arith.mulf %get3A_396, %unpack3A_450 : vector<16xf32>
        %add3A_495 = arith.addf %mul3A_494, %unpack3A_451 : vector<16xf32>
        %swap3A_496 = arith.constant 0 : i32
        %swap3A_497 = arith.constant 0 : i32
        %swap3A_498 = tpu.memref_slice %arg11[%scan3A_116, %swap3A_496, %swap3A_497] : memref<2x128x128xf32, #tpu.memory_space<vmem>> -> memref<1x128x128xf32, #tpu.memory_space<vmem>>
        %swap3A_499 = tpu.memref_squeeze %swap3A_498 : memref<1x128x128xf32, #tpu.memory_space<vmem>> -> memref<128x128xf32, #tpu.memory_space<vmem>>
        %swap3A_500 = arith.index_cast %add3A_387 : i32 to index
        %swap3A_501 = arith.constant 0 : index
        %swap3A_502 = tpu.vector_load %swap3A_499[%swap3A_500, %swap3A_501] {strides = array<i32>} : memref<128x128xf32, #tpu.memory_space<vmem>>, vector<16xf32>,
        tpu.vector_store %swap3A_499[%swap3A_500, %swap3A_501], %add3A_495 {strides = array<i32>} : memref<128x128xf32, #tpu.memory_space<vmem>>, vector<16xf32>,
        %mul3A_503 = arith.mulf %get3A_403, %unpack3A_456 : vector<16xf32>
        %add3A_504 = arith.addf %mul3A_503, %unpack3A_457 : vector<16xf32>
        %swap3A_505 = arith.constant 0 : i32
        %swap3A_506 = arith.constant 0 : i32
        %swap3A_507 = tpu.memref_slice %arg11[%scan3A_116, %swap3A_505, %swap3A_506] : memref<2x128x128xf32, #tpu.memory_space<vmem>> -> memref<1x128x128xf32, #tpu.memory_space<vmem>>
        %swap3A_508 = tpu.memref_squeeze %swap3A_507 : memref<1x128x128xf32, #tpu.memory_space<vmem>> -> memref<128x128xf32, #tpu.memory_space<vmem>>
        %swap3A_509 = arith.index_cast %add3A_387 : i32 to index
        %swap3A_510 = arith.constant 16 : index
        %swap3A_511 = tpu.vector_load %swap3A_508[%swap3A_509, %swap3A_510] {strides = array<i32>} : memref<128x128xf32, #tpu.memory_space<vmem>>, vector<16xf32>,
        tpu.vector_store %swap3A_508[%swap3A_509, %swap3A_510], %add3A_504 {strides = array<i32>} : memref<128x128xf32, #tpu.memory_space<vmem>>, vector<16xf32>,
        %mul3A_512 = arith.mulf %get3A_410, %unpack3A_462 : vector<16xf32>
        %add3A_513 = arith.addf %mul3A_512, %unpack3A_463 : vector<16xf32>
        %swap3A_514 = arith.constant 0 : i32
        %swap3A_515 = arith.constant 0 : i32
        %swap3A_516 = tpu.memref_slice %arg11[%scan3A_116, %swap3A_514, %swap3A_515] : memref<2x128x128xf32, #tpu.memory_space<vmem>> -> memref<1x128x128xf32, #tpu.memory_space<vmem>>
        %swap3A_517 = tpu.memref_squeeze %swap3A_516 : memref<1x128x128xf32, #tpu.memory_space<vmem>> -> memref<128x128xf32, #tpu.memory_space<vmem>>
        %swap3A_518 = arith.index_cast %add3A_387 : i32 to index
        %swap3A_519 = arith.constant 32 : index
        %swap3A_520 = tpu.vector_load %swap3A_517[%swap3A_518, %swap3A_519] {strides = array<i32>} : memref<128x128xf32, #tpu.memory_space<vmem>>, vector<16xf32>,
        tpu.vector_store %swap3A_517[%swap3A_518, %swap3A_519], %add3A_513 {strides = array<i32>} : memref<128x128xf32, #tpu.memory_space<vmem>>, vector<16xf32>,
        %mul3A_521 = arith.mulf %get3A_417, %unpack3A_468 : vector<16xf32>
        %add3A_522 = arith.addf %mul3A_521, %unpack3A_469 : vector<16xf32>
        %swap3A_523 = arith.constant 0 : i32
        %swap3A_524 = arith.constant 0 : i32
        %swap3A_525 = tpu.memref_slice %arg11[%scan3A_116, %swap3A_523, %swap3A_524] : memref<2x128x128xf32, #tpu.memory_space<vmem>> -> memref<1x128x128xf32, #tpu.memory_space<vmem>>
        %swap3A_526 = tpu.memref_squeeze %swap3A_525 : memref<1x128x128xf32, #tpu.memory_space<vmem>> -> memref<128x128xf32, #tpu.memory_space<vmem>>
        %swap3A_527 = arith.index_cast %add3A_387 : i32 to index
        %swap3A_528 = arith.constant 48 : index
        %swap3A_529 = tpu.vector_load %swap3A_526[%swap3A_527, %swap3A_528] {strides = array<i32>} : memref<128x128xf32, #tpu.memory_space<vmem>>, vector<16xf32>,
        tpu.vector_store %swap3A_526[%swap3A_527, %swap3A_528], %add3A_522 {strides = array<i32>} : memref<128x128xf32, #tpu.memory_space<vmem>>, vector<16xf32>,
        %mul3A_530 = arith.mulf %get3A_424, %unpack3A_474 : vector<16xf32>
        %add3A_531 = arith.addf %mul3A_530, %unpack3A_475 : vector<16xf32>
        %swap3A_532 = arith.constant 0 : i32
        %swap3A_533 = arith.constant 0 : i32
        %swap3A_534 = tpu.memref_slice %arg11[%scan3A_116, %swap3A_532, %swap3A_533] : memref<2x128x128xf32, #tpu.memory_space<vmem>> -> memref<1x128x128xf32, #tpu.memory_space<vmem>>
        %swap3A_535 = tpu.memref_squeeze %swap3A_534 : memref<1x128x128xf32, #tpu.memory_space<vmem>> -> memref<128x128xf32, #tpu.memory_space<vmem>>
        %swap3A_536 = arith.index_cast %add3A_387 : i32 to index
        %swap3A_537 = arith.constant 64 : index
        %swap3A_538 = tpu.vector_load %swap3A_535[%swap3A_536, %swap3A_537] {strides = array<i32>} : memref<128x128xf32, #tpu.memory_space<vmem>>, vector<16xf32>,
        tpu.vector_store %swap3A_535[%swap3A_536, %swap3A_537], %add3A_531 {strides = array<i32>} : memref<128x128xf32, #tpu.memory_space<vmem>>, vector<16xf32>,
        %mul3A_539 = arith.mulf %get3A_431, %unpack3A_480 : vector<16xf32>
        %add3A_540 = arith.addf %mul3A_539, %unpack3A_481 : vector<16xf32>
        %swap3A_541 = arith.constant 0 : i32
        %swap3A_542 = arith.constant 0 : i32
        %swap3A_543 = tpu.memref_slice %arg11[%scan3A_116, %swap3A_541, %swap3A_542] : memref<2x128x128xf32, #tpu.memory_space<vmem>> -> memref<1x128x128xf32, #tpu.memory_space<vmem>>
        %swap3A_544 = tpu.memref_squeeze %swap3A_543 : memref<1x128x128xf32, #tpu.memory_space<vmem>> -> memref<128x128xf32, #tpu.memory_space<vmem>>
        %swap3A_545 = arith.index_cast %add3A_387 : i32 to index
        %swap3A_546 = arith.constant 80 : index
        %swap3A_547 = tpu.vector_load %swap3A_544[%swap3A_545, %swap3A_546] {strides = array<i32>} : memref<128x128xf32, #tpu.memory_space<vmem>>, vector<16xf32>,
        tpu.vector_store %swap3A_544[%swap3A_545, %swap3A_546], %add3A_540 {strides = array<i32>} : memref<128x128xf32, #tpu.memory_space<vmem>>, vector<16xf32>,
        %mul3A_548 = arith.mulf %get3A_438, %unpack3A_486 : vector<16xf32>
        %add3A_549 = arith.addf %mul3A_548, %unpack3A_487 : vector<16xf32>
        %swap3A_550 = arith.constant 0 : i32
        %swap3A_551 = arith.constant 0 : i32
        %swap3A_552 = tpu.memref_slice %arg11[%scan3A_116, %swap3A_550, %swap3A_551] : memref<2x128x128xf32, #tpu.memory_space<vmem>> -> memref<1x128x128xf32, #tpu.memory_space<vmem>>
        %swap3A_553 = tpu.memref_squeeze %swap3A_552 : memref<1x128x128xf32, #tpu.memory_space<vmem>> -> memref<128x128xf32, #tpu.memory_space<vmem>>
        %swap3A_554 = arith.index_cast %add3A_387 : i32 to index
        %swap3A_555 = arith.constant 96 : index
        %swap3A_556 = tpu.vector_load %swap3A_553[%swap3A_554, %swap3A_555] {strides = array<i32>} : memref<128x128xf32, #tpu.memory_space<vmem>>, vector<16xf32>,
        tpu.vector_store %swap3A_553[%swap3A_554, %swap3A_555], %add3A_549 {strides = array<i32>} : memref<128x128xf32, #tpu.memory_space<vmem>>, vector<16xf32>,
        %mul3A_557 = arith.mulf %get3A_445, %unpack3A_492 : vector<16xf32>
        %add3A_558 = arith.addf %mul3A_557, %unpack3A_493 : vector<16xf32>
        %swap3A_559 = arith.constant 0 : i32
        %swap3A_560 = arith.constant 0 : i32
        %swap3A_561 = tpu.memref_slice %arg11[%scan3A_116, %swap3A_559, %swap3A_560] : memref<2x128x128xf32, #tpu.memory_space<vmem>> -> memref<1x128x128xf32, #tpu.memory_space<vmem>>
        %swap3A_562 = tpu.memref_squeeze %swap3A_561 : memref<1x128x128xf32, #tpu.memory_space<vmem>> -> memref<128x128xf32, #tpu.memory_space<vmem>>
        %swap3A_563 = arith.index_cast %add3A_387 : i32 to index
        %swap3A_564 = arith.constant 112 : index
        %swap3A_565 = tpu.vector_load %swap3A_562[%swap3A_563, %swap3A_564] {strides = array<i32>} : memref<128x128xf32, #tpu.memory_space<vmem>>, vector<16xf32>,
        tpu.vector_store %swap3A_562[%swap3A_563, %swap3A_564], %add3A_558 {strides = array<i32>} : memref<128x128xf32, #tpu.memory_space<vmem>>, vector<16xf32>,
        %mul3A_566 = arith.constant 8 : i32
        %mul3A_567 = arith.muli %scan3A_203, %mul3A_566 : i32
        %add3A_568 = arith.constant 2 : i32
        %add3A_569 = arith.addi %mul3A_567, %add3A_568 : i32
        %slice3A_570 = vector.extract_strided_slice %get3A_206 {offsets = [2], sizes = [1], strides = [1]} : vector<16xi32> to vector<1xi32>
        %squeeze3A_571 = vector.extract %slice3A_570[0] : i32 from vector<1xi32>
        %get3A_572 = arith.constant 0 : i32
        %get3A_573 = arith.constant 0 : i32
        %get3A_574 = tpu.memref_slice %arg10[%scan3A_115, %get3A_572, %get3A_573] : memref<2x128x128xf32, #tpu.memory_space<vmem>> -> memref<1x128x128xf32, #tpu.memory_space<vmem>>
        %get3A_575 = tpu.memref_squeeze %get3A_574 : memref<1x128x128xf32, #tpu.memory_space<vmem>> -> memref<128x128xf32, #tpu.memory_space<vmem>>
        %get3A_576 = arith.index_cast %add3A_569 : i32 to index
        %get3A_577 = arith.constant 0 : index
        %get3A_578 = tpu.vector_load %get3A_575[%get3A_576, %get3A_577] {strides = array<i32>} : memref<128x128xf32, #tpu.memory_space<vmem>>, vector<16xf32>,
        %get3A_579 = arith.constant 0 : i32
        %get3A_580 = arith.constant 0 : i32
        %get3A_581 = tpu.memref_slice %arg10[%scan3A_115, %get3A_579, %get3A_580] : memref<2x128x128xf32, #tpu.memory_space<vmem>> -> memref<1x128x128xf32, #tpu.memory_space<vmem>>
        %get3A_582 = tpu.memref_squeeze %get3A_581 : memref<1x128x128xf32, #tpu.memory_space<vmem>> -> memref<128x128xf32, #tpu.memory_space<vmem>>
        %get3A_583 = arith.index_cast %add3A_569 : i32 to index
        %get3A_584 = arith.constant 16 : index
        %get3A_585 = tpu.vector_load %get3A_582[%get3A_583, %get3A_584] {strides = array<i32>} : memref<128x128xf32, #tpu.memory_space<vmem>>, vector<16xf32>,
        %get3A_586 = arith.constant 0 : i32
        %get3A_587 = arith.constant 0 : i32
        %get3A_588 = tpu.memref_slice %arg10[%scan3A_115, %get3A_586, %get3A_587] : memref<2x128x128xf32, #tpu.memory_space<vmem>> -> memref<1x128x128xf32, #tpu.memory_space<vmem>>
        %get3A_589 = tpu.memref_squeeze %get3A_588 : memref<1x128x128xf32, #tpu.memory_space<vmem>> -> memref<128x128xf32, #tpu.memory_space<vmem>>
        %get3A_590 = arith.index_cast %add3A_569 : i32 to index
        %get3A_591 = arith.constant 32 : index
        %get3A_592 = tpu.vector_load %get3A_589[%get3A_590, %get3A_591] {strides = array<i32>} : memref<128x128xf32, #tpu.memory_space<vmem>>, vector<16xf32>,
        %get3A_593 = arith.constant 0 : i32
        %get3A_594 = arith.constant 0 : i32
        %get3A_595 = tpu.memref_slice %arg10[%scan3A_115, %get3A_593, %get3A_594] : memref<2x128x128xf32, #tpu.memory_space<vmem>> -> memref<1x128x128xf32, #tpu.memory_space<vmem>>
        %get3A_596 = tpu.memref_squeeze %get3A_595 : memref<1x128x128xf32, #tpu.memory_space<vmem>> -> memref<128x128xf32, #tpu.memory_space<vmem>>
        %get3A_597 = arith.index_cast %add3A_569 : i32 to index
        %get3A_598 = arith.constant 48 : index
        %get3A_599 = tpu.vector_load %get3A_596[%get3A_597, %get3A_598] {strides = array<i32>} : memref<128x128xf32, #tpu.memory_space<vmem>>, vector<16xf32>,
        %get3A_600 = arith.constant 0 : i32
        %get3A_601 = arith.constant 0 : i32
        %get3A_602 = tpu.memref_slice %arg10[%scan3A_115, %get3A_600, %get3A_601] : memref<2x128x128xf32, #tpu.memory_space<vmem>> -> memref<1x128x128xf32, #tpu.memory_space<vmem>>
        %get3A_603 = tpu.memref_squeeze %get3A_602 : memref<1x128x128xf32, #tpu.memory_space<vmem>> -> memref<128x128xf32, #tpu.memory_space<vmem>>
        %get3A_604 = arith.index_cast %add3A_569 : i32 to index
        %get3A_605 = arith.constant 64 : index
        %get3A_606 = tpu.vector_load %get3A_603[%get3A_604, %get3A_605] {strides = array<i32>} : memref<128x128xf32, #tpu.memory_space<vmem>>, vector<16xf32>,
        %get3A_607 = arith.constant 0 : i32
        %get3A_608 = arith.constant 0 : i32
        %get3A_609 = tpu.memref_slice %arg10[%scan3A_115, %get3A_607, %get3A_608] : memref<2x128x128xf32, #tpu.memory_space<vmem>> -> memref<1x128x128xf32, #tpu.memory_space<vmem>>
        %get3A_610 = tpu.memref_squeeze %get3A_609 : memref<1x128x128xf32, #tpu.memory_space<vmem>> -> memref<128x128xf32, #tpu.memory_space<vmem>>
        %get3A_611 = arith.index_cast %add3A_569 : i32 to index
        %get3A_612 = arith.constant 80 : index
        %get3A_613 = tpu.vector_load %get3A_610[%get3A_611, %get3A_612] {strides = array<i32>} : memref<128x128xf32, #tpu.memory_space<vmem>>, vector<16xf32>,
        %get3A_614 = arith.constant 0 : i32
        %get3A_615 = arith.constant 0 : i32
        %get3A_616 = tpu.memref_slice %arg10[%scan3A_115, %get3A_614, %get3A_615] : memref<2x128x128xf32, #tpu.memory_space<vmem>> -> memref<1x128x128xf32, #tpu.memory_space<vmem>>
        %get3A_617 = tpu.memref_squeeze %get3A_616 : memref<1x128x128xf32, #tpu.memory_space<vmem>> -> memref<128x128xf32, #tpu.memory_space<vmem>>
        %get3A_618 = arith.index_cast %add3A_569 : i32 to index
        %get3A_619 = arith.constant 96 : index
        %get3A_620 = tpu.vector_load %get3A_617[%get3A_618, %get3A_619] {strides = array<i32>} : memref<128x128xf32, #tpu.memory_space<vmem>>, vector<16xf32>,
        %get3A_621 = arith.constant 0 : i32
        %get3A_622 = arith.constant 0 : i32
        %get3A_623 = tpu.memref_slice %arg10[%scan3A_115, %get3A_621, %get3A_622] : memref<2x128x128xf32, #tpu.memory_space<vmem>> -> memref<1x128x128xf32, #tpu.memory_space<vmem>>
        %get3A_624 = tpu.memref_squeeze %get3A_623 : memref<1x128x128xf32, #tpu.memory_space<vmem>> -> memref<128x128xf32, #tpu.memory_space<vmem>>
        %get3A_625 = arith.index_cast %add3A_569 : i32 to index
        %get3A_626 = arith.constant 112 : index
        %get3A_627 = tpu.vector_load %get3A_624[%get3A_625, %get3A_626] {strides = array<i32>} : memref<128x128xf32, #tpu.memory_space<vmem>>, vector<16xf32>,
        %get3A_628 = arith.index_cast %squeeze3A_571 : i32 to index
        %get3A_629 = arith.constant 0 : index
        %get3A_630 = tpu.vector_load %arg9[%get3A_628, %get3A_629] {strides = array<i32>} : memref<8x128xi32, #tpu.memory_space<vmem>>, vector<16xi32>,
        %bitcast3A_631 = vector.bitcast %get3A_630 : vector<16xi32> to vector<32xbf16>
        %unpack3A_632 = tpu.unpack_subelements %bitcast3A_631, 0 {pack_format = #tpu.pack_format<interleaved>} : vector<32xbf16> -> vector<16xf32>
        %unpack3A_633 = tpu.unpack_subelements %bitcast3A_631, 1 {pack_format = #tpu.pack_format<interleaved>} : vector<32xbf16> -> vector<16xf32>
        %get3A_634 = arith.index_cast %squeeze3A_571 : i32 to index
        %get3A_635 = arith.constant 16 : index
        %get3A_636 = tpu.vector_load %arg9[%get3A_634, %get3A_635] {strides = array<i32>} : memref<8x128xi32, #tpu.memory_space<vmem>>, vector<16xi32>,
        %bitcast3A_637 = vector.bitcast %get3A_636 : vector<16xi32> to vector<32xbf16>
        %unpack3A_638 = tpu.unpack_subelements %bitcast3A_637, 0 {pack_format = #tpu.pack_format<interleaved>} : vector<32xbf16> -> vector<16xf32>
        %unpack3A_639 = tpu.unpack_subelements %bitcast3A_637, 1 {pack_format = #tpu.pack_format<interleaved>} : vector<32xbf16> -> vector<16xf32>
        %get3A_640 = arith.index_cast %squeeze3A_571 : i32 to index
        %get3A_641 = arith.constant 32 : index
        %get3A_642 = tpu.vector_load %arg9[%get3A_640, %get3A_641] {strides = array<i32>} : memref<8x128xi32, #tpu.memory_space<vmem>>, vector<16xi32>,
        %bitcast3A_643 = vector.bitcast %get3A_642 : vector<16xi32> to vector<32xbf16>
        %unpack3A_644 = tpu.unpack_subelements %bitcast3A_643, 0 {pack_format = #tpu.pack_format<interleaved>} : vector<32xbf16> -> vector<16xf32>
        %unpack3A_645 = tpu.unpack_subelements %bitcast3A_643, 1 {pack_format = #tpu.pack_format<interleaved>} : vector<32xbf16> -> vector<16xf32>
        %get3A_646 = arith.index_cast %squeeze3A_571 : i32 to index
        %get3A_647 = arith.constant 48 : index
        %get3A_648 = tpu.vector_load %arg9[%get3A_646, %get3A_647] {strides = array<i32>} : memref<8x128xi32, #tpu.memory_space<vmem>>, vector<16xi32>,
        %bitcast3A_649 = vector.bitcast %get3A_648 : vector<16xi32> to vector<32xbf16>
        %unpack3A_650 = tpu.unpack_subelements %bitcast3A_649, 0 {pack_format = #tpu.pack_format<interleaved>} : vector<32xbf16> -> vector<16xf32>
        %unpack3A_651 = tpu.unpack_subelements %bitcast3A_649, 1 {pack_format = #tpu.pack_format<interleaved>} : vector<32xbf16> -> vector<16xf32>
        %get3A_652 = arith.index_cast %squeeze3A_571 : i32 to index
        %get3A_653 = arith.constant 64 : index
        %get3A_654 = tpu.vector_load %arg9[%get3A_652, %get3A_653] {strides = array<i32>} : memref<8x128xi32, #tpu.memory_space<vmem>>, vector<16xi32>,
        %bitcast3A_655 = vector.bitcast %get3A_654 : vector<16xi32> to vector<32xbf16>
        %unpack3A_656 = tpu.unpack_subelements %bitcast3A_655, 0 {pack_format = #tpu.pack_format<interleaved>} : vector<32xbf16> -> vector<16xf32>
        %unpack3A_657 = tpu.unpack_subelements %bitcast3A_655, 1 {pack_format = #tpu.pack_format<interleaved>} : vector<32xbf16> -> vector<16xf32>
        %get3A_658 = arith.index_cast %squeeze3A_571 : i32 to index
        %get3A_659 = arith.constant 80 : index
        %get3A_660 = tpu.vector_load %arg9[%get3A_658, %get3A_659] {strides = array<i32>} : memref<8x128xi32, #tpu.memory_space<vmem>>, vector<16xi32>,
        %bitcast3A_661 = vector.bitcast %get3A_660 : vector<16xi32> to vector<32xbf16>
        %unpack3A_662 = tpu.unpack_subelements %bitcast3A_661, 0 {pack_format = #tpu.pack_format<interleaved>} : vector<32xbf16> -> vector<16xf32>
        %unpack3A_663 = tpu.unpack_subelements %bitcast3A_661, 1 {pack_format = #tpu.pack_format<interleaved>} : vector<32xbf16> -> vector<16xf32>
        %get3A_664 = arith.index_cast %squeeze3A_571 : i32 to index
        %get3A_665 = arith.constant 96 : index
        %get3A_666 = tpu.vector_load %arg9[%get3A_664, %get3A_665] {strides = array<i32>} : memref<8x128xi32, #tpu.memory_space<vmem>>, vector<16xi32>,
        %bitcast3A_667 = vector.bitcast %get3A_666 : vector<16xi32> to vector<32xbf16>
        %unpack3A_668 = tpu.unpack_subelements %bitcast3A_667, 0 {pack_format = #tpu.pack_format<interleaved>} : vector<32xbf16> -> vector<16xf32>
        %unpack3A_669 = tpu.unpack_subelements %bitcast3A_667, 1 {pack_format = #tpu.pack_format<interleaved>} : vector<32xbf16> -> vector<16xf32>
        %get3A_670 = arith.index_cast %squeeze3A_571 : i32 to index
        %get3A_671 = arith.constant 112 : index
        %get3A_672 = tpu.vector_load %arg9[%get3A_670, %get3A_671] {strides = array<i32>} : memref<8x128xi32, #tpu.memory_space<vmem>>, vector<16xi32>,
        %bitcast3A_673 = vector.bitcast %get3A_672 : vector<16xi32> to vector<32xbf16>
        %unpack3A_674 = tpu.unpack_subelements %bitcast3A_673, 0 {pack_format = #tpu.pack_format<interleaved>} : vector<32xbf16> -> vector<16xf32>
        %unpack3A_675 = tpu.unpack_subelements %bitcast3A_673, 1 {pack_format = #tpu.pack_format<interleaved>} : vector<32xbf16> -> vector<16xf32>
        %mul3A_676 = arith.mulf %get3A_578, %unpack3A_632 : vector<16xf32>
        %add3A_677 = arith.addf %mul3A_676, %unpack3A_633 : vector<16xf32>
        %swap3A_678 = arith.constant 0 : i32
        %swap3A_679 = arith.constant 0 : i32
        %swap3A_680 = tpu.memref_slice %arg11[%scan3A_116, %swap3A_678, %swap3A_679] : memref<2x128x128xf32, #tpu.memory_space<vmem>> -> memref<1x128x128xf32, #tpu.memory_space<vmem>>
        %swap3A_681 = tpu.memref_squeeze %swap3A_680 : memref<1x128x128xf32, #tpu.memory_space<vmem>> -> memref<128x128xf32, #tpu.memory_space<vmem>>
        %swap3A_682 = arith.index_cast %add3A_569 : i32 to index
        %swap3A_683 = arith.constant 0 : index
        %swap3A_684 = tpu.vector_load %swap3A_681[%swap3A_682, %swap3A_683] {strides = array<i32>} : memref<128x128xf32, #tpu.memory_space<vmem>>, vector<16xf32>,
        tpu.vector_store %swap3A_681[%swap3A_682, %swap3A_683], %add3A_677 {strides = array<i32>} : memref<128x128xf32, #tpu.memory_space<vmem>>, vector<16xf32>,
        %mul3A_685 = arith.mulf %get3A_585, %unpack3A_638 : vector<16xf32>
        %add3A_686 = arith.addf %mul3A_685, %unpack3A_639 : vector<16xf32>
        %swap3A_687 = arith.constant 0 : i32
        %swap3A_688 = arith.constant 0 : i32
        %swap3A_689 = tpu.memref_slice %arg11[%scan3A_116, %swap3A_687, %swap3A_688] : memref<2x128x128xf32, #tpu.memory_space<vmem>> -> memref<1x128x128xf32, #tpu.memory_space<vmem>>
        %swap3A_690 = tpu.memref_squeeze %swap3A_689 : memref<1x128x128xf32, #tpu.memory_space<vmem>> -> memref<128x128xf32, #tpu.memory_space<vmem>>
        %swap3A_691 = arith.index_cast %add3A_569 : i32 to index
        %swap3A_692 = arith.constant 16 : index
        %swap3A_693 = tpu.vector_load %swap3A_690[%swap3A_691, %swap3A_692] {strides = array<i32>} : memref<128x128xf32, #tpu.memory_space<vmem>>, vector<16xf32>,
        tpu.vector_store %swap3A_690[%swap3A_691, %swap3A_692], %add3A_686 {strides = array<i32>} : memref<128x128xf32, #tpu.memory_space<vmem>>, vector<16xf32>,
        %mul3A_694 = arith.mulf %get3A_592, %unpack3A_644 : vector<16xf32>
        %add3A_695 = arith.addf %mul3A_694, %unpack3A_645 : vector<16xf32>
        %swap3A_696 = arith.constant 0 : i32
        %swap3A_697 = arith.constant 0 : i32
        %swap3A_698 = tpu.memref_slice %arg11[%scan3A_116, %swap3A_696, %swap3A_697] : memref<2x128x128xf32, #tpu.memory_space<vmem>> -> memref<1x128x128xf32, #tpu.memory_space<vmem>>
        %swap3A_699 = tpu.memref_squeeze %swap3A_698 : memref<1x128x128xf32, #tpu.memory_space<vmem>> -> memref<128x128xf32, #tpu.memory_space<vmem>>
        %swap3A_700 = arith.index_cast %add3A_569 : i32 to index
        %swap3A_701 = arith.constant 32 : index
        %swap3A_702 = tpu.vector_load %swap3A_699[%swap3A_700, %swap3A_701] {strides = array<i32>} : memref<128x128xf32, #tpu.memory_space<vmem>>, vector<16xf32>,
        tpu.vector_store %swap3A_699[%swap3A_700, %swap3A_701], %add3A_695 {strides = array<i32>} : memref<128x128xf32, #tpu.memory_space<vmem>>, vector<16xf32>,
        %mul3A_703 = arith.mulf %get3A_599, %unpack3A_650 : vector<16xf32>
        %add3A_704 = arith.addf %mul3A_703, %unpack3A_651 : vector<16xf32>
        %swap3A_705 = arith.constant 0 : i32
        %swap3A_706 = arith.constant 0 : i32
        %swap3A_707 = tpu.memref_slice %arg11[%scan3A_116, %swap3A_705, %swap3A_706] : memref<2x128x128xf32, #tpu.memory_space<vmem>> -> memref<1x128x128xf32, #tpu.memory_space<vmem>>
        %swap3A_708 = tpu.memref_squeeze %swap3A_707 : memref<1x128x128xf32, #tpu.memory_space<vmem>> -> memref<128x128xf32, #tpu.memory_space<vmem>>
        %swap3A_709 = arith.index_cast %add3A_569 : i32 to index
        %swap3A_710 = arith.constant 48 : index
        %swap3A_711 = tpu.vector_load %swap3A_708[%swap3A_709, %swap3A_710] {strides = array<i32>} : memref<128x128xf32, #tpu.memory_space<vmem>>, vector<16xf32>,
        tpu.vector_store %swap3A_708[%swap3A_709, %swap3A_710], %add3A_704 {strides = array<i32>} : memref<128x128xf32, #tpu.memory_space<vmem>>, vector<16xf32>,
        %mul3A_712 = arith.mulf %get3A_606, %unpack3A_656 : vector<16xf32>
        %add3A_713 = arith.addf %mul3A_712, %unpack3A_657 : vector<16xf32>
        %swap3A_714 = arith.constant 0 : i32
        %swap3A_715 = arith.constant 0 : i32
        %swap3A_716 = tpu.memref_slice %arg11[%scan3A_116, %swap3A_714, %swap3A_715] : memref<2x128x128xf32, #tpu.memory_space<vmem>> -> memref<1x128x128xf32, #tpu.memory_space<vmem>>
        %swap3A_717 = tpu.memref_squeeze %swap3A_716 : memref<1x128x128xf32, #tpu.memory_space<vmem>> -> memref<128x128xf32, #tpu.memory_space<vmem>>
        %swap3A_718 = arith.index_cast %add3A_569 : i32 to index
        %swap3A_719 = arith.constant 64 : index
        %swap3A_720 = tpu.vector_load %swap3A_717[%swap3A_718, %swap3A_719] {strides = array<i32>} : memref<128x128xf32, #tpu.memory_space<vmem>>, vector<16xf32>,
        tpu.vector_store %swap3A_717[%swap3A_718, %swap3A_719], %add3A_713 {strides = array<i32>} : memref<128x128xf32, #tpu.memory_space<vmem>>, vector<16xf32>,
        %mul3A_721 = arith.mulf %get3A_613, %unpack3A_662 : vector<16xf32>
        %add3A_722 = arith.addf %mul3A_721, %unpack3A_663 : vector<16xf32>
        %swap3A_723 = arith.constant 0 : i32
        %swap3A_724 = arith.constant 0 : i32
        %swap3A_725 = tpu.memref_slice %arg11[%scan3A_116, %swap3A_723, %swap3A_724] : memref<2x128x128xf32, #tpu.memory_space<vmem>> -> memref<1x128x128xf32, #tpu.memory_space<vmem>>
        %swap3A_726 = tpu.memref_squeeze %swap3A_725 : memref<1x128x128xf32, #tpu.memory_space<vmem>> -> memref<128x128xf32, #tpu.memory_space<vmem>>
        %swap3A_727 = arith.index_cast %add3A_569 : i32 to index
        %swap3A_728 = arith.constant 80 : index
        %swap3A_729 = tpu.vector_load %swap3A_726[%swap3A_727, %swap3A_728] {strides = array<i32>} : memref<128x128xf32, #tpu.memory_space<vmem>>, vector<16xf32>,
        tpu.vector_store %swap3A_726[%swap3A_727, %swap3A_728], %add3A_722 {strides = array<i32>} : memref<128x128xf32, #tpu.memory_space<vmem>>, vector<16xf32>,
        %mul3A_730 = arith.mulf %get3A_620, %unpack3A_668 : vector<16xf32>
        %add3A_731 = arith.addf %mul3A_730, %unpack3A_669 : vector<16xf32>
        %swap3A_732 = arith.constant 0 : i32
        %swap3A_733 = arith.constant 0 : i32
        %swap3A_734 = tpu.memref_slice %arg11[%scan3A_116, %swap3A_732, %swap3A_733] : memref<2x128x128xf32, #tpu.memory_space<vmem>> -> memref<1x128x128xf32, #tpu.memory_space<vmem>>
        %swap3A_735 = tpu.memref_squeeze %swap3A_734 : memref<1x128x128xf32, #tpu.memory_space<vmem>> -> memref<128x128xf32, #tpu.memory_space<vmem>>
        %swap3A_736 = arith.index_cast %add3A_569 : i32 to index
        %swap3A_737 = arith.constant 96 : index
        %swap3A_738 = tpu.vector_load %swap3A_735[%swap3A_736, %swap3A_737] {strides = array<i32>} : memref<128x128xf32, #tpu.memory_space<vmem>>, vector<16xf32>,
        tpu.vector_store %swap3A_735[%swap3A_736, %swap3A_737], %add3A_731 {strides = array<i32>} : memref<128x128xf32, #tpu.memory_space<vmem>>, vector<16xf32>,
        %mul3A_739 = arith.mulf %get3A_627, %unpack3A_674 : vector<16xf32>
        %add3A_740 = arith.addf %mul3A_739, %unpack3A_675 : vector<16xf32>
        %swap3A_741 = arith.constant 0 : i32
        %swap3A_742 = arith.constant 0 : i32
        %swap3A_743 = tpu.memref_slice %arg11[%scan3A_116, %swap3A_741, %swap3A_742] : memref<2x128x128xf32, #tpu.memory_space<vmem>> -> memref<1x128x128xf32, #tpu.memory_space<vmem>>
        %swap3A_744 = tpu.memref_squeeze %swap3A_743 : memref<1x128x128xf32, #tpu.memory_space<vmem>> -> memref<128x128xf32, #tpu.memory_space<vmem>>
        %swap3A_745 = arith.index_cast %add3A_569 : i32 to index
        %swap3A_746 = arith.constant 112 : index
        %swap3A_747 = tpu.vector_load %swap3A_744[%swap3A_745, %swap3A_746] {strides = array<i32>} : memref<128x128xf32, #tpu.memory_space<vmem>>, vector<16xf32>,
        tpu.vector_store %swap3A_744[%swap3A_745, %swap3A_746], %add3A_740 {strides = array<i32>} : memref<128x128xf32, #tpu.memory_space<vmem>>, vector<16xf32>,
        %mul3A_748 = arith.constant 8 : i32
        %mul3A_749 = arith.muli %scan3A_203, %mul3A_748 : i32
        %add3A_750 = arith.constant 3 : i32
        %add3A_751 = arith.addi %mul3A_749, %add3A_750 : i32
        %slice3A_752 = vector.extract_strided_slice %get3A_206 {offsets = [3], sizes = [1], strides = [1]} : vector<16xi32> to vector<1xi32>
        %squeeze3A_753 = vector.extract %slice3A_752[0] : i32 from vector<1xi32>
        %get3A_754 = arith.constant 0 : i32
        %get3A_755 = arith.constant 0 : i32
        %get3A_756 = tpu.memref_slice %arg10[%scan3A_115, %get3A_754, %get3A_755] : memref<2x128x128xf32, #tpu.memory_space<vmem>> -> memref<1x128x128xf32, #tpu.memory_space<vmem>>
        %get3A_757 = tpu.memref_squeeze %get3A_756 : memref<1x128x128xf32, #tpu.memory_space<vmem>> -> memref<128x128xf32, #tpu.memory_space<vmem>>
        %get3A_758 = arith.index_cast %add3A_751 : i32 to index
        %get3A_759 = arith.constant 0 : index
        %get3A_760 = tpu.vector_load %get3A_757[%get3A_758, %get3A_759] {strides = array<i32>} : memref<128x128xf32, #tpu.memory_space<vmem>>, vector<16xf32>,
        %get3A_761 = arith.constant 0 : i32
        %get3A_762 = arith.constant 0 : i32
        %get3A_763 = tpu.memref_slice %arg10[%scan3A_115, %get3A_761, %get3A_762] : memref<2x128x128xf32, #tpu.memory_space<vmem>> -> memref<1x128x128xf32, #tpu.memory_space<vmem>>
        %get3A_764 = tpu.memref_squeeze %get3A_763 : memref<1x128x128xf32, #tpu.memory_space<vmem>> -> memref<128x128xf32, #tpu.memory_space<vmem>>
        %get3A_765 = arith.index_cast %add3A_751 : i32 to index
        %get3A_766 = arith.constant 16 : index
        %get3A_767 = tpu.vector_load %get3A_764[%get3A_765, %get3A_766] {strides = array<i32>} : memref<128x128xf32, #tpu.memory_space<vmem>>, vector<16xf32>,
        %get3A_768 = arith.constant 0 : i32
        %get3A_769 = arith.constant 0 : i32
        %get3A_770 = tpu.memref_slice %arg10[%scan3A_115, %get3A_768, %get3A_769] : memref<2x128x128xf32, #tpu.memory_space<vmem>> -> memref<1x128x128xf32, #tpu.memory_space<vmem>>
        %get3A_771 = tpu.memref_squeeze %get3A_770 : memref<1x128x128xf32, #tpu.memory_space<vmem>> -> memref<128x128xf32, #tpu.memory_space<vmem>>
        %get3A_772 = arith.index_cast %add3A_751 : i32 to index
        %get3A_773 = arith.constant 32 : index
        %get3A_774 = tpu.vector_load %get3A_771[%get3A_772, %get3A_773] {strides = array<i32>} : memref<128x128xf32, #tpu.memory_space<vmem>>, vector<16xf32>,
        %get3A_775 = arith.constant 0 : i32
        %get3A_776 = arith.constant 0 : i32
        %get3A_777 = tpu.memref_slice %arg10[%scan3A_115, %get3A_775, %get3A_776] : memref<2x128x128xf32, #tpu.memory_space<vmem>> -> memref<1x128x128xf32, #tpu.memory_space<vmem>>
        %get3A_778 = tpu.memref_squeeze %get3A_777 : memref<1x128x128xf32, #tpu.memory_space<vmem>> -> memref<128x128xf32, #tpu.memory_space<vmem>>
        %get3A_779 = arith.index_cast %add3A_751 : i32 to index
        %get3A_780 = arith.constant 48 : index
        %get3A_781 = tpu.vector_load %get3A_778[%get3A_779, %get3A_780] {strides = array<i32>} : memref<128x128xf32, #tpu.memory_space<vmem>>, vector<16xf32>,
        %get3A_782 = arith.constant 0 : i32
        %get3A_783 = arith.constant 0 : i32
        %get3A_784 = tpu.memref_slice %arg10[%scan3A_115, %get3A_782, %get3A_783] : memref<2x128x128xf32, #tpu.memory_space<vmem>> -> memref<1x128x128xf32, #tpu.memory_space<vmem>>
        %get3A_785 = tpu.memref_squeeze %get3A_784 : memref<1x128x128xf32, #tpu.memory_space<vmem>> -> memref<128x128xf32, #tpu.memory_space<vmem>>
        %get3A_786 = arith.index_cast %add3A_751 : i32 to index
        %get3A_787 = arith.constant 64 : index
        %get3A_788 = tpu.vector_load %get3A_785[%get3A_786, %get3A_787] {strides = array<i32>} : memref<128x128xf32, #tpu.memory_space<vmem>>, vector<16xf32>,
        %get3A_789 = arith.constant 0 : i32
        %get3A_790 = arith.constant 0 : i32
        %get3A_791 = tpu.memref_slice %arg10[%scan3A_115, %get3A_789, %get3A_790] : memref<2x128x128xf32, #tpu.memory_space<vmem>> -> memref<1x128x128xf32, #tpu.memory_space<vmem>>
        %get3A_792 = tpu.memref_squeeze %get3A_791 : memref<1x128x128xf32, #tpu.memory_space<vmem>> -> memref<128x128xf32, #tpu.memory_space<vmem>>
        %get3A_793 = arith.index_cast %add3A_751 : i32 to index
        %get3A_794 = arith.constant 80 : index
        %get3A_795 = tpu.vector_load %get3A_792[%get3A_793, %get3A_794] {strides = array<i32>} : memref<128x128xf32, #tpu.memory_space<vmem>>, vector<16xf32>,
        %get3A_796 = arith.constant 0 : i32
        %get3A_797 = arith.constant 0 : i32
        %get3A_798 = tpu.memref_slice %arg10[%scan3A_115, %get3A_796, %get3A_797] : memref<2x128x128xf32, #tpu.memory_space<vmem>> -> memref<1x128x128xf32, #tpu.memory_space<vmem>>
        %get3A_799 = tpu.memref_squeeze %get3A_798 : memref<1x128x128xf32, #tpu.memory_space<vmem>> -> memref<128x128xf32, #tpu.memory_space<vmem>>
        %get3A_800 = arith.index_cast %add3A_751 : i32 to index
        %get3A_801 = arith.constant 96 : index
        %get3A_802 = tpu.vector_load %get3A_799[%get3A_800, %get3A_801] {strides = array<i32>} : memref<128x128xf32, #tpu.memory_space<vmem>>, vector<16xf32>,
        %get3A_803 = arith.constant 0 : i32
        %get3A_804 = arith.constant 0 : i32
        %get3A_805 = tpu.memref_slice %arg10[%scan3A_115, %get3A_803, %get3A_804] : memref<2x128x128xf32, #tpu.memory_space<vmem>> -> memref<1x128x128xf32, #tpu.memory_space<vmem>>
        %get3A_806 = tpu.memref_squeeze %get3A_805 : memref<1x128x128xf32, #tpu.memory_space<vmem>> -> memref<128x128xf32, #tpu.memory_space<vmem>>
        %get3A_807 = arith.index_cast %add3A_751 : i32 to index
        %get3A_808 = arith.constant 112 : index
        %get3A_809 = tpu.vector_load %get3A_806[%get3A_807, %get3A_808] {strides = array<i32>} : memref<128x128xf32, #tpu.memory_space<vmem>>, vector<16xf32>,
        %get3A_810 = arith.index_cast %squeeze3A_753 : i32 to index
        %get3A_811 = arith.constant 0 : index
        %get3A_812 = tpu.vector_load %arg9[%get3A_810, %get3A_811] {strides = array<i32>} : memref<8x128xi32, #tpu.memory_space<vmem>>, vector<16xi32>,
        %bitcast3A_813 = vector.bitcast %get3A_812 : vector<16xi32> to vector<32xbf16>
        %unpack3A_814 = tpu.unpack_subelements %bitcast3A_813, 0 {pack_format = #tpu.pack_format<interleaved>} : vector<32xbf16> -> vector<16xf32>
        %unpack3A_815 = tpu.unpack_subelements %bitcast3A_813, 1 {pack_format = #tpu.pack_format<interleaved>} : vector<32xbf16> -> vector<16xf32>
        %get3A_816 = arith.index_cast %squeeze3A_753 : i32 to index
        %get3A_817 = arith.constant 16 : index
        %get3A_818 = tpu.vector_load %arg9[%get3A_816, %get3A_817] {strides = array<i32>} : memref<8x128xi32, #tpu.memory_space<vmem>>, vector<16xi32>,
        %bitcast3A_819 = vector.bitcast %get3A_818 : vector<16xi32> to vector<32xbf16>
        %unpack3A_820 = tpu.unpack_subelements %bitcast3A_819, 0 {pack_format = #tpu.pack_format<interleaved>} : vector<32xbf16> -> vector<16xf32>
        %unpack3A_821 = tpu.unpack_subelements %bitcast3A_819, 1 {pack_format = #tpu.pack_format<interleaved>} : vector<32xbf16> -> vector<16xf32>
        %get3A_822 = arith.index_cast %squeeze3A_753 : i32 to index
        %get3A_823 = arith.constant 32 : index
        %get3A_824 = tpu.vector_load %arg9[%get3A_822, %get3A_823] {strides = array<i32>} : memref<8x128xi32, #tpu.memory_space<vmem>>, vector<16xi32>,
        %bitcast3A_825 = vector.bitcast %get3A_824 : vector<16xi32> to vector<32xbf16>
        %unpack3A_826 = tpu.unpack_subelements %bitcast3A_825, 0 {pack_format = #tpu.pack_format<interleaved>} : vector<32xbf16> -> vector<16xf32>
        %unpack3A_827 = tpu.unpack_subelements %bitcast3A_825, 1 {pack_format = #tpu.pack_format<interleaved>} : vector<32xbf16> -> vector<16xf32>
        %get3A_828 = arith.index_cast %squeeze3A_753 : i32 to index
        %get3A_829 = arith.constant 48 : index
        %get3A_830 = tpu.vector_load %arg9[%get3A_828, %get3A_829] {strides = array<i32>} : memref<8x128xi32, #tpu.memory_space<vmem>>, vector<16xi32>,
        %bitcast3A_831 = vector.bitcast %get3A_830 : vector<16xi32> to vector<32xbf16>
        %unpack3A_832 = tpu.unpack_subelements %bitcast3A_831, 0 {pack_format = #tpu.pack_format<interleaved>} : vector<32xbf16> -> vector<16xf32>
        %unpack3A_833 = tpu.unpack_subelements %bitcast3A_831, 1 {pack_format = #tpu.pack_format<interleaved>} : vector<32xbf16> -> vector<16xf32>
        %get3A_834 = arith.index_cast %squeeze3A_753 : i32 to index
        %get3A_835 = arith.constant 64 : index
        %get3A_836 = tpu.vector_load %arg9[%get3A_834, %get3A_835] {strides = array<i32>} : memref<8x128xi32, #tpu.memory_space<vmem>>, vector<16xi32>,
        %bitcast3A_837 = vector.bitcast %get3A_836 : vector<16xi32> to vector<32xbf16>
        %unpack3A_838 = tpu.unpack_subelements %bitcast3A_837, 0 {pack_format = #tpu.pack_format<interleaved>} : vector<32xbf16> -> vector<16xf32>
        %unpack3A_839 = tpu.unpack_subelements %bitcast3A_837, 1 {pack_format = #tpu.pack_format<interleaved>} : vector<32xbf16> -> vector<16xf32>
        %get3A_840 = arith.index_cast %squeeze3A_753 : i32 to index
        %get3A_841 = arith.constant 80 : index
        %get3A_842 = tpu.vector_load %arg9[%get3A_840, %get3A_841] {strides = array<i32>} : memref<8x128xi32, #tpu.memory_space<vmem>>, vector<16xi32>,
        %bitcast3A_843 = vector.bitcast %get3A_842 : vector<16xi32> to vector<32xbf16>
        %unpack3A_844 = tpu.unpack_subelements %bitcast3A_843, 0 {pack_format = #tpu.pack_format<interleaved>} : vector<32xbf16> -> vector<16xf32>
        %unpack3A_845 = tpu.unpack_subelements %bitcast3A_843, 1 {pack_format = #tpu.pack_format<interleaved>} : vector<32xbf16> -> vector<16xf32>
        %get3A_846 = arith.index_cast %squeeze3A_753 : i32 to index
        %get3A_847 = arith.constant 96 : index
        %get3A_848 = tpu.vector_load %arg9[%get3A_846, %get3A_847] {strides = array<i32>} : memref<8x128xi32, #tpu.memory_space<vmem>>, vector<16xi32>,
        %bitcast3A_849 = vector.bitcast %get3A_848 : vector<16xi32> to vector<32xbf16>
        %unpack3A_850 = tpu.unpack_subelements %bitcast3A_849, 0 {pack_format = #tpu.pack_format<interleaved>} : vector<32xbf16> -> vector<16xf32>
        %unpack3A_851 = tpu.unpack_subelements %bitcast3A_849, 1 {pack_format = #tpu.pack_format<interleaved>} : vector<32xbf16> -> vector<16xf32>
        %get3A_852 = arith.index_cast %squeeze3A_753 : i32 to index
        %get3A_853 = arith.constant 112 : index
        %get3A_854 = tpu.vector_load %arg9[%get3A_852, %get3A_853] {strides = array<i32>} : memref<8x128xi32, #tpu.memory_space<vmem>>, vector<16xi32>,
        %bitcast3A_855 = vector.bitcast %get3A_854 : vector<16xi32> to vector<32xbf16>
        %unpack3A_856 = tpu.unpack_subelements %bitcast3A_855, 0 {pack_format = #tpu.pack_format<interleaved>} : vector<32xbf16> -> vector<16xf32>
        %unpack3A_857 = tpu.unpack_subelements %bitcast3A_855, 1 {pack_format = #tpu.pack_format<interleaved>} : vector<32xbf16> -> vector<16xf32>
        %mul3A_858 = arith.mulf %get3A_760, %unpack3A_814 : vector<16xf32>
        %add3A_859 = arith.addf %mul3A_858, %unpack3A_815 : vector<16xf32>
        %swap3A_860 = arith.constant 0 : i32
        %swap3A_861 = arith.constant 0 : i32
        %swap3A_862 = tpu.memref_slice %arg11[%scan3A_116, %swap3A_860, %swap3A_861] : memref<2x128x128xf32, #tpu.memory_space<vmem>> -> memref<1x128x128xf32, #tpu.memory_space<vmem>>
        %swap3A_863 = tpu.memref_squeeze %swap3A_862 : memref<1x128x128xf32, #tpu.memory_space<vmem>> -> memref<128x128xf32, #tpu.memory_space<vmem>>
        %swap3A_864 = arith.index_cast %add3A_751 : i32 to index
        %swap3A_865 = arith.constant 0 : index
        %swap3A_866 = tpu.vector_load %swap3A_863[%swap3A_864, %swap3A_865] {strides = array<i32>} : memref<128x128xf32, #tpu.memory_space<vmem>>, vector<16xf32>,
        tpu.vector_store %swap3A_863[%swap3A_864, %swap3A_865], %add3A_859 {strides = array<i32>} : memref<128x128xf32, #tpu.memory_space<vmem>>, vector<16xf32>,
        %mul3A_867 = arith.mulf %get3A_767, %unpack3A_820 : vector<16xf32>
        %add3A_868 = arith.addf %mul3A_867, %unpack3A_821 : vector<16xf32>
        %swap3A_869 = arith.constant 0 : i32
        %swap3A_870 = arith.constant 0 : i32
        %swap3A_871 = tpu.memref_slice %arg11[%scan3A_116, %swap3A_869, %swap3A_870] : memref<2x128x128xf32, #tpu.memory_space<vmem>> -> memref<1x128x128xf32, #tpu.memory_space<vmem>>
        %swap3A_872 = tpu.memref_squeeze %swap3A_871 : memref<1x128x128xf32, #tpu.memory_space<vmem>> -> memref<128x128xf32, #tpu.memory_space<vmem>>
        %swap3A_873 = arith.index_cast %add3A_751 : i32 to index
        %swap3A_874 = arith.constant 16 : index
        %swap3A_875 = tpu.vector_load %swap3A_872[%swap3A_873, %swap3A_874] {strides = array<i32>} : memref<128x128xf32, #tpu.memory_space<vmem>>, vector<16xf32>,
        tpu.vector_store %swap3A_872[%swap3A_873, %swap3A_874], %add3A_868 {strides = array<i32>} : memref<128x128xf32, #tpu.memory_space<vmem>>, vector<16xf32>,
        %mul3A_876 = arith.mulf %get3A_774, %unpack3A_826 : vector<16xf32>
        %add3A_877 = arith.addf %mul3A_876, %unpack3A_827 : vector<16xf32>
        %swap3A_878 = arith.constant 0 : i32
        %swap3A_879 = arith.constant 0 : i32
        %swap3A_880 = tpu.memref_slice %arg11[%scan3A_116, %swap3A_878, %swap3A_879] : memref<2x128x128xf32, #tpu.memory_space<vmem>> -> memref<1x128x128xf32, #tpu.memory_space<vmem>>
        %swap3A_881 = tpu.memref_squeeze %swap3A_880 : memref<1x128x128xf32, #tpu.memory_space<vmem>> -> memref<128x128xf32, #tpu.memory_space<vmem>>
        %swap3A_882 = arith.index_cast %add3A_751 : i32 to index
        %swap3A_883 = arith.constant 32 : index
        %swap3A_884 = tpu.vector_load %swap3A_881[%swap3A_882, %swap3A_883] {strides = array<i32>} : memref<128x128xf32, #tpu.memory_space<vmem>>, vector<16xf32>,
        tpu.vector_store %swap3A_881[%swap3A_882, %swap3A_883], %add3A_877 {strides = array<i32>} : memref<128x128xf32, #tpu.memory_space<vmem>>, vector<16xf32>,
        %mul3A_885 = arith.mulf %get3A_781, %unpack3A_832 : vector<16xf32>
        %add3A_886 = arith.addf %mul3A_885, %unpack3A_833 : vector<16xf32>
        %swap3A_887 = arith.constant 0 : i32
        %swap3A_888 = arith.constant 0 : i32
        %swap3A_889 = tpu.memref_slice %arg11[%scan3A_116, %swap3A_887, %swap3A_888] : memref<2x128x128xf32, #tpu.memory_space<vmem>> -> memref<1x128x128xf32, #tpu.memory_space<vmem>>
        %swap3A_890 = tpu.memref_squeeze %swap3A_889 : memref<1x128x128xf32, #tpu.memory_space<vmem>> -> memref<128x128xf32, #tpu.memory_space<vmem>>
        %swap3A_891 = arith.index_cast %add3A_751 : i32 to index
        %swap3A_892 = arith.constant 48 : index
        %swap3A_893 = tpu.vector_load %swap3A_890[%swap3A_891, %swap3A_892] {strides = array<i32>} : memref<128x128xf32, #tpu.memory_space<vmem>>, vector<16xf32>,
        tpu.vector_store %swap3A_890[%swap3A_891, %swap3A_892], %add3A_886 {strides = array<i32>} : memref<128x128xf32, #tpu.memory_space<vmem>>, vector<16xf32>,
        %mul3A_894 = arith.mulf %get3A_788, %unpack3A_838 : vector<16xf32>
        %add3A_895 = arith.addf %mul3A_894, %unpack3A_839 : vector<16xf32>
        %swap3A_896 = arith.constant 0 : i32
        %swap3A_897 = arith.constant 0 : i32
        %swap3A_898 = tpu.memref_slice %arg11[%scan3A_116, %swap3A_896, %swap3A_897] : memref<2x128x128xf32, #tpu.memory_space<vmem>> -> memref<1x128x128xf32, #tpu.memory_space<vmem>>
        %swap3A_899 = tpu.memref_squeeze %swap3A_898 : memref<1x128x128xf32, #tpu.memory_space<vmem>> -> memref<128x128xf32, #tpu.memory_space<vmem>>
        %swap3A_900 = arith.index_cast %add3A_751 : i32 to index
        %swap3A_901 = arith.constant 64 : index
        %swap3A_902 = tpu.vector_load %swap3A_899[%swap3A_900, %swap3A_901] {strides = array<i32>} : memref<128x128xf32, #tpu.memory_space<vmem>>, vector<16xf32>,
        tpu.vector_store %swap3A_899[%swap3A_900, %swap3A_901], %add3A_895 {strides = array<i32>} : memref<128x128xf32, #tpu.memory_space<vmem>>, vector<16xf32>,
        %mul3A_903 = arith.mulf %get3A_795, %unpack3A_844 : vector<16xf32>
        %add3A_904 = arith.addf %mul3A_903, %unpack3A_845 : vector<16xf32>
        %swap3A_905 = arith.constant 0 : i32
        %swap3A_906 = arith.constant 0 : i32
        %swap3A_907 = tpu.memref_slice %arg11[%scan3A_116, %swap3A_905, %swap3A_906] : memref<2x128x128xf32, #tpu.memory_space<vmem>> -> memref<1x128x128xf32, #tpu.memory_space<vmem>>
        %swap3A_908 = tpu.memref_squeeze %swap3A_907 : memref<1x128x128xf32, #tpu.memory_space<vmem>> -> memref<128x128xf32, #tpu.memory_space<vmem>>
        %swap3A_909 = arith.index_cast %add3A_751 : i32 to index
        %swap3A_910 = arith.constant 80 : index
        %swap3A_911 = tpu.vector_load %swap3A_908[%swap3A_909, %swap3A_910] {strides = array<i32>} : memref<128x128xf32, #tpu.memory_space<vmem>>, vector<16xf32>,
        tpu.vector_store %swap3A_908[%swap3A_909, %swap3A_910], %add3A_904 {strides = array<i32>} : memref<128x128xf32, #tpu.memory_space<vmem>>, vector<16xf32>,
        %mul3A_912 = arith.mulf %get3A_802, %unpack3A_850 : vector<16xf32>
        %add3A_913 = arith.addf %mul3A_912, %unpack3A_851 : vector<16xf32>
        %swap3A_914 = arith.constant 0 : i32
        %swap3A_915 = arith.constant 0 : i32
        %swap3A_916 = tpu.memref_slice %arg11[%scan3A_116, %swap3A_914, %swap3A_915] : memref<2x128x128xf32, #tpu.memory_space<vmem>> -> memref<1x128x128xf32, #tpu.memory_space<vmem>>
        %swap3A_917 = tpu.memref_squeeze %swap3A_916 : memref<1x128x128xf32, #tpu.memory_space<vmem>> -> memref<128x128xf32, #tpu.memory_space<vmem>>
        %swap3A_918 = arith.index_cast %add3A_751 : i32 to index
        %swap3A_919 = arith.constant 96 : index
        %swap3A_920 = tpu.vector_load %swap3A_917[%swap3A_918, %swap3A_919] {strides = array<i32>} : memref<128x128xf32, #tpu.memory_space<vmem>>, vector<16xf32>,
        tpu.vector_store %swap3A_917[%swap3A_918, %swap3A_919], %add3A_913 {strides = array<i32>} : memref<128x128xf32, #tpu.memory_space<vmem>>, vector<16xf32>,
        %mul3A_921 = arith.mulf %get3A_809, %unpack3A_856 : vector<16xf32>
        %add3A_922 = arith.addf %mul3A_921, %unpack3A_857 : vector<16xf32>
        %swap3A_923 = arith.constant 0 : i32
        %swap3A_924 = arith.constant 0 : i32
        %swap3A_925 = tpu.memref_slice %arg11[%scan3A_116, %swap3A_923, %swap3A_924] : memref<2x128x128xf32, #tpu.memory_space<vmem>> -> memref<1x128x128xf32, #tpu.memory_space<vmem>>
        %swap3A_926 = tpu.memref_squeeze %swap3A_925 : memref<1x128x128xf32, #tpu.memory_space<vmem>> -> memref<128x128xf32, #tpu.memory_space<vmem>>
        %swap3A_927 = arith.index_cast %add3A_751 : i32 to index
        %swap3A_928 = arith.constant 112 : index
        %swap3A_929 = tpu.vector_load %swap3A_926[%swap3A_927, %swap3A_928] {strides = array<i32>} : memref<128x128xf32, #tpu.memory_space<vmem>>, vector<16xf32>,
        tpu.vector_store %swap3A_926[%swap3A_927, %swap3A_928], %add3A_922 {strides = array<i32>} : memref<128x128xf32, #tpu.memory_space<vmem>>, vector<16xf32>,
        %mul3A_930 = arith.constant 8 : i32
        %mul3A_931 = arith.muli %scan3A_203, %mul3A_930 : i32
        %add3A_932 = arith.constant 4 : i32
        %add3A_933 = arith.addi %mul3A_931, %add3A_932 : i32
        %slice3A_934 = vector.extract_strided_slice %get3A_206 {offsets = [4], sizes = [1], strides = [1]} : vector<16xi32> to vector<1xi32>
        %squeeze3A_935 = vector.extract %slice3A_934[0] : i32 from vector<1xi32>
        %get3A_936 = arith.constant 0 : i32
        %get3A_937 = arith.constant 0 : i32
        %get3A_938 = tpu.memref_slice %arg10[%scan3A_115, %get3A_936, %get3A_937] : memref<2x128x128xf32, #tpu.memory_space<vmem>> -> memref<1x128x128xf32, #tpu.memory_space<vmem>>
        %get3A_939 = tpu.memref_squeeze %get3A_938 : memref<1x128x128xf32, #tpu.memory_space<vmem>> -> memref<128x128xf32, #tpu.memory_space<vmem>>
        %get3A_940 = arith.index_cast %add3A_933 : i32 to index
        %get3A_941 = arith.constant 0 : index
        %get3A_942 = tpu.vector_load %get3A_939[%get3A_940, %get3A_941] {strides = array<i32>} : memref<128x128xf32, #tpu.memory_space<vmem>>, vector<16xf32>,
        %get3A_943 = arith.constant 0 : i32
        %get3A_944 = arith.constant 0 : i32
        %get3A_945 = tpu.memref_slice %arg10[%scan3A_115, %get3A_943, %get3A_944] : memref<2x128x128xf32, #tpu.memory_space<vmem>> -> memref<1x128x128xf32, #tpu.memory_space<vmem>>
        %get3A_946 = tpu.memref_squeeze %get3A_945 : memref<1x128x128xf32, #tpu.memory_space<vmem>> -> memref<128x128xf32, #tpu.memory_space<vmem>>
        %get3A_947 = arith.index_cast %add3A_933 : i32 to index
        %get3A_948 = arith.constant 16 : index
        %get3A_949 = tpu.vector_load %get3A_946[%get3A_947, %get3A_948] {strides = array<i32>} : memref<128x128xf32, #tpu.memory_space<vmem>>, vector<16xf32>,
        %get3A_950 = arith.constant 0 : i32
        %get3A_951 = arith.constant 0 : i32
        %get3A_952 = tpu.memref_slice %arg10[%scan3A_115, %get3A_950, %get3A_951] : memref<2x128x128xf32, #tpu.memory_space<vmem>> -> memref<1x128x128xf32, #tpu.memory_space<vmem>>
        %get3A_953 = tpu.memref_squeeze %get3A_952 : memref<1x128x128xf32, #tpu.memory_space<vmem>> -> memref<128x128xf32, #tpu.memory_space<vmem>>
        %get3A_954 = arith.index_cast %add3A_933 : i32 to index
        %get3A_955 = arith.constant 32 : index
        %get3A_956 = tpu.vector_load %get3A_953[%get3A_954, %get3A_955] {strides = array<i32>} : memref<128x128xf32, #tpu.memory_space<vmem>>, vector<16xf32>,
        %get3A_957 = arith.constant 0 : i32
        %get3A_958 = arith.constant 0 : i32
        %get3A_959 = tpu.memref_slice %arg10[%scan3A_115, %get3A_957, %get3A_958] : memref<2x128x128xf32, #tpu.memory_space<vmem>> -> memref<1x128x128xf32, #tpu.memory_space<vmem>>
        %get3A_960 = tpu.memref_squeeze %get3A_959 : memref<1x128x128xf32, #tpu.memory_space<vmem>> -> memref<128x128xf32, #tpu.memory_space<vmem>>
        %get3A_961 = arith.index_cast %add3A_933 : i32 to index
        %get3A_962 = arith.constant 48 : index
        %get3A_963 = tpu.vector_load %get3A_960[%get3A_961, %get3A_962] {strides = array<i32>} : memref<128x128xf32, #tpu.memory_space<vmem>>, vector<16xf32>,
        %get3A_964 = arith.constant 0 : i32
        %get3A_965 = arith.constant 0 : i32
        %get3A_966 = tpu.memref_slice %arg10[%scan3A_115, %get3A_964, %get3A_965] : memref<2x128x128xf32, #tpu.memory_space<vmem>> -> memref<1x128x128xf32, #tpu.memory_space<vmem>>
        %get3A_967 = tpu.memref_squeeze %get3A_966 : memref<1x128x128xf32, #tpu.memory_space<vmem>> -> memref<128x128xf32, #tpu.memory_space<vmem>>
        %get3A_968 = arith.index_cast %add3A_933 : i32 to index
        %get3A_969 = arith.constant 64 : index
        %get3A_970 = tpu.vector_load %get3A_967[%get3A_968, %get3A_969] {strides = array<i32>} : memref<128x128xf32, #tpu.memory_space<vmem>>, vector<16xf32>,
        %get3A_971 = arith.constant 0 : i32
        %get3A_972 = arith.constant 0 : i32
        %get3A_973 = tpu.memref_slice %arg10[%scan3A_115, %get3A_971, %get3A_972] : memref<2x128x128xf32, #tpu.memory_space<vmem>> -> memref<1x128x128xf32, #tpu.memory_space<vmem>>
        %get3A_974 = tpu.memref_squeeze %get3A_973 : memref<1x128x128xf32, #tpu.memory_space<vmem>> -> memref<128x128xf32, #tpu.memory_space<vmem>>
        %get3A_975 = arith.index_cast %add3A_933 : i32 to index
        %get3A_976 = arith.constant 80 : index
        %get3A_977 = tpu.vector_load %get3A_974[%get3A_975, %get3A_976] {strides = array<i32>} : memref<128x128xf32, #tpu.memory_space<vmem>>, vector<16xf32>,
        %get3A_978 = arith.constant 0 : i32
        %get3A_979 = arith.constant 0 : i32
        %get3A_980 = tpu.memref_slice %arg10[%scan3A_115, %get3A_978, %get3A_979] : memref<2x128x128xf32, #tpu.memory_space<vmem>> -> memref<1x128x128xf32, #tpu.memory_space<vmem>>
        %get3A_981 = tpu.memref_squeeze %get3A_980 : memref<1x128x128xf32, #tpu.memory_space<vmem>> -> memref<128x128xf32, #tpu.memory_space<vmem>>
        %get3A_982 = arith.index_cast %add3A_933 : i32 to index
        %get3A_983 = arith.constant 96 : index
        %get3A_984 = tpu.vector_load %get3A_981[%get3A_982, %get3A_983] {strides = array<i32>} : memref<128x128xf32, #tpu.memory_space<vmem>>, vector<16xf32>,
        %get3A_985 = arith.constant 0 : i32
        %get3A_986 = arith.constant 0 : i32
        %get3A_987 = tpu.memref_slice %arg10[%scan3A_115, %get3A_985, %get3A_986] : memref<2x128x128xf32, #tpu.memory_space<vmem>> -> memref<1x128x128xf32, #tpu.memory_space<vmem>>
        %get3A_988 = tpu.memref_squeeze %get3A_987 : memref<1x128x128xf32, #tpu.memory_space<vmem>> -> memref<128x128xf32, #tpu.memory_space<vmem>>
        %get3A_989 = arith.index_cast %add3A_933 : i32 to index
        %get3A_990 = arith.constant 112 : index
        %get3A_991 = tpu.vector_load %get3A_988[%get3A_989, %get3A_990] {strides = array<i32>} : memref<128x128xf32, #tpu.memory_space<vmem>>, vector<16xf32>,
        %get3A_992 = arith.index_cast %squeeze3A_935 : i32 to index
        %get3A_993 = arith.constant 0 : index
        %get3A_994 = tpu.vector_load %arg9[%get3A_992, %get3A_993] {strides = array<i32>} : memref<8x128xi32, #tpu.memory_space<vmem>>, vector<16xi32>,
        %bitcast3A_995 = vector.bitcast %get3A_994 : vector<16xi32> to vector<32xbf16>
        %unpack3A_996 = tpu.unpack_subelements %bitcast3A_995, 0 {pack_format = #tpu.pack_format<interleaved>} : vector<32xbf16> -> vector<16xf32>
        %unpack3A_997 = tpu.unpack_subelements %bitcast3A_995, 1 {pack_format = #tpu.pack_format<interleaved>} : vector<32xbf16> -> vector<16xf32>
        %get3A_998 = arith.index_cast %squeeze3A_935 : i32 to index
        %get3A_999 = arith.constant 16 : index
        %get3A_1000 = tpu.vector_load %arg9[%get3A_998, %get3A_999] {strides = array<i32>} : memref<8x128xi32, #tpu.memory_space<vmem>>, vector<16xi32>,
        %bitcast3A_1001 = vector.bitcast %get3A_1000 : vector<16xi32> to vector<32xbf16>
        %unpack3A_1002 = tpu.unpack_subelements %bitcast3A_1001, 0 {pack_format = #tpu.pack_format<interleaved>} : vector<32xbf16> -> vector<16xf32>
        %unpack3A_1003 = tpu.unpack_subelements %bitcast3A_1001, 1 {pack_format = #tpu.pack_format<interleaved>} : vector<32xbf16> -> vector<16xf32>
        %get3A_1004 = arith.index_cast %squeeze3A_935 : i32 to index
        %get3A_1005 = arith.constant 32 : index
        %get3A_1006 = tpu.vector_load %arg9[%get3A_1004, %get3A_1005] {strides = array<i32>} : memref<8x128xi32, #tpu.memory_space<vmem>>, vector<16xi32>,
        %bitcast3A_1007 = vector.bitcast %get3A_1006 : vector<16xi32> to vector<32xbf16>
        %unpack3A_1008 = tpu.unpack_subelements %bitcast3A_1007, 0 {pack_format = #tpu.pack_format<interleaved>} : vector<32xbf16> -> vector<16xf32>
        %unpack3A_1009 = tpu.unpack_subelements %bitcast3A_1007, 1 {pack_format = #tpu.pack_format<interleaved>} : vector<32xbf16> -> vector<16xf32>
        %get3A_1010 = arith.index_cast %squeeze3A_935 : i32 to index
        %get3A_1011 = arith.constant 48 : index
        %get3A_1012 = tpu.vector_load %arg9[%get3A_1010, %get3A_1011] {strides = array<i32>} : memref<8x128xi32, #tpu.memory_space<vmem>>, vector<16xi32>,
        %bitcast3A_1013 = vector.bitcast %get3A_1012 : vector<16xi32> to vector<32xbf16>
        %unpack3A_1014 = tpu.unpack_subelements %bitcast3A_1013, 0 {pack_format = #tpu.pack_format<interleaved>} : vector<32xbf16> -> vector<16xf32>
        %unpack3A_1015 = tpu.unpack_subelements %bitcast3A_1013, 1 {pack_format = #tpu.pack_format<interleaved>} : vector<32xbf16> -> vector<16xf32>
        %get3A_1016 = arith.index_cast %squeeze3A_935 : i32 to index
        %get3A_1017 = arith.constant 64 : index
        %get3A_1018 = tpu.vector_load %arg9[%get3A_1016, %get3A_1017] {strides = array<i32>} : memref<8x128xi32, #tpu.memory_space<vmem>>, vector<16xi32>,
        %bitcast3A_1019 = vector.bitcast %get3A_1018 : vector<16xi32> to vector<32xbf16>
        %unpack3A_1020 = tpu.unpack_subelements %bitcast3A_1019, 0 {pack_format = #tpu.pack_format<interleaved>} : vector<32xbf16> -> vector<16xf32>
        %unpack3A_1021 = tpu.unpack_subelements %bitcast3A_1019, 1 {pack_format = #tpu.pack_format<interleaved>} : vector<32xbf16> -> vector<16xf32>
        %get3A_1022 = arith.index_cast %squeeze3A_935 : i32 to index
        %get3A_1023 = arith.constant 80 : index
        %get3A_1024 = tpu.vector_load %arg9[%get3A_1022, %get3A_1023] {strides = array<i32>} : memref<8x128xi32, #tpu.memory_space<vmem>>, vector<16xi32>,
        %bitcast3A_1025 = vector.bitcast %get3A_1024 : vector<16xi32> to vector<32xbf16>
        %unpack3A_1026 = tpu.unpack_subelements %bitcast3A_1025, 0 {pack_format = #tpu.pack_format<interleaved>} : vector<32xbf16> -> vector<16xf32>
        %unpack3A_1027 = tpu.unpack_subelements %bitcast3A_1025, 1 {pack_format = #tpu.pack_format<interleaved>} : vector<32xbf16> -> vector<16xf32>
        %get3A_1028 = arith.index_cast %squeeze3A_935 : i32 to index
        %get3A_1029 = arith.constant 96 : index
        %get3A_1030 = tpu.vector_load %arg9[%get3A_1028, %get3A_1029] {strides = array<i32>} : memref<8x128xi32, #tpu.memory_space<vmem>>, vector<16xi32>,
        %bitcast3A_1031 = vector.bitcast %get3A_1030 : vector<16xi32> to vector<32xbf16>
        %unpack3A_1032 = tpu.unpack_subelements %bitcast3A_1031, 0 {pack_format = #tpu.pack_format<interleaved>} : vector<32xbf16> -> vector<16xf32>
        %unpack3A_1033 = tpu.unpack_subelements %bitcast3A_1031, 1 {pack_format = #tpu.pack_format<interleaved>} : vector<32xbf16> -> vector<16xf32>
        %get3A_1034 = arith.index_cast %squeeze3A_935 : i32 to index
        %get3A_1035 = arith.constant 112 : index
        %get3A_1036 = tpu.vector_load %arg9[%get3A_1034, %get3A_1035] {strides = array<i32>} : memref<8x128xi32, #tpu.memory_space<vmem>>, vector<16xi32>,
        %bitcast3A_1037 = vector.bitcast %get3A_1036 : vector<16xi32> to vector<32xbf16>
        %unpack3A_1038 = tpu.unpack_subelements %bitcast3A_1037, 0 {pack_format = #tpu.pack_format<interleaved>} : vector<32xbf16> -> vector<16xf32>
        %unpack3A_1039 = tpu.unpack_subelements %bitcast3A_1037, 1 {pack_format = #tpu.pack_format<interleaved>} : vector<32xbf16> -> vector<16xf32>
        %mul3A_1040 = arith.mulf %get3A_942, %unpack3A_996 : vector<16xf32>
        %add3A_1041 = arith.addf %mul3A_1040, %unpack3A_997 : vector<16xf32>
        %swap3A_1042 = arith.constant 0 : i32
        %swap3A_1043 = arith.constant 0 : i32
        %swap3A_1044 = tpu.memref_slice %arg11[%scan3A_116, %swap3A_1042, %swap3A_1043] : memref<2x128x128xf32, #tpu.memory_space<vmem>> -> memref<1x128x128xf32, #tpu.memory_space<vmem>>
        %swap3A_1045 = tpu.memref_squeeze %swap3A_1044 : memref<1x128x128xf32, #tpu.memory_space<vmem>> -> memref<128x128xf32, #tpu.memory_space<vmem>>
        %swap3A_1046 = arith.index_cast %add3A_933 : i32 to index
        %swap3A_1047 = arith.constant 0 : index
        %swap3A_1048 = tpu.vector_load %swap3A_1045[%swap3A_1046, %swap3A_1047] {strides = array<i32>} : memref<128x128xf32, #tpu.memory_space<vmem>>, vector<16xf32>,
        tpu.vector_store %swap3A_1045[%swap3A_1046, %swap3A_1047], %add3A_1041 {strides = array<i32>} : memref<128x128xf32, #tpu.memory_space<vmem>>, vector<16xf32>,
        %mul3A_1049 = arith.mulf %get3A_949, %unpack3A_1002 : vector<16xf32>
        %add3A_1050 = arith.addf %mul3A_1049, %unpack3A_1003 : vector<16xf32>
        %swap3A_1051 = arith.constant 0 : i32
        %swap3A_1052 = arith.constant 0 : i32
        %swap3A_1053 = tpu.memref_slice %arg11[%scan3A_116, %swap3A_1051, %swap3A_1052] : memref<2x128x128xf32, #tpu.memory_space<vmem>> -> memref<1x128x128xf32, #tpu.memory_space<vmem>>
        %swap3A_1054 = tpu.memref_squeeze %swap3A_1053 : memref<1x128x128xf32, #tpu.memory_space<vmem>> -> memref<128x128xf32, #tpu.memory_space<vmem>>
        %swap3A_1055 = arith.index_cast %add3A_933 : i32 to index
        %swap3A_1056 = arith.constant 16 : index
        %swap3A_1057 = tpu.vector_load %swap3A_1054[%swap3A_1055, %swap3A_1056] {strides = array<i32>} : memref<128x128xf32, #tpu.memory_space<vmem>>, vector<16xf32>,
        tpu.vector_store %swap3A_1054[%swap3A_1055, %swap3A_1056], %add3A_1050 {strides = array<i32>} : memref<128x128xf32, #tpu.memory_space<vmem>>, vector<16xf32>,
        %mul3A_1058 = arith.mulf %get3A_956, %unpack3A_1008 : vector<16xf32>
        %add3A_1059 = arith.addf %mul3A_1058, %unpack3A_1009 : vector<16xf32>
        %swap3A_1060 = arith.constant 0 : i32
        %swap3A_1061 = arith.constant 0 : i32
        %swap3A_1062 = tpu.memref_slice %arg11[%scan3A_116, %swap3A_1060, %swap3A_1061] : memref<2x128x128xf32, #tpu.memory_space<vmem>> -> memref<1x128x128xf32, #tpu.memory_space<vmem>>
        %swap3A_1063 = tpu.memref_squeeze %swap3A_1062 : memref<1x128x128xf32, #tpu.memory_space<vmem>> -> memref<128x128xf32, #tpu.memory_space<vmem>>
        %swap3A_1064 = arith.index_cast %add3A_933 : i32 to index
        %swap3A_1065 = arith.constant 32 : index
        %swap3A_1066 = tpu.vector_load %swap3A_1063[%swap3A_1064, %swap3A_1065] {strides = array<i32>} : memref<128x128xf32, #tpu.memory_space<vmem>>, vector<16xf32>,
        tpu.vector_store %swap3A_1063[%swap3A_1064, %swap3A_1065], %add3A_1059 {strides = array<i32>} : memref<128x128xf32, #tpu.memory_space<vmem>>, vector<16xf32>,
        %mul3A_1067 = arith.mulf %get3A_963, %unpack3A_1014 : vector<16xf32>
        %add3A_1068 = arith.addf %mul3A_1067, %unpack3A_1015 : vector<16xf32>
        %swap3A_1069 = arith.constant 0 : i32
        %swap3A_1070 = arith.constant 0 : i32
        %swap3A_1071 = tpu.memref_slice %arg11[%scan3A_116, %swap3A_1069, %swap3A_1070] : memref<2x128x128xf32, #tpu.memory_space<vmem>> -> memref<1x128x128xf32, #tpu.memory_space<vmem>>
        %swap3A_1072 = tpu.memref_squeeze %swap3A_1071 : memref<1x128x128xf32, #tpu.memory_space<vmem>> -> memref<128x128xf32, #tpu.memory_space<vmem>>
        %swap3A_1073 = arith.index_cast %add3A_933 : i32 to index
        %swap3A_1074 = arith.constant 48 : index
        %swap3A_1075 = tpu.vector_load %swap3A_1072[%swap3A_1073, %swap3A_1074] {strides = array<i32>} : memref<128x128xf32, #tpu.memory_space<vmem>>, vector<16xf32>,
        tpu.vector_store %swap3A_1072[%swap3A_1073, %swap3A_1074], %add3A_1068 {strides = array<i32>} : memref<128x128xf32, #tpu.memory_space<vmem>>, vector<16xf32>,
        %mul3A_1076 = arith.mulf %get3A_970, %unpack3A_1020 : vector<16xf32>
        %add3A_1077 = arith.addf %mul3A_1076, %unpack3A_1021 : vector<16xf32>
        %swap3A_1078 = arith.constant 0 : i32
        %swap3A_1079 = arith.constant 0 : i32
        %swap3A_1080 = tpu.memref_slice %arg11[%scan3A_116, %swap3A_1078, %swap3A_1079] : memref<2x128x128xf32, #tpu.memory_space<vmem>> -> memref<1x128x128xf32, #tpu.memory_space<vmem>>
        %swap3A_1081 = tpu.memref_squeeze %swap3A_1080 : memref<1x128x128xf32, #tpu.memory_space<vmem>> -> memref<128x128xf32, #tpu.memory_space<vmem>>
        %swap3A_1082 = arith.index_cast %add3A_933 : i32 to index
        %swap3A_1083 = arith.constant 64 : index
        %swap3A_1084 = tpu.vector_load %swap3A_1081[%swap3A_1082, %swap3A_1083] {strides = array<i32>} : memref<128x128xf32, #tpu.memory_space<vmem>>, vector<16xf32>,
        tpu.vector_store %swap3A_1081[%swap3A_1082, %swap3A_1083], %add3A_1077 {strides = array<i32>} : memref<128x128xf32, #tpu.memory_space<vmem>>, vector<16xf32>,
        %mul3A_1085 = arith.mulf %get3A_977, %unpack3A_1026 : vector<16xf32>
        %add3A_1086 = arith.addf %mul3A_1085, %unpack3A_1027 : vector<16xf32>
        %swap3A_1087 = arith.constant 0 : i32
        %swap3A_1088 = arith.constant 0 : i32
        %swap3A_1089 = tpu.memref_slice %arg11[%scan3A_116, %swap3A_1087, %swap3A_1088] : memref<2x128x128xf32, #tpu.memory_space<vmem>> -> memref<1x128x128xf32, #tpu.memory_space<vmem>>
        %swap3A_1090 = tpu.memref_squeeze %swap3A_1089 : memref<1x128x128xf32, #tpu.memory_space<vmem>> -> memref<128x128xf32, #tpu.memory_space<vmem>>
        %swap3A_1091 = arith.index_cast %add3A_933 : i32 to index
        %swap3A_1092 = arith.constant 80 : index
        %swap3A_1093 = tpu.vector_load %swap3A_1090[%swap3A_1091, %swap3A_1092] {strides = array<i32>} : memref<128x128xf32, #tpu.memory_space<vmem>>, vector<16xf32>,
        tpu.vector_store %swap3A_1090[%swap3A_1091, %swap3A_1092], %add3A_1086 {strides = array<i32>} : memref<128x128xf32, #tpu.memory_space<vmem>>, vector<16xf32>,
        %mul3A_1094 = arith.mulf %get3A_984, %unpack3A_1032 : vector<16xf32>
        %add3A_1095 = arith.addf %mul3A_1094, %unpack3A_1033 : vector<16xf32>
        %swap3A_1096 = arith.constant 0 : i32
        %swap3A_1097 = arith.constant 0 : i32
        %swap3A_1098 = tpu.memref_slice %arg11[%scan3A_116, %swap3A_1096, %swap3A_1097] : memref<2x128x128xf32, #tpu.memory_space<vmem>> -> memref<1x128x128xf32, #tpu.memory_space<vmem>>
        %swap3A_1099 = tpu.memref_squeeze %swap3A_1098 : memref<1x128x128xf32, #tpu.memory_space<vmem>> -> memref<128x128xf32, #tpu.memory_space<vmem>>
        %swap3A_1100 = arith.index_cast %add3A_933 : i32 to index
        %swap3A_1101 = arith.constant 96 : index
        %swap3A_1102 = tpu.vector_load %swap3A_1099[%swap3A_1100, %swap3A_1101] {strides = array<i32>} : memref<128x128xf32, #tpu.memory_space<vmem>>, vector<16xf32>,
        tpu.vector_store %swap3A_1099[%swap3A_1100, %swap3A_1101], %add3A_1095 {strides = array<i32>} : memref<128x128xf32, #tpu.memory_space<vmem>>, vector<16xf32>,
        %mul3A_1103 = arith.mulf %get3A_991, %unpack3A_1038 : vector<16xf32>
        %add3A_1104 = arith.addf %mul3A_1103, %unpack3A_1039 : vector<16xf32>
        %swap3A_1105 = arith.constant 0 : i32
        %swap3A_1106 = arith.constant 0 : i32
        %swap3A_1107 = tpu.memref_slice %arg11[%scan3A_116, %swap3A_1105, %swap3A_1106] : memref<2x128x128xf32, #tpu.memory_space<vmem>> -> memref<1x128x128xf32, #tpu.memory_space<vmem>>
        %swap3A_1108 = tpu.memref_squeeze %swap3A_1107 : memref<1x128x128xf32, #tpu.memory_space<vmem>> -> memref<128x128xf32, #tpu.memory_space<vmem>>
        %swap3A_1109 = arith.index_cast %add3A_933 : i32 to index
        %swap3A_1110 = arith.constant 112 : index
        %swap3A_1111 = tpu.vector_load %swap3A_1108[%swap3A_1109, %swap3A_1110] {strides = array<i32>} : memref<128x128xf32, #tpu.memory_space<vmem>>, vector<16xf32>,
        tpu.vector_store %swap3A_1108[%swap3A_1109, %swap3A_1110], %add3A_1104 {strides = array<i32>} : memref<128x128xf32, #tpu.memory_space<vmem>>, vector<16xf32>,
        %mul3A_1112 = arith.constant 8 : i32
        %mul3A_1113 = arith.muli %scan3A_203, %mul3A_1112 : i32
        %add3A_1114 = arith.constant 5 : i32
        %add3A_1115 = arith.addi %mul3A_1113, %add3A_1114 : i32
        %slice3A_1116 = vector.extract_strided_slice %get3A_206 {offsets = [5], sizes = [1], strides = [1]} : vector<16xi32> to vector<1xi32>
        %squeeze3A_1117 = vector.extract %slice3A_1116[0] : i32 from vector<1xi32>
        %get3A_1118 = arith.constant 0 : i32
        %get3A_1119 = arith.constant 0 : i32
        %get3A_1120 = tpu.memref_slice %arg10[%scan3A_115, %get3A_1118, %get3A_1119] : memref<2x128x128xf32, #tpu.memory_space<vmem>> -> memref<1x128x128xf32, #tpu.memory_space<vmem>>
        %get3A_1121 = tpu.memref_squeeze %get3A_1120 : memref<1x128x128xf32, #tpu.memory_space<vmem>> -> memref<128x128xf32, #tpu.memory_space<vmem>>
        %get3A_1122 = arith.index_cast %add3A_1115 : i32 to index
        %get3A_1123 = arith.constant 0 : index
        %get3A_1124 = tpu.vector_load %get3A_1121[%get3A_1122, %get3A_1123] {strides = array<i32>} : memref<128x128xf32, #tpu.memory_space<vmem>>, vector<16xf32>,
        %get3A_1125 = arith.constant 0 : i32
        %get3A_1126 = arith.constant 0 : i32
        %get3A_1127 = tpu.memref_slice %arg10[%scan3A_115, %get3A_1125, %get3A_1126] : memref<2x128x128xf32, #tpu.memory_space<vmem>> -> memref<1x128x128xf32, #tpu.memory_space<vmem>>
        %get3A_1128 = tpu.memref_squeeze %get3A_1127 : memref<1x128x128xf32, #tpu.memory_space<vmem>> -> memref<128x128xf32, #tpu.memory_space<vmem>>
        %get3A_1129 = arith.index_cast %add3A_1115 : i32 to index
        %get3A_1130 = arith.constant 16 : index
        %get3A_1131 = tpu.vector_load %get3A_1128[%get3A_1129, %get3A_1130] {strides = array<i32>} : memref<128x128xf32, #tpu.memory_space<vmem>>, vector<16xf32>,
        %get3A_1132 = arith.constant 0 : i32
        %get3A_1133 = arith.constant 0 : i32
        %get3A_1134 = tpu.memref_slice %arg10[%scan3A_115, %get3A_1132, %get3A_1133] : memref<2x128x128xf32, #tpu.memory_space<vmem>> -> memref<1x128x128xf32, #tpu.memory_space<vmem>>
        %get3A_1135 = tpu.memref_squeeze %get3A_1134 : memref<1x128x128xf32, #tpu.memory_space<vmem>> -> memref<128x128xf32, #tpu.memory_space<vmem>>
        %get3A_1136 = arith.index_cast %add3A_1115 : i32 to index
        %get3A_1137 = arith.constant 32 : index
        %get3A_1138 = tpu.vector_load %get3A_1135[%get3A_1136, %get3A_1137] {strides = array<i32>} : memref<128x128xf32, #tpu.memory_space<vmem>>, vector<16xf32>,
        %get3A_1139 = arith.constant 0 : i32
        %get3A_1140 = arith.constant 0 : i32
        %get3A_1141 = tpu.memref_slice %arg10[%scan3A_115, %get3A_1139, %get3A_1140] : memref<2x128x128xf32, #tpu.memory_space<vmem>> -> memref<1x128x128xf32, #tpu.memory_space<vmem>>
        %get3A_1142 = tpu.memref_squeeze %get3A_1141 : memref<1x128x128xf32, #tpu.memory_space<vmem>> -> memref<128x128xf32, #tpu.memory_space<vmem>>
        %get3A_1143 = arith.index_cast %add3A_1115 : i32 to index
        %get3A_1144 = arith.constant 48 : index
        %get3A_1145 = tpu.vector_load %get3A_1142[%get3A_1143, %get3A_1144] {strides = array<i32>} : memref<128x128xf32, #tpu.memory_space<vmem>>, vector<16xf32>,
        %get3A_1146 = arith.constant 0 : i32
        %get3A_1147 = arith.constant 0 : i32
        %get3A_1148 = tpu.memref_slice %arg10[%scan3A_115, %get3A_1146, %get3A_1147] : memref<2x128x128xf32, #tpu.memory_space<vmem>> -> memref<1x128x128xf32, #tpu.memory_space<vmem>>
        %get3A_1149 = tpu.memref_squeeze %get3A_1148 : memref<1x128x128xf32, #tpu.memory_space<vmem>> -> memref<128x128xf32, #tpu.memory_space<vmem>>
        %get3A_1150 = arith.index_cast %add3A_1115 : i32 to index
        %get3A_1151 = arith.constant 64 : index
        %get3A_1152 = tpu.vector_load %get3A_1149[%get3A_1150, %get3A_1151] {strides = array<i32>} : memref<128x128xf32, #tpu.memory_space<vmem>>, vector<16xf32>,
        %get3A_1153 = arith.constant 0 : i32
        %get3A_1154 = arith.constant 0 : i32
        %get3A_1155 = tpu.memref_slice %arg10[%scan3A_115, %get3A_1153, %get3A_1154] : memref<2x128x128xf32, #tpu.memory_space<vmem>> -> memref<1x128x128xf32, #tpu.memory_space<vmem>>
        %get3A_1156 = tpu.memref_squeeze %get3A_1155 : memref<1x128x128xf32, #tpu.memory_space<vmem>> -> memref<128x128xf32, #tpu.memory_space<vmem>>
        %get3A_1157 = arith.index_cast %add3A_1115 : i32 to index
        %get3A_1158 = arith.constant 80 : index
        %get3A_1159 = tpu.vector_load %get3A_1156[%get3A_1157, %get3A_1158] {strides = array<i32>} : memref<128x128xf32, #tpu.memory_space<vmem>>, vector<16xf32>,
        %get3A_1160 = arith.constant 0 : i32
        %get3A_1161 = arith.constant 0 : i32
        %get3A_1162 = tpu.memref_slice %arg10[%scan3A_115, %get3A_1160, %get3A_1161] : memref<2x128x128xf32, #tpu.memory_space<vmem>> -> memref<1x128x128xf32, #tpu.memory_space<vmem>>
        %get3A_1163 = tpu.memref_squeeze %get3A_1162 : memref<1x128x128xf32, #tpu.memory_space<vmem>> -> memref<128x128xf32, #tpu.memory_space<vmem>>
        %get3A_1164 = arith.index_cast %add3A_1115 : i32 to index
        %get3A_1165 = arith.constant 96 : index
        %get3A_1166 = tpu.vector_load %get3A_1163[%get3A_1164, %get3A_1165] {strides = array<i32>} : memref<128x128xf32, #tpu.memory_space<vmem>>, vector<16xf32>,
        %get3A_1167 = arith.constant 0 : i32
        %get3A_1168 = arith.constant 0 : i32
        %get3A_1169 = tpu.memref_slice %arg10[%scan3A_115, %get3A_1167, %get3A_1168] : memref<2x128x128xf32, #tpu.memory_space<vmem>> -> memref<1x128x128xf32, #tpu.memory_space<vmem>>
        %get3A_1170 = tpu.memref_squeeze %get3A_1169 : memref<1x128x128xf32, #tpu.memory_space<vmem>> -> memref<128x128xf32, #tpu.memory_space<vmem>>
        %get3A_1171 = arith.index_cast %add3A_1115 : i32 to index
        %get3A_1172 = arith.constant 112 : index
        %get3A_1173 = tpu.vector_load %get3A_1170[%get3A_1171, %get3A_1172] {strides = array<i32>} : memref<128x128xf32, #tpu.memory_space<vmem>>, vector<16xf32>,
        %get3A_1174 = arith.index_cast %squeeze3A_1117 : i32 to index
        %get3A_1175 = arith.constant 0 : index
        %get3A_1176 = tpu.vector_load %arg9[%get3A_1174, %get3A_1175] {strides = array<i32>} : memref<8x128xi32, #tpu.memory_space<vmem>>, vector<16xi32>,
        %bitcast3A_1177 = vector.bitcast %get3A_1176 : vector<16xi32> to vector<32xbf16>
        %unpack3A_1178 = tpu.unpack_subelements %bitcast3A_1177, 0 {pack_format = #tpu.pack_format<interleaved>} : vector<32xbf16> -> vector<16xf32>
        %unpack3A_1179 = tpu.unpack_subelements %bitcast3A_1177, 1 {pack_format = #tpu.pack_format<interleaved>} : vector<32xbf16> -> vector<16xf32>
        %get3A_1180 = arith.index_cast %squeeze3A_1117 : i32 to index
        %get3A_1181 = arith.constant 16 : index
        %get3A_1182 = tpu.vector_load %arg9[%get3A_1180, %get3A_1181] {strides = array<i32>} : memref<8x128xi32, #tpu.memory_space<vmem>>, vector<16xi32>,
        %bitcast3A_1183 = vector.bitcast %get3A_1182 : vector<16xi32> to vector<32xbf16>
        %unpack3A_1184 = tpu.unpack_subelements %bitcast3A_1183, 0 {pack_format = #tpu.pack_format<interleaved>} : vector<32xbf16> -> vector<16xf32>
        %unpack3A_1185 = tpu.unpack_subelements %bitcast3A_1183, 1 {pack_format = #tpu.pack_format<interleaved>} : vector<32xbf16> -> vector<16xf32>
        %get3A_1186 = arith.index_cast %squeeze3A_1117 : i32 to index
        %get3A_1187 = arith.constant 32 : index
        %get3A_1188 = tpu.vector_load %arg9[%get3A_1186, %get3A_1187] {strides = array<i32>} : memref<8x128xi32, #tpu.memory_space<vmem>>, vector<16xi32>,
        %bitcast3A_1189 = vector.bitcast %get3A_1188 : vector<16xi32> to vector<32xbf16>
        %unpack3A_1190 = tpu.unpack_subelements %bitcast3A_1189, 0 {pack_format = #tpu.pack_format<interleaved>} : vector<32xbf16> -> vector<16xf32>
        %unpack3A_1191 = tpu.unpack_subelements %bitcast3A_1189, 1 {pack_format = #tpu.pack_format<interleaved>} : vector<32xbf16> -> vector<16xf32>
        %get3A_1192 = arith.index_cast %squeeze3A_1117 : i32 to index
        %get3A_1193 = arith.constant 48 : index
        %get3A_1194 = tpu.vector_load %arg9[%get3A_1192, %get3A_1193] {strides = array<i32>} : memref<8x128xi32, #tpu.memory_space<vmem>>, vector<16xi32>,
        %bitcast3A_1195 = vector.bitcast %get3A_1194 : vector<16xi32> to vector<32xbf16>
        %unpack3A_1196 = tpu.unpack_subelements %bitcast3A_1195, 0 {pack_format = #tpu.pack_format<interleaved>} : vector<32xbf16> -> vector<16xf32>
        %unpack3A_1197 = tpu.unpack_subelements %bitcast3A_1195, 1 {pack_format = #tpu.pack_format<interleaved>} : vector<32xbf16> -> vector<16xf32>
        %get3A_1198 = arith.index_cast %squeeze3A_1117 : i32 to index
        %get3A_1199 = arith.constant 64 : index
        %get3A_1200 = tpu.vector_load %arg9[%get3A_1198, %get3A_1199] {strides = array<i32>} : memref<8x128xi32, #tpu.memory_space<vmem>>, vector<16xi32>,
        %bitcast3A_1201 = vector.bitcast %get3A_1200 : vector<16xi32> to vector<32xbf16>
        %unpack3A_1202 = tpu.unpack_subelements %bitcast3A_1201, 0 {pack_format = #tpu.pack_format<interleaved>} : vector<32xbf16> -> vector<16xf32>
        %unpack3A_1203 = tpu.unpack_subelements %bitcast3A_1201, 1 {pack_format = #tpu.pack_format<interleaved>} : vector<32xbf16> -> vector<16xf32>
        %get3A_1204 = arith.index_cast %squeeze3A_1117 : i32 to index
        %get3A_1205 = arith.constant 80 : index
        %get3A_1206 = tpu.vector_load %arg9[%get3A_1204, %get3A_1205] {strides = array<i32>} : memref<8x128xi32, #tpu.memory_space<vmem>>, vector<16xi32>,
        %bitcast3A_1207 = vector.bitcast %get3A_1206 : vector<16xi32> to vector<32xbf16>
        %unpack3A_1208 = tpu.unpack_subelements %bitcast3A_1207, 0 {pack_format = #tpu.pack_format<interleaved>} : vector<32xbf16> -> vector<16xf32>
        %unpack3A_1209 = tpu.unpack_subelements %bitcast3A_1207, 1 {pack_format = #tpu.pack_format<interleaved>} : vector<32xbf16> -> vector<16xf32>
        %get3A_1210 = arith.index_cast %squeeze3A_1117 : i32 to index
        %get3A_1211 = arith.constant 96 : index
        %get3A_1212 = tpu.vector_load %arg9[%get3A_1210, %get3A_1211] {strides = array<i32>} : memref<8x128xi32, #tpu.memory_space<vmem>>, vector<16xi32>,
        %bitcast3A_1213 = vector.bitcast %get3A_1212 : vector<16xi32> to vector<32xbf16>
        %unpack3A_1214 = tpu.unpack_subelements %bitcast3A_1213, 0 {pack_format = #tpu.pack_format<interleaved>} : vector<32xbf16> -> vector<16xf32>
        %unpack3A_1215 = tpu.unpack_subelements %bitcast3A_1213, 1 {pack_format = #tpu.pack_format<interleaved>} : vector<32xbf16> -> vector<16xf32>
        %get3A_1216 = arith.index_cast %squeeze3A_1117 : i32 to index
        %get3A_1217 = arith.constant 112 : index
        %get3A_1218 = tpu.vector_load %arg9[%get3A_1216, %get3A_1217] {strides = array<i32>} : memref<8x128xi32, #tpu.memory_space<vmem>>, vector<16xi32>,
        %bitcast3A_1219 = vector.bitcast %get3A_1218 : vector<16xi32> to vector<32xbf16>
        %unpack3A_1220 = tpu.unpack_subelements %bitcast3A_1219, 0 {pack_format = #tpu.pack_format<interleaved>} : vector<32xbf16> -> vector<16xf32>
        %unpack3A_1221 = tpu.unpack_subelements %bitcast3A_1219, 1 {pack_format = #tpu.pack_format<interleaved>} : vector<32xbf16> -> vector<16xf32>
        %mul3A_1222 = arith.mulf %get3A_1124, %unpack3A_1178 : vector<16xf32>
        %add3A_1223 = arith.addf %mul3A_1222, %unpack3A_1179 : vector<16xf32>
        %swap3A_1224 = arith.constant 0 : i32
        %swap3A_1225 = arith.constant 0 : i32
        %swap3A_1226 = tpu.memref_slice %arg11[%scan3A_116, %swap3A_1224, %swap3A_1225] : memref<2x128x128xf32, #tpu.memory_space<vmem>> -> memref<1x128x128xf32, #tpu.memory_space<vmem>>
        %swap3A_1227 = tpu.memref_squeeze %swap3A_1226 : memref<1x128x128xf32, #tpu.memory_space<vmem>> -> memref<128x128xf32, #tpu.memory_space<vmem>>
        %swap3A_1228 = arith.index_cast %add3A_1115 : i32 to index
        %swap3A_1229 = arith.constant 0 : index
        %swap3A_1230 = tpu.vector_load %swap3A_1227[%swap3A_1228, %swap3A_1229] {strides = array<i32>} : memref<128x128xf32, #tpu.memory_space<vmem>>, vector<16xf32>,
        tpu.vector_store %swap3A_1227[%swap3A_1228, %swap3A_1229], %add3A_1223 {strides = array<i32>} : memref<128x128xf32, #tpu.memory_space<vmem>>, vector<16xf32>,
        %mul3A_1231 = arith.mulf %get3A_1131, %unpack3A_1184 : vector<16xf32>
        %add3A_1232 = arith.addf %mul3A_1231, %unpack3A_1185 : vector<16xf32>
        %swap3A_1233 = arith.constant 0 : i32
        %swap3A_1234 = arith.constant 0 : i32
        %swap3A_1235 = tpu.memref_slice %arg11[%scan3A_116, %swap3A_1233, %swap3A_1234] : memref<2x128x128xf32, #tpu.memory_space<vmem>> -> memref<1x128x128xf32, #tpu.memory_space<vmem>>
        %swap3A_1236 = tpu.memref_squeeze %swap3A_1235 : memref<1x128x128xf32, #tpu.memory_space<vmem>> -> memref<128x128xf32, #tpu.memory_space<vmem>>
        %swap3A_1237 = arith.index_cast %add3A_1115 : i32 to index
        %swap3A_1238 = arith.constant 16 : index
        %swap3A_1239 = tpu.vector_load %swap3A_1236[%swap3A_1237, %swap3A_1238] {strides = array<i32>} : memref<128x128xf32, #tpu.memory_space<vmem>>, vector<16xf32>,
        tpu.vector_store %swap3A_1236[%swap3A_1237, %swap3A_1238], %add3A_1232 {strides = array<i32>} : memref<128x128xf32, #tpu.memory_space<vmem>>, vector<16xf32>,
        %mul3A_1240 = arith.mulf %get3A_1138, %unpack3A_1190 : vector<16xf32>
        %add3A_1241 = arith.addf %mul3A_1240, %unpack3A_1191 : vector<16xf32>
        %swap3A_1242 = arith.constant 0 : i32
        %swap3A_1243 = arith.constant 0 : i32
        %swap3A_1244 = tpu.memref_slice %arg11[%scan3A_116, %swap3A_1242, %swap3A_1243] : memref<2x128x128xf32, #tpu.memory_space<vmem>> -> memref<1x128x128xf32, #tpu.memory_space<vmem>>
        %swap3A_1245 = tpu.memref_squeeze %swap3A_1244 : memref<1x128x128xf32, #tpu.memory_space<vmem>> -> memref<128x128xf32, #tpu.memory_space<vmem>>
        %swap3A_1246 = arith.index_cast %add3A_1115 : i32 to index
        %swap3A_1247 = arith.constant 32 : index
        %swap3A_1248 = tpu.vector_load %swap3A_1245[%swap3A_1246, %swap3A_1247] {strides = array<i32>} : memref<128x128xf32, #tpu.memory_space<vmem>>, vector<16xf32>,
        tpu.vector_store %swap3A_1245[%swap3A_1246, %swap3A_1247], %add3A_1241 {strides = array<i32>} : memref<128x128xf32, #tpu.memory_space<vmem>>, vector<16xf32>,
        %mul3A_1249 = arith.mulf %get3A_1145, %unpack3A_1196 : vector<16xf32>
        %add3A_1250 = arith.addf %mul3A_1249, %unpack3A_1197 : vector<16xf32>
        %swap3A_1251 = arith.constant 0 : i32
        %swap3A_1252 = arith.constant 0 : i32
        %swap3A_1253 = tpu.memref_slice %arg11[%scan3A_116, %swap3A_1251, %swap3A_1252] : memref<2x128x128xf32, #tpu.memory_space<vmem>> -> memref<1x128x128xf32, #tpu.memory_space<vmem>>
        %swap3A_1254 = tpu.memref_squeeze %swap3A_1253 : memref<1x128x128xf32, #tpu.memory_space<vmem>> -> memref<128x128xf32, #tpu.memory_space<vmem>>
        %swap3A_1255 = arith.index_cast %add3A_1115 : i32 to index
        %swap3A_1256 = arith.constant 48 : index
        %swap3A_1257 = tpu.vector_load %swap3A_1254[%swap3A_1255, %swap3A_1256] {strides = array<i32>} : memref<128x128xf32, #tpu.memory_space<vmem>>, vector<16xf32>,
        tpu.vector_store %swap3A_1254[%swap3A_1255, %swap3A_1256], %add3A_1250 {strides = array<i32>} : memref<128x128xf32, #tpu.memory_space<vmem>>, vector<16xf32>,
        %mul3A_1258 = arith.mulf %get3A_1152, %unpack3A_1202 : vector<16xf32>
        %add3A_1259 = arith.addf %mul3A_1258, %unpack3A_1203 : vector<16xf32>
        %swap3A_1260 = arith.constant 0 : i32
        %swap3A_1261 = arith.constant 0 : i32
        %swap3A_1262 = tpu.memref_slice %arg11[%scan3A_116, %swap3A_1260, %swap3A_1261] : memref<2x128x128xf32, #tpu.memory_space<vmem>> -> memref<1x128x128xf32, #tpu.memory_space<vmem>>
        %swap3A_1263 = tpu.memref_squeeze %swap3A_1262 : memref<1x128x128xf32, #tpu.memory_space<vmem>> -> memref<128x128xf32, #tpu.memory_space<vmem>>
        %swap3A_1264 = arith.index_cast %add3A_1115 : i32 to index
        %swap3A_1265 = arith.constant 64 : index
        %swap3A_1266 = tpu.vector_load %swap3A_1263[%swap3A_1264, %swap3A_1265] {strides = array<i32>} : memref<128x128xf32, #tpu.memory_space<vmem>>, vector<16xf32>,
        tpu.vector_store %swap3A_1263[%swap3A_1264, %swap3A_1265], %add3A_1259 {strides = array<i32>} : memref<128x128xf32, #tpu.memory_space<vmem>>, vector<16xf32>,
        %mul3A_1267 = arith.mulf %get3A_1159, %unpack3A_1208 : vector<16xf32>
        %add3A_1268 = arith.addf %mul3A_1267, %unpack3A_1209 : vector<16xf32>
        %swap3A_1269 = arith.constant 0 : i32
        %swap3A_1270 = arith.constant 0 : i32
        %swap3A_1271 = tpu.memref_slice %arg11[%scan3A_116, %swap3A_1269, %swap3A_1270] : memref<2x128x128xf32, #tpu.memory_space<vmem>> -> memref<1x128x128xf32, #tpu.memory_space<vmem>>
        %swap3A_1272 = tpu.memref_squeeze %swap3A_1271 : memref<1x128x128xf32, #tpu.memory_space<vmem>> -> memref<128x128xf32, #tpu.memory_space<vmem>>
        %swap3A_1273 = arith.index_cast %add3A_1115 : i32 to index
        %swap3A_1274 = arith.constant 80 : index
        %swap3A_1275 = tpu.vector_load %swap3A_1272[%swap3A_1273, %swap3A_1274] {strides = array<i32>} : memref<128x128xf32, #tpu.memory_space<vmem>>, vector<16xf32>,
        tpu.vector_store %swap3A_1272[%swap3A_1273, %swap3A_1274], %add3A_1268 {strides = array<i32>} : memref<128x128xf32, #tpu.memory_space<vmem>>, vector<16xf32>,
        %mul3A_1276 = arith.mulf %get3A_1166, %unpack3A_1214 : vector<16xf32>
        %add3A_1277 = arith.addf %mul3A_1276, %unpack3A_1215 : vector<16xf32>
        %swap3A_1278 = arith.constant 0 : i32
        %swap3A_1279 = arith.constant 0 : i32
        %swap3A_1280 = tpu.memref_slice %arg11[%scan3A_116, %swap3A_1278, %swap3A_1279] : memref<2x128x128xf32, #tpu.memory_space<vmem>> -> memref<1x128x128xf32, #tpu.memory_space<vmem>>
        %swap3A_1281 = tpu.memref_squeeze %swap3A_1280 : memref<1x128x128xf32, #tpu.memory_space<vmem>> -> memref<128x128xf32, #tpu.memory_space<vmem>>
        %swap3A_1282 = arith.index_cast %add3A_1115 : i32 to index
        %swap3A_1283 = arith.constant 96 : index
        %swap3A_1284 = tpu.vector_load %swap3A_1281[%swap3A_1282, %swap3A_1283] {strides = array<i32>} : memref<128x128xf32, #tpu.memory_space<vmem>>, vector<16xf32>,
        tpu.vector_store %swap3A_1281[%swap3A_1282, %swap3A_1283], %add3A_1277 {strides = array<i32>} : memref<128x128xf32, #tpu.memory_space<vmem>>, vector<16xf32>,
        %mul3A_1285 = arith.mulf %get3A_1173, %unpack3A_1220 : vector<16xf32>
        %add3A_1286 = arith.addf %mul3A_1285, %unpack3A_1221 : vector<16xf32>
        %swap3A_1287 = arith.constant 0 : i32
        %swap3A_1288 = arith.constant 0 : i32
        %swap3A_1289 = tpu.memref_slice %arg11[%scan3A_116, %swap3A_1287, %swap3A_1288] : memref<2x128x128xf32, #tpu.memory_space<vmem>> -> memref<1x128x128xf32, #tpu.memory_space<vmem>>
        %swap3A_1290 = tpu.memref_squeeze %swap3A_1289 : memref<1x128x128xf32, #tpu.memory_space<vmem>> -> memref<128x128xf32, #tpu.memory_space<vmem>>
        %swap3A_1291 = arith.index_cast %add3A_1115 : i32 to index
        %swap3A_1292 = arith.constant 112 : index
        %swap3A_1293 = tpu.vector_load %swap3A_1290[%swap3A_1291, %swap3A_1292] {strides = array<i32>} : memref<128x128xf32, #tpu.memory_space<vmem>>, vector<16xf32>,
        tpu.vector_store %swap3A_1290[%swap3A_1291, %swap3A_1292], %add3A_1286 {strides = array<i32>} : memref<128x128xf32, #tpu.memory_space<vmem>>, vector<16xf32>,
        %mul3A_1294 = arith.constant 8 : i32
        %mul3A_1295 = arith.muli %scan3A_203, %mul3A_1294 : i32
        %add3A_1296 = arith.constant 6 : i32
        %add3A_1297 = arith.addi %mul3A_1295, %add3A_1296 : i32
        %slice3A_1298 = vector.extract_strided_slice %get3A_206 {offsets = [6], sizes = [1], strides = [1]} : vector<16xi32> to vector<1xi32>
        %squeeze3A_1299 = vector.extract %slice3A_1298[0] : i32 from vector<1xi32>
        %get3A_1300 = arith.constant 0 : i32
        %get3A_1301 = arith.constant 0 : i32
        %get3A_1302 = tpu.memref_slice %arg10[%scan3A_115, %get3A_1300, %get3A_1301] : memref<2x128x128xf32, #tpu.memory_space<vmem>> -> memref<1x128x128xf32, #tpu.memory_space<vmem>>
        %get3A_1303 = tpu.memref_squeeze %get3A_1302 : memref<1x128x128xf32, #tpu.memory_space<vmem>> -> memref<128x128xf32, #tpu.memory_space<vmem>>
        %get3A_1304 = arith.index_cast %add3A_1297 : i32 to index
        %get3A_1305 = arith.constant 0 : index
        %get3A_1306 = tpu.vector_load %get3A_1303[%get3A_1304, %get3A_1305] {strides = array<i32>} : memref<128x128xf32, #tpu.memory_space<vmem>>, vector<16xf32>,
        %get3A_1307 = arith.constant 0 : i32
        %get3A_1308 = arith.constant 0 : i32
        %get3A_1309 = tpu.memref_slice %arg10[%scan3A_115, %get3A_1307, %get3A_1308] : memref<2x128x128xf32, #tpu.memory_space<vmem>> -> memref<1x128x128xf32, #tpu.memory_space<vmem>>
        %get3A_1310 = tpu.memref_squeeze %get3A_1309 : memref<1x128x128xf32, #tpu.memory_space<vmem>> -> memref<128x128xf32, #tpu.memory_space<vmem>>
        %get3A_1311 = arith.index_cast %add3A_1297 : i32 to index
        %get3A_1312 = arith.constant 16 : index
        %get3A_1313 = tpu.vector_load %get3A_1310[%get3A_1311, %get3A_1312] {strides = array<i32>} : memref<128x128xf32, #tpu.memory_space<vmem>>, vector<16xf32>,
        %get3A_1314 = arith.constant 0 : i32
        %get3A_1315 = arith.constant 0 : i32
        %get3A_1316 = tpu.memref_slice %arg10[%scan3A_115, %get3A_1314, %get3A_1315] : memref<2x128x128xf32, #tpu.memory_space<vmem>> -> memref<1x128x128xf32, #tpu.memory_space<vmem>>
        %get3A_1317 = tpu.memref_squeeze %get3A_1316 : memref<1x128x128xf32, #tpu.memory_space<vmem>> -> memref<128x128xf32, #tpu.memory_space<vmem>>
        %get3A_1318 = arith.index_cast %add3A_1297 : i32 to index
        %get3A_1319 = arith.constant 32 : index
        %get3A_1320 = tpu.vector_load %get3A_1317[%get3A_1318, %get3A_1319] {strides = array<i32>} : memref<128x128xf32, #tpu.memory_space<vmem>>, vector<16xf32>,
        %get3A_1321 = arith.constant 0 : i32
        %get3A_1322 = arith.constant 0 : i32
        %get3A_1323 = tpu.memref_slice %arg10[%scan3A_115, %get3A_1321, %get3A_1322] : memref<2x128x128xf32, #tpu.memory_space<vmem>> -> memref<1x128x128xf32, #tpu.memory_space<vmem>>
        %get3A_1324 = tpu.memref_squeeze %get3A_1323 : memref<1x128x128xf32, #tpu.memory_space<vmem>> -> memref<128x128xf32, #tpu.memory_space<vmem>>
        %get3A_1325 = arith.index_cast %add3A_1297 : i32 to index
        %get3A_1326 = arith.constant 48 : index
        %get3A_1327 = tpu.vector_load %get3A_1324[%get3A_1325, %get3A_1326] {strides = array<i32>} : memref<128x128xf32, #tpu.memory_space<vmem>>, vector<16xf32>,
        %get3A_1328 = arith.constant 0 : i32
        %get3A_1329 = arith.constant 0 : i32
        %get3A_1330 = tpu.memref_slice %arg10[%scan3A_115, %get3A_1328, %get3A_1329] : memref<2x128x128xf32, #tpu.memory_space<vmem>> -> memref<1x128x128xf32, #tpu.memory_space<vmem>>
        %get3A_1331 = tpu.memref_squeeze %get3A_1330 : memref<1x128x128xf32, #tpu.memory_space<vmem>> -> memref<128x128xf32, #tpu.memory_space<vmem>>
        %get3A_1332 = arith.index_cast %add3A_1297 : i32 to index
        %get3A_1333 = arith.constant 64 : index
        %get3A_1334 = tpu.vector_load %get3A_1331[%get3A_1332, %get3A_1333] {strides = array<i32>} : memref<128x128xf32, #tpu.memory_space<vmem>>, vector<16xf32>,
        %get3A_1335 = arith.constant 0 : i32
        %get3A_1336 = arith.constant 0 : i32
        %get3A_1337 = tpu.memref_slice %arg10[%scan3A_115, %get3A_1335, %get3A_1336] : memref<2x128x128xf32, #tpu.memory_space<vmem>> -> memref<1x128x128xf32, #tpu.memory_space<vmem>>
        %get3A_1338 = tpu.memref_squeeze %get3A_1337 : memref<1x128x128xf32, #tpu.memory_space<vmem>> -> memref<128x128xf32, #tpu.memory_space<vmem>>
        %get3A_1339 = arith.index_cast %add3A_1297 : i32 to index
        %get3A_1340 = arith.constant 80 : index
        %get3A_1341 = tpu.vector_load %get3A_1338[%get3A_1339, %get3A_1340] {strides = array<i32>} : memref<128x128xf32, #tpu.memory_space<vmem>>, vector<16xf32>,
        %get3A_1342 = arith.constant 0 : i32
        %get3A_1343 = arith.constant 0 : i32
        %get3A_1344 = tpu.memref_slice %arg10[%scan3A_115, %get3A_1342, %get3A_1343] : memref<2x128x128xf32, #tpu.memory_space<vmem>> -> memref<1x128x128xf32, #tpu.memory_space<vmem>>
        %get3A_1345 = tpu.memref_squeeze %get3A_1344 : memref<1x128x128xf32, #tpu.memory_space<vmem>> -> memref<128x128xf32, #tpu.memory_space<vmem>>
        %get3A_1346 = arith.index_cast %add3A_1297 : i32 to index
        %get3A_1347 = arith.constant 96 : index
        %get3A_1348 = tpu.vector_load %get3A_1345[%get3A_1346, %get3A_1347] {strides = array<i32>} : memref<128x128xf32, #tpu.memory_space<vmem>>, vector<16xf32>,
        %get3A_1349 = arith.constant 0 : i32
        %get3A_1350 = arith.constant 0 : i32
        %get3A_1351 = tpu.memref_slice %arg10[%scan3A_115, %get3A_1349, %get3A_1350] : memref<2x128x128xf32, #tpu.memory_space<vmem>> -> memref<1x128x128xf32, #tpu.memory_space<vmem>>
        %get3A_1352 = tpu.memref_squeeze %get3A_1351 : memref<1x128x128xf32, #tpu.memory_space<vmem>> -> memref<128x128xf32, #tpu.memory_space<vmem>>
        %get3A_1353 = arith.index_cast %add3A_1297 : i32 to index
        %get3A_1354 = arith.constant 112 : index
        %get3A_1355 = tpu.vector_load %get3A_1352[%get3A_1353, %get3A_1354] {strides = array<i32>} : memref<128x128xf32, #tpu.memory_space<vmem>>, vector<16xf32>,
        %get3A_1356 = arith.index_cast %squeeze3A_1299 : i32 to index
        %get3A_1357 = arith.constant 0 : index
        %get3A_1358 = tpu.vector_load %arg9[%get3A_1356, %get3A_1357] {strides = array<i32>} : memref<8x128xi32, #tpu.memory_space<vmem>>, vector<16xi32>,
        %bitcast3A_1359 = vector.bitcast %get3A_1358 : vector<16xi32> to vector<32xbf16>
        %unpack3A_1360 = tpu.unpack_subelements %bitcast3A_1359, 0 {pack_format = #tpu.pack_format<interleaved>} : vector<32xbf16> -> vector<16xf32>
        %unpack3A_1361 = tpu.unpack_subelements %bitcast3A_1359, 1 {pack_format = #tpu.pack_format<interleaved>} : vector<32xbf16> -> vector<16xf32>
        %get3A_1362 = arith.index_cast %squeeze3A_1299 : i32 to index
        %get3A_1363 = arith.constant 16 : index
        %get3A_1364 = tpu.vector_load %arg9[%get3A_1362, %get3A_1363] {strides = array<i32>} : memref<8x128xi32, #tpu.memory_space<vmem>>, vector<16xi32>,
        %bitcast3A_1365 = vector.bitcast %get3A_1364 : vector<16xi32> to vector<32xbf16>
        %unpack3A_1366 = tpu.unpack_subelements %bitcast3A_1365, 0 {pack_format = #tpu.pack_format<interleaved>} : vector<32xbf16> -> vector<16xf32>
        %unpack3A_1367 = tpu.unpack_subelements %bitcast3A_1365, 1 {pack_format = #tpu.pack_format<interleaved>} : vector<32xbf16> -> vector<16xf32>
        %get3A_1368 = arith.index_cast %squeeze3A_1299 : i32 to index
        %get3A_1369 = arith.constant 32 : index
        %get3A_1370 = tpu.vector_load %arg9[%get3A_1368, %get3A_1369] {strides = array<i32>} : memref<8x128xi32, #tpu.memory_space<vmem>>, vector<16xi32>,
        %bitcast3A_1371 = vector.bitcast %get3A_1370 : vector<16xi32> to vector<32xbf16>
        %unpack3A_1372 = tpu.unpack_subelements %bitcast3A_1371, 0 {pack_format = #tpu.pack_format<interleaved>} : vector<32xbf16> -> vector<16xf32>
        %unpack3A_1373 = tpu.unpack_subelements %bitcast3A_1371, 1 {pack_format = #tpu.pack_format<interleaved>} : vector<32xbf16> -> vector<16xf32>
        %get3A_1374 = arith.index_cast %squeeze3A_1299 : i32 to index
        %get3A_1375 = arith.constant 48 : index
        %get3A_1376 = tpu.vector_load %arg9[%get3A_1374, %get3A_1375] {strides = array<i32>} : memref<8x128xi32, #tpu.memory_space<vmem>>, vector<16xi32>,
        %bitcast3A_1377 = vector.bitcast %get3A_1376 : vector<16xi32> to vector<32xbf16>
        %unpack3A_1378 = tpu.unpack_subelements %bitcast3A_1377, 0 {pack_format = #tpu.pack_format<interleaved>} : vector<32xbf16> -> vector<16xf32>
        %unpack3A_1379 = tpu.unpack_subelements %bitcast3A_1377, 1 {pack_format = #tpu.pack_format<interleaved>} : vector<32xbf16> -> vector<16xf32>
        %get3A_1380 = arith.index_cast %squeeze3A_1299 : i32 to index
        %get3A_1381 = arith.constant 64 : index
        %get3A_1382 = tpu.vector_load %arg9[%get3A_1380, %get3A_1381] {strides = array<i32>} : memref<8x128xi32, #tpu.memory_space<vmem>>, vector<16xi32>,
        %bitcast3A_1383 = vector.bitcast %get3A_1382 : vector<16xi32> to vector<32xbf16>
        %unpack3A_1384 = tpu.unpack_subelements %bitcast3A_1383, 0 {pack_format = #tpu.pack_format<interleaved>} : vector<32xbf16> -> vector<16xf32>
        %unpack3A_1385 = tpu.unpack_subelements %bitcast3A_1383, 1 {pack_format = #tpu.pack_format<interleaved>} : vector<32xbf16> -> vector<16xf32>
        %get3A_1386 = arith.index_cast %squeeze3A_1299 : i32 to index
        %get3A_1387 = arith.constant 80 : index
        %get3A_1388 = tpu.vector_load %arg9[%get3A_1386, %get3A_1387] {strides = array<i32>} : memref<8x128xi32, #tpu.memory_space<vmem>>, vector<16xi32>,
        %bitcast3A_1389 = vector.bitcast %get3A_1388 : vector<16xi32> to vector<32xbf16>
        %unpack3A_1390 = tpu.unpack_subelements %bitcast3A_1389, 0 {pack_format = #tpu.pack_format<interleaved>} : vector<32xbf16> -> vector<16xf32>
        %unpack3A_1391 = tpu.unpack_subelements %bitcast3A_1389, 1 {pack_format = #tpu.pack_format<interleaved>} : vector<32xbf16> -> vector<16xf32>
        %get3A_1392 = arith.index_cast %squeeze3A_1299 : i32 to index
        %get3A_1393 = arith.constant 96 : index
        %get3A_1394 = tpu.vector_load %arg9[%get3A_1392, %get3A_1393] {strides = array<i32>} : memref<8x128xi32, #tpu.memory_space<vmem>>, vector<16xi32>,
        %bitcast3A_1395 = vector.bitcast %get3A_1394 : vector<16xi32> to vector<32xbf16>
        %unpack3A_1396 = tpu.unpack_subelements %bitcast3A_1395, 0 {pack_format = #tpu.pack_format<interleaved>} : vector<32xbf16> -> vector<16xf32>
        %unpack3A_1397 = tpu.unpack_subelements %bitcast3A_1395, 1 {pack_format = #tpu.pack_format<interleaved>} : vector<32xbf16> -> vector<16xf32>
        %get3A_1398 = arith.index_cast %squeeze3A_1299 : i32 to index
        %get3A_1399 = arith.constant 112 : index
        %get3A_1400 = tpu.vector_load %arg9[%get3A_1398, %get3A_1399] {strides = array<i32>} : memref<8x128xi32, #tpu.memory_space<vmem>>, vector<16xi32>,
        %bitcast3A_1401 = vector.bitcast %get3A_1400 : vector<16xi32> to vector<32xbf16>
        %unpack3A_1402 = tpu.unpack_subelements %bitcast3A_1401, 0 {pack_format = #tpu.pack_format<interleaved>} : vector<32xbf16> -> vector<16xf32>
        %unpack3A_1403 = tpu.unpack_subelements %bitcast3A_1401, 1 {pack_format = #tpu.pack_format<interleaved>} : vector<32xbf16> -> vector<16xf32>
        %mul3A_1404 = arith.mulf %get3A_1306, %unpack3A_1360 : vector<16xf32>
        %add3A_1405 = arith.addf %mul3A_1404, %unpack3A_1361 : vector<16xf32>
        %swap3A_1406 = arith.constant 0 : i32
        %swap3A_1407 = arith.constant 0 : i32
        %swap3A_1408 = tpu.memref_slice %arg11[%scan3A_116, %swap3A_1406, %swap3A_1407] : memref<2x128x128xf32, #tpu.memory_space<vmem>> -> memref<1x128x128xf32, #tpu.memory_space<vmem>>
        %swap3A_1409 = tpu.memref_squeeze %swap3A_1408 : memref<1x128x128xf32, #tpu.memory_space<vmem>> -> memref<128x128xf32, #tpu.memory_space<vmem>>
        %swap3A_1410 = arith.index_cast %add3A_1297 : i32 to index
        %swap3A_1411 = arith.constant 0 : index
        %swap3A_1412 = tpu.vector_load %swap3A_1409[%swap3A_1410, %swap3A_1411] {strides = array<i32>} : memref<128x128xf32, #tpu.memory_space<vmem>>, vector<16xf32>,
        tpu.vector_store %swap3A_1409[%swap3A_1410, %swap3A_1411], %add3A_1405 {strides = array<i32>} : memref<128x128xf32, #tpu.memory_space<vmem>>, vector<16xf32>,
        %mul3A_1413 = arith.mulf %get3A_1313, %unpack3A_1366 : vector<16xf32>
        %add3A_1414 = arith.addf %mul3A_1413, %unpack3A_1367 : vector<16xf32>
        %swap3A_1415 = arith.constant 0 : i32
        %swap3A_1416 = arith.constant 0 : i32
        %swap3A_1417 = tpu.memref_slice %arg11[%scan3A_116, %swap3A_1415, %swap3A_1416] : memref<2x128x128xf32, #tpu.memory_space<vmem>> -> memref<1x128x128xf32, #tpu.memory_space<vmem>>
        %swap3A_1418 = tpu.memref_squeeze %swap3A_1417 : memref<1x128x128xf32, #tpu.memory_space<vmem>> -> memref<128x128xf32, #tpu.memory_space<vmem>>
        %swap3A_1419 = arith.index_cast %add3A_1297 : i32 to index
        %swap3A_1420 = arith.constant 16 : index
        %swap3A_1421 = tpu.vector_load %swap3A_1418[%swap3A_1419, %swap3A_1420] {strides = array<i32>} : memref<128x128xf32, #tpu.memory_space<vmem>>, vector<16xf32>,
        tpu.vector_store %swap3A_1418[%swap3A_1419, %swap3A_1420], %add3A_1414 {strides = array<i32>} : memref<128x128xf32, #tpu.memory_space<vmem>>, vector<16xf32>,
        %mul3A_1422 = arith.mulf %get3A_1320, %unpack3A_1372 : vector<16xf32>
        %add3A_1423 = arith.addf %mul3A_1422, %unpack3A_1373 : vector<16xf32>
        %swap3A_1424 = arith.constant 0 : i32
        %swap3A_1425 = arith.constant 0 : i32
        %swap3A_1426 = tpu.memref_slice %arg11[%scan3A_116, %swap3A_1424, %swap3A_1425] : memref<2x128x128xf32, #tpu.memory_space<vmem>> -> memref<1x128x128xf32, #tpu.memory_space<vmem>>
        %swap3A_1427 = tpu.memref_squeeze %swap3A_1426 : memref<1x128x128xf32, #tpu.memory_space<vmem>> -> memref<128x128xf32, #tpu.memory_space<vmem>>
        %swap3A_1428 = arith.index_cast %add3A_1297 : i32 to index
        %swap3A_1429 = arith.constant 32 : index
        %swap3A_1430 = tpu.vector_load %swap3A_1427[%swap3A_1428, %swap3A_1429] {strides = array<i32>} : memref<128x128xf32, #tpu.memory_space<vmem>>, vector<16xf32>,
        tpu.vector_store %swap3A_1427[%swap3A_1428, %swap3A_1429], %add3A_1423 {strides = array<i32>} : memref<128x128xf32, #tpu.memory_space<vmem>>, vector<16xf32>,
        %mul3A_1431 = arith.mulf %get3A_1327, %unpack3A_1378 : vector<16xf32>
        %add3A_1432 = arith.addf %mul3A_1431, %unpack3A_1379 : vector<16xf32>
        %swap3A_1433 = arith.constant 0 : i32
        %swap3A_1434 = arith.constant 0 : i32
        %swap3A_1435 = tpu.memref_slice %arg11[%scan3A_116, %swap3A_1433, %swap3A_1434] : memref<2x128x128xf32, #tpu.memory_space<vmem>> -> memref<1x128x128xf32, #tpu.memory_space<vmem>>
        %swap3A_1436 = tpu.memref_squeeze %swap3A_1435 : memref<1x128x128xf32, #tpu.memory_space<vmem>> -> memref<128x128xf32, #tpu.memory_space<vmem>>
        %swap3A_1437 = arith.index_cast %add3A_1297 : i32 to index
        %swap3A_1438 = arith.constant 48 : index
        %swap3A_1439 = tpu.vector_load %swap3A_1436[%swap3A_1437, %swap3A_1438] {strides = array<i32>} : memref<128x128xf32, #tpu.memory_space<vmem>>, vector<16xf32>,
        tpu.vector_store %swap3A_1436[%swap3A_1437, %swap3A_1438], %add3A_1432 {strides = array<i32>} : memref<128x128xf32, #tpu.memory_space<vmem>>, vector<16xf32>,
        %mul3A_1440 = arith.mulf %get3A_1334, %unpack3A_1384 : vector<16xf32>
        %add3A_1441 = arith.addf %mul3A_1440, %unpack3A_1385 : vector<16xf32>
        %swap3A_1442 = arith.constant 0 : i32
        %swap3A_1443 = arith.constant 0 : i32
        %swap3A_1444 = tpu.memref_slice %arg11[%scan3A_116, %swap3A_1442, %swap3A_1443] : memref<2x128x128xf32, #tpu.memory_space<vmem>> -> memref<1x128x128xf32, #tpu.memory_space<vmem>>
        %swap3A_1445 = tpu.memref_squeeze %swap3A_1444 : memref<1x128x128xf32, #tpu.memory_space<vmem>> -> memref<128x128xf32, #tpu.memory_space<vmem>>
        %swap3A_1446 = arith.index_cast %add3A_1297 : i32 to index
        %swap3A_1447 = arith.constant 64 : index
        %swap3A_1448 = tpu.vector_load %swap3A_1445[%swap3A_1446, %swap3A_1447] {strides = array<i32>} : memref<128x128xf32, #tpu.memory_space<vmem>>, vector<16xf32>,
        tpu.vector_store %swap3A_1445[%swap3A_1446, %swap3A_1447], %add3A_1441 {strides = array<i32>} : memref<128x128xf32, #tpu.memory_space<vmem>>, vector<16xf32>,
        %mul3A_1449 = arith.mulf %get3A_1341, %unpack3A_1390 : vector<16xf32>
        %add3A_1450 = arith.addf %mul3A_1449, %unpack3A_1391 : vector<16xf32>
        %swap3A_1451 = arith.constant 0 : i32
        %swap3A_1452 = arith.constant 0 : i32
        %swap3A_1453 = tpu.memref_slice %arg11[%scan3A_116, %swap3A_1451, %swap3A_1452] : memref<2x128x128xf32, #tpu.memory_space<vmem>> -> memref<1x128x128xf32, #tpu.memory_space<vmem>>
        %swap3A_1454 = tpu.memref_squeeze %swap3A_1453 : memref<1x128x128xf32, #tpu.memory_space<vmem>> -> memref<128x128xf32, #tpu.memory_space<vmem>>
        %swap3A_1455 = arith.index_cast %add3A_1297 : i32 to index
        %swap3A_1456 = arith.constant 80 : index
        %swap3A_1457 = tpu.vector_load %swap3A_1454[%swap3A_1455, %swap3A_1456] {strides = array<i32>} : memref<128x128xf32, #tpu.memory_space<vmem>>, vector<16xf32>,
        tpu.vector_store %swap3A_1454[%swap3A_1455, %swap3A_1456], %add3A_1450 {strides = array<i32>} : memref<128x128xf32, #tpu.memory_space<vmem>>, vector<16xf32>,
        %mul3A_1458 = arith.mulf %get3A_1348, %unpack3A_1396 : vector<16xf32>
        %add3A_1459 = arith.addf %mul3A_1458, %unpack3A_1397 : vector<16xf32>
        %swap3A_1460 = arith.constant 0 : i32
        %swap3A_1461 = arith.constant 0 : i32
        %swap3A_1462 = tpu.memref_slice %arg11[%scan3A_116, %swap3A_1460, %swap3A_1461] : memref<2x128x128xf32, #tpu.memory_space<vmem>> -> memref<1x128x128xf32, #tpu.memory_space<vmem>>
        %swap3A_1463 = tpu.memref_squeeze %swap3A_1462 : memref<1x128x128xf32, #tpu.memory_space<vmem>> -> memref<128x128xf32, #tpu.memory_space<vmem>>
        %swap3A_1464 = arith.index_cast %add3A_1297 : i32 to index
        %swap3A_1465 = arith.constant 96 : index
        %swap3A_1466 = tpu.vector_load %swap3A_1463[%swap3A_1464, %swap3A_1465] {strides = array<i32>} : memref<128x128xf32, #tpu.memory_space<vmem>>, vector<16xf32>,
        tpu.vector_store %swap3A_1463[%swap3A_1464, %swap3A_1465], %add3A_1459 {strides = array<i32>} : memref<128x128xf32, #tpu.memory_space<vmem>>, vector<16xf32>,
        %mul3A_1467 = arith.mulf %get3A_1355, %unpack3A_1402 : vector<16xf32>
        %add3A_1468 = arith.addf %mul3A_1467, %unpack3A_1403 : vector<16xf32>
        %swap3A_1469 = arith.constant 0 : i32
        %swap3A_1470 = arith.constant 0 : i32
        %swap3A_1471 = tpu.memref_slice %arg11[%scan3A_116, %swap3A_1469, %swap3A_1470] : memref<2x128x128xf32, #tpu.memory_space<vmem>> -> memref<1x128x128xf32, #tpu.memory_space<vmem>>
        %swap3A_1472 = tpu.memref_squeeze %swap3A_1471 : memref<1x128x128xf32, #tpu.memory_space<vmem>> -> memref<128x128xf32, #tpu.memory_space<vmem>>
        %swap3A_1473 = arith.index_cast %add3A_1297 : i32 to index
        %swap3A_1474 = arith.constant 112 : index
        %swap3A_1475 = tpu.vector_load %swap3A_1472[%swap3A_1473, %swap3A_1474] {strides = array<i32>} : memref<128x128xf32, #tpu.memory_space<vmem>>, vector<16xf32>,
        tpu.vector_store %swap3A_1472[%swap3A_1473, %swap3A_1474], %add3A_1468 {strides = array<i32>} : memref<128x128xf32, #tpu.memory_space<vmem>>, vector<16xf32>,
        %mul3A_1476 = arith.constant 8 : i32
        %mul3A_1477 = arith.muli %scan3A_203, %mul3A_1476 : i32
        %add3A_1478 = arith.constant 7 : i32
        %add3A_1479 = arith.addi %mul3A_1477, %add3A_1478 : i32
        %slice3A_1480 = vector.extract_strided_slice %get3A_206 {offsets = [7], sizes = [1], strides = [1]} : vector<16xi32> to vector<1xi32>
        %squeeze3A_1481 = vector.extract %slice3A_1480[0] : i32 from vector<1xi32>
        %get3A_1482 = arith.constant 0 : i32
        %get3A_1483 = arith.constant 0 : i32
        %get3A_1484 = tpu.memref_slice %arg10[%scan3A_115, %get3A_1482, %get3A_1483] : memref<2x128x128xf32, #tpu.memory_space<vmem>> -> memref<1x128x128xf32, #tpu.memory_space<vmem>>
        %get3A_1485 = tpu.memref_squeeze %get3A_1484 : memref<1x128x128xf32, #tpu.memory_space<vmem>> -> memref<128x128xf32, #tpu.memory_space<vmem>>
        %get3A_1486 = arith.index_cast %add3A_1479 : i32 to index
        %get3A_1487 = arith.constant 0 : index
        %get3A_1488 = tpu.vector_load %get3A_1485[%get3A_1486, %get3A_1487] {strides = array<i32>} : memref<128x128xf32, #tpu.memory_space<vmem>>, vector<16xf32>,
        %get3A_1489 = arith.constant 0 : i32
        %get3A_1490 = arith.constant 0 : i32
        %get3A_1491 = tpu.memref_slice %arg10[%scan3A_115, %get3A_1489, %get3A_1490] : memref<2x128x128xf32, #tpu.memory_space<vmem>> -> memref<1x128x128xf32, #tpu.memory_space<vmem>>
        %get3A_1492 = tpu.memref_squeeze %get3A_1491 : memref<1x128x128xf32, #tpu.memory_space<vmem>> -> memref<128x128xf32, #tpu.memory_space<vmem>>
        %get3A_1493 = arith.index_cast %add3A_1479 : i32 to index
        %get3A_1494 = arith.constant 16 : index
        %get3A_1495 = tpu.vector_load %get3A_1492[%get3A_1493, %get3A_1494] {strides = array<i32>} : memref<128x128xf32, #tpu.memory_space<vmem>>, vector<16xf32>,
        %get3A_1496 = arith.constant 0 : i32
        %get3A_1497 = arith.constant 0 : i32
        %get3A_1498 = tpu.memref_slice %arg10[%scan3A_115, %get3A_1496, %get3A_1497] : memref<2x128x128xf32, #tpu.memory_space<vmem>> -> memref<1x128x128xf32, #tpu.memory_space<vmem>>
        %get3A_1499 = tpu.memref_squeeze %get3A_1498 : memref<1x128x128xf32, #tpu.memory_space<vmem>> -> memref<128x128xf32, #tpu.memory_space<vmem>>
        %get3A_1500 = arith.index_cast %add3A_1479 : i32 to index
        %get3A_1501 = arith.constant 32 : index
        %get3A_1502 = tpu.vector_load %get3A_1499[%get3A_1500, %get3A_1501] {strides = array<i32>} : memref<128x128xf32, #tpu.memory_space<vmem>>, vector<16xf32>,
        %get3A_1503 = arith.constant 0 : i32
        %get3A_1504 = arith.constant 0 : i32
        %get3A_1505 = tpu.memref_slice %arg10[%scan3A_115, %get3A_1503, %get3A_1504] : memref<2x128x128xf32, #tpu.memory_space<vmem>> -> memref<1x128x128xf32, #tpu.memory_space<vmem>>
        %get3A_1506 = tpu.memref_squeeze %get3A_1505 : memref<1x128x128xf32, #tpu.memory_space<vmem>> -> memref<128x128xf32, #tpu.memory_space<vmem>>
        %get3A_1507 = arith.index_cast %add3A_1479 : i32 to index
        %get3A_1508 = arith.constant 48 : index
        %get3A_1509 = tpu.vector_load %get3A_1506[%get3A_1507, %get3A_1508] {strides = array<i32>} : memref<128x128xf32, #tpu.memory_space<vmem>>, vector<16xf32>,
        %get3A_1510 = arith.constant 0 : i32
        %get3A_1511 = arith.constant 0 : i32
        %get3A_1512 = tpu.memref_slice %arg10[%scan3A_115, %get3A_1510, %get3A_1511] : memref<2x128x128xf32, #tpu.memory_space<vmem>> -> memref<1x128x128xf32, #tpu.memory_space<vmem>>
        %get3A_1513 = tpu.memref_squeeze %get3A_1512 : memref<1x128x128xf32, #tpu.memory_space<vmem>> -> memref<128x128xf32, #tpu.memory_space<vmem>>
        %get3A_1514 = arith.index_cast %add3A_1479 : i32 to index
        %get3A_1515 = arith.constant 64 : index
        %get3A_1516 = tpu.vector_load %get3A_1513[%get3A_1514, %get3A_1515] {strides = array<i32>} : memref<128x128xf32, #tpu.memory_space<vmem>>, vector<16xf32>,
        %get3A_1517 = arith.constant 0 : i32
        %get3A_1518 = arith.constant 0 : i32
        %get3A_1519 = tpu.memref_slice %arg10[%scan3A_115, %get3A_1517, %get3A_1518] : memref<2x128x128xf32, #tpu.memory_space<vmem>> -> memref<1x128x128xf32, #tpu.memory_space<vmem>>
        %get3A_1520 = tpu.memref_squeeze %get3A_1519 : memref<1x128x128xf32, #tpu.memory_space<vmem>> -> memref<128x128xf32, #tpu.memory_space<vmem>>
        %get3A_1521 = arith.index_cast %add3A_1479 : i32 to index
        %get3A_1522 = arith.constant 80 : index
        %get3A_1523 = tpu.vector_load %get3A_1520[%get3A_1521, %get3A_1522] {strides = array<i32>} : memref<128x128xf32, #tpu.memory_space<vmem>>, vector<16xf32>,
        %get3A_1524 = arith.constant 0 : i32
        %get3A_1525 = arith.constant 0 : i32
        %get3A_1526 = tpu.memref_slice %arg10[%scan3A_115, %get3A_1524, %get3A_1525] : memref<2x128x128xf32, #tpu.memory_space<vmem>> -> memref<1x128x128xf32, #tpu.memory_space<vmem>>
        %get3A_1527 = tpu.memref_squeeze %get3A_1526 : memref<1x128x128xf32, #tpu.memory_space<vmem>> -> memref<128x128xf32, #tpu.memory_space<vmem>>
        %get3A_1528 = arith.index_cast %add3A_1479 : i32 to index
        %get3A_1529 = arith.constant 96 : index
        %get3A_1530 = tpu.vector_load %get3A_1527[%get3A_1528, %get3A_1529] {strides = array<i32>} : memref<128x128xf32, #tpu.memory_space<vmem>>, vector<16xf32>,
        %get3A_1531 = arith.constant 0 : i32
        %get3A_1532 = arith.constant 0 : i32
        %get3A_1533 = tpu.memref_slice %arg10[%scan3A_115, %get3A_1531, %get3A_1532] : memref<2x128x128xf32, #tpu.memory_space<vmem>> -> memref<1x128x128xf32, #tpu.memory_space<vmem>>
        %get3A_1534 = tpu.memref_squeeze %get3A_1533 : memref<1x128x128xf32, #tpu.memory_space<vmem>> -> memref<128x128xf32, #tpu.memory_space<vmem>>
        %get3A_1535 = arith.index_cast %add3A_1479 : i32 to index
        %get3A_1536 = arith.constant 112 : index
        %get3A_1537 = tpu.vector_load %get3A_1534[%get3A_1535, %get3A_1536] {strides = array<i32>} : memref<128x128xf32, #tpu.memory_space<vmem>>, vector<16xf32>,
        %get3A_1538 = arith.index_cast %squeeze3A_1481 : i32 to index
        %get3A_1539 = arith.constant 0 : index
        %get3A_1540 = tpu.vector_load %arg9[%get3A_1538, %get3A_1539] {strides = array<i32>} : memref<8x128xi32, #tpu.memory_space<vmem>>, vector<16xi32>,
        %bitcast3A_1541 = vector.bitcast %get3A_1540 : vector<16xi32> to vector<32xbf16>
        %unpack3A_1542 = tpu.unpack_subelements %bitcast3A_1541, 0 {pack_format = #tpu.pack_format<interleaved>} : vector<32xbf16> -> vector<16xf32>
        %unpack3A_1543 = tpu.unpack_subelements %bitcast3A_1541, 1 {pack_format = #tpu.pack_format<interleaved>} : vector<32xbf16> -> vector<16xf32>
        %get3A_1544 = arith.index_cast %squeeze3A_1481 : i32 to index
        %get3A_1545 = arith.constant 16 : index
        %get3A_1546 = tpu.vector_load %arg9[%get3A_1544, %get3A_1545] {strides = array<i32>} : memref<8x128xi32, #tpu.memory_space<vmem>>, vector<16xi32>,
        %bitcast3A_1547 = vector.bitcast %get3A_1546 : vector<16xi32> to vector<32xbf16>
        %unpack3A_1548 = tpu.unpack_subelements %bitcast3A_1547, 0 {pack_format = #tpu.pack_format<interleaved>} : vector<32xbf16> -> vector<16xf32>
        %unpack3A_1549 = tpu.unpack_subelements %bitcast3A_1547, 1 {pack_format = #tpu.pack_format<interleaved>} : vector<32xbf16> -> vector<16xf32>
        %get3A_1550 = arith.index_cast %squeeze3A_1481 : i32 to index
        %get3A_1551 = arith.constant 32 : index
        %get3A_1552 = tpu.vector_load %arg9[%get3A_1550, %get3A_1551] {strides = array<i32>} : memref<8x128xi32, #tpu.memory_space<vmem>>, vector<16xi32>,
        %bitcast3A_1553 = vector.bitcast %get3A_1552 : vector<16xi32> to vector<32xbf16>
        %unpack3A_1554 = tpu.unpack_subelements %bitcast3A_1553, 0 {pack_format = #tpu.pack_format<interleaved>} : vector<32xbf16> -> vector<16xf32>
        %unpack3A_1555 = tpu.unpack_subelements %bitcast3A_1553, 1 {pack_format = #tpu.pack_format<interleaved>} : vector<32xbf16> -> vector<16xf32>
        %get3A_1556 = arith.index_cast %squeeze3A_1481 : i32 to index
        %get3A_1557 = arith.constant 48 : index
        %get3A_1558 = tpu.vector_load %arg9[%get3A_1556, %get3A_1557] {strides = array<i32>} : memref<8x128xi32, #tpu.memory_space<vmem>>, vector<16xi32>,
        %bitcast3A_1559 = vector.bitcast %get3A_1558 : vector<16xi32> to vector<32xbf16>
        %unpack3A_1560 = tpu.unpack_subelements %bitcast3A_1559, 0 {pack_format = #tpu.pack_format<interleaved>} : vector<32xbf16> -> vector<16xf32>
        %unpack3A_1561 = tpu.unpack_subelements %bitcast3A_1559, 1 {pack_format = #tpu.pack_format<interleaved>} : vector<32xbf16> -> vector<16xf32>
        %get3A_1562 = arith.index_cast %squeeze3A_1481 : i32 to index
        %get3A_1563 = arith.constant 64 : index
        %get3A_1564 = tpu.vector_load %arg9[%get3A_1562, %get3A_1563] {strides = array<i32>} : memref<8x128xi32, #tpu.memory_space<vmem>>, vector<16xi32>,
        %bitcast3A_1565 = vector.bitcast %get3A_1564 : vector<16xi32> to vector<32xbf16>
        %unpack3A_1566 = tpu.unpack_subelements %bitcast3A_1565, 0 {pack_format = #tpu.pack_format<interleaved>} : vector<32xbf16> -> vector<16xf32>
        %unpack3A_1567 = tpu.unpack_subelements %bitcast3A_1565, 1 {pack_format = #tpu.pack_format<interleaved>} : vector<32xbf16> -> vector<16xf32>
        %get3A_1568 = arith.index_cast %squeeze3A_1481 : i32 to index
        %get3A_1569 = arith.constant 80 : index
        %get3A_1570 = tpu.vector_load %arg9[%get3A_1568, %get3A_1569] {strides = array<i32>} : memref<8x128xi32, #tpu.memory_space<vmem>>, vector<16xi32>,
        %bitcast3A_1571 = vector.bitcast %get3A_1570 : vector<16xi32> to vector<32xbf16>
        %unpack3A_1572 = tpu.unpack_subelements %bitcast3A_1571, 0 {pack_format = #tpu.pack_format<interleaved>} : vector<32xbf16> -> vector<16xf32>
        %unpack3A_1573 = tpu.unpack_subelements %bitcast3A_1571, 1 {pack_format = #tpu.pack_format<interleaved>} : vector<32xbf16> -> vector<16xf32>
        %get3A_1574 = arith.index_cast %squeeze3A_1481 : i32 to index
        %get3A_1575 = arith.constant 96 : index
        %get3A_1576 = tpu.vector_load %arg9[%get3A_1574, %get3A_1575] {strides = array<i32>} : memref<8x128xi32, #tpu.memory_space<vmem>>, vector<16xi32>,
        %bitcast3A_1577 = vector.bitcast %get3A_1576 : vector<16xi32> to vector<32xbf16>
        %unpack3A_1578 = tpu.unpack_subelements %bitcast3A_1577, 0 {pack_format = #tpu.pack_format<interleaved>} : vector<32xbf16> -> vector<16xf32>
        %unpack3A_1579 = tpu.unpack_subelements %bitcast3A_1577, 1 {pack_format = #tpu.pack_format<interleaved>} : vector<32xbf16> -> vector<16xf32>
        %get3A_1580 = arith.index_cast %squeeze3A_1481 : i32 to index
        %get3A_1581 = arith.constant 112 : index
        %get3A_1582 = tpu.vector_load %arg9[%get3A_1580, %get3A_1581] {strides = array<i32>} : memref<8x128xi32, #tpu.memory_space<vmem>>, vector<16xi32>,
        %bitcast3A_1583 = vector.bitcast %get3A_1582 : vector<16xi32> to vector<32xbf16>
        %unpack3A_1584 = tpu.unpack_subelements %bitcast3A_1583, 0 {pack_format = #tpu.pack_format<interleaved>} : vector<32xbf16> -> vector<16xf32>
        %unpack3A_1585 = tpu.unpack_subelements %bitcast3A_1583, 1 {pack_format = #tpu.pack_format<interleaved>} : vector<32xbf16> -> vector<16xf32>
        %mul3A_1586 = arith.mulf %get3A_1488, %unpack3A_1542 : vector<16xf32>
        %add3A_1587 = arith.addf %mul3A_1586, %unpack3A_1543 : vector<16xf32>
        %swap3A_1588 = arith.constant 0 : i32
        %swap3A_1589 = arith.constant 0 : i32
        %swap3A_1590 = tpu.memref_slice %arg11[%scan3A_116, %swap3A_1588, %swap3A_1589] : memref<2x128x128xf32, #tpu.memory_space<vmem>> -> memref<1x128x128xf32, #tpu.memory_space<vmem>>
        %swap3A_1591 = tpu.memref_squeeze %swap3A_1590 : memref<1x128x128xf32, #tpu.memory_space<vmem>> -> memref<128x128xf32, #tpu.memory_space<vmem>>
        %swap3A_1592 = arith.index_cast %add3A_1479 : i32 to index
        %swap3A_1593 = arith.constant 0 : index
        %swap3A_1594 = tpu.vector_load %swap3A_1591[%swap3A_1592, %swap3A_1593] {strides = array<i32>} : memref<128x128xf32, #tpu.memory_space<vmem>>, vector<16xf32>,
        tpu.vector_store %swap3A_1591[%swap3A_1592, %swap3A_1593], %add3A_1587 {strides = array<i32>} : memref<128x128xf32, #tpu.memory_space<vmem>>, vector<16xf32>,
        %mul3A_1595 = arith.mulf %get3A_1495, %unpack3A_1548 : vector<16xf32>
        %add3A_1596 = arith.addf %mul3A_1595, %unpack3A_1549 : vector<16xf32>
        %swap3A_1597 = arith.constant 0 : i32
        %swap3A_1598 = arith.constant 0 : i32
        %swap3A_1599 = tpu.memref_slice %arg11[%scan3A_116, %swap3A_1597, %swap3A_1598] : memref<2x128x128xf32, #tpu.memory_space<vmem>> -> memref<1x128x128xf32, #tpu.memory_space<vmem>>
        %swap3A_1600 = tpu.memref_squeeze %swap3A_1599 : memref<1x128x128xf32, #tpu.memory_space<vmem>> -> memref<128x128xf32, #tpu.memory_space<vmem>>
        %swap3A_1601 = arith.index_cast %add3A_1479 : i32 to index
        %swap3A_1602 = arith.constant 16 : index
        %swap3A_1603 = tpu.vector_load %swap3A_1600[%swap3A_1601, %swap3A_1602] {strides = array<i32>} : memref<128x128xf32, #tpu.memory_space<vmem>>, vector<16xf32>,
        tpu.vector_store %swap3A_1600[%swap3A_1601, %swap3A_1602], %add3A_1596 {strides = array<i32>} : memref<128x128xf32, #tpu.memory_space<vmem>>, vector<16xf32>,
        %mul3A_1604 = arith.mulf %get3A_1502, %unpack3A_1554 : vector<16xf32>
        %add3A_1605 = arith.addf %mul3A_1604, %unpack3A_1555 : vector<16xf32>
        %swap3A_1606 = arith.constant 0 : i32
        %swap3A_1607 = arith.constant 0 : i32
        %swap3A_1608 = tpu.memref_slice %arg11[%scan3A_116, %swap3A_1606, %swap3A_1607] : memref<2x128x128xf32, #tpu.memory_space<vmem>> -> memref<1x128x128xf32, #tpu.memory_space<vmem>>
        %swap3A_1609 = tpu.memref_squeeze %swap3A_1608 : memref<1x128x128xf32, #tpu.memory_space<vmem>> -> memref<128x128xf32, #tpu.memory_space<vmem>>
        %swap3A_1610 = arith.index_cast %add3A_1479 : i32 to index
        %swap3A_1611 = arith.constant 32 : index
        %swap3A_1612 = tpu.vector_load %swap3A_1609[%swap3A_1610, %swap3A_1611] {strides = array<i32>} : memref<128x128xf32, #tpu.memory_space<vmem>>, vector<16xf32>,
        tpu.vector_store %swap3A_1609[%swap3A_1610, %swap3A_1611], %add3A_1605 {strides = array<i32>} : memref<128x128xf32, #tpu.memory_space<vmem>>, vector<16xf32>,
        %mul3A_1613 = arith.mulf %get3A_1509, %unpack3A_1560 : vector<16xf32>
        %add3A_1614 = arith.addf %mul3A_1613, %unpack3A_1561 : vector<16xf32>
        %swap3A_1615 = arith.constant 0 : i32
        %swap3A_1616 = arith.constant 0 : i32
        %swap3A_1617 = tpu.memref_slice %arg11[%scan3A_116, %swap3A_1615, %swap3A_1616] : memref<2x128x128xf32, #tpu.memory_space<vmem>> -> memref<1x128x128xf32, #tpu.memory_space<vmem>>
        %swap3A_1618 = tpu.memref_squeeze %swap3A_1617 : memref<1x128x128xf32, #tpu.memory_space<vmem>> -> memref<128x128xf32, #tpu.memory_space<vmem>>
        %swap3A_1619 = arith.index_cast %add3A_1479 : i32 to index
        %swap3A_1620 = arith.constant 48 : index
        %swap3A_1621 = tpu.vector_load %swap3A_1618[%swap3A_1619, %swap3A_1620] {strides = array<i32>} : memref<128x128xf32, #tpu.memory_space<vmem>>, vector<16xf32>,
        tpu.vector_store %swap3A_1618[%swap3A_1619, %swap3A_1620], %add3A_1614 {strides = array<i32>} : memref<128x128xf32, #tpu.memory_space<vmem>>, vector<16xf32>,
        %mul3A_1622 = arith.mulf %get3A_1516, %unpack3A_1566 : vector<16xf32>
        %add3A_1623 = arith.addf %mul3A_1622, %unpack3A_1567 : vector<16xf32>
        %swap3A_1624 = arith.constant 0 : i32
        %swap3A_1625 = arith.constant 0 : i32
        %swap3A_1626 = tpu.memref_slice %arg11[%scan3A_116, %swap3A_1624, %swap3A_1625] : memref<2x128x128xf32, #tpu.memory_space<vmem>> -> memref<1x128x128xf32, #tpu.memory_space<vmem>>
        %swap3A_1627 = tpu.memref_squeeze %swap3A_1626 : memref<1x128x128xf32, #tpu.memory_space<vmem>> -> memref<128x128xf32, #tpu.memory_space<vmem>>
        %swap3A_1628 = arith.index_cast %add3A_1479 : i32 to index
        %swap3A_1629 = arith.constant 64 : index
        %swap3A_1630 = tpu.vector_load %swap3A_1627[%swap3A_1628, %swap3A_1629] {strides = array<i32>} : memref<128x128xf32, #tpu.memory_space<vmem>>, vector<16xf32>,
        tpu.vector_store %swap3A_1627[%swap3A_1628, %swap3A_1629], %add3A_1623 {strides = array<i32>} : memref<128x128xf32, #tpu.memory_space<vmem>>, vector<16xf32>,
        %mul3A_1631 = arith.mulf %get3A_1523, %unpack3A_1572 : vector<16xf32>
        %add3A_1632 = arith.addf %mul3A_1631, %unpack3A_1573 : vector<16xf32>
        %swap3A_1633 = arith.constant 0 : i32
        %swap3A_1634 = arith.constant 0 : i32
        %swap3A_1635 = tpu.memref_slice %arg11[%scan3A_116, %swap3A_1633, %swap3A_1634] : memref<2x128x128xf32, #tpu.memory_space<vmem>> -> memref<1x128x128xf32, #tpu.memory_space<vmem>>
        %swap3A_1636 = tpu.memref_squeeze %swap3A_1635 : memref<1x128x128xf32, #tpu.memory_space<vmem>> -> memref<128x128xf32, #tpu.memory_space<vmem>>
        %swap3A_1637 = arith.index_cast %add3A_1479 : i32 to index
        %swap3A_1638 = arith.constant 80 : index
        %swap3A_1639 = tpu.vector_load %swap3A_1636[%swap3A_1637, %swap3A_1638] {strides = array<i32>} : memref<128x128xf32, #tpu.memory_space<vmem>>, vector<16xf32>,
        tpu.vector_store %swap3A_1636[%swap3A_1637, %swap3A_1638], %add3A_1632 {strides = array<i32>} : memref<128x128xf32, #tpu.memory_space<vmem>>, vector<16xf32>,
        %mul3A_1640 = arith.mulf %get3A_1530, %unpack3A_1578 : vector<16xf32>
        %add3A_1641 = arith.addf %mul3A_1640, %unpack3A_1579 : vector<16xf32>
        %swap3A_1642 = arith.constant 0 : i32
        %swap3A_1643 = arith.constant 0 : i32
        %swap3A_1644 = tpu.memref_slice %arg11[%scan3A_116, %swap3A_1642, %swap3A_1643] : memref<2x128x128xf32, #tpu.memory_space<vmem>> -> memref<1x128x128xf32, #tpu.memory_space<vmem>>
        %swap3A_1645 = tpu.memref_squeeze %swap3A_1644 : memref<1x128x128xf32, #tpu.memory_space<vmem>> -> memref<128x128xf32, #tpu.memory_space<vmem>>
        %swap3A_1646 = arith.index_cast %add3A_1479 : i32 to index
        %swap3A_1647 = arith.constant 96 : index
        %swap3A_1648 = tpu.vector_load %swap3A_1645[%swap3A_1646, %swap3A_1647] {strides = array<i32>} : memref<128x128xf32, #tpu.memory_space<vmem>>, vector<16xf32>,
        tpu.vector_store %swap3A_1645[%swap3A_1646, %swap3A_1647], %add3A_1641 {strides = array<i32>} : memref<128x128xf32, #tpu.memory_space<vmem>>, vector<16xf32>,
        %mul3A_1649 = arith.mulf %get3A_1537, %unpack3A_1584 : vector<16xf32>
        %add3A_1650 = arith.addf %mul3A_1649, %unpack3A_1585 : vector<16xf32>
        %swap3A_1651 = arith.constant 0 : i32
        %swap3A_1652 = arith.constant 0 : i32
        %swap3A_1653 = tpu.memref_slice %arg11[%scan3A_116, %swap3A_1651, %swap3A_1652] : memref<2x128x128xf32, #tpu.memory_space<vmem>> -> memref<1x128x128xf32, #tpu.memory_space<vmem>>
        %swap3A_1654 = tpu.memref_squeeze %swap3A_1653 : memref<1x128x128xf32, #tpu.memory_space<vmem>> -> memref<128x128xf32, #tpu.memory_space<vmem>>
        %swap3A_1655 = arith.index_cast %add3A_1479 : i32 to index
        %swap3A_1656 = arith.constant 112 : index
        %swap3A_1657 = tpu.vector_load %swap3A_1654[%swap3A_1655, %swap3A_1656] {strides = array<i32>} : memref<128x128xf32, #tpu.memory_space<vmem>>, vector<16xf32>,
        tpu.vector_store %swap3A_1654[%swap3A_1655, %swap3A_1656], %add3A_1650 {strides = array<i32>} : memref<128x128xf32, #tpu.memory_space<vmem>>, vector<16xf32>,
      }
      %scan3A_121 = arith.constant 16 : i32
      %add3A_122 = arith.constant 2 : i32
      %add3A_123 = arith.addi %add3A_88, %add3A_122 : i32
      %lt3A = arith.constant 4 : i32
      %lt3A_124 = arith.cmpi slt, %add3A_123, %lt3A : i32
      %convert_element_type3A_125 = arith.extui %lt3A_124 : i1 to i32
      %cond3A_126 = arith.constant 0 : i32
      %cond3A_127 = arith.constant 0 : i32
      %cond3A_128 = arith.cmpi ne, %convert_element_type3A_125, %cond3A_127 : i32
      scf.if %cond3A_128 {
        %add3A_203 = arith.constant 2 : i32
        %add3A_204 = arith.addi %add3A_88, %add3A_203 : i32
        %mul3A_205 = arith.constant 128 : i32
        %mul3A_206 = arith.muli %add3A_204, %mul3A_205 : i32
        %add3A_207 = arith.addi %mul3A_2, %mul3A_206 : i32
        %dma_start3A_208 = arith.constant 0 : i32
        %dma_start3A_209 = arith.constant 0 : i32
        %dma_start3A_210 = tpu.memref_slice %arg10[%cond3A_126, %dma_start3A_208, %dma_start3A_209] : memref<2x128x128xf32, #tpu.memory_space<vmem>> -> memref<1x128x128xf32, #tpu.memory_space<vmem>>
        %dma_start3A_211 = tpu.memref_squeeze %dma_start3A_210 : memref<1x128x128xf32, #tpu.memory_space<vmem>> -> memref<128x128xf32, #tpu.memory_space<vmem>>
        %dma_start3A_212 = arith.constant 0 : i32
        %dma_start3A_213 = tpu.memref_slice %arg2[%add3A_207, %dma_start3A_212] : memref<16384x128xf32, #tpu.memory_space<hbm>> -> memref<128x128xf32, #tpu.memory_space<hbm>>
        %dma_start3A_214 = arith.constant 0 : i32
        %dma_start3A_215 = arith.constant 0 : i32
        %dma_start3A_216 = tpu.memref_slice %arg10[%cond3A_126, %dma_start3A_214, %dma_start3A_215] : memref<2x128x128xf32, #tpu.memory_space<vmem>> -> memref<1x128x128xf32, #tpu.memory_space<vmem>>
        %dma_start3A_217 = tpu.memref_squeeze %dma_start3A_216 : memref<1x128x128xf32, #tpu.memory_space<vmem>> -> memref<128x128xf32, #tpu.memory_space<vmem>>
        %dma_start3A_218 = arith.constant 0 : i32
        %dma_start3A_219 = tpu.memref_slice %arg2[%add3A_207, %dma_start3A_218] : memref<16384x128xf32, #tpu.memory_space<hbm>> -> memref<128x128xf32, #tpu.memory_space<hbm>>
        tpu.enqueue_dma source(%dma_start3A_219 : memref<128x128xf32, #tpu.memory_space<hbm>>) target(%dma_start3A_217 : memref<128x128xf32, #tpu.memory_space<vmem>>) target_semaphore(%arg14 : memref<!tpu.dma_semaphore, #tpu.memory_space<semaphore_mem>>)
        %dma_start3A_220 = arith.constant 0 : i32
        %dma_start3A_221 = tpu.memref_slice %arg12[%dma_start3A_220] : memref<144xi32, #tpu.memory_space<vmem>> -> memref<128xi32, #tpu.memory_space<vmem>>
        %dma_start3A_222 = tpu.memref_slice %arg3[%add3A_207] : memref<16384xi32, #tpu.memory_space<hbm>> -> memref<128xi32, #tpu.memory_space<hbm>>
        %dma_start3A_223 = arith.constant 0 : i32
        %dma_start3A_224 = tpu.memref_slice %arg12[%dma_start3A_223] : memref<144xi32, #tpu.memory_space<vmem>> -> memref<128xi32, #tpu.memory_space<vmem>>
        %dma_start3A_225 = tpu.memref_slice %arg3[%add3A_207] : memref<16384xi32, #tpu.memory_space<hbm>> -> memref<128xi32, #tpu.memory_space<hbm>>
        tpu.enqueue_dma source(%dma_start3A_225 : memref<128xi32, #tpu.memory_space<hbm>>) target(%dma_start3A_224 : memref<128xi32, #tpu.memory_space<vmem>>) target_semaphore(%arg14 : memref<!tpu.dma_semaphore, #tpu.memory_space<semaphore_mem>>)
      } else {
      }
      %dma_start3A_129 = arith.constant 0 : i32
      %dma_start3A_130 = arith.constant 0 : i32
      %dma_start3A_131 = arith.constant 0 : i32
      %dma_start3A_132 = tpu.memref_slice %arg11[%dma_start3A_129, %dma_start3A_130, %dma_start3A_131] : memref<2x128x128xf32, #tpu.memory_space<vmem>> -> memref<1x128x128xf32, #tpu.memory_space<vmem>>
      %dma_start3A_133 = tpu.memref_squeeze %dma_start3A_132 : memref<1x128x128xf32, #tpu.memory_space<vmem>> -> memref<128x128xf32, #tpu.memory_space<vmem>>
      %dma_start3A_134 = arith.constant 0 : i32
      %dma_start3A_135 = tpu.memref_slice %arg6[%add3A_91, %dma_start3A_134] : memref<16384x128xf32, #tpu.memory_space<hbm>> -> memref<128x128xf32, #tpu.memory_space<hbm>>
      %dma_start3A_136 = arith.constant 0 : i32
      %dma_start3A_137 = tpu.memref_slice %arg6[%add3A_91, %dma_start3A_136] : memref<16384x128xf32, #tpu.memory_space<hbm>> -> memref<128x128xf32, #tpu.memory_space<hbm>>
      %dma_start3A_138 = arith.constant 0 : i32
      %dma_start3A_139 = arith.constant 0 : i32
      %dma_start3A_140 = tpu.memref_slice %arg11[%dma_start3A_129, %dma_start3A_138, %dma_start3A_139] : memref<2x128x128xf32, #tpu.memory_space<vmem>> -> memref<1x128x128xf32, #tpu.memory_space<vmem>>
      %dma_start3A_141 = tpu.memref_squeeze %dma_start3A_140 : memref<1x128x128xf32, #tpu.memory_space<vmem>> -> memref<128x128xf32, #tpu.memory_space<vmem>>
      tpu.enqueue_dma source(%dma_start3A_141 : memref<128x128xf32, #tpu.memory_space<vmem>>) target(%dma_start3A_137 : memref<128x128xf32, #tpu.memory_space<hbm>>) target_semaphore(%arg16 : memref<!tpu.dma_semaphore, #tpu.memory_space<semaphore_mem>>)
      %mul3A_142 = arith.constant 2 : i32
      %mul3A_143 = arith.muli %scan3A_84, %mul3A_142 : i32
      %add3A_144 = arith.constant 1 : i32
      %add3A_145 = arith.addi %mul3A_143, %add3A_144 : i32
      %mul3A_146 = arith.constant 128 : i32
      %mul3A_147 = arith.muli %add3A_145, %mul3A_146 : i32
      %add3A_148 = arith.addi %mul3A_2, %mul3A_147 : i32
      %dma_wait3A_149 = arith.constant 1 : i32
      %dma_wait3A_150 = arith.constant 0 : i32
      %dma_wait3A_151 = arith.constant 0 : i32
      %dma_wait3A_152 = tpu.memref_slice %arg10[%dma_wait3A_149, %dma_wait3A_150, %dma_wait3A_151] : memref<2x128x128xf32, #tpu.memory_space<vmem>> -> memref<1x128x128xf32, #tpu.memory_space<vmem>>
      %dma_wait3A_153 = tpu.memref_squeeze %dma_wait3A_152 : memref<1x128x128xf32, #tpu.memory_space<vmem>> -> memref<128x128xf32, #tpu.memory_space<vmem>>
      %dma_wait3A_154 = arith.constant 0 : i32
      %dma_wait3A_155 = tpu.memref_slice %arg2[%add3A_148, %dma_wait3A_154] : memref<16384x128xf32, #tpu.memory_space<hbm>> -> memref<128x128xf32, #tpu.memory_space<hbm>>
      %dma_wait3A_156 = arith.constant 0 : i32
      %dma_wait3A_157 = arith.constant 0 : i32
      %dma_wait3A_158 = tpu.memref_slice %arg10[%dma_wait3A_149, %dma_wait3A_156, %dma_wait3A_157] : memref<2x128x128xf32, #tpu.memory_space<vmem>> -> memref<1x128x128xf32, #tpu.memory_space<vmem>>
      %dma_wait3A_159 = tpu.memref_squeeze %dma_wait3A_158 : memref<1x128x128xf32, #tpu.memory_space<vmem>> -> memref<128x128xf32, #tpu.memory_space<vmem>>
      %dma_wait3A_160 = arith.constant 0 : i32
      %dma_wait3A_161 = tpu.memref_slice %arg2[%add3A_148, %dma_wait3A_160] : memref<16384x128xf32, #tpu.memory_space<hbm>> -> memref<128x128xf32, #tpu.memory_space<hbm>>
      tpu.wait_dma2 semaphore(%arg15 : memref<!tpu.dma_semaphore, #tpu.memory_space<semaphore_mem>>) src(%dma_wait3A_161 : memref<128x128xf32, #tpu.memory_space<hbm>>) dst(%dma_wait3A_159 : memref<128x128xf32, #tpu.memory_space<vmem>>)
      %dma_wait3A_162 = arith.constant 0 : i32
      %dma_wait3A_163 = tpu.memref_slice %arg13[%dma_wait3A_162] : memref<144xi32, #tpu.memory_space<vmem>> -> memref<128xi32, #tpu.memory_space<vmem>>
      %dma_wait3A_164 = tpu.memref_slice %arg3[%add3A_148] : memref<16384xi32, #tpu.memory_space<hbm>> -> memref<128xi32, #tpu.memory_space<hbm>>
      %dma_wait3A_165 = arith.constant 0 : i32
      %dma_wait3A_166 = tpu.memref_slice %arg13[%dma_wait3A_165] : memref<144xi32, #tpu.memory_space<vmem>> -> memref<128xi32, #tpu.memory_space<vmem>>
      %dma_wait3A_167 = tpu.memref_slice %arg3[%add3A_148] : memref<16384xi32, #tpu.memory_space<hbm>> -> memref<128xi32, #tpu.memory_space<hbm>>
      tpu.wait_dma2 semaphore(%arg15 : memref<!tpu.dma_semaphore, #tpu.memory_space<semaphore_mem>>) src(%dma_wait3A_167 : memref<128xi32, #tpu.memory_space<hbm>>) dst(%dma_wait3A_166 : memref<128xi32, #tpu.memory_space<vmem>>)
      %gt3A_168 = arith.constant 0 : i32
      %gt3A_169 = arith.cmpi sgt, %scan3A_84, %gt3A_168 : i32
      %convert_element_type3A_170 = arith.extui %gt3A_169 : i1 to i32
      %cond3A_171 = arith.constant 1 : i32
      %cond3A_172 = arith.constant 0 : i32
      %cond3A_173 = arith.cmpi ne, %convert_element_type3A_170, %cond3A_172 : i32
      scf.if %cond3A_173 {
        %sub3A = arith.constant 2 : i32
        %sub3A_203 = arith.subi %add3A_145, %sub3A : i32
        %mul3A_204 = arith.constant 128 : i32
        %mul3A_205 = arith.muli %sub3A_203, %mul3A_204 : i32
        %add3A_206 = arith.addi %mul3A_2, %mul3A_205 : i32
        %dma_wait3A_207 = arith.constant 0 : i32
        %dma_wait3A_208 = arith.constant 0 : i32
        %dma_wait3A_209 = tpu.memref_slice %arg11[%cond3A_171, %dma_wait3A_207, %dma_wait3A_208] : memref<2x128x128xf32, #tpu.memory_space<vmem>> -> memref<1x128x128xf32, #tpu.memory_space<vmem>>
        %dma_wait3A_210 = tpu.memref_squeeze %dma_wait3A_209 : memref<1x128x128xf32, #tpu.memory_space<vmem>> -> memref<128x128xf32, #tpu.memory_space<vmem>>
        %dma_wait3A_211 = arith.constant 0 : i32
        %dma_wait3A_212 = tpu.memref_slice %arg6[%add3A_206, %dma_wait3A_211] : memref<16384x128xf32, #tpu.memory_space<hbm>> -> memref<128x128xf32, #tpu.memory_space<hbm>>
        %dma_wait3A_213 = arith.constant 0 : i32
        %dma_wait3A_214 = tpu.memref_slice %arg6[%add3A_206, %dma_wait3A_213] : memref<16384x128xf32, #tpu.memory_space<hbm>> -> memref<128x128xf32, #tpu.memory_space<hbm>>
        %dma_wait3A_215 = arith.constant 0 : i32
        %dma_wait3A_216 = arith.constant 0 : i32
        %dma_wait3A_217 = tpu.memref_slice %arg11[%cond3A_171, %dma_wait3A_215, %dma_wait3A_216] : memref<2x128x128xf32, #tpu.memory_space<vmem>> -> memref<1x128x128xf32, #tpu.memory_space<vmem>>
        %dma_wait3A_218 = tpu.memref_squeeze %dma_wait3A_217 : memref<1x128x128xf32, #tpu.memory_space<vmem>> -> memref<128x128xf32, #tpu.memory_space<vmem>>
        tpu.wait_dma2 semaphore(%arg17 : memref<!tpu.dma_semaphore, #tpu.memory_space<semaphore_mem>>) src(%dma_wait3A_218 : memref<128x128xf32, #tpu.memory_space<vmem>>) dst(%dma_wait3A_214 : memref<128x128xf32, #tpu.memory_space<hbm>>)
      } else {
      }
      %scan3A_174 = arith.constant 0 : i32
      %scan3A_175 = arith.constant 1 : i32
      %scan3A_176 = arith.constant 1 : i32
      %scan3A_177 = arith.constant 0 : i32
      %scan3A_178 = arith.constant 16 : i32
      %scan3A_179 = arith.addi %scan3A_177, %scan3A_178 : i32
      %scan3A_180 = arith.constant 1 : i32
      scf.for %scan3A_203 = %scan3A_177 to %scan3A_179 step %scan3A_180  : i32 {
        %mul3A_204 = arith.constant 8 : i32
        %mul3A_205 = arith.muli %scan3A_203, %mul3A_204 : i32
        %get3A = arith.index_cast %mul3A_205 : i32 to index
        %get3A_206 = tpu.vector_load %arg13[%get3A] {strides = array<i32>} : memref<144xi32, #tpu.memory_space<vmem>>, vector<16xi32>,
        %mul3A_207 = arith.constant 8 : i32
        %mul3A_208 = arith.muli %scan3A_203, %mul3A_207 : i32
        %add3A_209 = arith.constant 0 : i32
        %add3A_210 = arith.addi %mul3A_208, %add3A_209 : i32
        %slice3A = vector.extract_strided_slice %get3A_206 {offsets = [0], sizes = [1], strides = [1]} : vector<16xi32> to vector<1xi32>
        %squeeze3A = vector.extract %slice3A[0] : i32 from vector<1xi32>
        %get3A_211 = arith.constant 0 : i32
        %get3A_212 = arith.constant 0 : i32
        %get3A_213 = tpu.memref_slice %arg10[%scan3A_175, %get3A_211, %get3A_212] : memref<2x128x128xf32, #tpu.memory_space<vmem>> -> memref<1x128x128xf32, #tpu.memory_space<vmem>>
        %get3A_214 = tpu.memref_squeeze %get3A_213 : memref<1x128x128xf32, #tpu.memory_space<vmem>> -> memref<128x128xf32, #tpu.memory_space<vmem>>
        %get3A_215 = arith.index_cast %add3A_210 : i32 to index
        %get3A_216 = arith.constant 0 : index
        %get3A_217 = tpu.vector_load %get3A_214[%get3A_215, %get3A_216] {strides = array<i32>} : memref<128x128xf32, #tpu.memory_space<vmem>>, vector<16xf32>,
        %get3A_218 = arith.constant 0 : i32
        %get3A_219 = arith.constant 0 : i32
        %get3A_220 = tpu.memref_slice %arg10[%scan3A_175, %get3A_218, %get3A_219] : memref<2x128x128xf32, #tpu.memory_space<vmem>> -> memref<1x128x128xf32, #tpu.memory_space<vmem>>
        %get3A_221 = tpu.memref_squeeze %get3A_220 : memref<1x128x128xf32, #tpu.memory_space<vmem>> -> memref<128x128xf32, #tpu.memory_space<vmem>>
        %get3A_222 = arith.index_cast %add3A_210 : i32 to index
        %get3A_223 = arith.constant 16 : index
        %get3A_224 = tpu.vector_load %get3A_221[%get3A_222, %get3A_223] {strides = array<i32>} : memref<128x128xf32, #tpu.memory_space<vmem>>, vector<16xf32>,
        %get3A_225 = arith.constant 0 : i32
        %get3A_226 = arith.constant 0 : i32
        %get3A_227 = tpu.memref_slice %arg10[%scan3A_175, %get3A_225, %get3A_226] : memref<2x128x128xf32, #tpu.memory_space<vmem>> -> memref<1x128x128xf32, #tpu.memory_space<vmem>>
        %get3A_228 = tpu.memref_squeeze %get3A_227 : memref<1x128x128xf32, #tpu.memory_space<vmem>> -> memref<128x128xf32, #tpu.memory_space<vmem>>
        %get3A_229 = arith.index_cast %add3A_210 : i32 to index
        %get3A_230 = arith.constant 32 : index
        %get3A_231 = tpu.vector_load %get3A_228[%get3A_229, %get3A_230] {strides = array<i32>} : memref<128x128xf32, #tpu.memory_space<vmem>>, vector<16xf32>,
        %get3A_232 = arith.constant 0 : i32
        %get3A_233 = arith.constant 0 : i32
        %get3A_234 = tpu.memref_slice %arg10[%scan3A_175, %get3A_232, %get3A_233] : memref<2x128x128xf32, #tpu.memory_space<vmem>> -> memref<1x128x128xf32, #tpu.memory_space<vmem>>
        %get3A_235 = tpu.memref_squeeze %get3A_234 : memref<1x128x128xf32, #tpu.memory_space<vmem>> -> memref<128x128xf32, #tpu.memory_space<vmem>>
        %get3A_236 = arith.index_cast %add3A_210 : i32 to index
        %get3A_237 = arith.constant 48 : index
        %get3A_238 = tpu.vector_load %get3A_235[%get3A_236, %get3A_237] {strides = array<i32>} : memref<128x128xf32, #tpu.memory_space<vmem>>, vector<16xf32>,
        %get3A_239 = arith.constant 0 : i32
        %get3A_240 = arith.constant 0 : i32
        %get3A_241 = tpu.memref_slice %arg10[%scan3A_175, %get3A_239, %get3A_240] : memref<2x128x128xf32, #tpu.memory_space<vmem>> -> memref<1x128x128xf32, #tpu.memory_space<vmem>>
        %get3A_242 = tpu.memref_squeeze %get3A_241 : memref<1x128x128xf32, #tpu.memory_space<vmem>> -> memref<128x128xf32, #tpu.memory_space<vmem>>
        %get3A_243 = arith.index_cast %add3A_210 : i32 to index
        %get3A_244 = arith.constant 64 : index
        %get3A_245 = tpu.vector_load %get3A_242[%get3A_243, %get3A_244] {strides = array<i32>} : memref<128x128xf32, #tpu.memory_space<vmem>>, vector<16xf32>,
        %get3A_246 = arith.constant 0 : i32
        %get3A_247 = arith.constant 0 : i32
        %get3A_248 = tpu.memref_slice %arg10[%scan3A_175, %get3A_246, %get3A_247] : memref<2x128x128xf32, #tpu.memory_space<vmem>> -> memref<1x128x128xf32, #tpu.memory_space<vmem>>
        %get3A_249 = tpu.memref_squeeze %get3A_248 : memref<1x128x128xf32, #tpu.memory_space<vmem>> -> memref<128x128xf32, #tpu.memory_space<vmem>>
        %get3A_250 = arith.index_cast %add3A_210 : i32 to index
        %get3A_251 = arith.constant 80 : index
        %get3A_252 = tpu.vector_load %get3A_249[%get3A_250, %get3A_251] {strides = array<i32>} : memref<128x128xf32, #tpu.memory_space<vmem>>, vector<16xf32>,
        %get3A_253 = arith.constant 0 : i32
        %get3A_254 = arith.constant 0 : i32
        %get3A_255 = tpu.memref_slice %arg10[%scan3A_175, %get3A_253, %get3A_254] : memref<2x128x128xf32, #tpu.memory_space<vmem>> -> memref<1x128x128xf32, #tpu.memory_space<vmem>>
        %get3A_256 = tpu.memref_squeeze %get3A_255 : memref<1x128x128xf32, #tpu.memory_space<vmem>> -> memref<128x128xf32, #tpu.memory_space<vmem>>
        %get3A_257 = arith.index_cast %add3A_210 : i32 to index
        %get3A_258 = arith.constant 96 : index
        %get3A_259 = tpu.vector_load %get3A_256[%get3A_257, %get3A_258] {strides = array<i32>} : memref<128x128xf32, #tpu.memory_space<vmem>>, vector<16xf32>,
        %get3A_260 = arith.constant 0 : i32
        %get3A_261 = arith.constant 0 : i32
        %get3A_262 = tpu.memref_slice %arg10[%scan3A_175, %get3A_260, %get3A_261] : memref<2x128x128xf32, #tpu.memory_space<vmem>> -> memref<1x128x128xf32, #tpu.memory_space<vmem>>
        %get3A_263 = tpu.memref_squeeze %get3A_262 : memref<1x128x128xf32, #tpu.memory_space<vmem>> -> memref<128x128xf32, #tpu.memory_space<vmem>>
        %get3A_264 = arith.index_cast %add3A_210 : i32 to index
        %get3A_265 = arith.constant 112 : index
        %get3A_266 = tpu.vector_load %get3A_263[%get3A_264, %get3A_265] {strides = array<i32>} : memref<128x128xf32, #tpu.memory_space<vmem>>, vector<16xf32>,
        %get3A_267 = arith.index_cast %squeeze3A : i32 to index
        %get3A_268 = arith.constant 0 : index
        %get3A_269 = tpu.vector_load %arg9[%get3A_267, %get3A_268] {strides = array<i32>} : memref<8x128xi32, #tpu.memory_space<vmem>>, vector<16xi32>,
        %bitcast3A = vector.bitcast %get3A_269 : vector<16xi32> to vector<32xbf16>
        %unpack3A = tpu.unpack_subelements %bitcast3A, 0 {pack_format = #tpu.pack_format<interleaved>} : vector<32xbf16> -> vector<16xf32>
        %unpack3A_270 = tpu.unpack_subelements %bitcast3A, 1 {pack_format = #tpu.pack_format<interleaved>} : vector<32xbf16> -> vector<16xf32>
        %get3A_271 = arith.index_cast %squeeze3A : i32 to index
        %get3A_272 = arith.constant 16 : index
        %get3A_273 = tpu.vector_load %arg9[%get3A_271, %get3A_272] {strides = array<i32>} : memref<8x128xi32, #tpu.memory_space<vmem>>, vector<16xi32>,
        %bitcast3A_274 = vector.bitcast %get3A_273 : vector<16xi32> to vector<32xbf16>
        %unpack3A_275 = tpu.unpack_subelements %bitcast3A_274, 0 {pack_format = #tpu.pack_format<interleaved>} : vector<32xbf16> -> vector<16xf32>
        %unpack3A_276 = tpu.unpack_subelements %bitcast3A_274, 1 {pack_format = #tpu.pack_format<interleaved>} : vector<32xbf16> -> vector<16xf32>
        %get3A_277 = arith.index_cast %squeeze3A : i32 to index
        %get3A_278 = arith.constant 32 : index
        %get3A_279 = tpu.vector_load %arg9[%get3A_277, %get3A_278] {strides = array<i32>} : memref<8x128xi32, #tpu.memory_space<vmem>>, vector<16xi32>,
        %bitcast3A_280 = vector.bitcast %get3A_279 : vector<16xi32> to vector<32xbf16>
        %unpack3A_281 = tpu.unpack_subelements %bitcast3A_280, 0 {pack_format = #tpu.pack_format<interleaved>} : vector<32xbf16> -> vector<16xf32>
        %unpack3A_282 = tpu.unpack_subelements %bitcast3A_280, 1 {pack_format = #tpu.pack_format<interleaved>} : vector<32xbf16> -> vector<16xf32>
        %get3A_283 = arith.index_cast %squeeze3A : i32 to index
        %get3A_284 = arith.constant 48 : index
        %get3A_285 = tpu.vector_load %arg9[%get3A_283, %get3A_284] {strides = array<i32>} : memref<8x128xi32, #tpu.memory_space<vmem>>, vector<16xi32>,
        %bitcast3A_286 = vector.bitcast %get3A_285 : vector<16xi32> to vector<32xbf16>
        %unpack3A_287 = tpu.unpack_subelements %bitcast3A_286, 0 {pack_format = #tpu.pack_format<interleaved>} : vector<32xbf16> -> vector<16xf32>
        %unpack3A_288 = tpu.unpack_subelements %bitcast3A_286, 1 {pack_format = #tpu.pack_format<interleaved>} : vector<32xbf16> -> vector<16xf32>
        %get3A_289 = arith.index_cast %squeeze3A : i32 to index
        %get3A_290 = arith.constant 64 : index
        %get3A_291 = tpu.vector_load %arg9[%get3A_289, %get3A_290] {strides = array<i32>} : memref<8x128xi32, #tpu.memory_space<vmem>>, vector<16xi32>,
        %bitcast3A_292 = vector.bitcast %get3A_291 : vector<16xi32> to vector<32xbf16>
        %unpack3A_293 = tpu.unpack_subelements %bitcast3A_292, 0 {pack_format = #tpu.pack_format<interleaved>} : vector<32xbf16> -> vector<16xf32>
        %unpack3A_294 = tpu.unpack_subelements %bitcast3A_292, 1 {pack_format = #tpu.pack_format<interleaved>} : vector<32xbf16> -> vector<16xf32>
        %get3A_295 = arith.index_cast %squeeze3A : i32 to index
        %get3A_296 = arith.constant 80 : index
        %get3A_297 = tpu.vector_load %arg9[%get3A_295, %get3A_296] {strides = array<i32>} : memref<8x128xi32, #tpu.memory_space<vmem>>, vector<16xi32>,
        %bitcast3A_298 = vector.bitcast %get3A_297 : vector<16xi32> to vector<32xbf16>
        %unpack3A_299 = tpu.unpack_subelements %bitcast3A_298, 0 {pack_format = #tpu.pack_format<interleaved>} : vector<32xbf16> -> vector<16xf32>
        %unpack3A_300 = tpu.unpack_subelements %bitcast3A_298, 1 {pack_format = #tpu.pack_format<interleaved>} : vector<32xbf16> -> vector<16xf32>
        %get3A_301 = arith.index_cast %squeeze3A : i32 to index
        %get3A_302 = arith.constant 96 : index
        %get3A_303 = tpu.vector_load %arg9[%get3A_301, %get3A_302] {strides = array<i32>} : memref<8x128xi32, #tpu.memory_space<vmem>>, vector<16xi32>,
        %bitcast3A_304 = vector.bitcast %get3A_303 : vector<16xi32> to vector<32xbf16>
        %unpack3A_305 = tpu.unpack_subelements %bitcast3A_304, 0 {pack_format = #tpu.pack_format<interleaved>} : vector<32xbf16> -> vector<16xf32>
        %unpack3A_306 = tpu.unpack_subelements %bitcast3A_304, 1 {pack_format = #tpu.pack_format<interleaved>} : vector<32xbf16> -> vector<16xf32>
        %get3A_307 = arith.index_cast %squeeze3A : i32 to index
        %get3A_308 = arith.constant 112 : index
        %get3A_309 = tpu.vector_load %arg9[%get3A_307, %get3A_308] {strides = array<i32>} : memref<8x128xi32, #tpu.memory_space<vmem>>, vector<16xi32>,
        %bitcast3A_310 = vector.bitcast %get3A_309 : vector<16xi32> to vector<32xbf16>
        %unpack3A_311 = tpu.unpack_subelements %bitcast3A_310, 0 {pack_format = #tpu.pack_format<interleaved>} : vector<32xbf16> -> vector<16xf32>
        %unpack3A_312 = tpu.unpack_subelements %bitcast3A_310, 1 {pack_format = #tpu.pack_format<interleaved>} : vector<32xbf16> -> vector<16xf32>
        %mul3A_313 = arith.mulf %get3A_217, %unpack3A : vector<16xf32>
        %add3A_314 = arith.addf %mul3A_313, %unpack3A_270 : vector<16xf32>
        %swap3A = arith.constant 0 : i32
        %swap3A_315 = arith.constant 0 : i32
        %swap3A_316 = tpu.memref_slice %arg11[%scan3A_176, %swap3A, %swap3A_315] : memref<2x128x128xf32, #tpu.memory_space<vmem>> -> memref<1x128x128xf32, #tpu.memory_space<vmem>>
        %swap3A_317 = tpu.memref_squeeze %swap3A_316 : memref<1x128x128xf32, #tpu.memory_space<vmem>> -> memref<128x128xf32, #tpu.memory_space<vmem>>
        %swap3A_318 = arith.index_cast %add3A_210 : i32 to index
        %swap3A_319 = arith.constant 0 : index
        %swap3A_320 = tpu.vector_load %swap3A_317[%swap3A_318, %swap3A_319] {strides = array<i32>} : memref<128x128xf32, #tpu.memory_space<vmem>>, vector<16xf32>,
        tpu.vector_store %swap3A_317[%swap3A_318, %swap3A_319], %add3A_314 {strides = array<i32>} : memref<128x128xf32, #tpu.memory_space<vmem>>, vector<16xf32>,
        %mul3A_321 = arith.mulf %get3A_224, %unpack3A_275 : vector<16xf32>
        %add3A_322 = arith.addf %mul3A_321, %unpack3A_276 : vector<16xf32>
        %swap3A_323 = arith.constant 0 : i32
        %swap3A_324 = arith.constant 0 : i32
        %swap3A_325 = tpu.memref_slice %arg11[%scan3A_176, %swap3A_323, %swap3A_324] : memref<2x128x128xf32, #tpu.memory_space<vmem>> -> memref<1x128x128xf32, #tpu.memory_space<vmem>>
        %swap3A_326 = tpu.memref_squeeze %swap3A_325 : memref<1x128x128xf32, #tpu.memory_space<vmem>> -> memref<128x128xf32, #tpu.memory_space<vmem>>
        %swap3A_327 = arith.index_cast %add3A_210 : i32 to index
        %swap3A_328 = arith.constant 16 : index
        %swap3A_329 = tpu.vector_load %swap3A_326[%swap3A_327, %swap3A_328] {strides = array<i32>} : memref<128x128xf32, #tpu.memory_space<vmem>>, vector<16xf32>,
        tpu.vector_store %swap3A_326[%swap3A_327, %swap3A_328], %add3A_322 {strides = array<i32>} : memref<128x128xf32, #tpu.memory_space<vmem>>, vector<16xf32>,
        %mul3A_330 = arith.mulf %get3A_231, %unpack3A_281 : vector<16xf32>
        %add3A_331 = arith.addf %mul3A_330, %unpack3A_282 : vector<16xf32>
        %swap3A_332 = arith.constant 0 : i32
        %swap3A_333 = arith.constant 0 : i32
        %swap3A_334 = tpu.memref_slice %arg11[%scan3A_176, %swap3A_332, %swap3A_333] : memref<2x128x128xf32, #tpu.memory_space<vmem>> -> memref<1x128x128xf32, #tpu.memory_space<vmem>>
        %swap3A_335 = tpu.memref_squeeze %swap3A_334 : memref<1x128x128xf32, #tpu.memory_space<vmem>> -> memref<128x128xf32, #tpu.memory_space<vmem>>
        %swap3A_336 = arith.index_cast %add3A_210 : i32 to index
        %swap3A_337 = arith.constant 32 : index
        %swap3A_338 = tpu.vector_load %swap3A_335[%swap3A_336, %swap3A_337] {strides = array<i32>} : memref<128x128xf32, #tpu.memory_space<vmem>>, vector<16xf32>,
        tpu.vector_store %swap3A_335[%swap3A_336, %swap3A_337], %add3A_331 {strides = array<i32>} : memref<128x128xf32, #tpu.memory_space<vmem>>, vector<16xf32>,
        %mul3A_339 = arith.mulf %get3A_238, %unpack3A_287 : vector<16xf32>
        %add3A_340 = arith.addf %mul3A_339, %unpack3A_288 : vector<16xf32>
        %swap3A_341 = arith.constant 0 : i32
        %swap3A_342 = arith.constant 0 : i32
        %swap3A_343 = tpu.memref_slice %arg11[%scan3A_176, %swap3A_341, %swap3A_342] : memref<2x128x128xf32, #tpu.memory_space<vmem>> -> memref<1x128x128xf32, #tpu.memory_space<vmem>>
        %swap3A_344 = tpu.memref_squeeze %swap3A_343 : memref<1x128x128xf32, #tpu.memory_space<vmem>> -> memref<128x128xf32, #tpu.memory_space<vmem>>
        %swap3A_345 = arith.index_cast %add3A_210 : i32 to index
        %swap3A_346 = arith.constant 48 : index
        %swap3A_347 = tpu.vector_load %swap3A_344[%swap3A_345, %swap3A_346] {strides = array<i32>} : memref<128x128xf32, #tpu.memory_space<vmem>>, vector<16xf32>,
        tpu.vector_store %swap3A_344[%swap3A_345, %swap3A_346], %add3A_340 {strides = array<i32>} : memref<128x128xf32, #tpu.memory_space<vmem>>, vector<16xf32>,
        %mul3A_348 = arith.mulf %get3A_245, %unpack3A_293 : vector<16xf32>
        %add3A_349 = arith.addf %mul3A_348, %unpack3A_294 : vector<16xf32>
        %swap3A_350 = arith.constant 0 : i32
        %swap3A_351 = arith.constant 0 : i32
        %swap3A_352 = tpu.memref_slice %arg11[%scan3A_176, %swap3A_350, %swap3A_351] : memref<2x128x128xf32, #tpu.memory_space<vmem>> -> memref<1x128x128xf32, #tpu.memory_space<vmem>>
        %swap3A_353 = tpu.memref_squeeze %swap3A_352 : memref<1x128x128xf32, #tpu.memory_space<vmem>> -> memref<128x128xf32, #tpu.memory_space<vmem>>
        %swap3A_354 = arith.index_cast %add3A_210 : i32 to index
        %swap3A_355 = arith.constant 64 : index
        %swap3A_356 = tpu.vector_load %swap3A_353[%swap3A_354, %swap3A_355] {strides = array<i32>} : memref<128x128xf32, #tpu.memory_space<vmem>>, vector<16xf32>,
        tpu.vector_store %swap3A_353[%swap3A_354, %swap3A_355], %add3A_349 {strides = array<i32>} : memref<128x128xf32, #tpu.memory_space<vmem>>, vector<16xf32>,
        %mul3A_357 = arith.mulf %get3A_252, %unpack3A_299 : vector<16xf32>
        %add3A_358 = arith.addf %mul3A_357, %unpack3A_300 : vector<16xf32>
        %swap3A_359 = arith.constant 0 : i32
        %swap3A_360 = arith.constant 0 : i32
        %swap3A_361 = tpu.memref_slice %arg11[%scan3A_176, %swap3A_359, %swap3A_360] : memref<2x128x128xf32, #tpu.memory_space<vmem>> -> memref<1x128x128xf32, #tpu.memory_space<vmem>>
        %swap3A_362 = tpu.memref_squeeze %swap3A_361 : memref<1x128x128xf32, #tpu.memory_space<vmem>> -> memref<128x128xf32, #tpu.memory_space<vmem>>
        %swap3A_363 = arith.index_cast %add3A_210 : i32 to index
        %swap3A_364 = arith.constant 80 : index
        %swap3A_365 = tpu.vector_load %swap3A_362[%swap3A_363, %swap3A_364] {strides = array<i32>} : memref<128x128xf32, #tpu.memory_space<vmem>>, vector<16xf32>,
        tpu.vector_store %swap3A_362[%swap3A_363, %swap3A_364], %add3A_358 {strides = array<i32>} : memref<128x128xf32, #tpu.memory_space<vmem>>, vector<16xf32>,
        %mul3A_366 = arith.mulf %get3A_259, %unpack3A_305 : vector<16xf32>
        %add3A_367 = arith.addf %mul3A_366, %unpack3A_306 : vector<16xf32>
        %swap3A_368 = arith.constant 0 : i32
        %swap3A_369 = arith.constant 0 : i32
        %swap3A_370 = tpu.memref_slice %arg11[%scan3A_176, %swap3A_368, %swap3A_369] : memref<2x128x128xf32, #tpu.memory_space<vmem>> -> memref<1x128x128xf32, #tpu.memory_space<vmem>>
        %swap3A_371 = tpu.memref_squeeze %swap3A_370 : memref<1x128x128xf32, #tpu.memory_space<vmem>> -> memref<128x128xf32, #tpu.memory_space<vmem>>
        %swap3A_372 = arith.index_cast %add3A_210 : i32 to index
        %swap3A_373 = arith.constant 96 : index
        %swap3A_374 = tpu.vector_load %swap3A_371[%swap3A_372, %swap3A_373] {strides = array<i32>} : memref<128x128xf32, #tpu.memory_space<vmem>>, vector<16xf32>,
        tpu.vector_store %swap3A_371[%swap3A_372, %swap3A_373], %add3A_367 {strides = array<i32>} : memref<128x128xf32, #tpu.memory_space<vmem>>, vector<16xf32>,
        %mul3A_375 = arith.mulf %get3A_266, %unpack3A_311 : vector<16xf32>
        %add3A_376 = arith.addf %mul3A_375, %unpack3A_312 : vector<16xf32>
        %swap3A_377 = arith.constant 0 : i32
        %swap3A_378 = arith.constant 0 : i32
        %swap3A_379 = tpu.memref_slice %arg11[%scan3A_176, %swap3A_377, %swap3A_378] : memref<2x128x128xf32, #tpu.memory_space<vmem>> -> memref<1x128x128xf32, #tpu.memory_space<vmem>>
        %swap3A_380 = tpu.memref_squeeze %swap3A_379 : memref<1x128x128xf32, #tpu.memory_space<vmem>> -> memref<128x128xf32, #tpu.memory_space<vmem>>
        %swap3A_381 = arith.index_cast %add3A_210 : i32 to index
        %swap3A_382 = arith.constant 112 : index
        %swap3A_383 = tpu.vector_load %swap3A_380[%swap3A_381, %swap3A_382] {strides = array<i32>} : memref<128x128xf32, #tpu.memory_space<vmem>>, vector<16xf32>,
        tpu.vector_store %swap3A_380[%swap3A_381, %swap3A_382], %add3A_376 {strides = array<i32>} : memref<128x128xf32, #tpu.memory_space<vmem>>, vector<16xf32>,
        %mul3A_384 = arith.constant 8 : i32
        %mul3A_385 = arith.muli %scan3A_203, %mul3A_384 : i32
        %add3A_386 = arith.constant 1 : i32
        %add3A_387 = arith.addi %mul3A_385, %add3A_386 : i32
        %slice3A_388 = vector.extract_strided_slice %get3A_206 {offsets = [1], sizes = [1], strides = [1]} : vector<16xi32> to vector<1xi32>
        %squeeze3A_389 = vector.extract %slice3A_388[0] : i32 from vector<1xi32>
        %get3A_390 = arith.constant 0 : i32
        %get3A_391 = arith.constant 0 : i32
        %get3A_392 = tpu.memref_slice %arg10[%scan3A_175, %get3A_390, %get3A_391] : memref<2x128x128xf32, #tpu.memory_space<vmem>> -> memref<1x128x128xf32, #tpu.memory_space<vmem>>
        %get3A_393 = tpu.memref_squeeze %get3A_392 : memref<1x128x128xf32, #tpu.memory_space<vmem>> -> memref<128x128xf32, #tpu.memory_space<vmem>>
        %get3A_394 = arith.index_cast %add3A_387 : i32 to index
        %get3A_395 = arith.constant 0 : index
        %get3A_396 = tpu.vector_load %get3A_393[%get3A_394, %get3A_395] {strides = array<i32>} : memref<128x128xf32, #tpu.memory_space<vmem>>, vector<16xf32>,
        %get3A_397 = arith.constant 0 : i32
        %get3A_398 = arith.constant 0 : i32
        %get3A_399 = tpu.memref_slice %arg10[%scan3A_175, %get3A_397, %get3A_398] : memref<2x128x128xf32, #tpu.memory_space<vmem>> -> memref<1x128x128xf32, #tpu.memory_space<vmem>>
        %get3A_400 = tpu.memref_squeeze %get3A_399 : memref<1x128x128xf32, #tpu.memory_space<vmem>> -> memref<128x128xf32, #tpu.memory_space<vmem>>
        %get3A_401 = arith.index_cast %add3A_387 : i32 to index
        %get3A_402 = arith.constant 16 : index
        %get3A_403 = tpu.vector_load %get3A_400[%get3A_401, %get3A_402] {strides = array<i32>} : memref<128x128xf32, #tpu.memory_space<vmem>>, vector<16xf32>,
        %get3A_404 = arith.constant 0 : i32
        %get3A_405 = arith.constant 0 : i32
        %get3A_406 = tpu.memref_slice %arg10[%scan3A_175, %get3A_404, %get3A_405] : memref<2x128x128xf32, #tpu.memory_space<vmem>> -> memref<1x128x128xf32, #tpu.memory_space<vmem>>
        %get3A_407 = tpu.memref_squeeze %get3A_406 : memref<1x128x128xf32, #tpu.memory_space<vmem>> -> memref<128x128xf32, #tpu.memory_space<vmem>>
        %get3A_408 = arith.index_cast %add3A_387 : i32 to index
        %get3A_409 = arith.constant 32 : index
        %get3A_410 = tpu.vector_load %get3A_407[%get3A_408, %get3A_409] {strides = array<i32>} : memref<128x128xf32, #tpu.memory_space<vmem>>, vector<16xf32>,
        %get3A_411 = arith.constant 0 : i32
        %get3A_412 = arith.constant 0 : i32
        %get3A_413 = tpu.memref_slice %arg10[%scan3A_175, %get3A_411, %get3A_412] : memref<2x128x128xf32, #tpu.memory_space<vmem>> -> memref<1x128x128xf32, #tpu.memory_space<vmem>>
        %get3A_414 = tpu.memref_squeeze %get3A_413 : memref<1x128x128xf32, #tpu.memory_space<vmem>> -> memref<128x128xf32, #tpu.memory_space<vmem>>
        %get3A_415 = arith.index_cast %add3A_387 : i32 to index
        %get3A_416 = arith.constant 48 : index
        %get3A_417 = tpu.vector_load %get3A_414[%get3A_415, %get3A_416] {strides = array<i32>} : memref<128x128xf32, #tpu.memory_space<vmem>>, vector<16xf32>,
        %get3A_418 = arith.constant 0 : i32
        %get3A_419 = arith.constant 0 : i32
        %get3A_420 = tpu.memref_slice %arg10[%scan3A_175, %get3A_418, %get3A_419] : memref<2x128x128xf32, #tpu.memory_space<vmem>> -> memref<1x128x128xf32, #tpu.memory_space<vmem>>
        %get3A_421 = tpu.memref_squeeze %get3A_420 : memref<1x128x128xf32, #tpu.memory_space<vmem>> -> memref<128x128xf32, #tpu.memory_space<vmem>>
        %get3A_422 = arith.index_cast %add3A_387 : i32 to index
        %get3A_423 = arith.constant 64 : index
        %get3A_424 = tpu.vector_load %get3A_421[%get3A_422, %get3A_423] {strides = array<i32>} : memref<128x128xf32, #tpu.memory_space<vmem>>, vector<16xf32>,
        %get3A_425 = arith.constant 0 : i32
        %get3A_426 = arith.constant 0 : i32
        %get3A_427 = tpu.memref_slice %arg10[%scan3A_175, %get3A_425, %get3A_426] : memref<2x128x128xf32, #tpu.memory_space<vmem>> -> memref<1x128x128xf32, #tpu.memory_space<vmem>>
        %get3A_428 = tpu.memref_squeeze %get3A_427 : memref<1x128x128xf32, #tpu.memory_space<vmem>> -> memref<128x128xf32, #tpu.memory_space<vmem>>
        %get3A_429 = arith.index_cast %add3A_387 : i32 to index
        %get3A_430 = arith.constant 80 : index
        %get3A_431 = tpu.vector_load %get3A_428[%get3A_429, %get3A_430] {strides = array<i32>} : memref<128x128xf32, #tpu.memory_space<vmem>>, vector<16xf32>,
        %get3A_432 = arith.constant 0 : i32
        %get3A_433 = arith.constant 0 : i32
        %get3A_434 = tpu.memref_slice %arg10[%scan3A_175, %get3A_432, %get3A_433] : memref<2x128x128xf32, #tpu.memory_space<vmem>> -> memref<1x128x128xf32, #tpu.memory_space<vmem>>
        %get3A_435 = tpu.memref_squeeze %get3A_434 : memref<1x128x128xf32, #tpu.memory_space<vmem>> -> memref<128x128xf32, #tpu.memory_space<vmem>>
        %get3A_436 = arith.index_cast %add3A_387 : i32 to index
        %get3A_437 = arith.constant 96 : index
        %get3A_438 = tpu.vector_load %get3A_435[%get3A_436, %get3A_437] {strides = array<i32>} : memref<128x128xf32, #tpu.memory_space<vmem>>, vector<16xf32>,
        %get3A_439 = arith.constant 0 : i32
        %get3A_440 = arith.constant 0 : i32
        %get3A_441 = tpu.memref_slice %arg10[%scan3A_175, %get3A_439, %get3A_440] : memref<2x128x128xf32, #tpu.memory_space<vmem>> -> memref<1x128x128xf32, #tpu.memory_space<vmem>>
        %get3A_442 = tpu.memref_squeeze %get3A_441 : memref<1x128x128xf32, #tpu.memory_space<vmem>> -> memref<128x128xf32, #tpu.memory_space<vmem>>
        %get3A_443 = arith.index_cast %add3A_387 : i32 to index
        %get3A_444 = arith.constant 112 : index
        %get3A_445 = tpu.vector_load %get3A_442[%get3A_443, %get3A_444] {strides = array<i32>} : memref<128x128xf32, #tpu.memory_space<vmem>>, vector<16xf32>,
        %get3A_446 = arith.index_cast %squeeze3A_389 : i32 to index
        %get3A_447 = arith.constant 0 : index
        %get3A_448 = tpu.vector_load %arg9[%get3A_446, %get3A_447] {strides = array<i32>} : memref<8x128xi32, #tpu.memory_space<vmem>>, vector<16xi32>,
        %bitcast3A_449 = vector.bitcast %get3A_448 : vector<16xi32> to vector<32xbf16>
        %unpack3A_450 = tpu.unpack_subelements %bitcast3A_449, 0 {pack_format = #tpu.pack_format<interleaved>} : vector<32xbf16> -> vector<16xf32>
        %unpack3A_451 = tpu.unpack_subelements %bitcast3A_449, 1 {pack_format = #tpu.pack_format<interleaved>} : vector<32xbf16> -> vector<16xf32>
        %get3A_452 = arith.index_cast %squeeze3A_389 : i32 to index
        %get3A_453 = arith.constant 16 : index
        %get3A_454 = tpu.vector_load %arg9[%get3A_452, %get3A_453] {strides = array<i32>} : memref<8x128xi32, #tpu.memory_space<vmem>>, vector<16xi32>,
        %bitcast3A_455 = vector.bitcast %get3A_454 : vector<16xi32> to vector<32xbf16>
        %unpack3A_456 = tpu.unpack_subelements %bitcast3A_455, 0 {pack_format = #tpu.pack_format<interleaved>} : vector<32xbf16> -> vector<16xf32>
        %unpack3A_457 = tpu.unpack_subelements %bitcast3A_455, 1 {pack_format = #tpu.pack_format<interleaved>} : vector<32xbf16> -> vector<16xf32>
        %get3A_458 = arith.index_cast %squeeze3A_389 : i32 to index
        %get3A_459 = arith.constant 32 : index
        %get3A_460 = tpu.vector_load %arg9[%get3A_458, %get3A_459] {strides = array<i32>} : memref<8x128xi32, #tpu.memory_space<vmem>>, vector<16xi32>,
        %bitcast3A_461 = vector.bitcast %get3A_460 : vector<16xi32> to vector<32xbf16>
        %unpack3A_462 = tpu.unpack_subelements %bitcast3A_461, 0 {pack_format = #tpu.pack_format<interleaved>} : vector<32xbf16> -> vector<16xf32>
        %unpack3A_463 = tpu.unpack_subelements %bitcast3A_461, 1 {pack_format = #tpu.pack_format<interleaved>} : vector<32xbf16> -> vector<16xf32>
        %get3A_464 = arith.index_cast %squeeze3A_389 : i32 to index
        %get3A_465 = arith.constant 48 : index
        %get3A_466 = tpu.vector_load %arg9[%get3A_464, %get3A_465] {strides = array<i32>} : memref<8x128xi32, #tpu.memory_space<vmem>>, vector<16xi32>,
        %bitcast3A_467 = vector.bitcast %get3A_466 : vector<16xi32> to vector<32xbf16>
        %unpack3A_468 = tpu.unpack_subelements %bitcast3A_467, 0 {pack_format = #tpu.pack_format<interleaved>} : vector<32xbf16> -> vector<16xf32>
        %unpack3A_469 = tpu.unpack_subelements %bitcast3A_467, 1 {pack_format = #tpu.pack_format<interleaved>} : vector<32xbf16> -> vector<16xf32>
        %get3A_470 = arith.index_cast %squeeze3A_389 : i32 to index
        %get3A_471 = arith.constant 64 : index
        %get3A_472 = tpu.vector_load %arg9[%get3A_470, %get3A_471] {strides = array<i32>} : memref<8x128xi32, #tpu.memory_space<vmem>>, vector<16xi32>,
        %bitcast3A_473 = vector.bitcast %get3A_472 : vector<16xi32> to vector<32xbf16>
        %unpack3A_474 = tpu.unpack_subelements %bitcast3A_473, 0 {pack_format = #tpu.pack_format<interleaved>} : vector<32xbf16> -> vector<16xf32>
        %unpack3A_475 = tpu.unpack_subelements %bitcast3A_473, 1 {pack_format = #tpu.pack_format<interleaved>} : vector<32xbf16> -> vector<16xf32>
        %get3A_476 = arith.index_cast %squeeze3A_389 : i32 to index
        %get3A_477 = arith.constant 80 : index
        %get3A_478 = tpu.vector_load %arg9[%get3A_476, %get3A_477] {strides = array<i32>} : memref<8x128xi32, #tpu.memory_space<vmem>>, vector<16xi32>,
        %bitcast3A_479 = vector.bitcast %get3A_478 : vector<16xi32> to vector<32xbf16>
        %unpack3A_480 = tpu.unpack_subelements %bitcast3A_479, 0 {pack_format = #tpu.pack_format<interleaved>} : vector<32xbf16> -> vector<16xf32>
        %unpack3A_481 = tpu.unpack_subelements %bitcast3A_479, 1 {pack_format = #tpu.pack_format<interleaved>} : vector<32xbf16> -> vector<16xf32>
        %get3A_482 = arith.index_cast %squeeze3A_389 : i32 to index
        %get3A_483 = arith.constant 96 : index
        %get3A_484 = tpu.vector_load %arg9[%get3A_482, %get3A_483] {strides = array<i32>} : memref<8x128xi32, #tpu.memory_space<vmem>>, vector<16xi32>,
        %bitcast3A_485 = vector.bitcast %get3A_484 : vector<16xi32> to vector<32xbf16>
        %unpack3A_486 = tpu.unpack_subelements %bitcast3A_485, 0 {pack_format = #tpu.pack_format<interleaved>} : vector<32xbf16> -> vector<16xf32>
        %unpack3A_487 = tpu.unpack_subelements %bitcast3A_485, 1 {pack_format = #tpu.pack_format<interleaved>} : vector<32xbf16> -> vector<16xf32>
        %get3A_488 = arith.index_cast %squeeze3A_389 : i32 to index
        %get3A_489 = arith.constant 112 : index
        %get3A_490 = tpu.vector_load %arg9[%get3A_488, %get3A_489] {strides = array<i32>} : memref<8x128xi32, #tpu.memory_space<vmem>>, vector<16xi32>,
        %bitcast3A_491 = vector.bitcast %get3A_490 : vector<16xi32> to vector<32xbf16>
        %unpack3A_492 = tpu.unpack_subelements %bitcast3A_491, 0 {pack_format = #tpu.pack_format<interleaved>} : vector<32xbf16> -> vector<16xf32>
        %unpack3A_493 = tpu.unpack_subelements %bitcast3A_491, 1 {pack_format = #tpu.pack_format<interleaved>} : vector<32xbf16> -> vector<16xf32>
        %mul3A_494 = arith.mulf %get3A_396, %unpack3A_450 : vector<16xf32>
        %add3A_495 = arith.addf %mul3A_494, %unpack3A_451 : vector<16xf32>
        %swap3A_496 = arith.constant 0 : i32
        %swap3A_497 = arith.constant 0 : i32
        %swap3A_498 = tpu.memref_slice %arg11[%scan3A_176, %swap3A_496, %swap3A_497] : memref<2x128x128xf32, #tpu.memory_space<vmem>> -> memref<1x128x128xf32, #tpu.memory_space<vmem>>
        %swap3A_499 = tpu.memref_squeeze %swap3A_498 : memref<1x128x128xf32, #tpu.memory_space<vmem>> -> memref<128x128xf32, #tpu.memory_space<vmem>>
        %swap3A_500 = arith.index_cast %add3A_387 : i32 to index
        %swap3A_501 = arith.constant 0 : index
        %swap3A_502 = tpu.vector_load %swap3A_499[%swap3A_500, %swap3A_501] {strides = array<i32>} : memref<128x128xf32, #tpu.memory_space<vmem>>, vector<16xf32>,
        tpu.vector_store %swap3A_499[%swap3A_500, %swap3A_501], %add3A_495 {strides = array<i32>} : memref<128x128xf32, #tpu.memory_space<vmem>>, vector<16xf32>,
        %mul3A_503 = arith.mulf %get3A_403, %unpack3A_456 : vector<16xf32>
        %add3A_504 = arith.addf %mul3A_503, %unpack3A_457 : vector<16xf32>
        %swap3A_505 = arith.constant 0 : i32
        %swap3A_506 = arith.constant 0 : i32
        %swap3A_507 = tpu.memref_slice %arg11[%scan3A_176, %swap3A_505, %swap3A_506] : memref<2x128x128xf32, #tpu.memory_space<vmem>> -> memref<1x128x128xf32, #tpu.memory_space<vmem>>
        %swap3A_508 = tpu.memref_squeeze %swap3A_507 : memref<1x128x128xf32, #tpu.memory_space<vmem>> -> memref<128x128xf32, #tpu.memory_space<vmem>>
        %swap3A_509 = arith.index_cast %add3A_387 : i32 to index
        %swap3A_510 = arith.constant 16 : index
        %swap3A_511 = tpu.vector_load %swap3A_508[%swap3A_509, %swap3A_510] {strides = array<i32>} : memref<128x128xf32, #tpu.memory_space<vmem>>, vector<16xf32>,
        tpu.vector_store %swap3A_508[%swap3A_509, %swap3A_510], %add3A_504 {strides = array<i32>} : memref<128x128xf32, #tpu.memory_space<vmem>>, vector<16xf32>,
        %mul3A_512 = arith.mulf %get3A_410, %unpack3A_462 : vector<16xf32>
        %add3A_513 = arith.addf %mul3A_512, %unpack3A_463 : vector<16xf32>
        %swap3A_514 = arith.constant 0 : i32
        %swap3A_515 = arith.constant 0 : i32
        %swap3A_516 = tpu.memref_slice %arg11[%scan3A_176, %swap3A_514, %swap3A_515] : memref<2x128x128xf32, #tpu.memory_space<vmem>> -> memref<1x128x128xf32, #tpu.memory_space<vmem>>
        %swap3A_517 = tpu.memref_squeeze %swap3A_516 : memref<1x128x128xf32, #tpu.memory_space<vmem>> -> memref<128x128xf32, #tpu.memory_space<vmem>>
        %swap3A_518 = arith.index_cast %add3A_387 : i32 to index
        %swap3A_519 = arith.constant 32 : index
        %swap3A_520 = tpu.vector_load %swap3A_517[%swap3A_518, %swap3A_519] {strides = array<i32>} : memref<128x128xf32, #tpu.memory_space<vmem>>, vector<16xf32>,
        tpu.vector_store %swap3A_517[%swap3A_518, %swap3A_519], %add3A_513 {strides = array<i32>} : memref<128x128xf32, #tpu.memory_space<vmem>>, vector<16xf32>,
        %mul3A_521 = arith.mulf %get3A_417, %unpack3A_468 : vector<16xf32>
        %add3A_522 = arith.addf %mul3A_521, %unpack3A_469 : vector<16xf32>
        %swap3A_523 = arith.constant 0 : i32
        %swap3A_524 = arith.constant 0 : i32
        %swap3A_525 = tpu.memref_slice %arg11[%scan3A_176, %swap3A_523, %swap3A_524] : memref<2x128x128xf32, #tpu.memory_space<vmem>> -> memref<1x128x128xf32, #tpu.memory_space<vmem>>
        %swap3A_526 = tpu.memref_squeeze %swap3A_525 : memref<1x128x128xf32, #tpu.memory_space<vmem>> -> memref<128x128xf32, #tpu.memory_space<vmem>>
        %swap3A_527 = arith.index_cast %add3A_387 : i32 to index
        %swap3A_528 = arith.constant 48 : index
        %swap3A_529 = tpu.vector_load %swap3A_526[%swap3A_527, %swap3A_528] {strides = array<i32>} : memref<128x128xf32, #tpu.memory_space<vmem>>, vector<16xf32>,
        tpu.vector_store %swap3A_526[%swap3A_527, %swap3A_528], %add3A_522 {strides = array<i32>} : memref<128x128xf32, #tpu.memory_space<vmem>>, vector<16xf32>,
        %mul3A_530 = arith.mulf %get3A_424, %unpack3A_474 : vector<16xf32>
        %add3A_531 = arith.addf %mul3A_530, %unpack3A_475 : vector<16xf32>
        %swap3A_532 = arith.constant 0 : i32
        %swap3A_533 = arith.constant 0 : i32
        %swap3A_534 = tpu.memref_slice %arg11[%scan3A_176, %swap3A_532, %swap3A_533] : memref<2x128x128xf32, #tpu.memory_space<vmem>> -> memref<1x128x128xf32, #tpu.memory_space<vmem>>
        %swap3A_535 = tpu.memref_squeeze %swap3A_534 : memref<1x128x128xf32, #tpu.memory_space<vmem>> -> memref<128x128xf32, #tpu.memory_space<vmem>>
        %swap3A_536 = arith.index_cast %add3A_387 : i32 to index
        %swap3A_537 = arith.constant 64 : index
        %swap3A_538 = tpu.vector_load %swap3A_535[%swap3A_536, %swap3A_537] {strides = array<i32>} : memref<128x128xf32, #tpu.memory_space<vmem>>, vector<16xf32>,
        tpu.vector_store %swap3A_535[%swap3A_536, %swap3A_537], %add3A_531 {strides = array<i32>} : memref<128x128xf32, #tpu.memory_space<vmem>>, vector<16xf32>,
        %mul3A_539 = arith.mulf %get3A_431, %unpack3A_480 : vector<16xf32>
        %add3A_540 = arith.addf %mul3A_539, %unpack3A_481 : vector<16xf32>
        %swap3A_541 = arith.constant 0 : i32
        %swap3A_542 = arith.constant 0 : i32
        %swap3A_543 = tpu.memref_slice %arg11[%scan3A_176, %swap3A_541, %swap3A_542] : memref<2x128x128xf32, #tpu.memory_space<vmem>> -> memref<1x128x128xf32, #tpu.memory_space<vmem>>
        %swap3A_544 = tpu.memref_squeeze %swap3A_543 : memref<1x128x128xf32, #tpu.memory_space<vmem>> -> memref<128x128xf32, #tpu.memory_space<vmem>>
        %swap3A_545 = arith.index_cast %add3A_387 : i32 to index
        %swap3A_546 = arith.constant 80 : index
        %swap3A_547 = tpu.vector_load %swap3A_544[%swap3A_545, %swap3A_546] {strides = array<i32>} : memref<128x128xf32, #tpu.memory_space<vmem>>, vector<16xf32>,
        tpu.vector_store %swap3A_544[%swap3A_545, %swap3A_546], %add3A_540 {strides = array<i32>} : memref<128x128xf32, #tpu.memory_space<vmem>>, vector<16xf32>,
        %mul3A_548 = arith.mulf %get3A_438, %unpack3A_486 : vector<16xf32>
        %add3A_549 = arith.addf %mul3A_548, %unpack3A_487 : vector<16xf32>
        %swap3A_550 = arith.constant 0 : i32
        %swap3A_551 = arith.constant 0 : i32
        %swap3A_552 = tpu.memref_slice %arg11[%scan3A_176, %swap3A_550, %swap3A_551] : memref<2x128x128xf32, #tpu.memory_space<vmem>> -> memref<1x128x128xf32, #tpu.memory_space<vmem>>
        %swap3A_553 = tpu.memref_squeeze %swap3A_552 : memref<1x128x128xf32, #tpu.memory_space<vmem>> -> memref<128x128xf32, #tpu.memory_space<vmem>>
        %swap3A_554 = arith.index_cast %add3A_387 : i32 to index
        %swap3A_555 = arith.constant 96 : index
        %swap3A_556 = tpu.vector_load %swap3A_553[%swap3A_554, %swap3A_555] {strides = array<i32>} : memref<128x128xf32, #tpu.memory_space<vmem>>, vector<16xf32>,
        tpu.vector_store %swap3A_553[%swap3A_554, %swap3A_555], %add3A_549 {strides = array<i32>} : memref<128x128xf32, #tpu.memory_space<vmem>>, vector<16xf32>,
        %mul3A_557 = arith.mulf %get3A_445, %unpack3A_492 : vector<16xf32>
        %add3A_558 = arith.addf %mul3A_557, %unpack3A_493 : vector<16xf32>
        %swap3A_559 = arith.constant 0 : i32
        %swap3A_560 = arith.constant 0 : i32
        %swap3A_561 = tpu.memref_slice %arg11[%scan3A_176, %swap3A_559, %swap3A_560] : memref<2x128x128xf32, #tpu.memory_space<vmem>> -> memref<1x128x128xf32, #tpu.memory_space<vmem>>
        %swap3A_562 = tpu.memref_squeeze %swap3A_561 : memref<1x128x128xf32, #tpu.memory_space<vmem>> -> memref<128x128xf32, #tpu.memory_space<vmem>>
        %swap3A_563 = arith.index_cast %add3A_387 : i32 to index
        %swap3A_564 = arith.constant 112 : index
        %swap3A_565 = tpu.vector_load %swap3A_562[%swap3A_563, %swap3A_564] {strides = array<i32>} : memref<128x128xf32, #tpu.memory_space<vmem>>, vector<16xf32>,
        tpu.vector_store %swap3A_562[%swap3A_563, %swap3A_564], %add3A_558 {strides = array<i32>} : memref<128x128xf32, #tpu.memory_space<vmem>>, vector<16xf32>,
        %mul3A_566 = arith.constant 8 : i32
        %mul3A_567 = arith.muli %scan3A_203, %mul3A_566 : i32
        %add3A_568 = arith.constant 2 : i32
        %add3A_569 = arith.addi %mul3A_567, %add3A_568 : i32
        %slice3A_570 = vector.extract_strided_slice %get3A_206 {offsets = [2], sizes = [1], strides = [1]} : vector<16xi32> to vector<1xi32>
        %squeeze3A_571 = vector.extract %slice3A_570[0] : i32 from vector<1xi32>
        %get3A_572 = arith.constant 0 : i32
        %get3A_573 = arith.constant 0 : i32
        %get3A_574 = tpu.memref_slice %arg10[%scan3A_175, %get3A_572, %get3A_573] : memref<2x128x128xf32, #tpu.memory_space<vmem>> -> memref<1x128x128xf32, #tpu.memory_space<vmem>>
        %get3A_575 = tpu.memref_squeeze %get3A_574 : memref<1x128x128xf32, #tpu.memory_space<vmem>> -> memref<128x128xf32, #tpu.memory_space<vmem>>
        %get3A_576 = arith.index_cast %add3A_569 : i32 to index
        %get3A_577 = arith.constant 0 : index
        %get3A_578 = tpu.vector_load %get3A_575[%get3A_576, %get3A_577] {strides = array<i32>} : memref<128x128xf32, #tpu.memory_space<vmem>>, vector<16xf32>,
        %get3A_579 = arith.constant 0 : i32
        %get3A_580 = arith.constant 0 : i32
        %get3A_581 = tpu.memref_slice %arg10[%scan3A_175, %get3A_579, %get3A_580] : memref<2x128x128xf32, #tpu.memory_space<vmem>> -> memref<1x128x128xf32, #tpu.memory_space<vmem>>
        %get3A_582 = tpu.memref_squeeze %get3A_581 : memref<1x128x128xf32, #tpu.memory_space<vmem>> -> memref<128x128xf32, #tpu.memory_space<vmem>>
        %get3A_583 = arith.index_cast %add3A_569 : i32 to index
        %get3A_584 = arith.constant 16 : index
        %get3A_585 = tpu.vector_load %get3A_582[%get3A_583, %get3A_584] {strides = array<i32>} : memref<128x128xf32, #tpu.memory_space<vmem>>, vector<16xf32>,
        %get3A_586 = arith.constant 0 : i32
        %get3A_587 = arith.constant 0 : i32
        %get3A_588 = tpu.memref_slice %arg10[%scan3A_175, %get3A_586, %get3A_587] : memref<2x128x128xf32, #tpu.memory_space<vmem>> -> memref<1x128x128xf32, #tpu.memory_space<vmem>>
        %get3A_589 = tpu.memref_squeeze %get3A_588 : memref<1x128x128xf32, #tpu.memory_space<vmem>> -> memref<128x128xf32, #tpu.memory_space<vmem>>
        %get3A_590 = arith.index_cast %add3A_569 : i32 to index
        %get3A_591 = arith.constant 32 : index
        %get3A_592 = tpu.vector_load %get3A_589[%get3A_590, %get3A_591] {strides = array<i32>} : memref<128x128xf32, #tpu.memory_space<vmem>>, vector<16xf32>,
        %get3A_593 = arith.constant 0 : i32
        %get3A_594 = arith.constant 0 : i32
        %get3A_595 = tpu.memref_slice %arg10[%scan3A_175, %get3A_593, %get3A_594] : memref<2x128x128xf32, #tpu.memory_space<vmem>> -> memref<1x128x128xf32, #tpu.memory_space<vmem>>
        %get3A_596 = tpu.memref_squeeze %get3A_595 : memref<1x128x128xf32, #tpu.memory_space<vmem>> -> memref<128x128xf32, #tpu.memory_space<vmem>>
        %get3A_597 = arith.index_cast %add3A_569 : i32 to index
        %get3A_598 = arith.constant 48 : index
        %get3A_599 = tpu.vector_load %get3A_596[%get3A_597, %get3A_598] {strides = array<i32>} : memref<128x128xf32, #tpu.memory_space<vmem>>, vector<16xf32>,
        %get3A_600 = arith.constant 0 : i32
        %get3A_601 = arith.constant 0 : i32
        %get3A_602 = tpu.memref_slice %arg10[%scan3A_175, %get3A_600, %get3A_601] : memref<2x128x128xf32, #tpu.memory_space<vmem>> -> memref<1x128x128xf32, #tpu.memory_space<vmem>>
        %get3A_603 = tpu.memref_squeeze %get3A_602 : memref<1x128x128xf32, #tpu.memory_space<vmem>> -> memref<128x128xf32, #tpu.memory_space<vmem>>
        %get3A_604 = arith.index_cast %add3A_569 : i32 to index
        %get3A_605 = arith.constant 64 : index
        %get3A_606 = tpu.vector_load %get3A_603[%get3A_604, %get3A_605] {strides = array<i32>} : memref<128x128xf32, #tpu.memory_space<vmem>>, vector<16xf32>,
        %get3A_607 = arith.constant 0 : i32
        %get3A_608 = arith.constant 0 : i32
        %get3A_609 = tpu.memref_slice %arg10[%scan3A_175, %get3A_607, %get3A_608] : memref<2x128x128xf32, #tpu.memory_space<vmem>> -> memref<1x128x128xf32, #tpu.memory_space<vmem>>
        %get3A_610 = tpu.memref_squeeze %get3A_609 : memref<1x128x128xf32, #tpu.memory_space<vmem>> -> memref<128x128xf32, #tpu.memory_space<vmem>>
        %get3A_611 = arith.index_cast %add3A_569 : i32 to index
        %get3A_612 = arith.constant 80 : index
        %get3A_613 = tpu.vector_load %get3A_610[%get3A_611, %get3A_612] {strides = array<i32>} : memref<128x128xf32, #tpu.memory_space<vmem>>, vector<16xf32>,
        %get3A_614 = arith.constant 0 : i32
        %get3A_615 = arith.constant 0 : i32
        %get3A_616 = tpu.memref_slice %arg10[%scan3A_175, %get3A_614, %get3A_615] : memref<2x128x128xf32, #tpu.memory_space<vmem>> -> memref<1x128x128xf32, #tpu.memory_space<vmem>>
        %get3A_617 = tpu.memref_squeeze %get3A_616 : memref<1x128x128xf32, #tpu.memory_space<vmem>> -> memref<128x128xf32, #tpu.memory_space<vmem>>
        %get3A_618 = arith.index_cast %add3A_569 : i32 to index
        %get3A_619 = arith.constant 96 : index
        %get3A_620 = tpu.vector_load %get3A_617[%get3A_618, %get3A_619] {strides = array<i32>} : memref<128x128xf32, #tpu.memory_space<vmem>>, vector<16xf32>,
        %get3A_621 = arith.constant 0 : i32
        %get3A_622 = arith.constant 0 : i32
        %get3A_623 = tpu.memref_slice %arg10[%scan3A_175, %get3A_621, %get3A_622] : memref<2x128x128xf32, #tpu.memory_space<vmem>> -> memref<1x128x128xf32, #tpu.memory_space<vmem>>
        %get3A_624 = tpu.memref_squeeze %get3A_623 : memref<1x128x128xf32, #tpu.memory_space<vmem>> -> memref<128x128xf32, #tpu.memory_space<vmem>>
        %get3A_625 = arith.index_cast %add3A_569 : i32 to index
        %get3A_626 = arith.constant 112 : index
        %get3A_627 = tpu.vector_load %get3A_624[%get3A_625, %get3A_626] {strides = array<i32>} : memref<128x128xf32, #tpu.memory_space<vmem>>, vector<16xf32>,
        %get3A_628 = arith.index_cast %squeeze3A_571 : i32 to index
        %get3A_629 = arith.constant 0 : index
        %get3A_630 = tpu.vector_load %arg9[%get3A_628, %get3A_629] {strides = array<i32>} : memref<8x128xi32, #tpu.memory_space<vmem>>, vector<16xi32>,
        %bitcast3A_631 = vector.bitcast %get3A_630 : vector<16xi32> to vector<32xbf16>
        %unpack3A_632 = tpu.unpack_subelements %bitcast3A_631, 0 {pack_format = #tpu.pack_format<interleaved>} : vector<32xbf16> -> vector<16xf32>
        %unpack3A_633 = tpu.unpack_subelements %bitcast3A_631, 1 {pack_format = #tpu.pack_format<interleaved>} : vector<32xbf16> -> vector<16xf32>
        %get3A_634 = arith.index_cast %squeeze3A_571 : i32 to index
        %get3A_635 = arith.constant 16 : index
        %get3A_636 = tpu.vector_load %arg9[%get3A_634, %get3A_635] {strides = array<i32>} : memref<8x128xi32, #tpu.memory_space<vmem>>, vector<16xi32>,
        %bitcast3A_637 = vector.bitcast %get3A_636 : vector<16xi32> to vector<32xbf16>
        %unpack3A_638 = tpu.unpack_subelements %bitcast3A_637, 0 {pack_format = #tpu.pack_format<interleaved>} : vector<32xbf16> -> vector<16xf32>
        %unpack3A_639 = tpu.unpack_subelements %bitcast3A_637, 1 {pack_format = #tpu.pack_format<interleaved>} : vector<32xbf16> -> vector<16xf32>
        %get3A_640 = arith.index_cast %squeeze3A_571 : i32 to index
        %get3A_641 = arith.constant 32 : index
        %get3A_642 = tpu.vector_load %arg9[%get3A_640, %get3A_641] {strides = array<i32>} : memref<8x128xi32, #tpu.memory_space<vmem>>, vector<16xi32>,
        %bitcast3A_643 = vector.bitcast %get3A_642 : vector<16xi32> to vector<32xbf16>
        %unpack3A_644 = tpu.unpack_subelements %bitcast3A_643, 0 {pack_format = #tpu.pack_format<interleaved>} : vector<32xbf16> -> vector<16xf32>
        %unpack3A_645 = tpu.unpack_subelements %bitcast3A_643, 1 {pack_format = #tpu.pack_format<interleaved>} : vector<32xbf16> -> vector<16xf32>
        %get3A_646 = arith.index_cast %squeeze3A_571 : i32 to index
        %get3A_647 = arith.constant 48 : index
        %get3A_648 = tpu.vector_load %arg9[%get3A_646, %get3A_647] {strides = array<i32>} : memref<8x128xi32, #tpu.memory_space<vmem>>, vector<16xi32>,
        %bitcast3A_649 = vector.bitcast %get3A_648 : vector<16xi32> to vector<32xbf16>
        %unpack3A_650 = tpu.unpack_subelements %bitcast3A_649, 0 {pack_format = #tpu.pack_format<interleaved>} : vector<32xbf16> -> vector<16xf32>
        %unpack3A_651 = tpu.unpack_subelements %bitcast3A_649, 1 {pack_format = #tpu.pack_format<interleaved>} : vector<32xbf16> -> vector<16xf32>
        %get3A_652 = arith.index_cast %squeeze3A_571 : i32 to index
        %get3A_653 = arith.constant 64 : index
        %get3A_654 = tpu.vector_load %arg9[%get3A_652, %get3A_653] {strides = array<i32>} : memref<8x128xi32, #tpu.memory_space<vmem>>, vector<16xi32>,
        %bitcast3A_655 = vector.bitcast %get3A_654 : vector<16xi32> to vector<32xbf16>
        %unpack3A_656 = tpu.unpack_subelements %bitcast3A_655, 0 {pack_format = #tpu.pack_format<interleaved>} : vector<32xbf16> -> vector<16xf32>
        %unpack3A_657 = tpu.unpack_subelements %bitcast3A_655, 1 {pack_format = #tpu.pack_format<interleaved>} : vector<32xbf16> -> vector<16xf32>
        %get3A_658 = arith.index_cast %squeeze3A_571 : i32 to index
        %get3A_659 = arith.constant 80 : index
        %get3A_660 = tpu.vector_load %arg9[%get3A_658, %get3A_659] {strides = array<i32>} : memref<8x128xi32, #tpu.memory_space<vmem>>, vector<16xi32>,
        %bitcast3A_661 = vector.bitcast %get3A_660 : vector<16xi32> to vector<32xbf16>
        %unpack3A_662 = tpu.unpack_subelements %bitcast3A_661, 0 {pack_format = #tpu.pack_format<interleaved>} : vector<32xbf16> -> vector<16xf32>
        %unpack3A_663 = tpu.unpack_subelements %bitcast3A_661, 1 {pack_format = #tpu.pack_format<interleaved>} : vector<32xbf16> -> vector<16xf32>
        %get3A_664 = arith.index_cast %squeeze3A_571 : i32 to index
        %get3A_665 = arith.constant 96 : index
        %get3A_666 = tpu.vector_load %arg9[%get3A_664, %get3A_665] {strides = array<i32>} : memref<8x128xi32, #tpu.memory_space<vmem>>, vector<16xi32>,
        %bitcast3A_667 = vector.bitcast %get3A_666 : vector<16xi32> to vector<32xbf16>
        %unpack3A_668 = tpu.unpack_subelements %bitcast3A_667, 0 {pack_format = #tpu.pack_format<interleaved>} : vector<32xbf16> -> vector<16xf32>
        %unpack3A_669 = tpu.unpack_subelements %bitcast3A_667, 1 {pack_format = #tpu.pack_format<interleaved>} : vector<32xbf16> -> vector<16xf32>
        %get3A_670 = arith.index_cast %squeeze3A_571 : i32 to index
        %get3A_671 = arith.constant 112 : index
        %get3A_672 = tpu.vector_load %arg9[%get3A_670, %get3A_671] {strides = array<i32>} : memref<8x128xi32, #tpu.memory_space<vmem>>, vector<16xi32>,
        %bitcast3A_673 = vector.bitcast %get3A_672 : vector<16xi32> to vector<32xbf16>
        %unpack3A_674 = tpu.unpack_subelements %bitcast3A_673, 0 {pack_format = #tpu.pack_format<interleaved>} : vector<32xbf16> -> vector<16xf32>
        %unpack3A_675 = tpu.unpack_subelements %bitcast3A_673, 1 {pack_format = #tpu.pack_format<interleaved>} : vector<32xbf16> -> vector<16xf32>
        %mul3A_676 = arith.mulf %get3A_578, %unpack3A_632 : vector<16xf32>
        %add3A_677 = arith.addf %mul3A_676, %unpack3A_633 : vector<16xf32>
        %swap3A_678 = arith.constant 0 : i32
        %swap3A_679 = arith.constant 0 : i32
        %swap3A_680 = tpu.memref_slice %arg11[%scan3A_176, %swap3A_678, %swap3A_679] : memref<2x128x128xf32, #tpu.memory_space<vmem>> -> memref<1x128x128xf32, #tpu.memory_space<vmem>>
        %swap3A_681 = tpu.memref_squeeze %swap3A_680 : memref<1x128x128xf32, #tpu.memory_space<vmem>> -> memref<128x128xf32, #tpu.memory_space<vmem>>
        %swap3A_682 = arith.index_cast %add3A_569 : i32 to index
        %swap3A_683 = arith.constant 0 : index
        %swap3A_684 = tpu.vector_load %swap3A_681[%swap3A_682, %swap3A_683] {strides = array<i32>} : memref<128x128xf32, #tpu.memory_space<vmem>>, vector<16xf32>,
        tpu.vector_store %swap3A_681[%swap3A_682, %swap3A_683], %add3A_677 {strides = array<i32>} : memref<128x128xf32, #tpu.memory_space<vmem>>, vector<16xf32>,
        %mul3A_685 = arith.mulf %get3A_585, %unpack3A_638 : vector<16xf32>
        %add3A_686 = arith.addf %mul3A_685, %unpack3A_639 : vector<16xf32>
        %swap3A_687 = arith.constant 0 : i32
        %swap3A_688 = arith.constant 0 : i32
        %swap3A_689 = tpu.memref_slice %arg11[%scan3A_176, %swap3A_687, %swap3A_688] : memref<2x128x128xf32, #tpu.memory_space<vmem>> -> memref<1x128x128xf32, #tpu.memory_space<vmem>>
        %swap3A_690 = tpu.memref_squeeze %swap3A_689 : memref<1x128x128xf32, #tpu.memory_space<vmem>> -> memref<128x128xf32, #tpu.memory_space<vmem>>
        %swap3A_691 = arith.index_cast %add3A_569 : i32 to index
        %swap3A_692 = arith.constant 16 : index
        %swap3A_693 = tpu.vector_load %swap3A_690[%swap3A_691, %swap3A_692] {strides = array<i32>} : memref<128x128xf32, #tpu.memory_space<vmem>>, vector<16xf32>,
        tpu.vector_store %swap3A_690[%swap3A_691, %swap3A_692], %add3A_686 {strides = array<i32>} : memref<128x128xf32, #tpu.memory_space<vmem>>, vector<16xf32>,
        %mul3A_694 = arith.mulf %get3A_592, %unpack3A_644 : vector<16xf32>
        %add3A_695 = arith.addf %mul3A_694, %unpack3A_645 : vector<16xf32>
        %swap3A_696 = arith.constant 0 : i32
        %swap3A_697 = arith.constant 0 : i32
        %swap3A_698 = tpu.memref_slice %arg11[%scan3A_176, %swap3A_696, %swap3A_697] : memref<2x128x128xf32, #tpu.memory_space<vmem>> -> memref<1x128x128xf32, #tpu.memory_space<vmem>>
        %swap3A_699 = tpu.memref_squeeze %swap3A_698 : memref<1x128x128xf32, #tpu.memory_space<vmem>> -> memref<128x128xf32, #tpu.memory_space<vmem>>
        %swap3A_700 = arith.index_cast %add3A_569 : i32 to index
        %swap3A_701 = arith.constant 32 : index
        %swap3A_702 = tpu.vector_load %swap3A_699[%swap3A_700, %swap3A_701] {strides = array<i32>} : memref<128x128xf32, #tpu.memory_space<vmem>>, vector<16xf32>,
        tpu.vector_store %swap3A_699[%swap3A_700, %swap3A_701], %add3A_695 {strides = array<i32>} : memref<128x128xf32, #tpu.memory_space<vmem>>, vector<16xf32>,
        %mul3A_703 = arith.mulf %get3A_599, %unpack3A_650 : vector<16xf32>
        %add3A_704 = arith.addf %mul3A_703, %unpack3A_651 : vector<16xf32>
        %swap3A_705 = arith.constant 0 : i32
        %swap3A_706 = arith.constant 0 : i32
        %swap3A_707 = tpu.memref_slice %arg11[%scan3A_176, %swap3A_705, %swap3A_706] : memref<2x128x128xf32, #tpu.memory_space<vmem>> -> memref<1x128x128xf32, #tpu.memory_space<vmem>>
        %swap3A_708 = tpu.memref_squeeze %swap3A_707 : memref<1x128x128xf32, #tpu.memory_space<vmem>> -> memref<128x128xf32, #tpu.memory_space<vmem>>
        %swap3A_709 = arith.index_cast %add3A_569 : i32 to index
        %swap3A_710 = arith.constant 48 : index
        %swap3A_711 = tpu.vector_load %swap3A_708[%swap3A_709, %swap3A_710] {strides = array<i32>} : memref<128x128xf32, #tpu.memory_space<vmem>>, vector<16xf32>,
        tpu.vector_store %swap3A_708[%swap3A_709, %swap3A_710], %add3A_704 {strides = array<i32>} : memref<128x128xf32, #tpu.memory_space<vmem>>, vector<16xf32>,
        %mul3A_712 = arith.mulf %get3A_606, %unpack3A_656 : vector<16xf32>
        %add3A_713 = arith.addf %mul3A_712, %unpack3A_657 : vector<16xf32>
        %swap3A_714 = arith.constant 0 : i32
        %swap3A_715 = arith.constant 0 : i32
        %swap3A_716 = tpu.memref_slice %arg11[%scan3A_176, %swap3A_714, %swap3A_715] : memref<2x128x128xf32, #tpu.memory_space<vmem>> -> memref<1x128x128xf32, #tpu.memory_space<vmem>>
        %swap3A_717 = tpu.memref_squeeze %swap3A_716 : memref<1x128x128xf32, #tpu.memory_space<vmem>> -> memref<128x128xf32, #tpu.memory_space<vmem>>
        %swap3A_718 = arith.index_cast %add3A_569 : i32 to index
        %swap3A_719 = arith.constant 64 : index
        %swap3A_720 = tpu.vector_load %swap3A_717[%swap3A_718, %swap3A_719] {strides = array<i32>} : memref<128x128xf32, #tpu.memory_space<vmem>>, vector<16xf32>,
        tpu.vector_store %swap3A_717[%swap3A_718, %swap3A_719], %add3A_713 {strides = array<i32>} : memref<128x128xf32, #tpu.memory_space<vmem>>, vector<16xf32>,
        %mul3A_721 = arith.mulf %get3A_613, %unpack3A_662 : vector<16xf32>
        %add3A_722 = arith.addf %mul3A_721, %unpack3A_663 : vector<16xf32>
        %swap3A_723 = arith.constant 0 : i32
        %swap3A_724 = arith.constant 0 : i32
        %swap3A_725 = tpu.memref_slice %arg11[%scan3A_176, %swap3A_723, %swap3A_724] : memref<2x128x128xf32, #tpu.memory_space<vmem>> -> memref<1x128x128xf32, #tpu.memory_space<vmem>>
        %swap3A_726 = tpu.memref_squeeze %swap3A_725 : memref<1x128x128xf32, #tpu.memory_space<vmem>> -> memref<128x128xf32, #tpu.memory_space<vmem>>
        %swap3A_727 = arith.index_cast %add3A_569 : i32 to index
        %swap3A_728 = arith.constant 80 : index
        %swap3A_729 = tpu.vector_load %swap3A_726[%swap3A_727, %swap3A_728] {strides = array<i32>} : memref<128x128xf32, #tpu.memory_space<vmem>>, vector<16xf32>,
        tpu.vector_store %swap3A_726[%swap3A_727, %swap3A_728], %add3A_722 {strides = array<i32>} : memref<128x128xf32, #tpu.memory_space<vmem>>, vector<16xf32>,
        %mul3A_730 = arith.mulf %get3A_620, %unpack3A_668 : vector<16xf32>
        %add3A_731 = arith.addf %mul3A_730, %unpack3A_669 : vector<16xf32>
        %swap3A_732 = arith.constant 0 : i32
        %swap3A_733 = arith.constant 0 : i32
        %swap3A_734 = tpu.memref_slice %arg11[%scan3A_176, %swap3A_732, %swap3A_733] : memref<2x128x128xf32, #tpu.memory_space<vmem>> -> memref<1x128x128xf32, #tpu.memory_space<vmem>>
        %swap3A_735 = tpu.memref_squeeze %swap3A_734 : memref<1x128x128xf32, #tpu.memory_space<vmem>> -> memref<128x128xf32, #tpu.memory_space<vmem>>
        %swap3A_736 = arith.index_cast %add3A_569 : i32 to index
        %swap3A_737 = arith.constant 96 : index
        %swap3A_738 = tpu.vector_load %swap3A_735[%swap3A_736, %swap3A_737] {strides = array<i32>} : memref<128x128xf32, #tpu.memory_space<vmem>>, vector<16xf32>,
        tpu.vector_store %swap3A_735[%swap3A_736, %swap3A_737], %add3A_731 {strides = array<i32>} : memref<128x128xf32, #tpu.memory_space<vmem>>, vector<16xf32>,
        %mul3A_739 = arith.mulf %get3A_627, %unpack3A_674 : vector<16xf32>
        %add3A_740 = arith.addf %mul3A_739, %unpack3A_675 : vector<16xf32>
        %swap3A_741 = arith.constant 0 : i32
        %swap3A_742 = arith.constant 0 : i32
        %swap3A_743 = tpu.memref_slice %arg11[%scan3A_176, %swap3A_741, %swap3A_742] : memref<2x128x128xf32, #tpu.memory_space<vmem>> -> memref<1x128x128xf32, #tpu.memory_space<vmem>>
        %swap3A_744 = tpu.memref_squeeze %swap3A_743 : memref<1x128x128xf32, #tpu.memory_space<vmem>> -> memref<128x128xf32, #tpu.memory_space<vmem>>
        %swap3A_745 = arith.index_cast %add3A_569 : i32 to index
        %swap3A_746 = arith.constant 112 : index
        %swap3A_747 = tpu.vector_load %swap3A_744[%swap3A_745, %swap3A_746] {strides = array<i32>} : memref<128x128xf32, #tpu.memory_space<vmem>>, vector<16xf32>,
        tpu.vector_store %swap3A_744[%swap3A_745, %swap3A_746], %add3A_740 {strides = array<i32>} : memref<128x128xf32, #tpu.memory_space<vmem>>, vector<16xf32>,
        %mul3A_748 = arith.constant 8 : i32
        %mul3A_749 = arith.muli %scan3A_203, %mul3A_748 : i32
        %add3A_750 = arith.constant 3 : i32
        %add3A_751 = arith.addi %mul3A_749, %add3A_750 : i32
        %slice3A_752 = vector.extract_strided_slice %get3A_206 {offsets = [3], sizes = [1], strides = [1]} : vector<16xi32> to vector<1xi32>
        %squeeze3A_753 = vector.extract %slice3A_752[0] : i32 from vector<1xi32>
        %get3A_754 = arith.constant 0 : i32
        %get3A_755 = arith.constant 0 : i32
        %get3A_756 = tpu.memref_slice %arg10[%scan3A_175, %get3A_754, %get3A_755] : memref<2x128x128xf32, #tpu.memory_space<vmem>> -> memref<1x128x128xf32, #tpu.memory_space<vmem>>
        %get3A_757 = tpu.memref_squeeze %get3A_756 : memref<1x128x128xf32, #tpu.memory_space<vmem>> -> memref<128x128xf32, #tpu.memory_space<vmem>>
        %get3A_758 = arith.index_cast %add3A_751 : i32 to index
        %get3A_759 = arith.constant 0 : index
        %get3A_760 = tpu.vector_load %get3A_757[%get3A_758, %get3A_759] {strides = array<i32>} : memref<128x128xf32, #tpu.memory_space<vmem>>, vector<16xf32>,
        %get3A_761 = arith.constant 0 : i32
        %get3A_762 = arith.constant 0 : i32
        %get3A_763 = tpu.memref_slice %arg10[%scan3A_175, %get3A_761, %get3A_762] : memref<2x128x128xf32, #tpu.memory_space<vmem>> -> memref<1x128x128xf32, #tpu.memory_space<vmem>>
        %get3A_764 = tpu.memref_squeeze %get3A_763 : memref<1x128x128xf32, #tpu.memory_space<vmem>> -> memref<128x128xf32, #tpu.memory_space<vmem>>
        %get3A_765 = arith.index_cast %add3A_751 : i32 to index
        %get3A_766 = arith.constant 16 : index
        %get3A_767 = tpu.vector_load %get3A_764[%get3A_765, %get3A_766] {strides = array<i32>} : memref<128x128xf32, #tpu.memory_space<vmem>>, vector<16xf32>,
        %get3A_768 = arith.constant 0 : i32
        %get3A_769 = arith.constant 0 : i32
        %get3A_770 = tpu.memref_slice %arg10[%scan3A_175, %get3A_768, %get3A_769] : memref<2x128x128xf32, #tpu.memory_space<vmem>> -> memref<1x128x128xf32, #tpu.memory_space<vmem>>
        %get3A_771 = tpu.memref_squeeze %get3A_770 : memref<1x128x128xf32, #tpu.memory_space<vmem>> -> memref<128x128xf32, #tpu.memory_space<vmem>>
        %get3A_772 = arith.index_cast %add3A_751 : i32 to index
        %get3A_773 = arith.constant 32 : index
        %get3A_774 = tpu.vector_load %get3A_771[%get3A_772, %get3A_773] {strides = array<i32>} : memref<128x128xf32, #tpu.memory_space<vmem>>, vector<16xf32>,
        %get3A_775 = arith.constant 0 : i32
        %get3A_776 = arith.constant 0 : i32
        %get3A_777 = tpu.memref_slice %arg10[%scan3A_175, %get3A_775, %get3A_776] : memref<2x128x128xf32, #tpu.memory_space<vmem>> -> memref<1x128x128xf32, #tpu.memory_space<vmem>>
        %get3A_778 = tpu.memref_squeeze %get3A_777 : memref<1x128x128xf32, #tpu.memory_space<vmem>> -> memref<128x128xf32, #tpu.memory_space<vmem>>
        %get3A_779 = arith.index_cast %add3A_751 : i32 to index
        %get3A_780 = arith.constant 48 : index
        %get3A_781 = tpu.vector_load %get3A_778[%get3A_779, %get3A_780] {strides = array<i32>} : memref<128x128xf32, #tpu.memory_space<vmem>>, vector<16xf32>,
        %get3A_782 = arith.constant 0 : i32
        %get3A_783 = arith.constant 0 : i32
        %get3A_784 = tpu.memref_slice %arg10[%scan3A_175, %get3A_782, %get3A_783] : memref<2x128x128xf32, #tpu.memory_space<vmem>> -> memref<1x128x128xf32, #tpu.memory_space<vmem>>
        %get3A_785 = tpu.memref_squeeze %get3A_784 : memref<1x128x128xf32, #tpu.memory_space<vmem>> -> memref<128x128xf32, #tpu.memory_space<vmem>>
        %get3A_786 = arith.index_cast %add3A_751 : i32 to index
        %get3A_787 = arith.constant 64 : index
        %get3A_788 = tpu.vector_load %get3A_785[%get3A_786, %get3A_787] {strides = array<i32>} : memref<128x128xf32, #tpu.memory_space<vmem>>, vector<16xf32>,
        %get3A_789 = arith.constant 0 : i32
        %get3A_790 = arith.constant 0 : i32
        %get3A_791 = tpu.memref_slice %arg10[%scan3A_175, %get3A_789, %get3A_790] : memref<2x128x128xf32, #tpu.memory_space<vmem>> -> memref<1x128x128xf32, #tpu.memory_space<vmem>>
        %get3A_792 = tpu.memref_squeeze %get3A_791 : memref<1x128x128xf32, #tpu.memory_space<vmem>> -> memref<128x128xf32, #tpu.memory_space<vmem>>
        %get3A_793 = arith.index_cast %add3A_751 : i32 to index
        %get3A_794 = arith.constant 80 : index
        %get3A_795 = tpu.vector_load %get3A_792[%get3A_793, %get3A_794] {strides = array<i32>} : memref<128x128xf32, #tpu.memory_space<vmem>>, vector<16xf32>,
        %get3A_796 = arith.constant 0 : i32
        %get3A_797 = arith.constant 0 : i32
        %get3A_798 = tpu.memref_slice %arg10[%scan3A_175, %get3A_796, %get3A_797] : memref<2x128x128xf32, #tpu.memory_space<vmem>> -> memref<1x128x128xf32, #tpu.memory_space<vmem>>
        %get3A_799 = tpu.memref_squeeze %get3A_798 : memref<1x128x128xf32, #tpu.memory_space<vmem>> -> memref<128x128xf32, #tpu.memory_space<vmem>>
        %get3A_800 = arith.index_cast %add3A_751 : i32 to index
        %get3A_801 = arith.constant 96 : index
        %get3A_802 = tpu.vector_load %get3A_799[%get3A_800, %get3A_801] {strides = array<i32>} : memref<128x128xf32, #tpu.memory_space<vmem>>, vector<16xf32>,
        %get3A_803 = arith.constant 0 : i32
        %get3A_804 = arith.constant 0 : i32
        %get3A_805 = tpu.memref_slice %arg10[%scan3A_175, %get3A_803, %get3A_804] : memref<2x128x128xf32, #tpu.memory_space<vmem>> -> memref<1x128x128xf32, #tpu.memory_space<vmem>>
        %get3A_806 = tpu.memref_squeeze %get3A_805 : memref<1x128x128xf32, #tpu.memory_space<vmem>> -> memref<128x128xf32, #tpu.memory_space<vmem>>
        %get3A_807 = arith.index_cast %add3A_751 : i32 to index
        %get3A_808 = arith.constant 112 : index
        %get3A_809 = tpu.vector_load %get3A_806[%get3A_807, %get3A_808] {strides = array<i32>} : memref<128x128xf32, #tpu.memory_space<vmem>>, vector<16xf32>,
        %get3A_810 = arith.index_cast %squeeze3A_753 : i32 to index
        %get3A_811 = arith.constant 0 : index
        %get3A_812 = tpu.vector_load %arg9[%get3A_810, %get3A_811] {strides = array<i32>} : memref<8x128xi32, #tpu.memory_space<vmem>>, vector<16xi32>,
        %bitcast3A_813 = vector.bitcast %get3A_812 : vector<16xi32> to vector<32xbf16>
        %unpack3A_814 = tpu.unpack_subelements %bitcast3A_813, 0 {pack_format = #tpu.pack_format<interleaved>} : vector<32xbf16> -> vector<16xf32>
        %unpack3A_815 = tpu.unpack_subelements %bitcast3A_813, 1 {pack_format = #tpu.pack_format<interleaved>} : vector<32xbf16> -> vector<16xf32>
        %get3A_816 = arith.index_cast %squeeze3A_753 : i32 to index
        %get3A_817 = arith.constant 16 : index
        %get3A_818 = tpu.vector_load %arg9[%get3A_816, %get3A_817] {strides = array<i32>} : memref<8x128xi32, #tpu.memory_space<vmem>>, vector<16xi32>,
        %bitcast3A_819 = vector.bitcast %get3A_818 : vector<16xi32> to vector<32xbf16>
        %unpack3A_820 = tpu.unpack_subelements %bitcast3A_819, 0 {pack_format = #tpu.pack_format<interleaved>} : vector<32xbf16> -> vector<16xf32>
        %unpack3A_821 = tpu.unpack_subelements %bitcast3A_819, 1 {pack_format = #tpu.pack_format<interleaved>} : vector<32xbf16> -> vector<16xf32>
        %get3A_822 = arith.index_cast %squeeze3A_753 : i32 to index
        %get3A_823 = arith.constant 32 : index
        %get3A_824 = tpu.vector_load %arg9[%get3A_822, %get3A_823] {strides = array<i32>} : memref<8x128xi32, #tpu.memory_space<vmem>>, vector<16xi32>,
        %bitcast3A_825 = vector.bitcast %get3A_824 : vector<16xi32> to vector<32xbf16>
        %unpack3A_826 = tpu.unpack_subelements %bitcast3A_825, 0 {pack_format = #tpu.pack_format<interleaved>} : vector<32xbf16> -> vector<16xf32>
        %unpack3A_827 = tpu.unpack_subelements %bitcast3A_825, 1 {pack_format = #tpu.pack_format<interleaved>} : vector<32xbf16> -> vector<16xf32>
        %get3A_828 = arith.index_cast %squeeze3A_753 : i32 to index
        %get3A_829 = arith.constant 48 : index
        %get3A_830 = tpu.vector_load %arg9[%get3A_828, %get3A_829] {strides = array<i32>} : memref<8x128xi32, #tpu.memory_space<vmem>>, vector<16xi32>,
        %bitcast3A_831 = vector.bitcast %get3A_830 : vector<16xi32> to vector<32xbf16>
        %unpack3A_832 = tpu.unpack_subelements %bitcast3A_831, 0 {pack_format = #tpu.pack_format<interleaved>} : vector<32xbf16> -> vector<16xf32>
        %unpack3A_833 = tpu.unpack_subelements %bitcast3A_831, 1 {pack_format = #tpu.pack_format<interleaved>} : vector<32xbf16> -> vector<16xf32>
        %get3A_834 = arith.index_cast %squeeze3A_753 : i32 to index
        %get3A_835 = arith.constant 64 : index
        %get3A_836 = tpu.vector_load %arg9[%get3A_834, %get3A_835] {strides = array<i32>} : memref<8x128xi32, #tpu.memory_space<vmem>>, vector<16xi32>,
        %bitcast3A_837 = vector.bitcast %get3A_836 : vector<16xi32> to vector<32xbf16>
        %unpack3A_838 = tpu.unpack_subelements %bitcast3A_837, 0 {pack_format = #tpu.pack_format<interleaved>} : vector<32xbf16> -> vector<16xf32>
        %unpack3A_839 = tpu.unpack_subelements %bitcast3A_837, 1 {pack_format = #tpu.pack_format<interleaved>} : vector<32xbf16> -> vector<16xf32>
        %get3A_840 = arith.index_cast %squeeze3A_753 : i32 to index
        %get3A_841 = arith.constant 80 : index
        %get3A_842 = tpu.vector_load %arg9[%get3A_840, %get3A_841] {strides = array<i32>} : memref<8x128xi32, #tpu.memory_space<vmem>>, vector<16xi32>,
        %bitcast3A_843 = vector.bitcast %get3A_842 : vector<16xi32> to vector<32xbf16>
        %unpack3A_844 = tpu.unpack_subelements %bitcast3A_843, 0 {pack_format = #tpu.pack_format<interleaved>} : vector<32xbf16> -> vector<16xf32>
        %unpack3A_845 = tpu.unpack_subelements %bitcast3A_843, 1 {pack_format = #tpu.pack_format<interleaved>} : vector<32xbf16> -> vector<16xf32>
        %get3A_846 = arith.index_cast %squeeze3A_753 : i32 to index
        %get3A_847 = arith.constant 96 : index
        %get3A_848 = tpu.vector_load %arg9[%get3A_846, %get3A_847] {strides = array<i32>} : memref<8x128xi32, #tpu.memory_space<vmem>>, vector<16xi32>,
        %bitcast3A_849 = vector.bitcast %get3A_848 : vector<16xi32> to vector<32xbf16>
        %unpack3A_850 = tpu.unpack_subelements %bitcast3A_849, 0 {pack_format = #tpu.pack_format<interleaved>} : vector<32xbf16> -> vector<16xf32>
        %unpack3A_851 = tpu.unpack_subelements %bitcast3A_849, 1 {pack_format = #tpu.pack_format<interleaved>} : vector<32xbf16> -> vector<16xf32>
        %get3A_852 = arith.index_cast %squeeze3A_753 : i32 to index
        %get3A_853 = arith.constant 112 : index
        %get3A_854 = tpu.vector_load %arg9[%get3A_852, %get3A_853] {strides = array<i32>} : memref<8x128xi32, #tpu.memory_space<vmem>>, vector<16xi32>,
        %bitcast3A_855 = vector.bitcast %get3A_854 : vector<16xi32> to vector<32xbf16>
        %unpack3A_856 = tpu.unpack_subelements %bitcast3A_855, 0 {pack_format = #tpu.pack_format<interleaved>} : vector<32xbf16> -> vector<16xf32>
        %unpack3A_857 = tpu.unpack_subelements %bitcast3A_855, 1 {pack_format = #tpu.pack_format<interleaved>} : vector<32xbf16> -> vector<16xf32>
        %mul3A_858 = arith.mulf %get3A_760, %unpack3A_814 : vector<16xf32>
        %add3A_859 = arith.addf %mul3A_858, %unpack3A_815 : vector<16xf32>
        %swap3A_860 = arith.constant 0 : i32
        %swap3A_861 = arith.constant 0 : i32
        %swap3A_862 = tpu.memref_slice %arg11[%scan3A_176, %swap3A_860, %swap3A_861] : memref<2x128x128xf32, #tpu.memory_space<vmem>> -> memref<1x128x128xf32, #tpu.memory_space<vmem>>
        %swap3A_863 = tpu.memref_squeeze %swap3A_862 : memref<1x128x128xf32, #tpu.memory_space<vmem>> -> memref<128x128xf32, #tpu.memory_space<vmem>>
        %swap3A_864 = arith.index_cast %add3A_751 : i32 to index
        %swap3A_865 = arith.constant 0 : index
        %swap3A_866 = tpu.vector_load %swap3A_863[%swap3A_864, %swap3A_865] {strides = array<i32>} : memref<128x128xf32, #tpu.memory_space<vmem>>, vector<16xf32>,
        tpu.vector_store %swap3A_863[%swap3A_864, %swap3A_865], %add3A_859 {strides = array<i32>} : memref<128x128xf32, #tpu.memory_space<vmem>>, vector<16xf32>,
        %mul3A_867 = arith.mulf %get3A_767, %unpack3A_820 : vector<16xf32>
        %add3A_868 = arith.addf %mul3A_867, %unpack3A_821 : vector<16xf32>
        %swap3A_869 = arith.constant 0 : i32
        %swap3A_870 = arith.constant 0 : i32
        %swap3A_871 = tpu.memref_slice %arg11[%scan3A_176, %swap3A_869, %swap3A_870] : memref<2x128x128xf32, #tpu.memory_space<vmem>> -> memref<1x128x128xf32, #tpu.memory_space<vmem>>
        %swap3A_872 = tpu.memref_squeeze %swap3A_871 : memref<1x128x128xf32, #tpu.memory_space<vmem>> -> memref<128x128xf32, #tpu.memory_space<vmem>>
        %swap3A_873 = arith.index_cast %add3A_751 : i32 to index
        %swap3A_874 = arith.constant 16 : index
        %swap3A_875 = tpu.vector_load %swap3A_872[%swap3A_873, %swap3A_874] {strides = array<i32>} : memref<128x128xf32, #tpu.memory_space<vmem>>, vector<16xf32>,
        tpu.vector_store %swap3A_872[%swap3A_873, %swap3A_874], %add3A_868 {strides = array<i32>} : memref<128x128xf32, #tpu.memory_space<vmem>>, vector<16xf32>,
        %mul3A_876 = arith.mulf %get3A_774, %unpack3A_826 : vector<16xf32>
        %add3A_877 = arith.addf %mul3A_876, %unpack3A_827 : vector<16xf32>
        %swap3A_878 = arith.constant 0 : i32
        %swap3A_879 = arith.constant 0 : i32
        %swap3A_880 = tpu.memref_slice %arg11[%scan3A_176, %swap3A_878, %swap3A_879] : memref<2x128x128xf32, #tpu.memory_space<vmem>> -> memref<1x128x128xf32, #tpu.memory_space<vmem>>
        %swap3A_881 = tpu.memref_squeeze %swap3A_880 : memref<1x128x128xf32, #tpu.memory_space<vmem>> -> memref<128x128xf32, #tpu.memory_space<vmem>>
        %swap3A_882 = arith.index_cast %add3A_751 : i32 to index
        %swap3A_883 = arith.constant 32 : index
        %swap3A_884 = tpu.vector_load %swap3A_881[%swap3A_882, %swap3A_883] {strides = array<i32>} : memref<128x128xf32, #tpu.memory_space<vmem>>, vector<16xf32>,
        tpu.vector_store %swap3A_881[%swap3A_882, %swap3A_883], %add3A_877 {strides = array<i32>} : memref<128x128xf32, #tpu.memory_space<vmem>>, vector<16xf32>,
        %mul3A_885 = arith.mulf %get3A_781, %unpack3A_832 : vector<16xf32>
        %add3A_886 = arith.addf %mul3A_885, %unpack3A_833 : vector<16xf32>
        %swap3A_887 = arith.constant 0 : i32
        %swap3A_888 = arith.constant 0 : i32
        %swap3A_889 = tpu.memref_slice %arg11[%scan3A_176, %swap3A_887, %swap3A_888] : memref<2x128x128xf32, #tpu.memory_space<vmem>> -> memref<1x128x128xf32, #tpu.memory_space<vmem>>
        %swap3A_890 = tpu.memref_squeeze %swap3A_889 : memref<1x128x128xf32, #tpu.memory_space<vmem>> -> memref<128x128xf32, #tpu.memory_space<vmem>>
        %swap3A_891 = arith.index_cast %add3A_751 : i32 to index
        %swap3A_892 = arith.constant 48 : index
        %swap3A_893 = tpu.vector_load %swap3A_890[%swap3A_891, %swap3A_892] {strides = array<i32>} : memref<128x128xf32, #tpu.memory_space<vmem>>, vector<16xf32>,
        tpu.vector_store %swap3A_890[%swap3A_891, %swap3A_892], %add3A_886 {strides = array<i32>} : memref<128x128xf32, #tpu.memory_space<vmem>>, vector<16xf32>,
        %mul3A_894 = arith.mulf %get3A_788, %unpack3A_838 : vector<16xf32>
        %add3A_895 = arith.addf %mul3A_894, %unpack3A_839 : vector<16xf32>
        %swap3A_896 = arith.constant 0 : i32
        %swap3A_897 = arith.constant 0 : i32
        %swap3A_898 = tpu.memref_slice %arg11[%scan3A_176, %swap3A_896, %swap3A_897] : memref<2x128x128xf32, #tpu.memory_space<vmem>> -> memref<1x128x128xf32, #tpu.memory_space<vmem>>
        %swap3A_899 = tpu.memref_squeeze %swap3A_898 : memref<1x128x128xf32, #tpu.memory_space<vmem>> -> memref<128x128xf32, #tpu.memory_space<vmem>>
        %swap3A_900 = arith.index_cast %add3A_751 : i32 to index
        %swap3A_901 = arith.constant 64 : index
        %swap3A_902 = tpu.vector_load %swap3A_899[%swap3A_900, %swap3A_901] {strides = array<i32>} : memref<128x128xf32, #tpu.memory_space<vmem>>, vector<16xf32>,
        tpu.vector_store %swap3A_899[%swap3A_900, %swap3A_901], %add3A_895 {strides = array<i32>} : memref<128x128xf32, #tpu.memory_space<vmem>>, vector<16xf32>,
        %mul3A_903 = arith.mulf %get3A_795, %unpack3A_844 : vector<16xf32>
        %add3A_904 = arith.addf %mul3A_903, %unpack3A_845 : vector<16xf32>
        %swap3A_905 = arith.constant 0 : i32
        %swap3A_906 = arith.constant 0 : i32
        %swap3A_907 = tpu.memref_slice %arg11[%scan3A_176, %swap3A_905, %swap3A_906] : memref<2x128x128xf32, #tpu.memory_space<vmem>> -> memref<1x128x128xf32, #tpu.memory_space<vmem>>
        %swap3A_908 = tpu.memref_squeeze %swap3A_907 : memref<1x128x128xf32, #tpu.memory_space<vmem>> -> memref<128x128xf32, #tpu.memory_space<vmem>>
        %swap3A_909 = arith.index_cast %add3A_751 : i32 to index
        %swap3A_910 = arith.constant 80 : index
        %swap3A_911 = tpu.vector_load %swap3A_908[%swap3A_909, %swap3A_910] {strides = array<i32>} : memref<128x128xf32, #tpu.memory_space<vmem>>, vector<16xf32>,
        tpu.vector_store %swap3A_908[%swap3A_909, %swap3A_910], %add3A_904 {strides = array<i32>} : memref<128x128xf32, #tpu.memory_space<vmem>>, vector<16xf32>,
        %mul3A_912 = arith.mulf %get3A_802, %unpack3A_850 : vector<16xf32>
        %add3A_913 = arith.addf %mul3A_912, %unpack3A_851 : vector<16xf32>
        %swap3A_914 = arith.constant 0 : i32
        %swap3A_915 = arith.constant 0 : i32
        %swap3A_916 = tpu.memref_slice %arg11[%scan3A_176, %swap3A_914, %swap3A_915] : memref<2x128x128xf32, #tpu.memory_space<vmem>> -> memref<1x128x128xf32, #tpu.memory_space<vmem>>
        %swap3A_917 = tpu.memref_squeeze %swap3A_916 : memref<1x128x128xf32, #tpu.memory_space<vmem>> -> memref<128x128xf32, #tpu.memory_space<vmem>>
        %swap3A_918 = arith.index_cast %add3A_751 : i32 to index
        %swap3A_919 = arith.constant 96 : index
        %swap3A_920 = tpu.vector_load %swap3A_917[%swap3A_918, %swap3A_919] {strides = array<i32>} : memref<128x128xf32, #tpu.memory_space<vmem>>, vector<16xf32>,
        tpu.vector_store %swap3A_917[%swap3A_918, %swap3A_919], %add3A_913 {strides = array<i32>} : memref<128x128xf32, #tpu.memory_space<vmem>>, vector<16xf32>,
        %mul3A_921 = arith.mulf %get3A_809, %unpack3A_856 : vector<16xf32>
        %add3A_922 = arith.addf %mul3A_921, %unpack3A_857 : vector<16xf32>
        %swap3A_923 = arith.constant 0 : i32
        %swap3A_924 = arith.constant 0 : i32
        %swap3A_925 = tpu.memref_slice %arg11[%scan3A_176, %swap3A_923, %swap3A_924] : memref<2x128x128xf32, #tpu.memory_space<vmem>> -> memref<1x128x128xf32, #tpu.memory_space<vmem>>
        %swap3A_926 = tpu.memref_squeeze %swap3A_925 : memref<1x128x128xf32, #tpu.memory_space<vmem>> -> memref<128x128xf32, #tpu.memory_space<vmem>>
        %swap3A_927 = arith.index_cast %add3A_751 : i32 to index
        %swap3A_928 = arith.constant 112 : index
        %swap3A_929 = tpu.vector_load %swap3A_926[%swap3A_927, %swap3A_928] {strides = array<i32>} : memref<128x128xf32, #tpu.memory_space<vmem>>, vector<16xf32>,
        tpu.vector_store %swap3A_926[%swap3A_927, %swap3A_928], %add3A_922 {strides = array<i32>} : memref<128x128xf32, #tpu.memory_space<vmem>>, vector<16xf32>,
        %mul3A_930 = arith.constant 8 : i32
        %mul3A_931 = arith.muli %scan3A_203, %mul3A_930 : i32
        %add3A_932 = arith.constant 4 : i32
        %add3A_933 = arith.addi %mul3A_931, %add3A_932 : i32
        %slice3A_934 = vector.extract_strided_slice %get3A_206 {offsets = [4], sizes = [1], strides = [1]} : vector<16xi32> to vector<1xi32>
        %squeeze3A_935 = vector.extract %slice3A_934[0] : i32 from vector<1xi32>
        %get3A_936 = arith.constant 0 : i32
        %get3A_937 = arith.constant 0 : i32
        %get3A_938 = tpu.memref_slice %arg10[%scan3A_175, %get3A_936, %get3A_937] : memref<2x128x128xf32, #tpu.memory_space<vmem>> -> memref<1x128x128xf32, #tpu.memory_space<vmem>>
        %get3A_939 = tpu.memref_squeeze %get3A_938 : memref<1x128x128xf32, #tpu.memory_space<vmem>> -> memref<128x128xf32, #tpu.memory_space<vmem>>
        %get3A_940 = arith.index_cast %add3A_933 : i32 to index
        %get3A_941 = arith.constant 0 : index
        %get3A_942 = tpu.vector_load %get3A_939[%get3A_940, %get3A_941] {strides = array<i32>} : memref<128x128xf32, #tpu.memory_space<vmem>>, vector<16xf32>,
        %get3A_943 = arith.constant 0 : i32
        %get3A_944 = arith.constant 0 : i32
        %get3A_945 = tpu.memref_slice %arg10[%scan3A_175, %get3A_943, %get3A_944] : memref<2x128x128xf32, #tpu.memory_space<vmem>> -> memref<1x128x128xf32, #tpu.memory_space<vmem>>
        %get3A_946 = tpu.memref_squeeze %get3A_945 : memref<1x128x128xf32, #tpu.memory_space<vmem>> -> memref<128x128xf32, #tpu.memory_space<vmem>>
        %get3A_947 = arith.index_cast %add3A_933 : i32 to index
        %get3A_948 = arith.constant 16 : index
        %get3A_949 = tpu.vector_load %get3A_946[%get3A_947, %get3A_948] {strides = array<i32>} : memref<128x128xf32, #tpu.memory_space<vmem>>, vector<16xf32>,
        %get3A_950 = arith.constant 0 : i32
        %get3A_951 = arith.constant 0 : i32
        %get3A_952 = tpu.memref_slice %arg10[%scan3A_175, %get3A_950, %get3A_951] : memref<2x128x128xf32, #tpu.memory_space<vmem>> -> memref<1x128x128xf32, #tpu.memory_space<vmem>>
        %get3A_953 = tpu.memref_squeeze %get3A_952 : memref<1x128x128xf32, #tpu.memory_space<vmem>> -> memref<128x128xf32, #tpu.memory_space<vmem>>
        %get3A_954 = arith.index_cast %add3A_933 : i32 to index
        %get3A_955 = arith.constant 32 : index
        %get3A_956 = tpu.vector_load %get3A_953[%get3A_954, %get3A_955] {strides = array<i32>} : memref<128x128xf32, #tpu.memory_space<vmem>>, vector<16xf32>,
        %get3A_957 = arith.constant 0 : i32
        %get3A_958 = arith.constant 0 : i32
        %get3A_959 = tpu.memref_slice %arg10[%scan3A_175, %get3A_957, %get3A_958] : memref<2x128x128xf32, #tpu.memory_space<vmem>> -> memref<1x128x128xf32, #tpu.memory_space<vmem>>
        %get3A_960 = tpu.memref_squeeze %get3A_959 : memref<1x128x128xf32, #tpu.memory_space<vmem>> -> memref<128x128xf32, #tpu.memory_space<vmem>>
        %get3A_961 = arith.index_cast %add3A_933 : i32 to index
        %get3A_962 = arith.constant 48 : index
        %get3A_963 = tpu.vector_load %get3A_960[%get3A_961, %get3A_962] {strides = array<i32>} : memref<128x128xf32, #tpu.memory_space<vmem>>, vector<16xf32>,
        %get3A_964 = arith.constant 0 : i32
        %get3A_965 = arith.constant 0 : i32
        %get3A_966 = tpu.memref_slice %arg10[%scan3A_175, %get3A_964, %get3A_965] : memref<2x128x128xf32, #tpu.memory_space<vmem>> -> memref<1x128x128xf32, #tpu.memory_space<vmem>>
        %get3A_967 = tpu.memref_squeeze %get3A_966 : memref<1x128x128xf32, #tpu.memory_space<vmem>> -> memref<128x128xf32, #tpu.memory_space<vmem>>
        %get3A_968 = arith.index_cast %add3A_933 : i32 to index
        %get3A_969 = arith.constant 64 : index
        %get3A_970 = tpu.vector_load %get3A_967[%get3A_968, %get3A_969] {strides = array<i32>} : memref<128x128xf32, #tpu.memory_space<vmem>>, vector<16xf32>,
        %get3A_971 = arith.constant 0 : i32
        %get3A_972 = arith.constant 0 : i32
        %get3A_973 = tpu.memref_slice %arg10[%scan3A_175, %get3A_971, %get3A_972] : memref<2x128x128xf32, #tpu.memory_space<vmem>> -> memref<1x128x128xf32, #tpu.memory_space<vmem>>
        %get3A_974 = tpu.memref_squeeze %get3A_973 : memref<1x128x128xf32, #tpu.memory_space<vmem>> -> memref<128x128xf32, #tpu.memory_space<vmem>>
        %get3A_975 = arith.index_cast %add3A_933 : i32 to index
        %get3A_976 = arith.constant 80 : index
        %get3A_977 = tpu.vector_load %get3A_974[%get3A_975, %get3A_976] {strides = array<i32>} : memref<128x128xf32, #tpu.memory_space<vmem>>, vector<16xf32>,
        %get3A_978 = arith.constant 0 : i32
        %get3A_979 = arith.constant 0 : i32
        %get3A_980 = tpu.memref_slice %arg10[%scan3A_175, %get3A_978, %get3A_979] : memref<2x128x128xf32, #tpu.memory_space<vmem>> -> memref<1x128x128xf32, #tpu.memory_space<vmem>>
        %get3A_981 = tpu.memref_squeeze %get3A_980 : memref<1x128x128xf32, #tpu.memory_space<vmem>> -> memref<128x128xf32, #tpu.memory_space<vmem>>
        %get3A_982 = arith.index_cast %add3A_933 : i32 to index
        %get3A_983 = arith.constant 96 : index
        %get3A_984 = tpu.vector_load %get3A_981[%get3A_982, %get3A_983] {strides = array<i32>} : memref<128x128xf32, #tpu.memory_space<vmem>>, vector<16xf32>,
        %get3A_985 = arith.constant 0 : i32
        %get3A_986 = arith.constant 0 : i32
        %get3A_987 = tpu.memref_slice %arg10[%scan3A_175, %get3A_985, %get3A_986] : memref<2x128x128xf32, #tpu.memory_space<vmem>> -> memref<1x128x128xf32, #tpu.memory_space<vmem>>
        %get3A_988 = tpu.memref_squeeze %get3A_987 : memref<1x128x128xf32, #tpu.memory_space<vmem>> -> memref<128x128xf32, #tpu.memory_space<vmem>>
        %get3A_989 = arith.index_cast %add3A_933 : i32 to index
        %get3A_990 = arith.constant 112 : index
        %get3A_991 = tpu.vector_load %get3A_988[%get3A_989, %get3A_990] {strides = array<i32>} : memref<128x128xf32, #tpu.memory_space<vmem>>, vector<16xf32>,
        %get3A_992 = arith.index_cast %squeeze3A_935 : i32 to index
        %get3A_993 = arith.constant 0 : index
        %get3A_994 = tpu.vector_load %arg9[%get3A_992, %get3A_993] {strides = array<i32>} : memref<8x128xi32, #tpu.memory_space<vmem>>, vector<16xi32>,
        %bitcast3A_995 = vector.bitcast %get3A_994 : vector<16xi32> to vector<32xbf16>
        %unpack3A_996 = tpu.unpack_subelements %bitcast3A_995, 0 {pack_format = #tpu.pack_format<interleaved>} : vector<32xbf16> -> vector<16xf32>
        %unpack3A_997 = tpu.unpack_subelements %bitcast3A_995, 1 {pack_format = #tpu.pack_format<interleaved>} : vector<32xbf16> -> vector<16xf32>
        %get3A_998 = arith.index_cast %squeeze3A_935 : i32 to index
        %get3A_999 = arith.constant 16 : index
        %get3A_1000 = tpu.vector_load %arg9[%get3A_998, %get3A_999] {strides = array<i32>} : memref<8x128xi32, #tpu.memory_space<vmem>>, vector<16xi32>,
        %bitcast3A_1001 = vector.bitcast %get3A_1000 : vector<16xi32> to vector<32xbf16>
        %unpack3A_1002 = tpu.unpack_subelements %bitcast3A_1001, 0 {pack_format = #tpu.pack_format<interleaved>} : vector<32xbf16> -> vector<16xf32>
        %unpack3A_1003 = tpu.unpack_subelements %bitcast3A_1001, 1 {pack_format = #tpu.pack_format<interleaved>} : vector<32xbf16> -> vector<16xf32>
        %get3A_1004 = arith.index_cast %squeeze3A_935 : i32 to index
        %get3A_1005 = arith.constant 32 : index
        %get3A_1006 = tpu.vector_load %arg9[%get3A_1004, %get3A_1005] {strides = array<i32>} : memref<8x128xi32, #tpu.memory_space<vmem>>, vector<16xi32>,
        %bitcast3A_1007 = vector.bitcast %get3A_1006 : vector<16xi32> to vector<32xbf16>
        %unpack3A_1008 = tpu.unpack_subelements %bitcast3A_1007, 0 {pack_format = #tpu.pack_format<interleaved>} : vector<32xbf16> -> vector<16xf32>
        %unpack3A_1009 = tpu.unpack_subelements %bitcast3A_1007, 1 {pack_format = #tpu.pack_format<interleaved>} : vector<32xbf16> -> vector<16xf32>
        %get3A_1010 = arith.index_cast %squeeze3A_935 : i32 to index
        %get3A_1011 = arith.constant 48 : index
        %get3A_1012 = tpu.vector_load %arg9[%get3A_1010, %get3A_1011] {strides = array<i32>} : memref<8x128xi32, #tpu.memory_space<vmem>>, vector<16xi32>,
        %bitcast3A_1013 = vector.bitcast %get3A_1012 : vector<16xi32> to vector<32xbf16>
        %unpack3A_1014 = tpu.unpack_subelements %bitcast3A_1013, 0 {pack_format = #tpu.pack_format<interleaved>} : vector<32xbf16> -> vector<16xf32>
        %unpack3A_1015 = tpu.unpack_subelements %bitcast3A_1013, 1 {pack_format = #tpu.pack_format<interleaved>} : vector<32xbf16> -> vector<16xf32>
        %get3A_1016 = arith.index_cast %squeeze3A_935 : i32 to index
        %get3A_1017 = arith.constant 64 : index
        %get3A_1018 = tpu.vector_load %arg9[%get3A_1016, %get3A_1017] {strides = array<i32>} : memref<8x128xi32, #tpu.memory_space<vmem>>, vector<16xi32>,
        %bitcast3A_1019 = vector.bitcast %get3A_1018 : vector<16xi32> to vector<32xbf16>
        %unpack3A_1020 = tpu.unpack_subelements %bitcast3A_1019, 0 {pack_format = #tpu.pack_format<interleaved>} : vector<32xbf16> -> vector<16xf32>
        %unpack3A_1021 = tpu.unpack_subelements %bitcast3A_1019, 1 {pack_format = #tpu.pack_format<interleaved>} : vector<32xbf16> -> vector<16xf32>
        %get3A_1022 = arith.index_cast %squeeze3A_935 : i32 to index
        %get3A_1023 = arith.constant 80 : index
        %get3A_1024 = tpu.vector_load %arg9[%get3A_1022, %get3A_1023] {strides = array<i32>} : memref<8x128xi32, #tpu.memory_space<vmem>>, vector<16xi32>,
        %bitcast3A_1025 = vector.bitcast %get3A_1024 : vector<16xi32> to vector<32xbf16>
        %unpack3A_1026 = tpu.unpack_subelements %bitcast3A_1025, 0 {pack_format = #tpu.pack_format<interleaved>} : vector<32xbf16> -> vector<16xf32>
        %unpack3A_1027 = tpu.unpack_subelements %bitcast3A_1025, 1 {pack_format = #tpu.pack_format<interleaved>} : vector<32xbf16> -> vector<16xf32>
        %get3A_1028 = arith.index_cast %squeeze3A_935 : i32 to index
        %get3A_1029 = arith.constant 96 : index
        %get3A_1030 = tpu.vector_load %arg9[%get3A_1028, %get3A_1029] {strides = array<i32>} : memref<8x128xi32, #tpu.memory_space<vmem>>, vector<16xi32>,
        %bitcast3A_1031 = vector.bitcast %get3A_1030 : vector<16xi32> to vector<32xbf16>
        %unpack3A_1032 = tpu.unpack_subelements %bitcast3A_1031, 0 {pack_format = #tpu.pack_format<interleaved>} : vector<32xbf16> -> vector<16xf32>
        %unpack3A_1033 = tpu.unpack_subelements %bitcast3A_1031, 1 {pack_format = #tpu.pack_format<interleaved>} : vector<32xbf16> -> vector<16xf32>
        %get3A_1034 = arith.index_cast %squeeze3A_935 : i32 to index
        %get3A_1035 = arith.constant 112 : index
        %get3A_1036 = tpu.vector_load %arg9[%get3A_1034, %get3A_1035] {strides = array<i32>} : memref<8x128xi32, #tpu.memory_space<vmem>>, vector<16xi32>,
        %bitcast3A_1037 = vector.bitcast %get3A_1036 : vector<16xi32> to vector<32xbf16>
        %unpack3A_1038 = tpu.unpack_subelements %bitcast3A_1037, 0 {pack_format = #tpu.pack_format<interleaved>} : vector<32xbf16> -> vector<16xf32>
        %unpack3A_1039 = tpu.unpack_subelements %bitcast3A_1037, 1 {pack_format = #tpu.pack_format<interleaved>} : vector<32xbf16> -> vector<16xf32>
        %mul3A_1040 = arith.mulf %get3A_942, %unpack3A_996 : vector<16xf32>
        %add3A_1041 = arith.addf %mul3A_1040, %unpack3A_997 : vector<16xf32>
        %swap3A_1042 = arith.constant 0 : i32
        %swap3A_1043 = arith.constant 0 : i32
        %swap3A_1044 = tpu.memref_slice %arg11[%scan3A_176, %swap3A_1042, %swap3A_1043] : memref<2x128x128xf32, #tpu.memory_space<vmem>> -> memref<1x128x128xf32, #tpu.memory_space<vmem>>
        %swap3A_1045 = tpu.memref_squeeze %swap3A_1044 : memref<1x128x128xf32, #tpu.memory_space<vmem>> -> memref<128x128xf32, #tpu.memory_space<vmem>>
        %swap3A_1046 = arith.index_cast %add3A_933 : i32 to index
        %swap3A_1047 = arith.constant 0 : index
        %swap3A_1048 = tpu.vector_load %swap3A_1045[%swap3A_1046, %swap3A_1047] {strides = array<i32>} : memref<128x128xf32, #tpu.memory_space<vmem>>, vector<16xf32>,
        tpu.vector_store %swap3A_1045[%swap3A_1046, %swap3A_1047], %add3A_1041 {strides = array<i32>} : memref<128x128xf32, #tpu.memory_space<vmem>>, vector<16xf32>,
        %mul3A_1049 = arith.mulf %get3A_949, %unpack3A_1002 : vector<16xf32>
        %add3A_1050 = arith.addf %mul3A_1049, %unpack3A_1003 : vector<16xf32>
        %swap3A_1051 = arith.constant 0 : i32
        %swap3A_1052 = arith.constant 0 : i32
        %swap3A_1053 = tpu.memref_slice %arg11[%scan3A_176, %swap3A_1051, %swap3A_1052] : memref<2x128x128xf32, #tpu.memory_space<vmem>> -> memref<1x128x128xf32, #tpu.memory_space<vmem>>
        %swap3A_1054 = tpu.memref_squeeze %swap3A_1053 : memref<1x128x128xf32, #tpu.memory_space<vmem>> -> memref<128x128xf32, #tpu.memory_space<vmem>>
        %swap3A_1055 = arith.index_cast %add3A_933 : i32 to index
        %swap3A_1056 = arith.constant 16 : index
        %swap3A_1057 = tpu.vector_load %swap3A_1054[%swap3A_1055, %swap3A_1056] {strides = array<i32>} : memref<128x128xf32, #tpu.memory_space<vmem>>, vector<16xf32>,
        tpu.vector_store %swap3A_1054[%swap3A_1055, %swap3A_1056], %add3A_1050 {strides = array<i32>} : memref<128x128xf32, #tpu.memory_space<vmem>>, vector<16xf32>,
        %mul3A_1058 = arith.mulf %get3A_956, %unpack3A_1008 : vector<16xf32>
        %add3A_1059 = arith.addf %mul3A_1058, %unpack3A_1009 : vector<16xf32>
        %swap3A_1060 = arith.constant 0 : i32
        %swap3A_1061 = arith.constant 0 : i32
        %swap3A_1062 = tpu.memref_slice %arg11[%scan3A_176, %swap3A_1060, %swap3A_1061] : memref<2x128x128xf32, #tpu.memory_space<vmem>> -> memref<1x128x128xf32, #tpu.memory_space<vmem>>
        %swap3A_1063 = tpu.memref_squeeze %swap3A_1062 : memref<1x128x128xf32, #tpu.memory_space<vmem>> -> memref<128x128xf32, #tpu.memory_space<vmem>>
        %swap3A_1064 = arith.index_cast %add3A_933 : i32 to index
        %swap3A_1065 = arith.constant 32 : index
        %swap3A_1066 = tpu.vector_load %swap3A_1063[%swap3A_1064, %swap3A_1065] {strides = array<i32>} : memref<128x128xf32, #tpu.memory_space<vmem>>, vector<16xf32>,
        tpu.vector_store %swap3A_1063[%swap3A_1064, %swap3A_1065], %add3A_1059 {strides = array<i32>} : memref<128x128xf32, #tpu.memory_space<vmem>>, vector<16xf32>,
        %mul3A_1067 = arith.mulf %get3A_963, %unpack3A_1014 : vector<16xf32>
        %add3A_1068 = arith.addf %mul3A_1067, %unpack3A_1015 : vector<16xf32>
        %swap3A_1069 = arith.constant 0 : i32
        %swap3A_1070 = arith.constant 0 : i32
        %swap3A_1071 = tpu.memref_slice %arg11[%scan3A_176, %swap3A_1069, %swap3A_1070] : memref<2x128x128xf32, #tpu.memory_space<vmem>> -> memref<1x128x128xf32, #tpu.memory_space<vmem>>
        %swap3A_1072 = tpu.memref_squeeze %swap3A_1071 : memref<1x128x128xf32, #tpu.memory_space<vmem>> -> memref<128x128xf32, #tpu.memory_space<vmem>>
        %swap3A_1073 = arith.index_cast %add3A_933 : i32 to index
        %swap3A_1074 = arith.constant 48 : index
        %swap3A_1075 = tpu.vector_load %swap3A_1072[%swap3A_1073, %swap3A_1074] {strides = array<i32>} : memref<128x128xf32, #tpu.memory_space<vmem>>, vector<16xf32>,
        tpu.vector_store %swap3A_1072[%swap3A_1073, %swap3A_1074], %add3A_1068 {strides = array<i32>} : memref<128x128xf32, #tpu.memory_space<vmem>>, vector<16xf32>,
        %mul3A_1076 = arith.mulf %get3A_970, %unpack3A_1020 : vector<16xf32>
        %add3A_1077 = arith.addf %mul3A_1076, %unpack3A_1021 : vector<16xf32>
        %swap3A_1078 = arith.constant 0 : i32
        %swap3A_1079 = arith.constant 0 : i32
        %swap3A_1080 = tpu.memref_slice %arg11[%scan3A_176, %swap3A_1078, %swap3A_1079] : memref<2x128x128xf32, #tpu.memory_space<vmem>> -> memref<1x128x128xf32, #tpu.memory_space<vmem>>
        %swap3A_1081 = tpu.memref_squeeze %swap3A_1080 : memref<1x128x128xf32, #tpu.memory_space<vmem>> -> memref<128x128xf32, #tpu.memory_space<vmem>>
        %swap3A_1082 = arith.index_cast %add3A_933 : i32 to index
        %swap3A_1083 = arith.constant 64 : index
        %swap3A_1084 = tpu.vector_load %swap3A_1081[%swap3A_1082, %swap3A_1083] {strides = array<i32>} : memref<128x128xf32, #tpu.memory_space<vmem>>, vector<16xf32>,
        tpu.vector_store %swap3A_1081[%swap3A_1082, %swap3A_1083], %add3A_1077 {strides = array<i32>} : memref<128x128xf32, #tpu.memory_space<vmem>>, vector<16xf32>,
        %mul3A_1085 = arith.mulf %get3A_977, %unpack3A_1026 : vector<16xf32>
        %add3A_1086 = arith.addf %mul3A_1085, %unpack3A_1027 : vector<16xf32>
        %swap3A_1087 = arith.constant 0 : i32
        %swap3A_1088 = arith.constant 0 : i32
        %swap3A_1089 = tpu.memref_slice %arg11[%scan3A_176, %swap3A_1087, %swap3A_1088] : memref<2x128x128xf32, #tpu.memory_space<vmem>> -> memref<1x128x128xf32, #tpu.memory_space<vmem>>
        %swap3A_1090 = tpu.memref_squeeze %swap3A_1089 : memref<1x128x128xf32, #tpu.memory_space<vmem>> -> memref<128x128xf32, #tpu.memory_space<vmem>>
        %swap3A_1091 = arith.index_cast %add3A_933 : i32 to index
        %swap3A_1092 = arith.constant 80 : index
        %swap3A_1093 = tpu.vector_load %swap3A_1090[%swap3A_1091, %swap3A_1092] {strides = array<i32>} : memref<128x128xf32, #tpu.memory_space<vmem>>, vector<16xf32>,
        tpu.vector_store %swap3A_1090[%swap3A_1091, %swap3A_1092], %add3A_1086 {strides = array<i32>} : memref<128x128xf32, #tpu.memory_space<vmem>>, vector<16xf32>,
        %mul3A_1094 = arith.mulf %get3A_984, %unpack3A_1032 : vector<16xf32>
        %add3A_1095 = arith.addf %mul3A_1094, %unpack3A_1033 : vector<16xf32>
        %swap3A_1096 = arith.constant 0 : i32
        %swap3A_1097 = arith.constant 0 : i32
        %swap3A_1098 = tpu.memref_slice %arg11[%scan3A_176, %swap3A_1096, %swap3A_1097] : memref<2x128x128xf32, #tpu.memory_space<vmem>> -> memref<1x128x128xf32, #tpu.memory_space<vmem>>
        %swap3A_1099 = tpu.memref_squeeze %swap3A_1098 : memref<1x128x128xf32, #tpu.memory_space<vmem>> -> memref<128x128xf32, #tpu.memory_space<vmem>>
        %swap3A_1100 = arith.index_cast %add3A_933 : i32 to index
        %swap3A_1101 = arith.constant 96 : index
        %swap3A_1102 = tpu.vector_load %swap3A_1099[%swap3A_1100, %swap3A_1101] {strides = array<i32>} : memref<128x128xf32, #tpu.memory_space<vmem>>, vector<16xf32>,
        tpu.vector_store %swap3A_1099[%swap3A_1100, %swap3A_1101], %add3A_1095 {strides = array<i32>} : memref<128x128xf32, #tpu.memory_space<vmem>>, vector<16xf32>,
        %mul3A_1103 = arith.mulf %get3A_991, %unpack3A_1038 : vector<16xf32>
        %add3A_1104 = arith.addf %mul3A_1103, %unpack3A_1039 : vector<16xf32>
        %swap3A_1105 = arith.constant 0 : i32
        %swap3A_1106 = arith.constant 0 : i32
        %swap3A_1107 = tpu.memref_slice %arg11[%scan3A_176, %swap3A_1105, %swap3A_1106] : memref<2x128x128xf32, #tpu.memory_space<vmem>> -> memref<1x128x128xf32, #tpu.memory_space<vmem>>
        %swap3A_1108 = tpu.memref_squeeze %swap3A_1107 : memref<1x128x128xf32, #tpu.memory_space<vmem>> -> memref<128x128xf32, #tpu.memory_space<vmem>>
        %swap3A_1109 = arith.index_cast %add3A_933 : i32 to index
        %swap3A_1110 = arith.constant 112 : index
        %swap3A_1111 = tpu.vector_load %swap3A_1108[%swap3A_1109, %swap3A_1110] {strides = array<i32>} : memref<128x128xf32, #tpu.memory_space<vmem>>, vector<16xf32>,
        tpu.vector_store %swap3A_1108[%swap3A_1109, %swap3A_1110], %add3A_1104 {strides = array<i32>} : memref<128x128xf32, #tpu.memory_space<vmem>>, vector<16xf32>,
        %mul3A_1112 = arith.constant 8 : i32
        %mul3A_1113 = arith.muli %scan3A_203, %mul3A_1112 : i32
        %add3A_1114 = arith.constant 5 : i32
        %add3A_1115 = arith.addi %mul3A_1113, %add3A_1114 : i32
        %slice3A_1116 = vector.extract_strided_slice %get3A_206 {offsets = [5], sizes = [1], strides = [1]} : vector<16xi32> to vector<1xi32>
        %squeeze3A_1117 = vector.extract %slice3A_1116[0] : i32 from vector<1xi32>
        %get3A_1118 = arith.constant 0 : i32
        %get3A_1119 = arith.constant 0 : i32
        %get3A_1120 = tpu.memref_slice %arg10[%scan3A_175, %get3A_1118, %get3A_1119] : memref<2x128x128xf32, #tpu.memory_space<vmem>> -> memref<1x128x128xf32, #tpu.memory_space<vmem>>
        %get3A_1121 = tpu.memref_squeeze %get3A_1120 : memref<1x128x128xf32, #tpu.memory_space<vmem>> -> memref<128x128xf32, #tpu.memory_space<vmem>>
        %get3A_1122 = arith.index_cast %add3A_1115 : i32 to index
        %get3A_1123 = arith.constant 0 : index
        %get3A_1124 = tpu.vector_load %get3A_1121[%get3A_1122, %get3A_1123] {strides = array<i32>} : memref<128x128xf32, #tpu.memory_space<vmem>>, vector<16xf32>,
        %get3A_1125 = arith.constant 0 : i32
        %get3A_1126 = arith.constant 0 : i32
        %get3A_1127 = tpu.memref_slice %arg10[%scan3A_175, %get3A_1125, %get3A_1126] : memref<2x128x128xf32, #tpu.memory_space<vmem>> -> memref<1x128x128xf32, #tpu.memory_space<vmem>>
        %get3A_1128 = tpu.memref_squeeze %get3A_1127 : memref<1x128x128xf32, #tpu.memory_space<vmem>> -> memref<128x128xf32, #tpu.memory_space<vmem>>
        %get3A_1129 = arith.index_cast %add3A_1115 : i32 to index
        %get3A_1130 = arith.constant 16 : index
        %get3A_1131 = tpu.vector_load %get3A_1128[%get3A_1129, %get3A_1130] {strides = array<i32>} : memref<128x128xf32, #tpu.memory_space<vmem>>, vector<16xf32>,
        %get3A_1132 = arith.constant 0 : i32
        %get3A_1133 = arith.constant 0 : i32
        %get3A_1134 = tpu.memref_slice %arg10[%scan3A_175, %get3A_1132, %get3A_1133] : memref<2x128x128xf32, #tpu.memory_space<vmem>> -> memref<1x128x128xf32, #tpu.memory_space<vmem>>
        %get3A_1135 = tpu.memref_squeeze %get3A_1134 : memref<1x128x128xf32, #tpu.memory_space<vmem>> -> memref<128x128xf32, #tpu.memory_space<vmem>>
        %get3A_1136 = arith.index_cast %add3A_1115 : i32 to index
        %get3A_1137 = arith.constant 32 : index
        %get3A_1138 = tpu.vector_load %get3A_1135[%get3A_1136, %get3A_1137] {strides = array<i32>} : memref<128x128xf32, #tpu.memory_space<vmem>>, vector<16xf32>,
        %get3A_1139 = arith.constant 0 : i32
        %get3A_1140 = arith.constant 0 : i32
        %get3A_1141 = tpu.memref_slice %arg10[%scan3A_175, %get3A_1139, %get3A_1140] : memref<2x128x128xf32, #tpu.memory_space<vmem>> -> memref<1x128x128xf32, #tpu.memory_space<vmem>>
        %get3A_1142 = tpu.memref_squeeze %get3A_1141 : memref<1x128x128xf32, #tpu.memory_space<vmem>> -> memref<128x128xf32, #tpu.memory_space<vmem>>
        %get3A_1143 = arith.index_cast %add3A_1115 : i32 to index
        %get3A_1144 = arith.constant 48 : index
        %get3A_1145 = tpu.vector_load %get3A_1142[%get3A_1143, %get3A_1144] {strides = array<i32>} : memref<128x128xf32, #tpu.memory_space<vmem>>, vector<16xf32>,
        %get3A_1146 = arith.constant 0 : i32
        %get3A_1147 = arith.constant 0 : i32
        %get3A_1148 = tpu.memref_slice %arg10[%scan3A_175, %get3A_1146, %get3A_1147] : memref<2x128x128xf32, #tpu.memory_space<vmem>> -> memref<1x128x128xf32, #tpu.memory_space<vmem>>
        %get3A_1149 = tpu.memref_squeeze %get3A_1148 : memref<1x128x128xf32, #tpu.memory_space<vmem>> -> memref<128x128xf32, #tpu.memory_space<vmem>>
        %get3A_1150 = arith.index_cast %add3A_1115 : i32 to index
        %get3A_1151 = arith.constant 64 : index
        %get3A_1152 = tpu.vector_load %get3A_1149[%get3A_1150, %get3A_1151] {strides = array<i32>} : memref<128x128xf32, #tpu.memory_space<vmem>>, vector<16xf32>,
        %get3A_1153 = arith.constant 0 : i32
        %get3A_1154 = arith.constant 0 : i32
        %get3A_1155 = tpu.memref_slice %arg10[%scan3A_175, %get3A_1153, %get3A_1154] : memref<2x128x128xf32, #tpu.memory_space<vmem>> -> memref<1x128x128xf32, #tpu.memory_space<vmem>>
        %get3A_1156 = tpu.memref_squeeze %get3A_1155 : memref<1x128x128xf32, #tpu.memory_space<vmem>> -> memref<128x128xf32, #tpu.memory_space<vmem>>
        %get3A_1157 = arith.index_cast %add3A_1115 : i32 to index
        %get3A_1158 = arith.constant 80 : index
        %get3A_1159 = tpu.vector_load %get3A_1156[%get3A_1157, %get3A_1158] {strides = array<i32>} : memref<128x128xf32, #tpu.memory_space<vmem>>, vector<16xf32>,
        %get3A_1160 = arith.constant 0 : i32
        %get3A_1161 = arith.constant 0 : i32
        %get3A_1162 = tpu.memref_slice %arg10[%scan3A_175, %get3A_1160, %get3A_1161] : memref<2x128x128xf32, #tpu.memory_space<vmem>> -> memref<1x128x128xf32, #tpu.memory_space<vmem>>
        %get3A_1163 = tpu.memref_squeeze %get3A_1162 : memref<1x128x128xf32, #tpu.memory_space<vmem>> -> memref<128x128xf32, #tpu.memory_space<vmem>>
        %get3A_1164 = arith.index_cast %add3A_1115 : i32 to index
        %get3A_1165 = arith.constant 96 : index
        %get3A_1166 = tpu.vector_load %get3A_1163[%get3A_1164, %get3A_1165] {strides = array<i32>} : memref<128x128xf32, #tpu.memory_space<vmem>>, vector<16xf32>,
        %get3A_1167 = arith.constant 0 : i32
        %get3A_1168 = arith.constant 0 : i32
        %get3A_1169 = tpu.memref_slice %arg10[%scan3A_175, %get3A_1167, %get3A_1168] : memref<2x128x128xf32, #tpu.memory_space<vmem>> -> memref<1x128x128xf32, #tpu.memory_space<vmem>>
        %get3A_1170 = tpu.memref_squeeze %get3A_1169 : memref<1x128x128xf32, #tpu.memory_space<vmem>> -> memref<128x128xf32, #tpu.memory_space<vmem>>
        %get3A_1171 = arith.index_cast %add3A_1115 : i32 to index
        %get3A_1172 = arith.constant 112 : index
        %get3A_1173 = tpu.vector_load %get3A_1170[%get3A_1171, %get3A_1172] {strides = array<i32>} : memref<128x128xf32, #tpu.memory_space<vmem>>, vector<16xf32>,
        %get3A_1174 = arith.index_cast %squeeze3A_1117 : i32 to index
        %get3A_1175 = arith.constant 0 : index
        %get3A_1176 = tpu.vector_load %arg9[%get3A_1174, %get3A_1175] {strides = array<i32>} : memref<8x128xi32, #tpu.memory_space<vmem>>, vector<16xi32>,
        %bitcast3A_1177 = vector.bitcast %get3A_1176 : vector<16xi32> to vector<32xbf16>
        %unpack3A_1178 = tpu.unpack_subelements %bitcast3A_1177, 0 {pack_format = #tpu.pack_format<interleaved>} : vector<32xbf16> -> vector<16xf32>
        %unpack3A_1179 = tpu.unpack_subelements %bitcast3A_1177, 1 {pack_format = #tpu.pack_format<interleaved>} : vector<32xbf16> -> vector<16xf32>
        %get3A_1180 = arith.index_cast %squeeze3A_1117 : i32 to index
        %get3A_1181 = arith.constant 16 : index
        %get3A_1182 = tpu.vector_load %arg9[%get3A_1180, %get3A_1181] {strides = array<i32>} : memref<8x128xi32, #tpu.memory_space<vmem>>, vector<16xi32>,
        %bitcast3A_1183 = vector.bitcast %get3A_1182 : vector<16xi32> to vector<32xbf16>
        %unpack3A_1184 = tpu.unpack_subelements %bitcast3A_1183, 0 {pack_format = #tpu.pack_format<interleaved>} : vector<32xbf16> -> vector<16xf32>
        %unpack3A_1185 = tpu.unpack_subelements %bitcast3A_1183, 1 {pack_format = #tpu.pack_format<interleaved>} : vector<32xbf16> -> vector<16xf32>
        %get3A_1186 = arith.index_cast %squeeze3A_1117 : i32 to index
        %get3A_1187 = arith.constant 32 : index
        %get3A_1188 = tpu.vector_load %arg9[%get3A_1186, %get3A_1187] {strides = array<i32>} : memref<8x128xi32, #tpu.memory_space<vmem>>, vector<16xi32>,
        %bitcast3A_1189 = vector.bitcast %get3A_1188 : vector<16xi32> to vector<32xbf16>
        %unpack3A_1190 = tpu.unpack_subelements %bitcast3A_1189, 0 {pack_format = #tpu.pack_format<interleaved>} : vector<32xbf16> -> vector<16xf32>
        %unpack3A_1191 = tpu.unpack_subelements %bitcast3A_1189, 1 {pack_format = #tpu.pack_format<interleaved>} : vector<32xbf16> -> vector<16xf32>
        %get3A_1192 = arith.index_cast %squeeze3A_1117 : i32 to index
        %get3A_1193 = arith.constant 48 : index
        %get3A_1194 = tpu.vector_load %arg9[%get3A_1192, %get3A_1193] {strides = array<i32>} : memref<8x128xi32, #tpu.memory_space<vmem>>, vector<16xi32>,
        %bitcast3A_1195 = vector.bitcast %get3A_1194 : vector<16xi32> to vector<32xbf16>
        %unpack3A_1196 = tpu.unpack_subelements %bitcast3A_1195, 0 {pack_format = #tpu.pack_format<interleaved>} : vector<32xbf16> -> vector<16xf32>
        %unpack3A_1197 = tpu.unpack_subelements %bitcast3A_1195, 1 {pack_format = #tpu.pack_format<interleaved>} : vector<32xbf16> -> vector<16xf32>
        %get3A_1198 = arith.index_cast %squeeze3A_1117 : i32 to index
        %get3A_1199 = arith.constant 64 : index
        %get3A_1200 = tpu.vector_load %arg9[%get3A_1198, %get3A_1199] {strides = array<i32>} : memref<8x128xi32, #tpu.memory_space<vmem>>, vector<16xi32>,
        %bitcast3A_1201 = vector.bitcast %get3A_1200 : vector<16xi32> to vector<32xbf16>
        %unpack3A_1202 = tpu.unpack_subelements %bitcast3A_1201, 0 {pack_format = #tpu.pack_format<interleaved>} : vector<32xbf16> -> vector<16xf32>
        %unpack3A_1203 = tpu.unpack_subelements %bitcast3A_1201, 1 {pack_format = #tpu.pack_format<interleaved>} : vector<32xbf16> -> vector<16xf32>
        %get3A_1204 = arith.index_cast %squeeze3A_1117 : i32 to index
        %get3A_1205 = arith.constant 80 : index
        %get3A_1206 = tpu.vector_load %arg9[%get3A_1204, %get3A_1205] {strides = array<i32>} : memref<8x128xi32, #tpu.memory_space<vmem>>, vector<16xi32>,
        %bitcast3A_1207 = vector.bitcast %get3A_1206 : vector<16xi32> to vector<32xbf16>
        %unpack3A_1208 = tpu.unpack_subelements %bitcast3A_1207, 0 {pack_format = #tpu.pack_format<interleaved>} : vector<32xbf16> -> vector<16xf32>
        %unpack3A_1209 = tpu.unpack_subelements %bitcast3A_1207, 1 {pack_format = #tpu.pack_format<interleaved>} : vector<32xbf16> -> vector<16xf32>
        %get3A_1210 = arith.index_cast %squeeze3A_1117 : i32 to index
        %get3A_1211 = arith.constant 96 : index
        %get3A_1212 = tpu.vector_load %arg9[%get3A_1210, %get3A_1211] {strides = array<i32>} : memref<8x128xi32, #tpu.memory_space<vmem>>, vector<16xi32>,
        %bitcast3A_1213 = vector.bitcast %get3A_1212 : vector<16xi32> to vector<32xbf16>
        %unpack3A_1214 = tpu.unpack_subelements %bitcast3A_1213, 0 {pack_format = #tpu.pack_format<interleaved>} : vector<32xbf16> -> vector<16xf32>
        %unpack3A_1215 = tpu.unpack_subelements %bitcast3A_1213, 1 {pack_format = #tpu.pack_format<interleaved>} : vector<32xbf16> -> vector<16xf32>
        %get3A_1216 = arith.index_cast %squeeze3A_1117 : i32 to index
        %get3A_1217 = arith.constant 112 : index
        %get3A_1218 = tpu.vector_load %arg9[%get3A_1216, %get3A_1217] {strides = array<i32>} : memref<8x128xi32, #tpu.memory_space<vmem>>, vector<16xi32>,
        %bitcast3A_1219 = vector.bitcast %get3A_1218 : vector<16xi32> to vector<32xbf16>
        %unpack3A_1220 = tpu.unpack_subelements %bitcast3A_1219, 0 {pack_format = #tpu.pack_format<interleaved>} : vector<32xbf16> -> vector<16xf32>
        %unpack3A_1221 = tpu.unpack_subelements %bitcast3A_1219, 1 {pack_format = #tpu.pack_format<interleaved>} : vector<32xbf16> -> vector<16xf32>
        %mul3A_1222 = arith.mulf %get3A_1124, %unpack3A_1178 : vector<16xf32>
        %add3A_1223 = arith.addf %mul3A_1222, %unpack3A_1179 : vector<16xf32>
        %swap3A_1224 = arith.constant 0 : i32
        %swap3A_1225 = arith.constant 0 : i32
        %swap3A_1226 = tpu.memref_slice %arg11[%scan3A_176, %swap3A_1224, %swap3A_1225] : memref<2x128x128xf32, #tpu.memory_space<vmem>> -> memref<1x128x128xf32, #tpu.memory_space<vmem>>
        %swap3A_1227 = tpu.memref_squeeze %swap3A_1226 : memref<1x128x128xf32, #tpu.memory_space<vmem>> -> memref<128x128xf32, #tpu.memory_space<vmem>>
        %swap3A_1228 = arith.index_cast %add3A_1115 : i32 to index
        %swap3A_1229 = arith.constant 0 : index
        %swap3A_1230 = tpu.vector_load %swap3A_1227[%swap3A_1228, %swap3A_1229] {strides = array<i32>} : memref<128x128xf32, #tpu.memory_space<vmem>>, vector<16xf32>,
        tpu.vector_store %swap3A_1227[%swap3A_1228, %swap3A_1229], %add3A_1223 {strides = array<i32>} : memref<128x128xf32, #tpu.memory_space<vmem>>, vector<16xf32>,
        %mul3A_1231 = arith.mulf %get3A_1131, %unpack3A_1184 : vector<16xf32>
        %add3A_1232 = arith.addf %mul3A_1231, %unpack3A_1185 : vector<16xf32>
        %swap3A_1233 = arith.constant 0 : i32
        %swap3A_1234 = arith.constant 0 : i32
        %swap3A_1235 = tpu.memref_slice %arg11[%scan3A_176, %swap3A_1233, %swap3A_1234] : memref<2x128x128xf32, #tpu.memory_space<vmem>> -> memref<1x128x128xf32, #tpu.memory_space<vmem>>
        %swap3A_1236 = tpu.memref_squeeze %swap3A_1235 : memref<1x128x128xf32, #tpu.memory_space<vmem>> -> memref<128x128xf32, #tpu.memory_space<vmem>>
        %swap3A_1237 = arith.index_cast %add3A_1115 : i32 to index
        %swap3A_1238 = arith.constant 16 : index
        %swap3A_1239 = tpu.vector_load %swap3A_1236[%swap3A_1237, %swap3A_1238] {strides = array<i32>} : memref<128x128xf32, #tpu.memory_space<vmem>>, vector<16xf32>,
        tpu.vector_store %swap3A_1236[%swap3A_1237, %swap3A_1238], %add3A_1232 {strides = array<i32>} : memref<128x128xf32, #tpu.memory_space<vmem>>, vector<16xf32>,
        %mul3A_1240 = arith.mulf %get3A_1138, %unpack3A_1190 : vector<16xf32>
        %add3A_1241 = arith.addf %mul3A_1240, %unpack3A_1191 : vector<16xf32>
        %swap3A_1242 = arith.constant 0 : i32
        %swap3A_1243 = arith.constant 0 : i32
        %swap3A_1244 = tpu.memref_slice %arg11[%scan3A_176, %swap3A_1242, %swap3A_1243] : memref<2x128x128xf32, #tpu.memory_space<vmem>> -> memref<1x128x128xf32, #tpu.memory_space<vmem>>
        %swap3A_1245 = tpu.memref_squeeze %swap3A_1244 : memref<1x128x128xf32, #tpu.memory_space<vmem>> -> memref<128x128xf32, #tpu.memory_space<vmem>>
        %swap3A_1246 = arith.index_cast %add3A_1115 : i32 to index
        %swap3A_1247 = arith.constant 32 : index
        %swap3A_1248 = tpu.vector_load %swap3A_1245[%swap3A_1246, %swap3A_1247] {strides = array<i32>} : memref<128x128xf32, #tpu.memory_space<vmem>>, vector<16xf32>,
        tpu.vector_store %swap3A_1245[%swap3A_1246, %swap3A_1247], %add3A_1241 {strides = array<i32>} : memref<128x128xf32, #tpu.memory_space<vmem>>, vector<16xf32>,
        %mul3A_1249 = arith.mulf %get3A_1145, %unpack3A_1196 : vector<16xf32>
        %add3A_1250 = arith.addf %mul3A_1249, %unpack3A_1197 : vector<16xf32>
        %swap3A_1251 = arith.constant 0 : i32
        %swap3A_1252 = arith.constant 0 : i32
        %swap3A_1253 = tpu.memref_slice %arg11[%scan3A_176, %swap3A_1251, %swap3A_1252] : memref<2x128x128xf32, #tpu.memory_space<vmem>> -> memref<1x128x128xf32, #tpu.memory_space<vmem>>
        %swap3A_1254 = tpu.memref_squeeze %swap3A_1253 : memref<1x128x128xf32, #tpu.memory_space<vmem>> -> memref<128x128xf32, #tpu.memory_space<vmem>>
        %swap3A_1255 = arith.index_cast %add3A_1115 : i32 to index
        %swap3A_1256 = arith.constant 48 : index
        %swap3A_1257 = tpu.vector_load %swap3A_1254[%swap3A_1255, %swap3A_1256] {strides = array<i32>} : memref<128x128xf32, #tpu.memory_space<vmem>>, vector<16xf32>,
        tpu.vector_store %swap3A_1254[%swap3A_1255, %swap3A_1256], %add3A_1250 {strides = array<i32>} : memref<128x128xf32, #tpu.memory_space<vmem>>, vector<16xf32>,
        %mul3A_1258 = arith.mulf %get3A_1152, %unpack3A_1202 : vector<16xf32>
        %add3A_1259 = arith.addf %mul3A_1258, %unpack3A_1203 : vector<16xf32>
        %swap3A_1260 = arith.constant 0 : i32
        %swap3A_1261 = arith.constant 0 : i32
        %swap3A_1262 = tpu.memref_slice %arg11[%scan3A_176, %swap3A_1260, %swap3A_1261] : memref<2x128x128xf32, #tpu.memory_space<vmem>> -> memref<1x128x128xf32, #tpu.memory_space<vmem>>
        %swap3A_1263 = tpu.memref_squeeze %swap3A_1262 : memref<1x128x128xf32, #tpu.memory_space<vmem>> -> memref<128x128xf32, #tpu.memory_space<vmem>>
        %swap3A_1264 = arith.index_cast %add3A_1115 : i32 to index
        %swap3A_1265 = arith.constant 64 : index
        %swap3A_1266 = tpu.vector_load %swap3A_1263[%swap3A_1264, %swap3A_1265] {strides = array<i32>} : memref<128x128xf32, #tpu.memory_space<vmem>>, vector<16xf32>,
        tpu.vector_store %swap3A_1263[%swap3A_1264, %swap3A_1265], %add3A_1259 {strides = array<i32>} : memref<128x128xf32, #tpu.memory_space<vmem>>, vector<16xf32>,
        %mul3A_1267 = arith.mulf %get3A_1159, %unpack3A_1208 : vector<16xf32>
        %add3A_1268 = arith.addf %mul3A_1267, %unpack3A_1209 : vector<16xf32>
        %swap3A_1269 = arith.constant 0 : i32
        %swap3A_1270 = arith.constant 0 : i32
        %swap3A_1271 = tpu.memref_slice %arg11[%scan3A_176, %swap3A_1269, %swap3A_1270] : memref<2x128x128xf32, #tpu.memory_space<vmem>> -> memref<1x128x128xf32, #tpu.memory_space<vmem>>
        %swap3A_1272 = tpu.memref_squeeze %swap3A_1271 : memref<1x128x128xf32, #tpu.memory_space<vmem>> -> memref<128x128xf32, #tpu.memory_space<vmem>>
        %swap3A_1273 = arith.index_cast %add3A_1115 : i32 to index
        %swap3A_1274 = arith.constant 80 : index
        %swap3A_1275 = tpu.vector_load %swap3A_1272[%swap3A_1273, %swap3A_1274] {strides = array<i32>} : memref<128x128xf32, #tpu.memory_space<vmem>>, vector<16xf32>,
        tpu.vector_store %swap3A_1272[%swap3A_1273, %swap3A_1274], %add3A_1268 {strides = array<i32>} : memref<128x128xf32, #tpu.memory_space<vmem>>, vector<16xf32>,
        %mul3A_1276 = arith.mulf %get3A_1166, %unpack3A_1214 : vector<16xf32>
        %add3A_1277 = arith.addf %mul3A_1276, %unpack3A_1215 : vector<16xf32>
        %swap3A_1278 = arith.constant 0 : i32
        %swap3A_1279 = arith.constant 0 : i32
        %swap3A_1280 = tpu.memref_slice %arg11[%scan3A_176, %swap3A_1278, %swap3A_1279] : memref<2x128x128xf32, #tpu.memory_space<vmem>> -> memref<1x128x128xf32, #tpu.memory_space<vmem>>
        %swap3A_1281 = tpu.memref_squeeze %swap3A_1280 : memref<1x128x128xf32, #tpu.memory_space<vmem>> -> memref<128x128xf32, #tpu.memory_space<vmem>>
        %swap3A_1282 = arith.index_cast %add3A_1115 : i32 to index
        %swap3A_1283 = arith.constant 96 : index
        %swap3A_1284 = tpu.vector_load %swap3A_1281[%swap3A_1282, %swap3A_1283] {strides = array<i32>} : memref<128x128xf32, #tpu.memory_space<vmem>>, vector<16xf32>,
        tpu.vector_store %swap3A_1281[%swap3A_1282, %swap3A_1283], %add3A_1277 {strides = array<i32>} : memref<128x128xf32, #tpu.memory_space<vmem>>, vector<16xf32>,
        %mul3A_1285 = arith.mulf %get3A_1173, %unpack3A_1220 : vector<16xf32>
        %add3A_1286 = arith.addf %mul3A_1285, %unpack3A_1221 : vector<16xf32>
        %swap3A_1287 = arith.constant 0 : i32
        %swap3A_1288 = arith.constant 0 : i32
        %swap3A_1289 = tpu.memref_slice %arg11[%scan3A_176, %swap3A_1287, %swap3A_1288] : memref<2x128x128xf32, #tpu.memory_space<vmem>> -> memref<1x128x128xf32, #tpu.memory_space<vmem>>
        %swap3A_1290 = tpu.memref_squeeze %swap3A_1289 : memref<1x128x128xf32, #tpu.memory_space<vmem>> -> memref<128x128xf32, #tpu.memory_space<vmem>>
        %swap3A_1291 = arith.index_cast %add3A_1115 : i32 to index
        %swap3A_1292 = arith.constant 112 : index
        %swap3A_1293 = tpu.vector_load %swap3A_1290[%swap3A_1291, %swap3A_1292] {strides = array<i32>} : memref<128x128xf32, #tpu.memory_space<vmem>>, vector<16xf32>,
        tpu.vector_store %swap3A_1290[%swap3A_1291, %swap3A_1292], %add3A_1286 {strides = array<i32>} : memref<128x128xf32, #tpu.memory_space<vmem>>, vector<16xf32>,
        %mul3A_1294 = arith.constant 8 : i32
        %mul3A_1295 = arith.muli %scan3A_203, %mul3A_1294 : i32
        %add3A_1296 = arith.constant 6 : i32
        %add3A_1297 = arith.addi %mul3A_1295, %add3A_1296 : i32
        %slice3A_1298 = vector.extract_strided_slice %get3A_206 {offsets = [6], sizes = [1], strides = [1]} : vector<16xi32> to vector<1xi32>
        %squeeze3A_1299 = vector.extract %slice3A_1298[0] : i32 from vector<1xi32>
        %get3A_1300 = arith.constant 0 : i32
        %get3A_1301 = arith.constant 0 : i32
        %get3A_1302 = tpu.memref_slice %arg10[%scan3A_175, %get3A_1300, %get3A_1301] : memref<2x128x128xf32, #tpu.memory_space<vmem>> -> memref<1x128x128xf32, #tpu.memory_space<vmem>>
        %get3A_1303 = tpu.memref_squeeze %get3A_1302 : memref<1x128x128xf32, #tpu.memory_space<vmem>> -> memref<128x128xf32, #tpu.memory_space<vmem>>
        %get3A_1304 = arith.index_cast %add3A_1297 : i32 to index
        %get3A_1305 = arith.constant 0 : index
        %get3A_1306 = tpu.vector_load %get3A_1303[%get3A_1304, %get3A_1305] {strides = array<i32>} : memref<128x128xf32, #tpu.memory_space<vmem>>, vector<16xf32>,
        %get3A_1307 = arith.constant 0 : i32
        %get3A_1308 = arith.constant 0 : i32
        %get3A_1309 = tpu.memref_slice %arg10[%scan3A_175, %get3A_1307, %get3A_1308] : memref<2x128x128xf32, #tpu.memory_space<vmem>> -> memref<1x128x128xf32, #tpu.memory_space<vmem>>
        %get3A_1310 = tpu.memref_squeeze %get3A_1309 : memref<1x128x128xf32, #tpu.memory_space<vmem>> -> memref<128x128xf32, #tpu.memory_space<vmem>>
        %get3A_1311 = arith.index_cast %add3A_1297 : i32 to index
        %get3A_1312 = arith.constant 16 : index
        %get3A_1313 = tpu.vector_load %get3A_1310[%get3A_1311, %get3A_1312] {strides = array<i32>} : memref<128x128xf32, #tpu.memory_space<vmem>>, vector<16xf32>,
        %get3A_1314 = arith.constant 0 : i32
        %get3A_1315 = arith.constant 0 : i32
        %get3A_1316 = tpu.memref_slice %arg10[%scan3A_175, %get3A_1314, %get3A_1315] : memref<2x128x128xf32, #tpu.memory_space<vmem>> -> memref<1x128x128xf32, #tpu.memory_space<vmem>>
        %get3A_1317 = tpu.memref_squeeze %get3A_1316 : memref<1x128x128xf32, #tpu.memory_space<vmem>> -> memref<128x128xf32, #tpu.memory_space<vmem>>
        %get3A_1318 = arith.index_cast %add3A_1297 : i32 to index
        %get3A_1319 = arith.constant 32 : index
        %get3A_1320 = tpu.vector_load %get3A_1317[%get3A_1318, %get3A_1319] {strides = array<i32>} : memref<128x128xf32, #tpu.memory_space<vmem>>, vector<16xf32>,
        %get3A_1321 = arith.constant 0 : i32
        %get3A_1322 = arith.constant 0 : i32
        %get3A_1323 = tpu.memref_slice %arg10[%scan3A_175, %get3A_1321, %get3A_1322] : memref<2x128x128xf32, #tpu.memory_space<vmem>> -> memref<1x128x128xf32, #tpu.memory_space<vmem>>
        %get3A_1324 = tpu.memref_squeeze %get3A_1323 : memref<1x128x128xf32, #tpu.memory_space<vmem>> -> memref<128x128xf32, #tpu.memory_space<vmem>>
        %get3A_1325 = arith.index_cast %add3A_1297 : i32 to index
        %get3A_1326 = arith.constant 48 : index
        %get3A_1327 = tpu.vector_load %get3A_1324[%get3A_1325, %get3A_1326] {strides = array<i32>} : memref<128x128xf32, #tpu.memory_space<vmem>>, vector<16xf32>,
        %get3A_1328 = arith.constant 0 : i32
        %get3A_1329 = arith.constant 0 : i32
        %get3A_1330 = tpu.memref_slice %arg10[%scan3A_175, %get3A_1328, %get3A_1329] : memref<2x128x128xf32, #tpu.memory_space<vmem>> -> memref<1x128x128xf32, #tpu.memory_space<vmem>>
        %get3A_1331 = tpu.memref_squeeze %get3A_1330 : memref<1x128x128xf32, #tpu.memory_space<vmem>> -> memref<128x128xf32, #tpu.memory_space<vmem>>
        %get3A_1332 = arith.index_cast %add3A_1297 : i32 to index
        %get3A_1333 = arith.constant 64 : index
        %get3A_1334 = tpu.vector_load %get3A_1331[%get3A_1332, %get3A_1333] {strides = array<i32>} : memref<128x128xf32, #tpu.memory_space<vmem>>, vector<16xf32>,
        %get3A_1335 = arith.constant 0 : i32
        %get3A_1336 = arith.constant 0 : i32
        %get3A_1337 = tpu.memref_slice %arg10[%scan3A_175, %get3A_1335, %get3A_1336] : memref<2x128x128xf32, #tpu.memory_space<vmem>> -> memref<1x128x128xf32, #tpu.memory_space<vmem>>
        %get3A_1338 = tpu.memref_squeeze %get3A_1337 : memref<1x128x128xf32, #tpu.memory_space<vmem>> -> memref<128x128xf32, #tpu.memory_space<vmem>>
        %get3A_1339 = arith.index_cast %add3A_1297 : i32 to index
        %get3A_1340 = arith.constant 80 : index
        %get3A_1341 = tpu.vector_load %get3A_1338[%get3A_1339, %get3A_1340] {strides = array<i32>} : memref<128x128xf32, #tpu.memory_space<vmem>>, vector<16xf32>,
        %get3A_1342 = arith.constant 0 : i32
        %get3A_1343 = arith.constant 0 : i32
        %get3A_1344 = tpu.memref_slice %arg10[%scan3A_175, %get3A_1342, %get3A_1343] : memref<2x128x128xf32, #tpu.memory_space<vmem>> -> memref<1x128x128xf32, #tpu.memory_space<vmem>>
        %get3A_1345 = tpu.memref_squeeze %get3A_1344 : memref<1x128x128xf32, #tpu.memory_space<vmem>> -> memref<128x128xf32, #tpu.memory_space<vmem>>
        %get3A_1346 = arith.index_cast %add3A_1297 : i32 to index
        %get3A_1347 = arith.constant 96 : index
        %get3A_1348 = tpu.vector_load %get3A_1345[%get3A_1346, %get3A_1347] {strides = array<i32>} : memref<128x128xf32, #tpu.memory_space<vmem>>, vector<16xf32>,
        %get3A_1349 = arith.constant 0 : i32
        %get3A_1350 = arith.constant 0 : i32
        %get3A_1351 = tpu.memref_slice %arg10[%scan3A_175, %get3A_1349, %get3A_1350] : memref<2x128x128xf32, #tpu.memory_space<vmem>> -> memref<1x128x128xf32, #tpu.memory_space<vmem>>
        %get3A_1352 = tpu.memref_squeeze %get3A_1351 : memref<1x128x128xf32, #tpu.memory_space<vmem>> -> memref<128x128xf32, #tpu.memory_space<vmem>>
        %get3A_1353 = arith.index_cast %add3A_1297 : i32 to index
        %get3A_1354 = arith.constant 112 : index
        %get3A_1355 = tpu.vector_load %get3A_1352[%get3A_1353, %get3A_1354] {strides = array<i32>} : memref<128x128xf32, #tpu.memory_space<vmem>>, vector<16xf32>,
        %get3A_1356 = arith.index_cast %squeeze3A_1299 : i32 to index
        %get3A_1357 = arith.constant 0 : index
        %get3A_1358 = tpu.vector_load %arg9[%get3A_1356, %get3A_1357] {strides = array<i32>} : memref<8x128xi32, #tpu.memory_space<vmem>>, vector<16xi32>,
        %bitcast3A_1359 = vector.bitcast %get3A_1358 : vector<16xi32> to vector<32xbf16>
        %unpack3A_1360 = tpu.unpack_subelements %bitcast3A_1359, 0 {pack_format = #tpu.pack_format<interleaved>} : vector<32xbf16> -> vector<16xf32>
        %unpack3A_1361 = tpu.unpack_subelements %bitcast3A_1359, 1 {pack_format = #tpu.pack_format<interleaved>} : vector<32xbf16> -> vector<16xf32>
        %get3A_1362 = arith.index_cast %squeeze3A_1299 : i32 to index
        %get3A_1363 = arith.constant 16 : index
        %get3A_1364 = tpu.vector_load %arg9[%get3A_1362, %get3A_1363] {strides = array<i32>} : memref<8x128xi32, #tpu.memory_space<vmem>>, vector<16xi32>,
        %bitcast3A_1365 = vector.bitcast %get3A_1364 : vector<16xi32> to vector<32xbf16>
        %unpack3A_1366 = tpu.unpack_subelements %bitcast3A_1365, 0 {pack_format = #tpu.pack_format<interleaved>} : vector<32xbf16> -> vector<16xf32>
        %unpack3A_1367 = tpu.unpack_subelements %bitcast3A_1365, 1 {pack_format = #tpu.pack_format<interleaved>} : vector<32xbf16> -> vector<16xf32>
        %get3A_1368 = arith.index_cast %squeeze3A_1299 : i32 to index
        %get3A_1369 = arith.constant 32 : index
        %get3A_1370 = tpu.vector_load %arg9[%get3A_1368, %get3A_1369] {strides = array<i32>} : memref<8x128xi32, #tpu.memory_space<vmem>>, vector<16xi32>,
        %bitcast3A_1371 = vector.bitcast %get3A_1370 : vector<16xi32> to vector<32xbf16>
        %unpack3A_1372 = tpu.unpack_subelements %bitcast3A_1371, 0 {pack_format = #tpu.pack_format<interleaved>} : vector<32xbf16> -> vector<16xf32>
        %unpack3A_1373 = tpu.unpack_subelements %bitcast3A_1371, 1 {pack_format = #tpu.pack_format<interleaved>} : vector<32xbf16> -> vector<16xf32>
        %get3A_1374 = arith.index_cast %squeeze3A_1299 : i32 to index
        %get3A_1375 = arith.constant 48 : index
        %get3A_1376 = tpu.vector_load %arg9[%get3A_1374, %get3A_1375] {strides = array<i32>} : memref<8x128xi32, #tpu.memory_space<vmem>>, vector<16xi32>,
        %bitcast3A_1377 = vector.bitcast %get3A_1376 : vector<16xi32> to vector<32xbf16>
        %unpack3A_1378 = tpu.unpack_subelements %bitcast3A_1377, 0 {pack_format = #tpu.pack_format<interleaved>} : vector<32xbf16> -> vector<16xf32>
        %unpack3A_1379 = tpu.unpack_subelements %bitcast3A_1377, 1 {pack_format = #tpu.pack_format<interleaved>} : vector<32xbf16> -> vector<16xf32>
        %get3A_1380 = arith.index_cast %squeeze3A_1299 : i32 to index
        %get3A_1381 = arith.constant 64 : index
        %get3A_1382 = tpu.vector_load %arg9[%get3A_1380, %get3A_1381] {strides = array<i32>} : memref<8x128xi32, #tpu.memory_space<vmem>>, vector<16xi32>,
        %bitcast3A_1383 = vector.bitcast %get3A_1382 : vector<16xi32> to vector<32xbf16>
        %unpack3A_1384 = tpu.unpack_subelements %bitcast3A_1383, 0 {pack_format = #tpu.pack_format<interleaved>} : vector<32xbf16> -> vector<16xf32>
        %unpack3A_1385 = tpu.unpack_subelements %bitcast3A_1383, 1 {pack_format = #tpu.pack_format<interleaved>} : vector<32xbf16> -> vector<16xf32>
        %get3A_1386 = arith.index_cast %squeeze3A_1299 : i32 to index
        %get3A_1387 = arith.constant 80 : index
        %get3A_1388 = tpu.vector_load %arg9[%get3A_1386, %get3A_1387] {strides = array<i32>} : memref<8x128xi32, #tpu.memory_space<vmem>>, vector<16xi32>,
        %bitcast3A_1389 = vector.bitcast %get3A_1388 : vector<16xi32> to vector<32xbf16>
        %unpack3A_1390 = tpu.unpack_subelements %bitcast3A_1389, 0 {pack_format = #tpu.pack_format<interleaved>} : vector<32xbf16> -> vector<16xf32>
        %unpack3A_1391 = tpu.unpack_subelements %bitcast3A_1389, 1 {pack_format = #tpu.pack_format<interleaved>} : vector<32xbf16> -> vector<16xf32>
        %get3A_1392 = arith.index_cast %squeeze3A_1299 : i32 to index
        %get3A_1393 = arith.constant 96 : index
        %get3A_1394 = tpu.vector_load %arg9[%get3A_1392, %get3A_1393] {strides = array<i32>} : memref<8x128xi32, #tpu.memory_space<vmem>>, vector<16xi32>,
        %bitcast3A_1395 = vector.bitcast %get3A_1394 : vector<16xi32> to vector<32xbf16>
        %unpack3A_1396 = tpu.unpack_subelements %bitcast3A_1395, 0 {pack_format = #tpu.pack_format<interleaved>} : vector<32xbf16> -> vector<16xf32>
        %unpack3A_1397 = tpu.unpack_subelements %bitcast3A_1395, 1 {pack_format = #tpu.pack_format<interleaved>} : vector<32xbf16> -> vector<16xf32>
        %get3A_1398 = arith.index_cast %squeeze3A_1299 : i32 to index
        %get3A_1399 = arith.constant 112 : index
        %get3A_1400 = tpu.vector_load %arg9[%get3A_1398, %get3A_1399] {strides = array<i32>} : memref<8x128xi32, #tpu.memory_space<vmem>>, vector<16xi32>,
        %bitcast3A_1401 = vector.bitcast %get3A_1400 : vector<16xi32> to vector<32xbf16>
        %unpack3A_1402 = tpu.unpack_subelements %bitcast3A_1401, 0 {pack_format = #tpu.pack_format<interleaved>} : vector<32xbf16> -> vector<16xf32>
        %unpack3A_1403 = tpu.unpack_subelements %bitcast3A_1401, 1 {pack_format = #tpu.pack_format<interleaved>} : vector<32xbf16> -> vector<16xf32>
        %mul3A_1404 = arith.mulf %get3A_1306, %unpack3A_1360 : vector<16xf32>
        %add3A_1405 = arith.addf %mul3A_1404, %unpack3A_1361 : vector<16xf32>
        %swap3A_1406 = arith.constant 0 : i32
        %swap3A_1407 = arith.constant 0 : i32
        %swap3A_1408 = tpu.memref_slice %arg11[%scan3A_176, %swap3A_1406, %swap3A_1407] : memref<2x128x128xf32, #tpu.memory_space<vmem>> -> memref<1x128x128xf32, #tpu.memory_space<vmem>>
        %swap3A_1409 = tpu.memref_squeeze %swap3A_1408 : memref<1x128x128xf32, #tpu.memory_space<vmem>> -> memref<128x128xf32, #tpu.memory_space<vmem>>
        %swap3A_1410 = arith.index_cast %add3A_1297 : i32 to index
        %swap3A_1411 = arith.constant 0 : index
        %swap3A_1412 = tpu.vector_load %swap3A_1409[%swap3A_1410, %swap3A_1411] {strides = array<i32>} : memref<128x128xf32, #tpu.memory_space<vmem>>, vector<16xf32>,
        tpu.vector_store %swap3A_1409[%swap3A_1410, %swap3A_1411], %add3A_1405 {strides = array<i32>} : memref<128x128xf32, #tpu.memory_space<vmem>>, vector<16xf32>,
        %mul3A_1413 = arith.mulf %get3A_1313, %unpack3A_1366 : vector<16xf32>
        %add3A_1414 = arith.addf %mul3A_1413, %unpack3A_1367 : vector<16xf32>
        %swap3A_1415 = arith.constant 0 : i32
        %swap3A_1416 = arith.constant 0 : i32
        %swap3A_1417 = tpu.memref_slice %arg11[%scan3A_176, %swap3A_1415, %swap3A_1416] : memref<2x128x128xf32, #tpu.memory_space<vmem>> -> memref<1x128x128xf32, #tpu.memory_space<vmem>>
        %swap3A_1418 = tpu.memref_squeeze %swap3A_1417 : memref<1x128x128xf32, #tpu.memory_space<vmem>> -> memref<128x128xf32, #tpu.memory_space<vmem>>
        %swap3A_1419 = arith.index_cast %add3A_1297 : i32 to index
        %swap3A_1420 = arith.constant 16 : index
        %swap3A_1421 = tpu.vector_load %swap3A_1418[%swap3A_1419, %swap3A_1420] {strides = array<i32>} : memref<128x128xf32, #tpu.memory_space<vmem>>, vector<16xf32>,
        tpu.vector_store %swap3A_1418[%swap3A_1419, %swap3A_1420], %add3A_1414 {strides = array<i32>} : memref<128x128xf32, #tpu.memory_space<vmem>>, vector<16xf32>,
        %mul3A_1422 = arith.mulf %get3A_1320, %unpack3A_1372 : vector<16xf32>
        %add3A_1423 = arith.addf %mul3A_1422, %unpack3A_1373 : vector<16xf32>
        %swap3A_1424 = arith.constant 0 : i32
        %swap3A_1425 = arith.constant 0 : i32
        %swap3A_1426 = tpu.memref_slice %arg11[%scan3A_176, %swap3A_1424, %swap3A_1425] : memref<2x128x128xf32, #tpu.memory_space<vmem>> -> memref<1x128x128xf32, #tpu.memory_space<vmem>>
        %swap3A_1427 = tpu.memref_squeeze %swap3A_1426 : memref<1x128x128xf32, #tpu.memory_space<vmem>> -> memref<128x128xf32, #tpu.memory_space<vmem>>
        %swap3A_1428 = arith.index_cast %add3A_1297 : i32 to index
        %swap3A_1429 = arith.constant 32 : index
        %swap3A_1430 = tpu.vector_load %swap3A_1427[%swap3A_1428, %swap3A_1429] {strides = array<i32>} : memref<128x128xf32, #tpu.memory_space<vmem>>, vector<16xf32>,
        tpu.vector_store %swap3A_1427[%swap3A_1428, %swap3A_1429], %add3A_1423 {strides = array<i32>} : memref<128x128xf32, #tpu.memory_space<vmem>>, vector<16xf32>,
        %mul3A_1431 = arith.mulf %get3A_1327, %unpack3A_1378 : vector<16xf32>
        %add3A_1432 = arith.addf %mul3A_1431, %unpack3A_1379 : vector<16xf32>
        %swap3A_1433 = arith.constant 0 : i32
        %swap3A_1434 = arith.constant 0 : i32
        %swap3A_1435 = tpu.memref_slice %arg11[%scan3A_176, %swap3A_1433, %swap3A_1434] : memref<2x128x128xf32, #tpu.memory_space<vmem>> -> memref<1x128x128xf32, #tpu.memory_space<vmem>>
        %swap3A_1436 = tpu.memref_squeeze %swap3A_1435 : memref<1x128x128xf32, #tpu.memory_space<vmem>> -> memref<128x128xf32, #tpu.memory_space<vmem>>
        %swap3A_1437 = arith.index_cast %add3A_1297 : i32 to index
        %swap3A_1438 = arith.constant 48 : index
        %swap3A_1439 = tpu.vector_load %swap3A_1436[%swap3A_1437, %swap3A_1438] {strides = array<i32>} : memref<128x128xf32, #tpu.memory_space<vmem>>, vector<16xf32>,
        tpu.vector_store %swap3A_1436[%swap3A_1437, %swap3A_1438], %add3A_1432 {strides = array<i32>} : memref<128x128xf32, #tpu.memory_space<vmem>>, vector<16xf32>,
        %mul3A_1440 = arith.mulf %get3A_1334, %unpack3A_1384 : vector<16xf32>
        %add3A_1441 = arith.addf %mul3A_1440, %unpack3A_1385 : vector<16xf32>
        %swap3A_1442 = arith.constant 0 : i32
        %swap3A_1443 = arith.constant 0 : i32
        %swap3A_1444 = tpu.memref_slice %arg11[%scan3A_176, %swap3A_1442, %swap3A_1443] : memref<2x128x128xf32, #tpu.memory_space<vmem>> -> memref<1x128x128xf32, #tpu.memory_space<vmem>>
        %swap3A_1445 = tpu.memref_squeeze %swap3A_1444 : memref<1x128x128xf32, #tpu.memory_space<vmem>> -> memref<128x128xf32, #tpu.memory_space<vmem>>
        %swap3A_1446 = arith.index_cast %add3A_1297 : i32 to index
        %swap3A_1447 = arith.constant 64 : index
        %swap3A_1448 = tpu.vector_load %swap3A_1445[%swap3A_1446, %swap3A_1447] {strides = array<i32>} : memref<128x128xf32, #tpu.memory_space<vmem>>, vector<16xf32>,
        tpu.vector_store %swap3A_1445[%swap3A_1446, %swap3A_1447], %add3A_1441 {strides = array<i32>} : memref<128x128xf32, #tpu.memory_space<vmem>>, vector<16xf32>,
        %mul3A_1449 = arith.mulf %get3A_1341, %unpack3A_1390 : vector<16xf32>
        %add3A_1450 = arith.addf %mul3A_1449, %unpack3A_1391 : vector<16xf32>
        %swap3A_1451 = arith.constant 0 : i32
        %swap3A_1452 = arith.constant 0 : i32
        %swap3A_1453 = tpu.memref_slice %arg11[%scan3A_176, %swap3A_1451, %swap3A_1452] : memref<2x128x128xf32, #tpu.memory_space<vmem>> -> memref<1x128x128xf32, #tpu.memory_space<vmem>>
        %swap3A_1454 = tpu.memref_squeeze %swap3A_1453 : memref<1x128x128xf32, #tpu.memory_space<vmem>> -> memref<128x128xf32, #tpu.memory_space<vmem>>
        %swap3A_1455 = arith.index_cast %add3A_1297 : i32 to index
        %swap3A_1456 = arith.constant 80 : index
        %swap3A_1457 = tpu.vector_load %swap3A_1454[%swap3A_1455, %swap3A_1456] {strides = array<i32>} : memref<128x128xf32, #tpu.memory_space<vmem>>, vector<16xf32>,
        tpu.vector_store %swap3A_1454[%swap3A_1455, %swap3A_1456], %add3A_1450 {strides = array<i32>} : memref<128x128xf32, #tpu.memory_space<vmem>>, vector<16xf32>,
        %mul3A_1458 = arith.mulf %get3A_1348, %unpack3A_1396 : vector<16xf32>
        %add3A_1459 = arith.addf %mul3A_1458, %unpack3A_1397 : vector<16xf32>
        %swap3A_1460 = arith.constant 0 : i32
        %swap3A_1461 = arith.constant 0 : i32
        %swap3A_1462 = tpu.memref_slice %arg11[%scan3A_176, %swap3A_1460, %swap3A_1461] : memref<2x128x128xf32, #tpu.memory_space<vmem>> -> memref<1x128x128xf32, #tpu.memory_space<vmem>>
        %swap3A_1463 = tpu.memref_squeeze %swap3A_1462 : memref<1x128x128xf32, #tpu.memory_space<vmem>> -> memref<128x128xf32, #tpu.memory_space<vmem>>
        %swap3A_1464 = arith.index_cast %add3A_1297 : i32 to index
        %swap3A_1465 = arith.constant 96 : index
        %swap3A_1466 = tpu.vector_load %swap3A_1463[%swap3A_1464, %swap3A_1465] {strides = array<i32>} : memref<128x128xf32, #tpu.memory_space<vmem>>, vector<16xf32>,
        tpu.vector_store %swap3A_1463[%swap3A_1464, %swap3A_1465], %add3A_1459 {strides = array<i32>} : memref<128x128xf32, #tpu.memory_space<vmem>>, vector<16xf32>,
        %mul3A_1467 = arith.mulf %get3A_1355, %unpack3A_1402 : vector<16xf32>
        %add3A_1468 = arith.addf %mul3A_1467, %unpack3A_1403 : vector<16xf32>
        %swap3A_1469 = arith.constant 0 : i32
        %swap3A_1470 = arith.constant 0 : i32
        %swap3A_1471 = tpu.memref_slice %arg11[%scan3A_176, %swap3A_1469, %swap3A_1470] : memref<2x128x128xf32, #tpu.memory_space<vmem>> -> memref<1x128x128xf32, #tpu.memory_space<vmem>>
        %swap3A_1472 = tpu.memref_squeeze %swap3A_1471 : memref<1x128x128xf32, #tpu.memory_space<vmem>> -> memref<128x128xf32, #tpu.memory_space<vmem>>
        %swap3A_1473 = arith.index_cast %add3A_1297 : i32 to index
        %swap3A_1474 = arith.constant 112 : index
        %swap3A_1475 = tpu.vector_load %swap3A_1472[%swap3A_1473, %swap3A_1474] {strides = array<i32>} : memref<128x128xf32, #tpu.memory_space<vmem>>, vector<16xf32>,
        tpu.vector_store %swap3A_1472[%swap3A_1473, %swap3A_1474], %add3A_1468 {strides = array<i32>} : memref<128x128xf32, #tpu.memory_space<vmem>>, vector<16xf32>,
        %mul3A_1476 = arith.constant 8 : i32
        %mul3A_1477 = arith.muli %scan3A_203, %mul3A_1476 : i32
        %add3A_1478 = arith.constant 7 : i32
        %add3A_1479 = arith.addi %mul3A_1477, %add3A_1478 : i32
        %slice3A_1480 = vector.extract_strided_slice %get3A_206 {offsets = [7], sizes = [1], strides = [1]} : vector<16xi32> to vector<1xi32>
        %squeeze3A_1481 = vector.extract %slice3A_1480[0] : i32 from vector<1xi32>
        %get3A_1482 = arith.constant 0 : i32
        %get3A_1483 = arith.constant 0 : i32
        %get3A_1484 = tpu.memref_slice %arg10[%scan3A_175, %get3A_1482, %get3A_1483] : memref<2x128x128xf32, #tpu.memory_space<vmem>> -> memref<1x128x128xf32, #tpu.memory_space<vmem>>
        %get3A_1485 = tpu.memref_squeeze %get3A_1484 : memref<1x128x128xf32, #tpu.memory_space<vmem>> -> memref<128x128xf32, #tpu.memory_space<vmem>>
        %get3A_1486 = arith.index_cast %add3A_1479 : i32 to index
        %get3A_1487 = arith.constant 0 : index
        %get3A_1488 = tpu.vector_load %get3A_1485[%get3A_1486, %get3A_1487] {strides = array<i32>} : memref<128x128xf32, #tpu.memory_space<vmem>>, vector<16xf32>,
        %get3A_1489 = arith.constant 0 : i32
        %get3A_1490 = arith.constant 0 : i32
        %get3A_1491 = tpu.memref_slice %arg10[%scan3A_175, %get3A_1489, %get3A_1490] : memref<2x128x128xf32, #tpu.memory_space<vmem>> -> memref<1x128x128xf32, #tpu.memory_space<vmem>>
        %get3A_1492 = tpu.memref_squeeze %get3A_1491 : memref<1x128x128xf32, #tpu.memory_space<vmem>> -> memref<128x128xf32, #tpu.memory_space<vmem>>
        %get3A_1493 = arith.index_cast %add3A_1479 : i32 to index
        %get3A_1494 = arith.constant 16 : index
        %get3A_1495 = tpu.vector_load %get3A_1492[%get3A_1493, %get3A_1494] {strides = array<i32>} : memref<128x128xf32, #tpu.memory_space<vmem>>, vector<16xf32>,
        %get3A_1496 = arith.constant 0 : i32
        %get3A_1497 = arith.constant 0 : i32
        %get3A_1498 = tpu.memref_slice %arg10[%scan3A_175, %get3A_1496, %get3A_1497] : memref<2x128x128xf32, #tpu.memory_space<vmem>> -> memref<1x128x128xf32, #tpu.memory_space<vmem>>
        %get3A_1499 = tpu.memref_squeeze %get3A_1498 : memref<1x128x128xf32, #tpu.memory_space<vmem>> -> memref<128x128xf32, #tpu.memory_space<vmem>>
        %get3A_1500 = arith.index_cast %add3A_1479 : i32 to index
        %get3A_1501 = arith.constant 32 : index
        %get3A_1502 = tpu.vector_load %get3A_1499[%get3A_1500, %get3A_1501] {strides = array<i32>} : memref<128x128xf32, #tpu.memory_space<vmem>>, vector<16xf32>,
        %get3A_1503 = arith.constant 0 : i32
        %get3A_1504 = arith.constant 0 : i32
        %get3A_1505 = tpu.memref_slice %arg10[%scan3A_175, %get3A_1503, %get3A_1504] : memref<2x128x128xf32, #tpu.memory_space<vmem>> -> memref<1x128x128xf32, #tpu.memory_space<vmem>>
        %get3A_1506 = tpu.memref_squeeze %get3A_1505 : memref<1x128x128xf32, #tpu.memory_space<vmem>> -> memref<128x128xf32, #tpu.memory_space<vmem>>
        %get3A_1507 = arith.index_cast %add3A_1479 : i32 to index
        %get3A_1508 = arith.constant 48 : index
        %get3A_1509 = tpu.vector_load %get3A_1506[%get3A_1507, %get3A_1508] {strides = array<i32>} : memref<128x128xf32, #tpu.memory_space<vmem>>, vector<16xf32>,
        %get3A_1510 = arith.constant 0 : i32
        %get3A_1511 = arith.constant 0 : i32
        %get3A_1512 = tpu.memref_slice %arg10[%scan3A_175, %get3A_1510, %get3A_1511] : memref<2x128x128xf32, #tpu.memory_space<vmem>> -> memref<1x128x128xf32, #tpu.memory_space<vmem>>
        %get3A_1513 = tpu.memref_squeeze %get3A_1512 : memref<1x128x128xf32, #tpu.memory_space<vmem>> -> memref<128x128xf32, #tpu.memory_space<vmem>>
        %get3A_1514 = arith.index_cast %add3A_1479 : i32 to index
        %get3A_1515 = arith.constant 64 : index
        %get3A_1516 = tpu.vector_load %get3A_1513[%get3A_1514, %get3A_1515] {strides = array<i32>} : memref<128x128xf32, #tpu.memory_space<vmem>>, vector<16xf32>,
        %get3A_1517 = arith.constant 0 : i32
        %get3A_1518 = arith.constant 0 : i32
        %get3A_1519 = tpu.memref_slice %arg10[%scan3A_175, %get3A_1517, %get3A_1518] : memref<2x128x128xf32, #tpu.memory_space<vmem>> -> memref<1x128x128xf32, #tpu.memory_space<vmem>>
        %get3A_1520 = tpu.memref_squeeze %get3A_1519 : memref<1x128x128xf32, #tpu.memory_space<vmem>> -> memref<128x128xf32, #tpu.memory_space<vmem>>
        %get3A_1521 = arith.index_cast %add3A_1479 : i32 to index
        %get3A_1522 = arith.constant 80 : index
        %get3A_1523 = tpu.vector_load %get3A_1520[%get3A_1521, %get3A_1522] {strides = array<i32>} : memref<128x128xf32, #tpu.memory_space<vmem>>, vector<16xf32>,
        %get3A_1524 = arith.constant 0 : i32
        %get3A_1525 = arith.constant 0 : i32
        %get3A_1526 = tpu.memref_slice %arg10[%scan3A_175, %get3A_1524, %get3A_1525] : memref<2x128x128xf32, #tpu.memory_space<vmem>> -> memref<1x128x128xf32, #tpu.memory_space<vmem>>
        %get3A_1527 = tpu.memref_squeeze %get3A_1526 : memref<1x128x128xf32, #tpu.memory_space<vmem>> -> memref<128x128xf32, #tpu.memory_space<vmem>>
        %get3A_1528 = arith.index_cast %add3A_1479 : i32 to index
        %get3A_1529 = arith.constant 96 : index
        %get3A_1530 = tpu.vector_load %get3A_1527[%get3A_1528, %get3A_1529] {strides = array<i32>} : memref<128x128xf32, #tpu.memory_space<vmem>>, vector<16xf32>,
        %get3A_1531 = arith.constant 0 : i32
        %get3A_1532 = arith.constant 0 : i32
        %get3A_1533 = tpu.memref_slice %arg10[%scan3A_175, %get3A_1531, %get3A_1532] : memref<2x128x128xf32, #tpu.memory_space<vmem>> -> memref<1x128x128xf32, #tpu.memory_space<vmem>>
        %get3A_1534 = tpu.memref_squeeze %get3A_1533 : memref<1x128x128xf32, #tpu.memory_space<vmem>> -> memref<128x128xf32, #tpu.memory_space<vmem>>
        %get3A_1535 = arith.index_cast %add3A_1479 : i32 to index
        %get3A_1536 = arith.constant 112 : index
        %get3A_1537 = tpu.vector_load %get3A_1534[%get3A_1535, %get3A_1536] {strides = array<i32>} : memref<128x128xf32, #tpu.memory_space<vmem>>, vector<16xf32>,
        %get3A_1538 = arith.index_cast %squeeze3A_1481 : i32 to index
        %get3A_1539 = arith.constant 0 : index
        %get3A_1540 = tpu.vector_load %arg9[%get3A_1538, %get3A_1539] {strides = array<i32>} : memref<8x128xi32, #tpu.memory_space<vmem>>, vector<16xi32>,
        %bitcast3A_1541 = vector.bitcast %get3A_1540 : vector<16xi32> to vector<32xbf16>
        %unpack3A_1542 = tpu.unpack_subelements %bitcast3A_1541, 0 {pack_format = #tpu.pack_format<interleaved>} : vector<32xbf16> -> vector<16xf32>
        %unpack3A_1543 = tpu.unpack_subelements %bitcast3A_1541, 1 {pack_format = #tpu.pack_format<interleaved>} : vector<32xbf16> -> vector<16xf32>
        %get3A_1544 = arith.index_cast %squeeze3A_1481 : i32 to index
        %get3A_1545 = arith.constant 16 : index
        %get3A_1546 = tpu.vector_load %arg9[%get3A_1544, %get3A_1545] {strides = array<i32>} : memref<8x128xi32, #tpu.memory_space<vmem>>, vector<16xi32>,
        %bitcast3A_1547 = vector.bitcast %get3A_1546 : vector<16xi32> to vector<32xbf16>
        %unpack3A_1548 = tpu.unpack_subelements %bitcast3A_1547, 0 {pack_format = #tpu.pack_format<interleaved>} : vector<32xbf16> -> vector<16xf32>
        %unpack3A_1549 = tpu.unpack_subelements %bitcast3A_1547, 1 {pack_format = #tpu.pack_format<interleaved>} : vector<32xbf16> -> vector<16xf32>
        %get3A_1550 = arith.index_cast %squeeze3A_1481 : i32 to index
        %get3A_1551 = arith.constant 32 : index
        %get3A_1552 = tpu.vector_load %arg9[%get3A_1550, %get3A_1551] {strides = array<i32>} : memref<8x128xi32, #tpu.memory_space<vmem>>, vector<16xi32>,
        %bitcast3A_1553 = vector.bitcast %get3A_1552 : vector<16xi32> to vector<32xbf16>
        %unpack3A_1554 = tpu.unpack_subelements %bitcast3A_1553, 0 {pack_format = #tpu.pack_format<interleaved>} : vector<32xbf16> -> vector<16xf32>
        %unpack3A_1555 = tpu.unpack_subelements %bitcast3A_1553, 1 {pack_format = #tpu.pack_format<interleaved>} : vector<32xbf16> -> vector<16xf32>
        %get3A_1556 = arith.index_cast %squeeze3A_1481 : i32 to index
        %get3A_1557 = arith.constant 48 : index
        %get3A_1558 = tpu.vector_load %arg9[%get3A_1556, %get3A_1557] {strides = array<i32>} : memref<8x128xi32, #tpu.memory_space<vmem>>, vector<16xi32>,
        %bitcast3A_1559 = vector.bitcast %get3A_1558 : vector<16xi32> to vector<32xbf16>
        %unpack3A_1560 = tpu.unpack_subelements %bitcast3A_1559, 0 {pack_format = #tpu.pack_format<interleaved>} : vector<32xbf16> -> vector<16xf32>
        %unpack3A_1561 = tpu.unpack_subelements %bitcast3A_1559, 1 {pack_format = #tpu.pack_format<interleaved>} : vector<32xbf16> -> vector<16xf32>
        %get3A_1562 = arith.index_cast %squeeze3A_1481 : i32 to index
        %get3A_1563 = arith.constant 64 : index
        %get3A_1564 = tpu.vector_load %arg9[%get3A_1562, %get3A_1563] {strides = array<i32>} : memref<8x128xi32, #tpu.memory_space<vmem>>, vector<16xi32>,
        %bitcast3A_1565 = vector.bitcast %get3A_1564 : vector<16xi32> to vector<32xbf16>
        %unpack3A_1566 = tpu.unpack_subelements %bitcast3A_1565, 0 {pack_format = #tpu.pack_format<interleaved>} : vector<32xbf16> -> vector<16xf32>
        %unpack3A_1567 = tpu.unpack_subelements %bitcast3A_1565, 1 {pack_format = #tpu.pack_format<interleaved>} : vector<32xbf16> -> vector<16xf32>
        %get3A_1568 = arith.index_cast %squeeze3A_1481 : i32 to index
        %get3A_1569 = arith.constant 80 : index
        %get3A_1570 = tpu.vector_load %arg9[%get3A_1568, %get3A_1569] {strides = array<i32>} : memref<8x128xi32, #tpu.memory_space<vmem>>, vector<16xi32>,
        %bitcast3A_1571 = vector.bitcast %get3A_1570 : vector<16xi32> to vector<32xbf16>
        %unpack3A_1572 = tpu.unpack_subelements %bitcast3A_1571, 0 {pack_format = #tpu.pack_format<interleaved>} : vector<32xbf16> -> vector<16xf32>
        %unpack3A_1573 = tpu.unpack_subelements %bitcast3A_1571, 1 {pack_format = #tpu.pack_format<interleaved>} : vector<32xbf16> -> vector<16xf32>
        %get3A_1574 = arith.index_cast %squeeze3A_1481 : i32 to index
        %get3A_1575 = arith.constant 96 : index
        %get3A_1576 = tpu.vector_load %arg9[%get3A_1574, %get3A_1575] {strides = array<i32>} : memref<8x128xi32, #tpu.memory_space<vmem>>, vector<16xi32>,
        %bitcast3A_1577 = vector.bitcast %get3A_1576 : vector<16xi32> to vector<32xbf16>
        %unpack3A_1578 = tpu.unpack_subelements %bitcast3A_1577, 0 {pack_format = #tpu.pack_format<interleaved>} : vector<32xbf16> -> vector<16xf32>
        %unpack3A_1579 = tpu.unpack_subelements %bitcast3A_1577, 1 {pack_format = #tpu.pack_format<interleaved>} : vector<32xbf16> -> vector<16xf32>
        %get3A_1580 = arith.index_cast %squeeze3A_1481 : i32 to index
        %get3A_1581 = arith.constant 112 : index
        %get3A_1582 = tpu.vector_load %arg9[%get3A_1580, %get3A_1581] {strides = array<i32>} : memref<8x128xi32, #tpu.memory_space<vmem>>, vector<16xi32>,
        %bitcast3A_1583 = vector.bitcast %get3A_1582 : vector<16xi32> to vector<32xbf16>
        %unpack3A_1584 = tpu.unpack_subelements %bitcast3A_1583, 0 {pack_format = #tpu.pack_format<interleaved>} : vector<32xbf16> -> vector<16xf32>
        %unpack3A_1585 = tpu.unpack_subelements %bitcast3A_1583, 1 {pack_format = #tpu.pack_format<interleaved>} : vector<32xbf16> -> vector<16xf32>
        %mul3A_1586 = arith.mulf %get3A_1488, %unpack3A_1542 : vector<16xf32>
        %add3A_1587 = arith.addf %mul3A_1586, %unpack3A_1543 : vector<16xf32>
        %swap3A_1588 = arith.constant 0 : i32
        %swap3A_1589 = arith.constant 0 : i32
        %swap3A_1590 = tpu.memref_slice %arg11[%scan3A_176, %swap3A_1588, %swap3A_1589] : memref<2x128x128xf32, #tpu.memory_space<vmem>> -> memref<1x128x128xf32, #tpu.memory_space<vmem>>
        %swap3A_1591 = tpu.memref_squeeze %swap3A_1590 : memref<1x128x128xf32, #tpu.memory_space<vmem>> -> memref<128x128xf32, #tpu.memory_space<vmem>>
        %swap3A_1592 = arith.index_cast %add3A_1479 : i32 to index
        %swap3A_1593 = arith.constant 0 : index
        %swap3A_1594 = tpu.vector_load %swap3A_1591[%swap3A_1592, %swap3A_1593] {strides = array<i32>} : memref<128x128xf32, #tpu.memory_space<vmem>>, vector<16xf32>,
        tpu.vector_store %swap3A_1591[%swap3A_1592, %swap3A_1593], %add3A_1587 {strides = array<i32>} : memref<128x128xf32, #tpu.memory_space<vmem>>, vector<16xf32>,
        %mul3A_1595 = arith.mulf %get3A_1495, %unpack3A_1548 : vector<16xf32>
        %add3A_1596 = arith.addf %mul3A_1595, %unpack3A_1549 : vector<16xf32>
        %swap3A_1597 = arith.constant 0 : i32
        %swap3A_1598 = arith.constant 0 : i32
        %swap3A_1599 = tpu.memref_slice %arg11[%scan3A_176, %swap3A_1597, %swap3A_1598] : memref<2x128x128xf32, #tpu.memory_space<vmem>> -> memref<1x128x128xf32, #tpu.memory_space<vmem>>
        %swap3A_1600 = tpu.memref_squeeze %swap3A_1599 : memref<1x128x128xf32, #tpu.memory_space<vmem>> -> memref<128x128xf32, #tpu.memory_space<vmem>>
        %swap3A_1601 = arith.index_cast %add3A_1479 : i32 to index
        %swap3A_1602 = arith.constant 16 : index
        %swap3A_1603 = tpu.vector_load %swap3A_1600[%swap3A_1601, %swap3A_1602] {strides = array<i32>} : memref<128x128xf32, #tpu.memory_space<vmem>>, vector<16xf32>,
        tpu.vector_store %swap3A_1600[%swap3A_1601, %swap3A_1602], %add3A_1596 {strides = array<i32>} : memref<128x128xf32, #tpu.memory_space<vmem>>, vector<16xf32>,
        %mul3A_1604 = arith.mulf %get3A_1502, %unpack3A_1554 : vector<16xf32>
        %add3A_1605 = arith.addf %mul3A_1604, %unpack3A_1555 : vector<16xf32>
        %swap3A_1606 = arith.constant 0 : i32
        %swap3A_1607 = arith.constant 0 : i32
        %swap3A_1608 = tpu.memref_slice %arg11[%scan3A_176, %swap3A_1606, %swap3A_1607] : memref<2x128x128xf32, #tpu.memory_space<vmem>> -> memref<1x128x128xf32, #tpu.memory_space<vmem>>
        %swap3A_1609 = tpu.memref_squeeze %swap3A_1608 : memref<1x128x128xf32, #tpu.memory_space<vmem>> -> memref<128x128xf32, #tpu.memory_space<vmem>>
        %swap3A_1610 = arith.index_cast %add3A_1479 : i32 to index
        %swap3A_1611 = arith.constant 32 : index
        %swap3A_1612 = tpu.vector_load %swap3A_1609[%swap3A_1610, %swap3A_1611] {strides = array<i32>} : memref<128x128xf32, #tpu.memory_space<vmem>>, vector<16xf32>,
        tpu.vector_store %swap3A_1609[%swap3A_1610, %swap3A_1611], %add3A_1605 {strides = array<i32>} : memref<128x128xf32, #tpu.memory_space<vmem>>, vector<16xf32>,
        %mul3A_1613 = arith.mulf %get3A_1509, %unpack3A_1560 : vector<16xf32>
        %add3A_1614 = arith.addf %mul3A_1613, %unpack3A_1561 : vector<16xf32>
        %swap3A_1615 = arith.constant 0 : i32
        %swap3A_1616 = arith.constant 0 : i32
        %swap3A_1617 = tpu.memref_slice %arg11[%scan3A_176, %swap3A_1615, %swap3A_1616] : memref<2x128x128xf32, #tpu.memory_space<vmem>> -> memref<1x128x128xf32, #tpu.memory_space<vmem>>
        %swap3A_1618 = tpu.memref_squeeze %swap3A_1617 : memref<1x128x128xf32, #tpu.memory_space<vmem>> -> memref<128x128xf32, #tpu.memory_space<vmem>>
        %swap3A_1619 = arith.index_cast %add3A_1479 : i32 to index
        %swap3A_1620 = arith.constant 48 : index
        %swap3A_1621 = tpu.vector_load %swap3A_1618[%swap3A_1619, %swap3A_1620] {strides = array<i32>} : memref<128x128xf32, #tpu.memory_space<vmem>>, vector<16xf32>,
        tpu.vector_store %swap3A_1618[%swap3A_1619, %swap3A_1620], %add3A_1614 {strides = array<i32>} : memref<128x128xf32, #tpu.memory_space<vmem>>, vector<16xf32>,
        %mul3A_1622 = arith.mulf %get3A_1516, %unpack3A_1566 : vector<16xf32>
        %add3A_1623 = arith.addf %mul3A_1622, %unpack3A_1567 : vector<16xf32>
        %swap3A_1624 = arith.constant 0 : i32
        %swap3A_1625 = arith.constant 0 : i32
        %swap3A_1626 = tpu.memref_slice %arg11[%scan3A_176, %swap3A_1624, %swap3A_1625] : memref<2x128x128xf32, #tpu.memory_space<vmem>> -> memref<1x128x128xf32, #tpu.memory_space<vmem>>
        %swap3A_1627 = tpu.memref_squeeze %swap3A_1626 : memref<1x128x128xf32, #tpu.memory_space<vmem>> -> memref<128x128xf32, #tpu.memory_space<vmem>>
        %swap3A_1628 = arith.index_cast %add3A_1479 : i32 to index
        %swap3A_1629 = arith.constant 64 : index
        %swap3A_1630 = tpu.vector_load %swap3A_1627[%swap3A_1628, %swap3A_1629] {strides = array<i32>} : memref<128x128xf32, #tpu.memory_space<vmem>>, vector<16xf32>,
        tpu.vector_store %swap3A_1627[%swap3A_1628, %swap3A_1629], %add3A_1623 {strides = array<i32>} : memref<128x128xf32, #tpu.memory_space<vmem>>, vector<16xf32>,
        %mul3A_1631 = arith.mulf %get3A_1523, %unpack3A_1572 : vector<16xf32>
        %add3A_1632 = arith.addf %mul3A_1631, %unpack3A_1573 : vector<16xf32>
        %swap3A_1633 = arith.constant 0 : i32
        %swap3A_1634 = arith.constant 0 : i32
        %swap3A_1635 = tpu.memref_slice %arg11[%scan3A_176, %swap3A_1633, %swap3A_1634] : memref<2x128x128xf32, #tpu.memory_space<vmem>> -> memref<1x128x128xf32, #tpu.memory_space<vmem>>
        %swap3A_1636 = tpu.memref_squeeze %swap3A_1635 : memref<1x128x128xf32, #tpu.memory_space<vmem>> -> memref<128x128xf32, #tpu.memory_space<vmem>>
        %swap3A_1637 = arith.index_cast %add3A_1479 : i32 to index
        %swap3A_1638 = arith.constant 80 : index
        %swap3A_1639 = tpu.vector_load %swap3A_1636[%swap3A_1637, %swap3A_1638] {strides = array<i32>} : memref<128x128xf32, #tpu.memory_space<vmem>>, vector<16xf32>,
        tpu.vector_store %swap3A_1636[%swap3A_1637, %swap3A_1638], %add3A_1632 {strides = array<i32>} : memref<128x128xf32, #tpu.memory_space<vmem>>, vector<16xf32>,
        %mul3A_1640 = arith.mulf %get3A_1530, %unpack3A_1578 : vector<16xf32>
        %add3A_1641 = arith.addf %mul3A_1640, %unpack3A_1579 : vector<16xf32>
        %swap3A_1642 = arith.constant 0 : i32
        %swap3A_1643 = arith.constant 0 : i32
        %swap3A_1644 = tpu.memref_slice %arg11[%scan3A_176, %swap3A_1642, %swap3A_1643] : memref<2x128x128xf32, #tpu.memory_space<vmem>> -> memref<1x128x128xf32, #tpu.memory_space<vmem>>
        %swap3A_1645 = tpu.memref_squeeze %swap3A_1644 : memref<1x128x128xf32, #tpu.memory_space<vmem>> -> memref<128x128xf32, #tpu.memory_space<vmem>>
        %swap3A_1646 = arith.index_cast %add3A_1479 : i32 to index
        %swap3A_1647 = arith.constant 96 : index
        %swap3A_1648 = tpu.vector_load %swap3A_1645[%swap3A_1646, %swap3A_1647] {strides = array<i32>} : memref<128x128xf32, #tpu.memory_space<vmem>>, vector<16xf32>,
        tpu.vector_store %swap3A_1645[%swap3A_1646, %swap3A_1647], %add3A_1641 {strides = array<i32>} : memref<128x128xf32, #tpu.memory_space<vmem>>, vector<16xf32>,
        %mul3A_1649 = arith.mulf %get3A_1537, %unpack3A_1584 : vector<16xf32>
        %add3A_1650 = arith.addf %mul3A_1649, %unpack3A_1585 : vector<16xf32>
        %swap3A_1651 = arith.constant 0 : i32
        %swap3A_1652 = arith.constant 0 : i32
        %swap3A_1653 = tpu.memref_slice %arg11[%scan3A_176, %swap3A_1651, %swap3A_1652] : memref<2x128x128xf32, #tpu.memory_space<vmem>> -> memref<1x128x128xf32, #tpu.memory_space<vmem>>
        %swap3A_1654 = tpu.memref_squeeze %swap3A_1653 : memref<1x128x128xf32, #tpu.memory_space<vmem>> -> memref<128x128xf32, #tpu.memory_space<vmem>>
        %swap3A_1655 = arith.index_cast %add3A_1479 : i32 to index
        %swap3A_1656 = arith.constant 112 : index
        %swap3A_1657 = tpu.vector_load %swap3A_1654[%swap3A_1655, %swap3A_1656] {strides = array<i32>} : memref<128x128xf32, #tpu.memory_space<vmem>>, vector<16xf32>,
        tpu.vector_store %swap3A_1654[%swap3A_1655, %swap3A_1656], %add3A_1650 {strides = array<i32>} : memref<128x128xf32, #tpu.memory_space<vmem>>, vector<16xf32>,
      }
      %scan3A_181 = arith.constant 16 : i32
      %add3A_182 = arith.constant 2 : i32
      %add3A_183 = arith.addi %add3A_145, %add3A_182 : i32
      %lt3A_184 = arith.constant 4 : i32
      %lt3A_185 = arith.cmpi slt, %add3A_183, %lt3A_184 : i32
      %convert_element_type3A_186 = arith.extui %lt3A_185 : i1 to i32
      %cond3A_187 = arith.constant 1 : i32
      %cond3A_188 = arith.constant 0 : i32
      %cond3A_189 = arith.cmpi ne, %convert_element_type3A_186, %cond3A_188 : i32
      scf.if %cond3A_189 {
        %add3A_203 = arith.constant 2 : i32
        %add3A_204 = arith.addi %add3A_145, %add3A_203 : i32
        %mul3A_205 = arith.constant 128 : i32
        %mul3A_206 = arith.muli %add3A_204, %mul3A_205 : i32
        %add3A_207 = arith.addi %mul3A_2, %mul3A_206 : i32
        %dma_start3A_208 = arith.constant 0 : i32
        %dma_start3A_209 = arith.constant 0 : i32
        %dma_start3A_210 = tpu.memref_slice %arg10[%cond3A_187, %dma_start3A_208, %dma_start3A_209] : memref<2x128x128xf32, #tpu.memory_space<vmem>> -> memref<1x128x128xf32, #tpu.memory_space<vmem>>
        %dma_start3A_211 = tpu.memref_squeeze %dma_start3A_210 : memref<1x128x128xf32, #tpu.memory_space<vmem>> -> memref<128x128xf32, #tpu.memory_space<vmem>>
        %dma_start3A_212 = arith.constant 0 : i32
        %dma_start3A_213 = tpu.memref_slice %arg2[%add3A_207, %dma_start3A_212] : memref<16384x128xf32, #tpu.memory_space<hbm>> -> memref<128x128xf32, #tpu.memory_space<hbm>>
        %dma_start3A_214 = arith.constant 0 : i32
        %dma_start3A_215 = arith.constant 0 : i32
        %dma_start3A_216 = tpu.memref_slice %arg10[%cond3A_187, %dma_start3A_214, %dma_start3A_215] : memref<2x128x128xf32, #tpu.memory_space<vmem>> -> memref<1x128x128xf32, #tpu.memory_space<vmem>>
        %dma_start3A_217 = tpu.memref_squeeze %dma_start3A_216 : memref<1x128x128xf32, #tpu.memory_space<vmem>> -> memref<128x128xf32, #tpu.memory_space<vmem>>
        %dma_start3A_218 = arith.constant 0 : i32
        %dma_start3A_219 = tpu.memref_slice %arg2[%add3A_207, %dma_start3A_218] : memref<16384x128xf32, #tpu.memory_space<hbm>> -> memref<128x128xf32, #tpu.memory_space<hbm>>
        tpu.enqueue_dma source(%dma_start3A_219 : memref<128x128xf32, #tpu.memory_space<hbm>>) target(%dma_start3A_217 : memref<128x128xf32, #tpu.memory_space<vmem>>) target_semaphore(%arg15 : memref<!tpu.dma_semaphore, #tpu.memory_space<semaphore_mem>>)
        %dma_start3A_220 = arith.constant 0 : i32
        %dma_start3A_221 = tpu.memref_slice %arg13[%dma_start3A_220] : memref<144xi32, #tpu.memory_space<vmem>> -> memref<128xi32, #tpu.memory_space<vmem>>
        %dma_start3A_222 = tpu.memref_slice %arg3[%add3A_207] : memref<16384xi32, #tpu.memory_space<hbm>> -> memref<128xi32, #tpu.memory_space<hbm>>
        %dma_start3A_223 = arith.constant 0 : i32
        %dma_start3A_224 = tpu.memref_slice %arg13[%dma_start3A_223] : memref<144xi32, #tpu.memory_space<vmem>> -> memref<128xi32, #tpu.memory_space<vmem>>
        %dma_start3A_225 = tpu.memref_slice %arg3[%add3A_207] : memref<16384xi32, #tpu.memory_space<hbm>> -> memref<128xi32, #tpu.memory_space<hbm>>
        tpu.enqueue_dma source(%dma_start3A_225 : memref<128xi32, #tpu.memory_space<hbm>>) target(%dma_start3A_224 : memref<128xi32, #tpu.memory_space<vmem>>) target_semaphore(%arg15 : memref<!tpu.dma_semaphore, #tpu.memory_space<semaphore_mem>>)
      } else {
      }
      %dma_start3A_190 = arith.constant 1 : i32
      %dma_start3A_191 = arith.constant 0 : i32
      %dma_start3A_192 = arith.constant 0 : i32
      %dma_start3A_193 = tpu.memref_slice %arg11[%dma_start3A_190, %dma_start3A_191, %dma_start3A_192] : memref<2x128x128xf32, #tpu.memory_space<vmem>> -> memref<1x128x128xf32, #tpu.memory_space<vmem>>
      %dma_start3A_194 = tpu.memref_squeeze %dma_start3A_193 : memref<1x128x128xf32, #tpu.memory_space<vmem>> -> memref<128x128xf32, #tpu.memory_space<vmem>>
      %dma_start3A_195 = arith.constant 0 : i32
      %dma_start3A_196 = tpu.memref_slice %arg6[%add3A_148, %dma_start3A_195] : memref<16384x128xf32, #tpu.memory_space<hbm>> -> memref<128x128xf32, #tpu.memory_space<hbm>>
      %dma_start3A_197 = arith.constant 0 : i32
      %dma_start3A_198 = tpu.memref_slice %arg6[%add3A_148, %dma_start3A_197] : memref<16384x128xf32, #tpu.memory_space<hbm>> -> memref<128x128xf32, #tpu.memory_space<hbm>>
      %dma_start3A_199 = arith.constant 0 : i32
      %dma_start3A_200 = arith.constant 0 : i32
      %dma_start3A_201 = tpu.memref_slice %arg11[%dma_start3A_190, %dma_start3A_199, %dma_start3A_200] : memref<2x128x128xf32, #tpu.memory_space<vmem>> -> memref<1x128x128xf32, #tpu.memory_space<vmem>>
      %dma_start3A_202 = tpu.memref_squeeze %dma_start3A_201 : memref<1x128x128xf32, #tpu.memory_space<vmem>> -> memref<128x128xf32, #tpu.memory_space<vmem>>
      tpu.enqueue_dma source(%dma_start3A_202 : memref<128x128xf32, #tpu.memory_space<vmem>>) target(%dma_start3A_198 : memref<128x128xf32, #tpu.memory_space<hbm>>) target_semaphore(%arg17 : memref<!tpu.dma_semaphore, #tpu.memory_space<semaphore_mem>>)
    }
    %scan3A_54 = arith.constant 2 : i32
    %add3A_55 = arith.constant 256 : i32
    %add3A_56 = arith.addi %mul3A_2, %add3A_55 : i32
    %dma_wait3A = arith.constant 0 : i32
    %dma_wait3A_57 = arith.constant 0 : i32
    %dma_wait3A_58 = arith.constant 0 : i32
    %dma_wait3A_59 = tpu.memref_slice %arg11[%dma_wait3A, %dma_wait3A_57, %dma_wait3A_58] : memref<2x128x128xf32, #tpu.memory_space<vmem>> -> memref<1x128x128xf32, #tpu.memory_space<vmem>>
    %dma_wait3A_60 = tpu.memref_squeeze %dma_wait3A_59 : memref<1x128x128xf32, #tpu.memory_space<vmem>> -> memref<128x128xf32, #tpu.memory_space<vmem>>
    %dma_wait3A_61 = arith.constant 0 : i32
    %dma_wait3A_62 = tpu.memref_slice %arg6[%add3A_56, %dma_wait3A_61] : memref<16384x128xf32, #tpu.memory_space<hbm>> -> memref<128x128xf32, #tpu.memory_space<hbm>>
    %dma_wait3A_63 = arith.constant 0 : i32
    %dma_wait3A_64 = tpu.memref_slice %arg6[%add3A_56, %dma_wait3A_63] : memref<16384x128xf32, #tpu.memory_space<hbm>> -> memref<128x128xf32, #tpu.memory_space<hbm>>
    %dma_wait3A_65 = arith.constant 0 : i32
    %dma_wait3A_66 = arith.constant 0 : i32
    %dma_wait3A_67 = tpu.memref_slice %arg11[%dma_wait3A, %dma_wait3A_65, %dma_wait3A_66] : memref<2x128x128xf32, #tpu.memory_space<vmem>> -> memref<1x128x128xf32, #tpu.memory_space<vmem>>
    %dma_wait3A_68 = tpu.memref_squeeze %dma_wait3A_67 : memref<1x128x128xf32, #tpu.memory_space<vmem>> -> memref<128x128xf32, #tpu.memory_space<vmem>>
    tpu.wait_dma2 semaphore(%arg16 : memref<!tpu.dma_semaphore, #tpu.memory_space<semaphore_mem>>) src(%dma_wait3A_68 : memref<128x128xf32, #tpu.memory_space<vmem>>) dst(%dma_wait3A_64 : memref<128x128xf32, #tpu.memory_space<hbm>>)
    %add3A_69 = arith.constant 384 : i32
    %add3A_70 = arith.addi %mul3A_2, %add3A_69 : i32
    %dma_wait3A_71 = arith.constant 1 : i32
    %dma_wait3A_72 = arith.constant 0 : i32
    %dma_wait3A_73 = arith.constant 0 : i32
    %dma_wait3A_74 = tpu.memref_slice %arg11[%dma_wait3A_71, %dma_wait3A_72, %dma_wait3A_73] : memref<2x128x128xf32, #tpu.memory_space<vmem>> -> memref<1x128x128xf32, #tpu.memory_space<vmem>>
    %dma_wait3A_75 = tpu.memref_squeeze %dma_wait3A_74 : memref<1x128x128xf32, #tpu.memory_space<vmem>> -> memref<128x128xf32, #tpu.memory_space<vmem>>
    %dma_wait3A_76 = arith.constant 0 : i32
    %dma_wait3A_77 = tpu.memref_slice %arg6[%add3A_70, %dma_wait3A_76] : memref<16384x128xf32, #tpu.memory_space<hbm>> -> memref<128x128xf32, #tpu.memory_space<hbm>>
    %dma_wait3A_78 = arith.constant 0 : i32
    %dma_wait3A_79 = tpu.memref_slice %arg6[%add3A_70, %dma_wait3A_78] : memref<16384x128xf32, #tpu.memory_space<hbm>> -> memref<128x128xf32, #tpu.memory_space<hbm>>
    %dma_wait3A_80 = arith.constant 0 : i32
    %dma_wait3A_81 = arith.constant 0 : i32
    %dma_wait3A_82 = tpu.memref_slice %arg11[%dma_wait3A_71, %dma_wait3A_80, %dma_wait3A_81] : memref<2x128x128xf32, #tpu.memory_space<vmem>> -> memref<1x128x128xf32, #tpu.memory_space<vmem>>
    %dma_wait3A_83 = tpu.memref_squeeze %dma_wait3A_82 : memref<1x128x128xf32, #tpu.memory_space<vmem>> -> memref<128x128xf32, #tpu.memory_space<vmem>>
    tpu.wait_dma2 semaphore(%arg17 : memref<!tpu.dma_semaphore, #tpu.memory_space<semaphore_mem>>) src(%dma_wait3A_83 : memref<128x128xf32, #tpu.memory_space<vmem>>) dst(%dma_wait3A_79 : memref<128x128xf32, #tpu.memory_space<hbm>>)
    return
  }
}

</mosaic_0001>

<sc_bundles>
// kernel: kernel.3.cloned.1.call-start
scs
__scs_entry_jumppad:
0x0: {  	(pc) =	sbr.rel $0x88, $3  }
0x1: {  	(tag) =	ssettag $0x0;
	lr =	simm.s32 $0x1  }
0x2: {  	[smem:$0x3F9D] =	sst lr;
	_ =	strace $0xD0000000  }
0x3: {  	_ = 	snop  }
0x4: {  	_ = 	snop  }
0x5: {  	_ = 	snop  }
0x6: {  	_ = 	snop  }
0x7: {  	_ = 	snop  }
__scs_overlays_trampoline_lowered:
0x8: {  	[smem:$0x3FAC] =	sst s0  }
0x9: {  	[smem:$0x3FAD] =	sst s1  }
0xa: {  	[smem:$0x3FAE] =	sst s2  }
0xb: {  	[smem:$0x3FAF] =	sst s3  }
0xc: {  	[smem:$0x3FB0] =	sst s4  }
0xd: {  	[smem:$0x3FB1] =	sst s5  }
0xe: {  	[smem:$0x3FB2] =	sst s6  }
0xf: {  	[smem:$0x3FB3] =	sst s7  }
0x10: {  	[smem:$0x3FB4] =	sst s8  }
0x11: {  	[smem:$0x3FB5] =	sst s9;
	s0 =	simm.s32 @!p0 $0x0  }
0x12: {  	s1 =	sld [smem:$0x3F9B];
	s0 =	simm.s32 @p0 $0x1  }
0x13: {  	[smem:$0x3FB6] =	sst s0;
	s0 =	simm.s32 @!p1 $0x0  }
0x14: {  	s2 =	sld [smem:$0x3F9A];
	s0 =	simm.s32 @p1 $0x1  }
0x15: {  	[smem:$0x3FB7] =	sst s0;
	s0 =	simm.s32 @!p2 $0x0  }
0x16: {  	s3 =	sld [smem:$0x3FDB];
	s0 =	simm.s32 @p2 $0x1  }
0x17: {  	s4 =	simm.s32 $0x1BF5;
	[smem:$0x3FB9] =	sst s0  }
0x18: {  	s0 =	sld [smem:$0x3F9C];
	_ =	swait.ge [sflag:s4], $0x0  }
0x19: {  	s7 =	sld [smem:$0x3F9D]  }
0x1a: {  	s8 =	sadd.s32 $0xFFFFE003, lr  }
0x1b: {  	s9 =	sadd.s32 $0xFFFFFEF7, lr;
	s5 =	simm.s32 $0xFFFFFFFF;
	p2 =	slt.u32 s8, $0xFFFFF086  }
0x1c: {  	p1 =	slt.u32 s9, $0xF7A;
	s5 =	simm.s32 @!p2 $0x0  }
0x1d: {  	s5 =	simm.s32 @p1 $0x1;
	p0 =	seq.s32 s7, s2  }
0x1e: {  	s7 =	smul.u32 @!p0 $0xF7A, s2;
	p2 =	seq.s32 @!p0 s5, $0x0  }
0x1f: {  	s9 =	smul.u32 $0xF7A, s1;
	s8 =	simm.s32 @!p0 $0x1BF5;
	p2 =	por !p2, p0  }
0x20: {  	[sflag:s8] =	ssyncset.s32 @!p0 $0xFFFFF086;
	s6 =	sadd.s32 @!p0 s3, s7;
	s7 =	simm.s32 @!p0 $0x108  }
0x21: {  	s3 =	sadd.s32 s3, s9;
	s6 =	sadd.s32 @!p0 $0x88, s6;
	s7 =	simm.s32 @p2 $0x1082  }
0x22: {  	[simem:s7], [sflag:s8] =	dma.local @!p0 [hbm:s6], $0xF7A  }
0x23: {  	s9 =	sor.u32 $0xD0000000, s2;
	s6 =	simm.s32 $0x108;
	_ =	swait.ge @!p0 [sflag:s8], $0x0  }
0x24: {  	s3 =	sadd.s32 $0x88, s3;
	s6 =	simm.s32 @!p1 $0x1082;
	[sflag:s4] =	ssyncset.s32 $0xFFFFF086  }
0x25: {  	[simem:s6], [sflag:s4] =	dma.local [hbm:s3], $0xF7A  }
0x26: {  	[smem:$0x3F9D] =	sst s1;
	(tag) =	ssettag s2;
	_ =	strace s9  }
0x27: {  	s1 =	sld [smem:$0x3FAD]  }
0x28: {  	s2 =	sld [smem:$0x3FAE]  }
0x29: {  	s4 =	sld [smem:$0x3FB0]  }
0x2a: {  	p0 =	seq.s32 s5, $0x0;
	s5 =	sld [smem:$0x3FB1]  }
0x2b: {  	s6 =	sld [smem:$0x3FB2]  }
0x2c: {  	s7 =	sld [smem:$0x3FB3]  }
0x2d: {  	s3 =	simm.s32 $0x108;
	s8 =	sld [smem:$0x3FB4]  }
0x2e: {  	s3 =	simm.s32 @!p0 $0x1082;
	s9 =	sld [smem:$0x3FB5]  }
0x2f: {  	lr =	sadd.s32 s0, s3;
	s0 =	sld [smem:$0x3FAC]  }
0x30: {  	s3 =	sld [smem:$0x3FAF]  }
0x31: {  	[smem:$0x3FB8] =	sst s10  }
0x32: {  	s10 =	sld [smem:$0x3FB6];
	_ =	sdelay $0x3  }
0x33: {  	p0 =	seq.s32 s10, $0x1;
	s10 =	sld [smem:$0x3FB8];
	_ =	sdelay $0x3  }
0x34: {  	[smem:$0x3FB8] =	sst s10  }
0x35: {  	s10 =	sld [smem:$0x3FB7];
	_ =	sdelay $0x3  }
0x36: {  	p1 =	seq.s32 s10, $0x1;
	s10 =	sld [smem:$0x3FB8];
	_ =	sdelay $0x3  }
0x37: {  	[smem:$0x3FB8] =	sst s10  }
0x38: {  	s10 =	sld [smem:$0x3FB9]  }
0x39: {  	_ = 	snop;
	(pc) =	sbr.ind lr, $3  }
0x3a: {  	_ = 	snop  }
0x3b: {  	_ = 	snop  }
0x3c: {  	p2 =	seq.s32 s10, $0x1;
	s10 =	sld [smem:$0x3FB8]  }
0x3d: {  	_ =	shalt  }
0x3e: {  	_ =	shalt  }
0x3f: {  	_ =	shalt  }
0x40: {  	_ =	shalt  }
0x41: {  	_ =	shalt  }
0x42: {  	_ =	shalt  }
0x43: {  	_ =	shalt  }
0x44: {  	_ =	shalt  }
0x45: {  	_ =	shalt  }
0x46: {  	_ =	shalt  }
0x47: {  	_ =	shalt  }
0x48: {  	_ =	shalt  }
0x49: {  	_ =	shalt  }
0x4a: {  	_ =	shalt  }
0x4b: {  	_ =	shalt  }
0x4c: {  	_ =	shalt  }
0x4d: {  	_ =	shalt  }
0x4e: {  	_ =	shalt  }
0x4f: {  	_ =	shalt  }
0x50: {  	_ =	shalt  }
0x51: {  	_ =	shalt  }
0x52: {  	_ =	shalt  }
0x53: {  	_ =	shalt  }
0x54: {  	_ =	shalt  }
0x55: {  	_ =	shalt  }
0x56: {  	_ =	shalt  }
0x57: {  	_ =	shalt  }
0x58: {  	_ =	shalt  }
0x59: {  	_ =	shalt  }
0x5a: {  	_ =	shalt  }
0x5b: {  	_ =	shalt  }
0x5c: {  	_ =	shalt  }
0x5d: {  	_ =	shalt  }
0x5e: {  	_ =	shalt  }
0x5f: {  	_ =	shalt  }
0x60: {  	_ =	shalt  }
0x61: {  	_ =	shalt  }
0x62: {  	_ =	shalt  }
0x63: {  	_ =	shalt  }
0x64: {  	_ =	shalt  }
0x65: {  	_ =	shalt  }
0x66: {  	_ =	shalt  }
0x67: {  	_ =	shalt  }
0x68: {  	_ =	shalt  }
0x69: {  	_ =	shalt  }
0x6a: {  	_ =	shalt  }
0x6b: {  	_ =	shalt  }
0x6c: {  	_ =	shalt  }
0x6d: {  	_ =	shalt  }
0x6e: {  	_ =	shalt  }
0x6f: {  	_ =	shalt  }
0x70: {  	_ =	shalt  }
0x71: {  	_ =	shalt  }
0x72: {  	_ =	shalt  }
0x73: {  	_ =	shalt  }
0x74: {  	_ =	shalt  }
0x75: {  	_ =	shalt  }
0x76: {  	_ =	shalt  }
0x77: {  	_ =	shalt  }
0x78: {  	_ =	shalt  }
0x79: {  	_ =	shalt  }
0x7a: {  	_ =	shalt  }
0x7b: {  	_ =	shalt  }
0x7c: {  	_ =	shalt  }
0x7d: {  	_ =	shalt  }
0x7e: {  	_ =	shalt  }
0x7f: {  	_ =	shalt  }
0x80: {  	_ =	shalt  }
0x81: {  	_ =	shalt  }
0x82: {  	_ =	shalt  }
0x83: {  	_ =	shalt  }
0x84: {  	_ =	shalt  }
0x85: {  	_ =	shalt  }
0x86: {  	_ =	shalt  }
0x87: {  	_ =	shalt  }
.Lfunc_end0:
.L_simem_size_0:
called_computation_lowered:
.L_overlay_start_0:
0x88: {  	s2 =	sld [smem:$0x3FD9]  }
0x89: {  	s3 =	sld [smem:$0x3FFE];
	_ =	sdelay $0x1  }
0x8a: {  	s1 =	srdreg.scid  }
0x8b: {  	s0 =	sand.u32 $0x1, s1  }
0x8c: {  	s18 =	sshll.u32 s0, $0xA;
	s2 =	sadd.s32 s3, s2  }
0x8d: {  	s2 =	sadd.s32 s2, s18  }
0x8e: {  	[smem:$0x3FC4] =	sst s2  }
0x8f: {  	_ = 	snop  }
0x90: {  	s2 =	sld [smem:$0x3FC9]  }
0x91: {  	s19 =	sld [smem:$0x3FC8]  }
0x92: {  	s4 =	sld [smem:$0x3FC7]  }
0x93: {  	s5 =	sld [smem:$0x3FC6]  }
0x94: {  	s6 =	sld [smem:$0x3FD0];
	(tm) =	ssettm $0x1  }
0x95: {  	s7 =	sld [smem:$0x3FFB];
	_ =	sdelay $0x3  }
0x96: {  	_ =	strace s7  }
0x97: {  	s7 =	sld [smem:$0x3FFC];
	_ =	sdelay $0x3  }
0x98: {  	_ =	strace s7  }
0x99: {  	s7 =	sld [smem:$0x3FFD];
	_ =	sdelay $0x3  }
0x9a: {  	_ =	strace s7  }
0x9b: {  	_ =	strace $0x8FFFFFFF  }
0x9c: {  	s20 =	sld [smem:$0x3FDB];
	_ =	sdelay $0x1  }
0x9d: {  	s8 =	simm.s32 $_scs_section_size  }
0x9e: {  	s9 =	simm.s32 $_size__tile_overlayer_lowered;
	s10 =	simm.s32 $_tile_overlayer_lowered  }
0x9f: {  	s23 =	simm.s32 $0x1BFF;
	s22 =	sshll.u32 s10, $0x1;
	s7 =	sadd.s32 s8, s20  }
0xa0: {  	s11 =	simm.s32 $0x0;
	s21 =	sshll.u32 s9, $0x1;
	s9 =	sadd.s32 s22, s7  }
0xa1: {  	[timem:s11], [sflag:s23] =	dma.local [hbm:s9], s21  }
0xa2: {  	_ =	swait.ge [sflag:s23], s21  }
0xa3: {  	s8 =	ssub.s32 $0x0, s21;
	[sflag:s23] =	ssyncset.done $0x0  }
0xa4: {  	[sflag:s23] =	ssyncadd.s32 s8;
	_ =	sdelay $0x1  }
0xa5: {  	s24 =	simm.s32 $0x1B8B  }
0xa6: {  	_ =	swait.ge [sflag:s24], $0x1  }
0xa7: {  	[sflag:s24] =	ssyncset.done $0x0  }
0xa8: {  	s25 =	simm.s32 $0x1B8E;
	[sflag:s24] =	ssyncadd.s32 $0xFFFFFFFF  }
0xa9: {  	s26 =	simm.s32 $execute0_lowered;
	[smem:$0x3FD2] =	sst s25  }
0xaa: {  	s8 =	sshll.u32 s26, $0x1;
	_ =	strace $0x80000046;
	[dreg:$0x1] =	wrdreg $0xFFFFFFFF  }
0xab: {  	s28 =	simm.s32 $_size_execute0_lowered;
	s7 =	sadd.s32 s7, s8;
	[dreg:$0x0] =	wrdreg $0x0  }
0xac: {  	s8 =	sshll.u32 s28, $0x1;
	[dreg:$0x2] =	wrdreg s7  }
0xad: {  	[dreg:$0x3] =	wrdreg s8  }
0xae: {  	[dreg:$0x4] =	wrdreg $0xC0  }
0xaf: {  	_ =	task [dreg:s11], $0x5FFFF  }
0xb0: {  	[dreg:$0x1] =	wrdreg $0xFFFFFFFF  }
0xb1: {  	[dreg:$0x0] =	wrdreg $0x60  }
0xb2: {  	[dreg:$0x2] =	wrdreg s2  }
0xb3: {  	[dreg:$0x3] =	wrdreg s19  }
0xb4: {  	[dreg:$0x4] =	wrdreg s4  }
0xb5: {  	[dreg:$0x5] =	wrdreg s5  }
0xb6: {  	[dreg:$0x6] =	wrdreg s6  }
0xb7: {  	[dreg:$0x7] =	wrdreg $0x9  }
0xb8: {  	_ =	task.clear_ibuf [dreg:s11], $0x8FFFF;
	_ =	strace $0x90000046  }
0xb9: {  	s29 =	simm.s32 $0x9;
	_ =	strace $0x80000048  }
0xba: {  	_ =	swait.ge [sflag:s29], $0x1  }
0xbb: {  	[sflag:s29] =	ssyncadd.s32 $0xFFFFFFFF  }
0xbc: {  	_ =	strace $0x90000048  }
0xbd: {  	_ =	sfence  }
0xbe: {  	s30 =	sld [smem:$0x0];
	_ =	sdelay $0x2  }
0xbf: {  	s31 =	sshll.u32 s1, $0xD;
	s1 =	sshrl.u32 s1, $0x2  }
0xc0: {  	s3 =	sand.u32 $0x4000, s31;
	s1 =	sadd.s32 s1, s30  }
0xc1: {  	s0 =	sor.u32 s3, s0;
	s1 =	sshll.u32 s1, $0x11  }
0xc2: {  	s0 =	sor.u32 s1, s0  }
0xc3: {  	s0 =	sadd.s32 $0x8F2B, s0  }
0xc4: {  	[sflag:s0] =	ssyncadd.remote.s32 $0x1  }
0xc5: {  	_ =	sfence.sel $0xFFFF  }
0xc6: {  	[dreg:$0x0] =	wrdreg $0xFFFFFFFF;
	(pc) =	sbr.abs _section_cstart, $3  }
0xc7: {  	[dreg:$0x1] =	wrdreg $0xFFFFFFFF  }
0xc8: {  	_ =	task.clear_ibuf [dreg:s11], $0x2FFFF;
	_ =	strace $0x9FFFFFFF  }
0xc9: {  	(tm) =	ssettm $0x7FFFFFFF  }
tec
execute0_lowered:
.L_overlay_start_1:
0x0: {  	(tag) =	ssettag $0x1  }
0x1: {  	s0 =	rddreg [dreg:$0x0]  }
0x2: {  	s3 =	rddreg [dreg:$0x1]  }
0x3: {  	s2 =	rddreg [dreg:$0x3]  }
0x4: {  	s11 =	rddreg [dreg:$0x4]  }
0x5: {  	s4 =	simm.s32 $0x0;
	s5 =	srdreg.scid;
	s1 =	stileid.u32  }
0x6: {  	s16 =	simm.s32 $0xC00;
	s17 =	simm.s32 $0x10C00;
	s18 =	simm.s32 $0x5  }
0x7: {  	s19 =	simm.s32 $0x400;
	s20 =	simm.s32 $0x4C00;
	s21 =	simm.s32 $0x10D00  }
0x8: {  	s22 =	simm.s32 $0x1;
	s23 =	simm.s32 $0x8C00;
	s24 =	simm.s32 $0x2  }
0x9: {  	s28 =	simm.s32 $0x4;
	s29 =	simm.s32 $0x0;
	s5 =	sand.u32 $0x1, s5  }
0xa: {  	s7 =	sshll.u32 s1, $0xA;
	s6 =	ssub.s32 $0x2, s5;
	s5 =	sshll.u32 s5, $0x9  }
0xb: {  	[smem:$0x7FF] =	sst s4;
	s8 =	sshrl.u32 s6, $0x1;
	s10 =	sor.u32 s5, s7  }
0xc: {  	_ =	strace $0x80000047;
	s14 =	ssub.s32 s6, s8;
	s12 =	sshll.u32 s10, $0x4  }
0xd: {  	s25 =	sshrl.u32 s10, $0x3;
	s7 =	sor.u32 $0x80, s10;
	s13 =	sor.u32 $0x100, s10  }
0xe: {  	s15 =	sor.u32 $0x180, s10;
	s5 =	sadd.s32 s0, s12;
	s6 =	sadd.s32 s3, s25  }
0xf: {  	s26 =	sshll.u32 s7, $0x4;
	s9 =	sshrl.u32 s7, $0x3;
	s30 =	sshll.u32 s13, $0x4  }
.Ltmp0:
0x10: {  	s13 =	sshrl.u32 s13, $0x3;
	s31 =	sshll.u32 s15, $0x4;
	(pc) =	sbr.rel .LBB2_1-.Ltmp0, $4  }
0x11: {  	s15 =	sshrl.u32 s15, $0x3;
	s11 =	sadd.s32 s11, s12;
	s14 =	smax.u32 s14, $0x1  }
0x12: {  	s25 =	simm.s32 $0xCC00;
	s7 =	sadd.s32 s0, s26;
	s8 =	sadd.s32 s3, s9  }
0x13: {  	s9 =	sadd.s32 s0, s30;
	s10 =	sadd.s32 s3, s13;
	s12 =	sadd.s32 s0, s31  }
0x14: {  	s13 =	sadd.s32 s3, s15;
	s15 =	sadd.s32 $0x800, s11;
	s26 =	simm.s32 $0x3  }
.LBB2_10:
0x15: {  	[hbm4b:s0+s4] =	stream.linear.scatter [tilespmem:s25], [sflag:$0x4], $0x4000, $0x38;
	[tilespmem:$0x10E00] =	vst v63  }
0x16: {  	s29 =	sadd.s32 $0x1, s29  }
0x17: {  	_ =	swait.ge [sflag:s26], $0x4000;
	p0 =	sne.s32 s29, s14  }
.Ltmp1:
0x18: {  	[sflag:s26] =	ssyncset.done $0x0;
	(pc) =	sbr.rel @!p0 .LBB2_11-.Ltmp1, $4  }
0x19: {  	[sflag:s26] =	ssyncadd.s32 $0xFFFFC000  }
0x1a: {  	_ =	swait.ge [sflag:s28], $0x4000  }
0x1b: {  	[sflag:s28] =	ssyncset.done $0x0  }
0x1c: {  	[sflag:s28] =	ssyncadd.s32 $0xFFFFC000  }
.LBB2_1:
0x1d: {  	[tilespmem:s16], [sflag:$0x1] =	stream.linear.gather [hbm4b:s5+s4], $0x4000, $0x38;
	[tilespmem:$0x10E00] =	vst v63  }
0x1e: {  	_ = 	snop  }
0x1f: {  	[tilespmem:s17], [sflag:$0x1] =	stream.linear.gather [hbm4b:s6+s4], $0x80, $0x38;
	[tilespmem:$0x10E00] =	vst v63  }
0x20: {  	s0 =	rddreg [dreg:$0x2]  }
0x21: {  	[tilespmem:s4], [sflag:$0x5] =	stream.linear.gather [hbm4b:s0+s4], $0x400, $0x38;
	[tilespmem:$0x10E00] =	vst v63  }
0x22: {  	_ =	swait.ge [sflag:s18], $0x400  }
0x23: {  	[sflag:s18] =	ssyncset.done $0x0  }
0x24: {  	[sflag:s18] =	ssyncadd.s32 $0xFFFFFC00  }
0x25: {  	[tilespmem:s19], [sflag:$0x5] =	stream.linear.gather [hbm4b:s2+s4], $0x400, $0x38;
	[tilespmem:$0x10E00] =	vst v63  }
0x26: {  	_ =	swait.ge [sflag:s18], $0x400  }
0x27: {  	[sflag:s18] =	ssyncset.done $0x0  }
0x28: {  	s30 =	simm.s32 $0x0;
	[sflag:s18] =	ssyncadd.s32 $0xFFFFFC00  }
0x29: {  	v3 =	vld [tilespmem:s30+$0x470];
	_ =	sdelay $0x4  }
0x2a: {  	v4 =	vld [tilespmem:s30+$0x400];
	v0 =	vand.u32 $0x7FFFFFFF, v3  }
0x2b: {  	v6 =	vld [tilespmem:s30+$0x410];
	v0 =	vsub.f32 $0.0e+00, v0  }
0x2c: {  	v7 =	vld [tilespmem:s30+$0x420]  }
0x2d: {  	v5 =	vld [tilespmem:s30+$0x430];
	v0 =	vmul.f32 $1.442695020e+00, v0  }
0x2e: {  	v2 =	vld [tilespmem:s30+$0x440]  }
0x2f: {  	(erf) = vpow2.f32 v0  }
0x30: {  	v1 =	vand.u32 $0x7FFFFFFF, v4  }
0x31: {  	v9 =	vand.u32 $0x7FFFFFFF, v6;
	v10 =	vand.u32 $0x7FFFFFFF, v7;
	v8 =	vsub.f32 $0.0e+00, v1;
	v0 =	vld [tilespmem:s30+$0x450]  }
0x32: {  	v9 =	vsub.f32 $0.0e+00, v9;
	v10 =	vsub.f32 $0.0e+00, v10  }
0x33: {  	v11 =	vand.u32 $0x7FFFFFFF, v5;
	v12 =	vand.u32 $0x7FFFFFFF, v2;
	v1 =	vld [tilespmem:s30+$0x460];
	v8 =	vmul.f32 $1.442695020e+00, v8  }
0x34: {  	v11 =	vsub.f32 $0.0e+00, v11;
	v9 =	vmul.f32 $1.442695020e+00, v9;
	v10 =	vmul.f32 $1.442695020e+00, v10  }
0x35: {  	v12 =	vsub.f32 $0.0e+00, v12;
	(erf) = vpow2.f32 v8  }
0x36: {  	v11 =	vmul.f32 $1.442695020e+00, v11;
	(erf) = vpow2.f32 v9;
	v13 =	vand.u32 $0x7FFFFFFF, v0  }
0x37: {  	(erf) = vpow2.f32 v10;
	v13 =	vsub.f32 $0.0e+00, v13  }
0x38: {  	v12 =	vmul.f32 $1.442695020e+00, v12;
	v8 =	vand.u32 $0x7FFFFFFF, v1;
	(erf) = vpow2.f32 v11;
	v10 =	vpop (erf)  }
0x39: {  	v8 =	vsub.f32 $0.0e+00, v8;
	v9 =	vmul.f32 $1.442695020e+00, v13;
	v11 =	vmul.f32 $1.560245010e-01, v10  }
0x3a: {  	(erf) = vpow2.f32 v12  }
0x3b: {  	v8 =	vmul.f32 $1.442695020e+00, v8;
	(erf) = vpow2.f32 v9;
	v9 =	vadd.f32 $-4.899596870e-01, v11;
	_ =	sdelay $0x1  }
0x3c: {  	(erf) = vpow2.f32 v8;
	v8 =	vmul.f32 v9, v10;
	_ =	sdelay $0x1  }
0x3d: {  	v9 =	vpop (erf);
	v8 =	vadd.f32 $9.991149900e-01, v8  }
0x3e: {  	v12 =	vpop (erf)  }
0x3f: {  	v11 =	vmul.f32 $1.560245010e-01, v9;
	v13 =	vpop (erf);
	v8 =	vmul.f32 v8, v10  }
0x40: {  	v14 =	vmul.f32 $1.560245010e-01, v12;
	v10 =	vadd.f32 $1.000000000e+00, v10;
	v15 =	vpop (erf)  }
0x41: {  	v11 =	vadd.f32 $-4.899596870e-01, v11;
	v16 =	vmul.f32 $1.560245010e-01, v13;
	v18 =	vpop (erf);
	v19 =	vsub.f32 $0.0e+00, v8  }
0x42: {  	v17 =	vmul.f32 $1.560245010e-01, v15;
	v14 =	vadd.f32 $-4.899596870e-01, v14;
	v20 =	vmul.f32 $1.560245010e-01, v18  }
0x43: {  	v8 =	vadd.f32 $-1.000000000e+00, v8;
	v21 =	vpop (erf);
	v11 =	vmul.f32 v11, v9;
	v19 =	vmul.f32 $1.442695020e+00, v19  }
0x44: {  	v16 =	vadd.f32 $-4.899596870e-01, v16;
	v22 =	vmul.f32 $1.560245010e-01, v21;
	v23 =	vpop (erf);
	v14 =	vmul.f32 v14, v12  }
0x45: {  	v17 =	vadd.f32 $-4.899596870e-01, v17;
	v24 =	vmul.f32 $1.560245010e-01, v23;
	(erf) = vpow2.f32 v19  }
0x46: {  	v20 =	vadd.f32 $-4.899596870e-01, v20;
	v16 =	vmul.f32 v16, v13;
	v11 =	vadd.f32 $9.991149900e-01, v11  }
0x47: {  	v19 =	vadd.f32 $-4.899596870e-01, v22;
	v17 =	vmul.f32 v17, v15;
	v14 =	vadd.f32 $9.991149900e-01, v14  }
0x48: {  	v22 =	vadd.f32 $-4.899596870e-01, v24;
	v20 =	vmul.f32 v20, v18;
	v16 =	vadd.f32 $9.991149900e-01, v16  }
0x49: {  	v11 =	vmul.f32 v11, v9;
	v19 =	vmul.f32 v19, v21;
	v17 =	vadd.f32 $9.991149900e-01, v17  }
0x4a: {  	v14 =	vmul.f32 v14, v12;
	v22 =	vmul.f32 v22, v23;
	v20 =	vadd.f32 $9.991149900e-01, v20  }
0x4b: {  	v16 =	vmul.f32 v16, v13;
	v24 =	vsub.f32 $0.0e+00, v11;
	v19 =	vadd.f32 $9.991149900e-01, v19  }
0x4c: {  	v17 =	vmul.f32 v17, v15;
	v25 =	vsub.f32 $0.0e+00, v14;
	v22 =	vadd.f32 $9.991149900e-01, v22  }
0x4d: {  	v20 =	vmul.f32 v20, v18;
	v26 =	vsub.f32 $0.0e+00, v16;
	v24 =	vmul.f32 $1.442695020e+00, v24  }
0x4e: {  	v19 =	vmul.f32 v19, v21;
	v27 =	vsub.f32 $0.0e+00, v17;
	v25 =	vmul.f32 $1.442695020e+00, v25;
	v29 =	vpop (erf)  }
0x4f: {  	v22 =	vmul.f32 v22, v23;
	v28 =	vsub.f32 $0.0e+00, v20;
	v29 =	vmul.f32 v29, v10  }
0x50: {  	v26 =	vmul.f32 $1.442695020e+00, v26;
	(erf) = vpow2.f32 v24;
	v30 =	vsub.f32 $0.0e+00, v19  }
0x51: {  	v24 =	vmul.f32 $1.442695020e+00, v27;
	(erf) = vpow2.f32 v25;
	v27 =	vadd.f32 v29, v8  }
0x52: {  	v25 =	vmul.f32 $1.442695020e+00, v28;
	(erf) = vpow2.f32 v26;
	v8 =	vsub.f32 $0.0e+00, v22  }
0x53: {  	v26 =	vmul.f32 $1.442695020e+00, v30;
	(erf) = vpow2.f32 v24;
	v28 =	vsub.f32 $0.0e+00, v27  }
0x54: {  	(erf) = vpow2.f32 v25;
	v8 =	vmul.f32 $1.442695020e+00, v8  }
0x55: {  	(erf) = vpow2.f32 v26;
	v24 =	vmul.f32 $1.442695020e+00, v28  }
0x56: {  	(erf) = vpow2.f32 v8  }
0x57: {  	(erf) = vpow2.f32 v24  }
0x58: {  	v13 =	vadd.f32 $1.000000000e+00, v13  }
0x59: {  	v11 =	vadd.f32 $-1.000000000e+00, v11;
	v29 =	vadd.f32 $1.000000000e+00, v12;
	v12 =	vpop (erf)  }
0x5a: {  	v30 =	vmax.f32 v4, $0.0e+00;
	v4 =	vmax.f32 v6, $0.0e+00;
	v6 =	vadd.f32 $1.000000000e+00, v18;
	v24 =	vpop (erf)  }
0x5b: {  	v3 =	vmax.f32 v3, $0.0e+00;
	v18 =	vadd.f32 $1.000000000e+00, v21;
	v25 =	vld [tilespmem:s30+$0x0];
	v28 =	vadd.f32 $1.000000000e+00, v9;
	v21 =	vpop (erf)  }
0x5c: {  	v8 =	vmax.f32 v7, $0.0e+00;
	v7 =	vadd.f32 $1.000000000e+00, v23;
	v9 =	vmax.f32 v5, $0.0e+00;
	v23 =	vpop (erf)  }
0x5d: {  	v5 =	vadd.f32 $-1.000000000e+00, v14;
	v14 =	vadd.f32 $-1.000000000e+00, v16;
	v26 =	vmul.f32 v12, v28;
	v16 =	vpop (erf)  }
0x5e: {  	v15 =	vadd.f32 $1.000000000e+00, v15;
	v17 =	vadd.f32 $-1.000000000e+00, v17;
	v24 =	vmul.f32 v24, v29;
	v31 =	vpop (erf)  }
0x5f: {  	v57 =	vmax.f32 v2, $0.0e+00;
	v20 =	vadd.f32 $-1.000000000e+00, v20;
	v11 =	vadd.f32 v26, v11;
	v32 =	vpop (erf)  }
0x60: {  	v12 =	vsub.f32 $0.0e+00, v25;
	v21 =	vmul.f32 v21, v13;
	v5 =	vadd.f32 v24, v5;
	v25 =	vpop (erf)  }
0x61: {  	v24 =	vadd.f32 $-1.000000000e+00, v27;
	v10 =	vmul.f32 v25, v10;
	v25 =	vsub.f32 $0.0e+00, v11  }
0x62: {  	v19 =	vadd.f32 $-1.000000000e+00, v19;
	v22 =	vadd.f32 $-1.000000000e+00, v22;
	v23 =	vmul.f32 v23, v15  }
0x63: {  	v14 =	vadd.f32 v21, v14;
	v10 =	vadd.f32 v10, v24;
	v25 =	vmul.f32 $1.442695020e+00, v25  }
0x64: {  	v16 =	vmul.f32 v16, v6;
	v21 =	vsub.f32 $0.0e+00, v5;
	v17 =	vadd.f32 v23, v17  }
0x65: {  	s31 =	simm.s32 $0x80;
	v23 =	vmul.f32 v31, v18;
	v3 =	vadd.f32 v10, v3;
	(erf) = vpow2.f32 v25  }
0x66: {  	v35 =	vld [tilespmem:s31+$0x430];
	v26 =	vsub.f32 $0.0e+00, v14;
	v10 =	vadd.f32 v16, v20;
	v20 =	vmul.f32 $1.442695020e+00, v21  }
0x67: {  	v19 =	vadd.f32 v23, v19;
	v16 =	vmul.f32 v32, v7;
	v3 =	vadd.f32 $9.999999970e-07, v3  }
0x68: {  	v27 =	vld [tilespmem:s30+$0x40];
	v23 =	vmul.f32 $1.442695020e+00, v26;
	v21 =	vsub.f32 $0.0e+00, v17;
	(erf) = vpow2.f32 v20  }
0x69: {  	v5 =	vadd.f32 $-1.000000000e+00, v5;
	v16 =	vadd.f32 v16, v22;
	(erf) = vrcp.f32 v3  }
0x6a: {  	v24 =	vld [tilespmem:s30+$0x10];
	v22 =	vsub.f32 $0.0e+00, v10;
	v21 =	vmul.f32 $1.442695020e+00, v21;
	(erf) = vpow2.f32 v23  }
0x6b: {  	v36 =	vand.u32 $0x7FFFFFFF, v35;
	v14 =	vadd.f32 $-1.000000000e+00, v14;
	v20 =	vld [tilespmem:s30+$0x20];
	v3 =	vsub.f32 $0.0e+00, v19  }
0x6c: {  	v26 =	vsub.f32 $0.0e+00, v16;
	v22 =	vmul.f32 $1.442695020e+00, v22;
	(erf) = vpow2.f32 v21;
	v21 =	vld [tilespmem:s30+$0x70]  }
0x6d: {  	v11 =	vadd.f32 $-1.000000000e+00, v11;
	v27 =	vsub.f32 $0.0e+00, v27;
	v23 =	vld [tilespmem:s30+$0x50];
	v3 =	vmul.f32 $1.442695020e+00, v3  }
0x6e: {  	v25 =	vld [tilespmem:s30+$0x30];
	v17 =	vadd.f32 $-1.000000000e+00, v17;
	v26 =	vmul.f32 $1.442695020e+00, v26;
	(erf) = vpow2.f32 v22;
	v2 =	vpop (erf)  }
0x6f: {  	v31 =	vadd.f32 $-1.000000000e+00, v10;
	v22 =	vld [tilespmem:s30+$0x60];
	(erf) = vpow2.f32 v3;
	v2 =	vmul.f32 v2, v28  }
0x70: {  	v24 =	vsub.f32 $0.0e+00, v24;
	v19 =	vadd.f32 $-1.000000000e+00, v19;
	v3 =	vld [tilespmem:s31+$0x470];
	(erf) = vpow2.f32 v26  }
0x71: {  	v34 =	vld [tilespmem:s31+$0x410];
	v26 =	vsub.f32 $0.0e+00, v20;
	v20 =	vmax.f32 v0, $0.0e+00;
	v21 =	vsub.f32 $0.0e+00, v21;
	v0 =	vpop (erf)  }
0x72: {  	v16 =	vadd.f32 $-1.000000000e+00, v16;
	v10 =	vsub.f32 $0.0e+00, v23;
	v28 =	vmul.f32 v0, v29;
	v29 =	vpop (erf)  }
0x73: {  	v33 =	vld [tilespmem:s31+$0x400];
	v23 =	vmax.f32 v1, $0.0e+00;
	v1 =	vadd.f32 v2, v11;
	v21 =	vmul.f32 v29, v21;
	v2 =	vpop (erf)  }
0x74: {  	v25 =	vsub.f32 $0.0e+00, v25;
	v0 =	vsub.f32 $0.0e+00, v22;
	v2 =	vmul.f32 v2, v13  }
0x75: {  	v28 =	vadd.f32 v28, v5;
	v13 =	vld [tilespmem:s31+$0x440];
	v11 =	vpack.i.f32.bf16 v21, v29;
	v21 =	vand.u32 $0x7FFFFFFF, v3  }
0x76: {  	v22 =	vld [tilespmem:s31+$0x420];
	v1 =	vadd.f32 v1, v30;
	v30 =	vand.u32 $0x7FFFFFFF, v34;
	v5 =	vpop (erf);
	[tilespmem:s30+$0x870] =	vst v11;
	v11 =	vsub.f32 $0.0e+00, v21  }
0x77: {  	v5 =	vmul.f32 v5, v15;
	v15 =	vpop (erf);
	v4 =	vadd.f32 v28, v4;
	v14 =	vadd.f32 v2, v14;
	v21 =	vld [tilespmem:s31+$0x450]  }
0x78: {  	v6 =	vmul.f32 v15, v6;
	v15 =	vand.u32 $0x7FFFFFFF, v33;
	v2 =	vpop (erf);
	v11 =	vmul.f32 $1.442695020e+00, v11  }
0x79: {  	v1 =	vadd.f32 $9.999999970e-07, v1;
	v15 =	vsub.f32 $0.0e+00, v15;
	v18 =	vmul.f32 v2, v18;
	v29 =	vpop (erf)  }
0x7a: {  	v58 =	vand.u32 $0x7FFFFFFF, v13;
	v7 =	vmul.f32 v29, v7;
	(erf) = vpow2.f32 v11  }
0x7b: {  	v2 =	vld [tilespmem:s31+$0x460];
	v29 =	vsub.f32 $0.0e+00, v30;
	v30 =	vand.u32 $0x7FFFFFFF, v22;
	v11 =	vmul.f32 $1.442695020e+00, v15  }
0x7c: {  	v15 =	vsub.f32 $0.0e+00, v30;
	v30 =	vsub.f32 $0.0e+00, v36;
	v37 =	vand.u32 $0x7FFFFFFF, v21  }
0x7d: {  	v29 =	vmul.f32 $1.442695020e+00, v29;
	(erf) = vpow2.f32 v11;
	v37 =	vsub.f32 $0.0e+00, v37  }
0x7e: {  	v36 =	vsub.f32 $0.0e+00, v58;
	v15 =	vmul.f32 $1.442695020e+00, v15;
	v30 =	vmul.f32 $1.442695020e+00, v30  }
0x7f: {  	v17 =	vadd.f32 v5, v17;
	(erf) = vpow2.f32 v29;
	v29 =	vmul.f32 $1.442695020e+00, v37  }
0x80: {  	v11 =	vmul.f32 $1.442695020e+00, v36;
	v38 =	vand.u32 $0x7FFFFFFF, v2;
	(erf) = vpow2.f32 v15  }
0x81: {  	v5 =	vmax.f32 v34, $0.0e+00;
	v59 =	vsub.f32 $0.0e+00, v38;
	(erf) = vpow2.f32 v30  }
0x82: {  	v31 =	vadd.f32 v6, v31;
	v28 =	vadd.f32 v14, v8;
	(erf) = vpow2.f32 v11  }
0x83: {  	v17 =	vadd.f32 v17, v9;
	v15 =	vmul.f32 $1.442695020e+00, v59;
	(erf) = vpow2.f32 v29;
	v29 =	vpop (erf)  }
0x84: {  	v18 =	vadd.f32 v18, v19;
	v19 =	vadd.f32 v7, v16;
	v16 =	vmul.f32 $1.560245010e-01, v29  }
0x85: {  	v28 =	vadd.f32 $9.999999970e-07, v28;
	v17 =	vadd.f32 $9.999999970e-07, v17;
	(erf) = vpow2.f32 v15  }
0x86: {  	v8 =	vmax.f32 v13, $0.0e+00;
	v18 =	vadd.f32 v18, v20;
	v13 =	vadd.f32 $-4.899596870e-01, v16  }
0x87: {  	v7 =	vmax.f32 v22, $0.0e+00;
	v9 =	vmax.f32 v21, $0.0e+00;
	v30 =	vadd.f32 v31, v57  }
0x88: {  	v19 =	vadd.f32 v19, v23;
	v18 =	vadd.f32 $9.999999970e-07, v18;
	v21 =	vpop (erf);
	v13 =	vmul.f32 v13, v29  }
0x89: {  	v30 =	vadd.f32 $9.999999970e-07, v30;
	v15 =	vadd.f32 $1.000000000e+00, v21;
	v14 =	vmul.f32 $1.560245010e-01, v21;
	v20 =	vpop (erf)  }
0x8a: {  	v16 =	vadd.f32 $1.000000000e+00, v20;
	v22 =	vmul.f32 $1.560245010e-01, v20;
	v31 =	vpop (erf);
	v13 =	vadd.f32 $9.991149900e-01, v13  }
0x8b: {  	v23 =	vadd.f32 $-4.899596870e-01, v14;
	v60 =	vmul.f32 $1.560245010e-01, v31;
	v61 =	vpop (erf);
	v14 =	vadd.f32 $1.000000000e+00, v31  }
0x8c: {  	v22 =	vadd.f32 $-4.899596870e-01, v22;
	v62 =	vmul.f32 $1.560245010e-01, v61;
	v63 =	vpop (erf);
	v13 =	vmul.f32 v13, v29  }
0x8d: {  	v23 =	vmul.f32 v23, v21;
	v32 =	vadd.f32 $-4.899596870e-01, v60;
	v51 =	vmul.f32 $1.560245010e-01, v63;
	v52 =	vpop (erf)  }
0x8e: {  	v34 =	vadd.f32 $-4.899596870e-01, v62;
	v53 =	vmul.f32 $1.560245010e-01, v52;
	v39 =	vpop (erf);
	v41 =	vsub.f32 $0.0e+00, v13  }
0x8f: {  	v22 =	vmul.f32 v22, v20;
	v23 =	vadd.f32 $9.991149900e-01, v23;
	v40 =	vmul.f32 $1.560245010e-01, v39  }
0x90: {  	v29 =	vadd.f32 $1.000000000e+00, v29;
	v36 =	vadd.f32 $-4.899596870e-01, v51;
	v41 =	vmul.f32 $1.442695020e+00, v41  }
0x91: {  	v32 =	vmul.f32 v32, v31;
	v34 =	vmul.f32 v34, v61;
	v40 =	vadd.f32 $-4.899596870e-01, v40  }
0x92: {  	v38 =	vadd.f32 $-4.899596870e-01, v53;
	v54 =	vmul.f32 v23, v21;
	(erf) = vpow2.f32 v41  }
0x93: {  	v21 =	vadd.f32 $9.991149900e-01, v32;
	v23 =	vadd.f32 $9.991149900e-01, v34;
	v40 =	vmul.f32 v40, v39  }
0x94: {  	v22 =	vadd.f32 $9.991149900e-01, v22;
	v47 =	vadd.f32 $-1.000000000e+00, v13  }
0x95: {  	v31 =	vmul.f32 v21, v31;
	v34 =	vmul.f32 v23, v61;
	v21 =	vadd.f32 $9.991149900e-01, v40  }
0x96: {  	v13 =	vadd.f32 $1.000000000e+00, v39;
	v36 =	vmul.f32 v36, v63;
	v38 =	vmul.f32 v38, v52  }
0x97: {  	v60 =	vadd.f32 $-1.000000000e+00, v54;
	v40 =	vmul.f32 v21, v39;
	v21 =	vsub.f32 $0.0e+00, v34  }
0x98: {  	v20 =	vmul.f32 v22, v20;
	v22 =	vadd.f32 $9.991149900e-01, v36;
	v55 =	vadd.f32 $9.991149900e-01, v38  }
0x99: {  	v6 =	vmax.f32 v35, $0.0e+00;
	v23 =	vsub.f32 $0.0e+00, v54;
	v41 =	vadd.f32 $9.999999970e-07, v19  }
0x9a: {  	v36 =	vmul.f32 v22, v63;
	v22 =	vsub.f32 $0.0e+00, v20;
	v32 =	vmul.f32 v55, v52  }
0x9b: {  	v56 =	vsub.f32 $0.0e+00, v31;
	v42 =	vmul.f32 $1.442695020e+00, v23;
	v46 =	vmul.f32 $1.442695020e+00, v21;
	v21 =	vpop (erf)  }
0x9c: {  	v23 =	vadd.f32 $1.000000000e+00, v61;
	v44 =	vmul.f32 $1.442695020e+00, v22;
	v48 =	vmul.f32 v21, v29  }
0x9d: {  	v43 =	vsub.f32 $0.0e+00, v36;
	v38 =	vmul.f32 $1.442695020e+00, v56;
	(erf) = vpow2.f32 v42  }
0x9e: {  	v22 =	vsub.f32 $0.0e+00, v32;
	(erf) = vpow2.f32 v44;
	v59 =	vadd.f32 v48, v47  }
0x9f: {  	v45 =	vsub.f32 $0.0e+00, v40;
	v57 =	vmul.f32 $1.442695020e+00, v43;
	(erf) = vpow2.f32 v38  }
0xa0: {  	v58 =	vmul.f32 $1.442695020e+00, v22;
	(erf) = vpow2.f32 v46;
	v61 =	vsub.f32 $0.0e+00, v59  }
0xa1: {  	v20 =	vadd.f32 $-1.000000000e+00, v20;
	v45 =	vmul.f32 $1.442695020e+00, v45;
	(erf) = vpow2.f32 v57  }
0xa2: {  	v31 =	vadd.f32 $-1.000000000e+00, v31;
	(erf) = vpow2.f32 v58;
	v38 =	vmul.f32 $1.442695020e+00, v61  }
0xa3: {  	v62 =	vld [tilespmem:s31+$0x0];
	v34 =	vadd.f32 $-1.000000000e+00, v34;
	v36 =	vadd.f32 $-1.000000000e+00, v36;
	(erf) = vpow2.f32 v45  }
0xa4: {  	v32 =	vadd.f32 $-1.000000000e+00, v32;
	v40 =	vadd.f32 $-1.000000000e+00, v40;
	(erf) = vpow2.f32 v38  }
0xa5: {  	v11 =	vmax.f32 v33, $0.0e+00;
	v44 =	vadd.f32 $9.999999970e-07, v4;
	v22 =	vadd.f32 $1.000000000e+00, v63;
	v63 =	vld [tilespmem:s31+$0x10]  }
0xa6: {  	v4 =	vmax.f32 v2, $0.0e+00;
	v21 =	vadd.f32 $1.000000000e+00, v52;
	(erf) = vrcp.f32 v1;
	v1 =	vpop (erf)  }
0xa7: {  	v35 =	vadd.f32 $-1.000000000e+00, v59;
	(erf) = vrcp.f32 v44;
	v19 =	vmul.f32 v1, v15;
	v2 =	vpop (erf)  }
0xa8: {  	v1 =	vsub.f32 $0.0e+00, v62;
	(erf) = vrcp.f32 v28;
	v28 =	vmul.f32 v2, v16;
	v45 =	vpop (erf)  }
0xa9: {  	(erf) = vrcp.f32 v17;
	v17 =	vadd.f32 v19, v60;
	v19 =	vmul.f32 v45, v14;
	v46 =	vpop (erf)  }
0xaa: {  	v59 =	vld [tilespmem:s31+$0x40];
	v2 =	vsub.f32 $0.0e+00, v63;
	(erf) = vrcp.f32 v30;
	v20 =	vadd.f32 v28, v20;
	v30 =	vpop (erf)  }
0xab: {  	v28 =	vmul.f32 v46, v23;
	v47 =	vsub.f32 $0.0e+00, v17;
	v19 =	vadd.f32 v19, v31;
	v31 =	vpop (erf)  }
0xac: {  	v30 =	vmul.f32 v30, v22;
	(erf) = vrcp.f32 v18;
	v18 =	vsub.f32 $0.0e+00, v20;
	v48 =	vpop (erf)  }
0xad: {  	v28 =	vadd.f32 v28, v34;
	v31 =	vmul.f32 v31, v21;
	v49 =	vsub.f32 $0.0e+00, v19;
	v50 =	vpop (erf)  }
0xae: {  	v30 =	vadd.f32 v30, v36;
	v33 =	vadd.f32 $-1.000000000e+00, v19;
	v29 =	vmul.f32 v50, v29  }
0xaf: {  	v34 =	vmul.f32 v48, v13;
	v19 =	vsub.f32 $0.0e+00, v59;
	v51 =	vadd.f32 v31, v32  }
0xb0: {  	v3 =	vmax.f32 v3, $0.0e+00;
	v52 =	vsub.f32 $0.0e+00, v28;
	v29 =	vadd.f32 v29, v35  }
0xb1: {  	v31 =	vmul.f32 $1.442695020e+00, v47;
	v32 =	vadd.f32 $-1.000000000e+00, v20;
	v53 =	vadd.f32 v34, v40  }
0xb2: {  	v18 =	vmul.f32 $1.442695020e+00, v18;
	v54 =	vsub.f32 $0.0e+00, v30;
	v3 =	vadd.f32 v29, v3  }
0xb3: {  	v37 =	vmul.f32 $1.442695020e+00, v49;
	v34 =	vadd.f32 $-1.000000000e+00, v17;
	v55 =	vsub.f32 $0.0e+00, v51  }
0xb4: {  	v57 =	vld [tilespmem:s31+$0x30];
	v58 =	vmul.f32 $1.442695020e+00, v52;
	(erf) = vpow2.f32 v31;
	v3 =	vadd.f32 $9.999999970e-07, v3  }
0xb5: {  	v61 =	vld [tilespmem:s31+$0x60];
	v31 =	vadd.f32 $-1.000000000e+00, v28;
	v28 =	vpop (erf);
	v17 =	vmul.f32 $1.442695020e+00, v54;
	(erf) = vpow2.f32 v18  }
0xb6: {  	v30 =	vadd.f32 $-1.000000000e+00, v30;
	v63 =	vmul.f32 v28, v12;
	(erf) = vrcp.f32 v3  }
0xb7: {  	v56 =	vld [tilespmem:s31+$0x20];
	v40 =	vsub.f32 $0.0e+00, v53;
	v62 =	vpop (erf);
	v35 =	vmul.f32 $1.442695020e+00, v55;
	(erf) = vpow2.f32 v37  }
0xb8: {  	v60 =	vld [tilespmem:s31+$0x50];
	v20 =	vadd.f32 $-1.000000000e+00, v53;
	v24 =	vmul.f32 v62, v24;
	(erf) = vpow2.f32 v58  }
0xb9: {  	v39 =	vld [tilespmem:s31+$0x70];
	v18 =	vsub.f32 $0.0e+00, v57;
	v40 =	vmul.f32 $1.442695020e+00, v40;
	v37 =	vpop (erf);
	(erf) = vpow2.f32 v17  }
0xba: {  	v12 =	vsub.f32 $0.0e+00, v61;
	v29 =	vadd.f32 $-1.000000000e+00, v51;
	v38 =	vpop (erf);
	(erf) = vpow2.f32 v35  }
0xbb: {  	v28 =	vpack.i.f32.bf16 v63, v28;
	v43 =	vpack.i.f32.bf16 v24, v62;
	v36 =	vpop (erf);
	(erf) = vpow2.f32 v40  }
0xbc: {  	v3 =	vsub.f32 $0.0e+00, v56;
	v42 =	vmul.f32 v38, v25;
	v35 =	vpop (erf);
	(erf) = vrcp.f32 v41  }
0xbd: {  	s3 =	simm.s32 $0x600;
	s0 =	simm.s32 $0x100;
	[tilespmem:s30+$0x800] =	vst v28;
	v17 =	vsub.f32 $0.0e+00, v60;
	v27 =	vmul.f32 v36, v27;
	v40 =	vmul.f32 v37, v26;
	v41 =	vpop (erf)  }
.LBB2_2:
0xbe: {  	p0 =	sne.s32 s3, $0xE00;
	v24 =	vld [tilespmem:s0+$0x470];
	v15 =	vmul.f32 v41, v15;
	v25 =	vsub.f32 $0.0e+00, v39;
	v26 =	vpop (erf);
	[tilespmem:s30+$0x810] =	vst v43;
	v10 =	vmul.f32 v35, v10  }
0xbf: {  	v40 =	vpack.i.f32.bf16 v40, v37;
	v39 =	vld [tilespmem:s0+$0x400];
	v16 =	vmul.f32 v26, v16;
	v26 =	vpop (erf);
	v37 =	vpack.i.f32.bf16 v42, v38  }
0xc0: {  	v27 =	vpack.i.f32.bf16 v27, v36;
	v38 =	vld [tilespmem:s0+$0x410];
	v41 =	vadd.f32 v15, v34;
	v25 =	vmul.f32 v26, v25;
	v34 =	vpop (erf);
	[tilespmem:s30+$0x820] =	vst v40  }
0xc1: {  	v10 =	vpack.i.f32.bf16 v10, v35;
	v36 =	vld [tilespmem:s0+$0x420];
	v16 =	vadd.f32 v16, v32;
	v14 =	vmul.f32 v34, v14;
	v28 =	vpop (erf);
	[tilespmem:s30+$0x830] =	vst v37  }
0xc2: {  	v35 =	vld [tilespmem:s0+$0x430];
	v32 =	vadd.f32 v41, v11;
	v11 =	vmul.f32 v28, v23;
	v26 =	vpack.i.f32.bf16 v25, v26;
	v23 =	vpop (erf);
	[tilespmem:s30+$0x840] =	vst v27  }
0xc3: {  	v37 =	vld [tilespmem:s0+$0x440];
	v25 =	vand.u32 $0x7FFFFFFF, v24;
	v14 =	vadd.f32 v14, v33;
	v22 =	vmul.f32 v23, v22;
	[tilespmem:s31+$0x870] =	vst v26;
	v15 =	vpop (erf)  }
0xc4: {  	v23 =	vand.u32 $0x7FFFFFFF, v39;
	v40 =	vld [tilespmem:s0+$0x450];
	v34 =	vsub.f32 $0.0e+00, v25;
	v15 =	vmul.f32 v15, v21;
	v21 =	vpop (erf);
	[tilespmem:s30+$0x850] =	vst v10  }
0xc5: {  	v43 =	vsub.f32 $0.0e+00, v23;
	v23 =	vand.u32 $0x7FFFFFFF, v38;
	v41 =	vld [tilespmem:s0+$0x460];
	v13 =	vmul.f32 v21, v13;
	v21 =	vpop (erf)  }
0xc6: {  	v26 =	vmovc v19;
	v33 =	vld [tilespmem:s0+$0x0];
	v23 =	vsub.f32 $0.0e+00, v23;
	v27 =	vand.u32 $0x7FFFFFFF, v36;
	v28 =	vmul.f32 $1.442695020e+00, v34;
	v25 =	vmovc v18  }
0xc7: {  	v10 =	vmovc v17;
	v42 =	vmul.f32 $1.442695020e+00, v43;
	v34 =	vld [tilespmem:s0+$0x10];
	v19 =	vsub.f32 $0.0e+00, v27;
	v18 =	vand.u32 $0x7FFFFFFF, v35  }
0xc8: {  	v17 =	vld [tilespmem:s0+$0x20];
	v27 =	vsub.f32 $0.0e+00, v18;
	v43 =	vand.u32 $0x7FFFFFFF, v37;
	(erf) = vpow2.f32 v28  }
0xc9: {  	v23 =	vmul.f32 $1.442695020e+00, v23;
	v18 =	vld [tilespmem:s0+$0x30];
	v28 =	vsub.f32 $0.0e+00, v43;
	v43 =	vand.u32 $0x7FFFFFFF, v40  }
0xca: {  	v44 =	vmul.f32 $1.442695020e+00, v19;
	v19 =	vld [tilespmem:s0+$0x40];
	v43 =	vsub.f32 $0.0e+00, v43;
	v45 =	vand.u32 $0x7FFFFFFF, v41  }
0xcb: {  	v46 =	vmul.f32 $1.442695020e+00, v27;
	v47 =	vmul.f32 $1.442695020e+00, v28;
	v27 =	vld [tilespmem:s0+$0x50];
	v45 =	vsub.f32 $0.0e+00, v45  }
0xcc: {  	v31 =	vadd.f32 v11, v31;
	v43 =	vmul.f32 $1.442695020e+00, v43;
	v28 =	vld [tilespmem:s0+$0x60];
	(erf) = vpow2.f32 v42  }
0xcd: {  	v22 =	vadd.f32 v22, v30;
	v42 =	vmul.f32 $1.442695020e+00, v45;
	(erf) = vpow2.f32 v23  }
0xce: {  	v15 =	vadd.f32 v15, v29;
	v13 =	vadd.f32 v13, v20;
	(erf) = vpow2.f32 v44  }
0xcf: {  	v11 =	vmax.f32 v39, $0.0e+00;
	v23 =	vmax.f32 v38, $0.0e+00;
	(erf) = vpow2.f32 v46  }
0xd0: {  	v36 =	vmax.f32 v36, $0.0e+00;
	v35 =	vmax.f32 v35, $0.0e+00;
	(erf) = vpow2.f32 v47  }
0xd1: {  	v37 =	vmax.f32 v37, $0.0e+00;
	v38 =	vmax.f32 v40, $0.0e+00;
	(erf) = vpow2.f32 v43;
	v39 =	vpop (erf)  }
0xd2: {  	v40 =	vmax.f32 v41, $0.0e+00;
	v30 =	vmul.f32 $1.560245010e-01, v39;
	(erf) = vpow2.f32 v42  }
0xd3: {  	v29 =	vadd.f32 v14, v7;
	v14 =	vmul.f32 v21, v0;
	v20 =	vadd.f32 v16, v5;
	v5 =	vmovc v23  }
0xd4: {  	v0 =	vmovc v12;
	v7 =	vmovc v36;
	v16 =	vadd.f32 $-4.899596870e-01, v30;
	v30 =	vadd.f32 v31, v6;
	v6 =	vmov v35  }
0xd5: {  	v12 =	vadd.f32 v15, v9;
	v31 =	vadd.f32 v22, v8;
	v8 =	vpack.i.f32.bf16 v14, v21;
	v23 =	vpop (erf)  }
0xd6: {  	v15 =	vadd.f32 $1.000000000e+00, v23;
	v9 =	vmul.f32 $1.560245010e-01, v23;
	v14 =	vmul.f32 v16, v39;
	v21 =	vpop (erf);
	[tilespmem:s30+$0x860] =	vst v8;
	s30 =	smov.u32 s31;
	s31 =	smov.u32 s0  }
0xd7: {  	v35 =	vadd.f32 v13, v4;
	v16 =	vadd.f32 $1.000000000e+00, v21;
	v8 =	vmul.f32 $1.560245010e-01, v21;
	v22 =	vpop (erf)  }
0xd8: {  	v4 =	vadd.f32 $-4.899596870e-01, v9;
	v9 =	vmul.f32 $1.560245010e-01, v22;
	v13 =	vadd.f32 $9.991149900e-01, v14;
	v36 =	vpop (erf)  }
0xd9: {  	v14 =	vadd.f32 $1.000000000e+00, v22;
	v41 =	vadd.f32 $-4.899596870e-01, v8;
	v51 =	vmul.f32 $1.560245010e-01, v36;
	v42 =	vpop (erf)  }
0xda: {  	v43 =	vadd.f32 $-4.899596870e-01, v9;
	v52 =	vmul.f32 $1.560245010e-01, v42;
	v13 =	vmul.f32 v13, v39;
	v44 =	vpop (erf)  }
0xdb: {  	v45 =	vmul.f32 v4, v23;
	v46 =	vadd.f32 $-4.899596870e-01, v51;
	v51 =	vmul.f32 $1.560245010e-01, v44;
	v47 =	vpop (erf)  }
0xdc: {  	v8 =	vmovc v37;
	v48 =	vadd.f32 $-4.899596870e-01, v52;
	v49 =	vmul.f32 $1.560245010e-01, v47;
	v50 =	vsub.f32 $0.0e+00, v13;
	v9 =	vmovc v38  }
0xdd: {  	v37 =	vmul.f32 v41, v21;
	v38 =	vmul.f32 v43, v22;
	v4 =	vmovc v40;
	v41 =	vadd.f32 $-4.899596870e-01, v51  }
0xde: {  	v40 =	vmul.f32 v46, v36;
	v43 =	vadd.f32 $-4.899596870e-01, v49;
	v46 =	vmul.f32 $1.442695020e+00, v50  }
0xdf: {  	v45 =	vadd.f32 $9.991149900e-01, v45;
	v48 =	vmul.f32 v48, v42;
	v41 =	vmul.f32 v41, v44  }
0xe0: {  	v37 =	vadd.f32 $9.991149900e-01, v37;
	v43 =	vmul.f32 v43, v47;
	(erf) = vpow2.f32 v46  }
0xe1: {  	v45 =	vmul.f32 v45, v23;
	v23 =	vadd.f32 $9.991149900e-01, v38;
	v38 =	vadd.f32 $9.991149900e-01, v40  }
0xe2: {  	v37 =	vmul.f32 v37, v21;
	v21 =	vadd.f32 $9.991149900e-01, v48;
	v40 =	vadd.f32 $9.991149900e-01, v41  }
0xe3: {  	v41 =	vmul.f32 v23, v22;
	v38 =	vmul.f32 v38, v36;
	v22 =	vadd.f32 $9.991149900e-01, v43  }
0xe4: {  	v23 =	vsub.f32 $0.0e+00, v45;
	v43 =	vmul.f32 v21, v42;
	v40 =	vmul.f32 v40, v44  }
0xe5: {  	v21 =	vsub.f32 $0.0e+00, v37;
	v46 =	vsub.f32 $0.0e+00, v41;
	v48 =	vmul.f32 v22, v47  }
0xe6: {  	v49 =	vmul.f32 $1.442695020e+00, v23;
	v22 =	vsub.f32 $0.0e+00, v38;
	v50 =	vsub.f32 $0.0e+00, v43  }
0xe7: {  	v51 =	vmul.f32 $1.442695020e+00, v21;
	v54 =	vsub.f32 $0.0e+00, v40;
	v52 =	vsub.f32 $0.0e+00, v48  }
0xe8: {  	v39 =	vadd.f32 $1.000000000e+00, v39;
	v46 =	vmul.f32 $1.442695020e+00, v46;
	v53 =	vmul.f32 $1.442695020e+00, v22  }
0xe9: {  	v23 =	vadd.f32 $1.000000000e+00, v36;
	v36 =	vmul.f32 $1.442695020e+00, v50;
	v50 =	vmul.f32 $1.442695020e+00, v54;
	v21 =	vpop (erf)  }
0xea: {  	v54 =	vadd.f32 $-1.000000000e+00, v13;
	v52 =	vmul.f32 $1.442695020e+00, v52;
	v55 =	vmul.f32 v21, v39  }
0xeb: {  	v22 =	vadd.f32 $1.000000000e+00, v42;
	v21 =	vadd.f32 $1.000000000e+00, v44;
	(erf) = vpow2.f32 v49  }
0xec: {  	v13 =	vadd.f32 $1.000000000e+00, v47;
	v42 =	vadd.f32 v55, v54;
	(erf) = vpow2.f32 v51  }
0xed: {  	v37 =	vadd.f32 $-1.000000000e+00, v37;
	v44 =	vadd.f32 $-1.000000000e+00, v45;
	(erf) = vpow2.f32 v46  }
0xee: {  	v41 =	vadd.f32 $-1.000000000e+00, v41;
	v45 =	vsub.f32 $0.0e+00, v42;
	(erf) = vpow2.f32 v53  }
0xef: {  	v38 =	vadd.f32 $-1.000000000e+00, v38;
	v43 =	vadd.f32 $-1.000000000e+00, v43;
	(erf) = vpow2.f32 v36  }
0xf0: {  	v36 =	vadd.f32 $-1.000000000e+00, v40;
	v40 =	vmul.f32 $1.442695020e+00, v45;
	(erf) = vpow2.f32 v50  }
0xf1: {  	v46 =	vadd.f32 $9.999999970e-07, v32;
	v45 =	vadd.f32 $-1.000000000e+00, v48;
	(erf) = vpow2.f32 v52  }
0xf2: {  	v29 =	vadd.f32 $9.999999970e-07, v29;
	v20 =	vadd.f32 $9.999999970e-07, v20;
	(erf) = vpow2.f32 v40  }
0xf3: {  	v30 =	vadd.f32 $9.999999970e-07, v30;
	v31 =	vadd.f32 $9.999999970e-07, v31;
	(erf) = vrcp.f32 v46  }
0xf4: {  	v12 =	vadd.f32 $9.999999970e-07, v12;
	v46 =	vadd.f32 $9.999999970e-07, v35;
	v32 =	vpop (erf);
	(erf) = vrcp.f32 v20  }
0xf5: {  	v40 =	vsub.f32 $0.0e+00, v33;
	v20 =	vmul.f32 v32, v15;
	v32 =	vpop (erf);
	(erf) = vrcp.f32 v29  }
0xf6: {  	v47 =	vsub.f32 $0.0e+00, v34;
	v29 =	vmul.f32 v32, v16;
	v32 =	vpop (erf);
	(erf) = vrcp.f32 v30  }
0xf7: {  	v20 =	vadd.f32 v20, v44;
	v30 =	vmul.f32 v32, v14;
	v32 =	vpop (erf);
	(erf) = vrcp.f32 v31  }
0xf8: {  	v29 =	vadd.f32 v29, v37;
	v31 =	vmul.f32 v32, v23;
	v32 =	vpop (erf);
	(erf) = vrcp.f32 v12  }
0xf9: {  	v12 =	vsub.f32 $0.0e+00, v20;
	v30 =	vadd.f32 v30, v41;
	v32 =	vmul.f32 v32, v22;
	v33 =	vpop (erf)  }
0xfa: {  	v34 =	vsub.f32 $0.0e+00, v29;
	v31 =	vadd.f32 v31, v38;
	v33 =	vmul.f32 v33, v21;
	v35 =	vpop (erf)  }
0xfb: {  	v41 =	vsub.f32 $0.0e+00, v30;
	v43 =	vadd.f32 v32, v43;
	v32 =	vmul.f32 v35, v13;
	v35 =	vpop (erf)  }
0xfc: {  	v44 =	vadd.f32 v33, v36;
	v33 =	vadd.f32 $-1.000000000e+00, v42;
	v35 =	vmul.f32 v35, v39;
	v42 =	vpop (erf)  }
0xfd: {  	v12 =	vmul.f32 $1.442695020e+00, v12;
	v51 =	vsub.f32 $0.0e+00, v31;
	v39 =	vadd.f32 v32, v45;
	v45 =	vpop (erf)  }
0xfe: {  	v48 =	vmul.f32 $1.442695020e+00, v34;
	v32 =	vsub.f32 $0.0e+00, v43;
	v33 =	vadd.f32 v35, v33;
	v37 =	vpop (erf)  }
0xff: {  	v24 =	vmax.f32 v24, $0.0e+00;
	v53 =	vsub.f32 $0.0e+00, v44;
	v49 =	vsub.f32 $0.0e+00, v39;
	v38 =	vpop (erf)  }
0x100: {  	v41 =	vmul.f32 $1.442695020e+00, v41;
	v50 =	vmul.f32 $1.442695020e+00, v51;
	v24 =	vadd.f32 v33, v24;
	v36 =	vpop (erf)  }
0x101: {  	v34 =	vadd.f32 $-1.000000000e+00, v20;
	v51 =	vmul.f32 $1.442695020e+00, v32;
	v52 =	vmul.f32 $1.442695020e+00, v53;
	v35 =	vpop (erf)  }
0x102: {  	v49 =	vmul.f32 $1.442695020e+00, v49;
	v20 =	vadd.f32 $9.999999970e-07, v24;
	(erf) = vpow2.f32 v12  }
0x103: {  	v32 =	vadd.f32 $-1.000000000e+00, v29;
	v33 =	vadd.f32 $-1.000000000e+00, v30;
	(erf) = vpow2.f32 v48  }
0x104: {  	v31 =	vadd.f32 $-1.000000000e+00, v31;
	v30 =	vadd.f32 $-1.000000000e+00, v43;
	(erf) = vrcp.f32 v20  }
0x105: {  	v29 =	vadd.f32 $-1.000000000e+00, v44;
	v20 =	vadd.f32 $-1.000000000e+00, v39;
	(erf) = vpow2.f32 v41  }
0x106: {  	v18 =	vsub.f32 $0.0e+00, v18;
	v24 =	vsub.f32 $0.0e+00, v17;
	(erf) = vpow2.f32 v50  }
.Ltmp2:
0x107: {  	v19 =	vsub.f32 $0.0e+00, v19;
	v17 =	vsub.f32 $0.0e+00, v27;
	v39 =	vld [tilespmem:s31+$0x70];
	(erf) = vpow2.f32 v51;
	(pc) =	sbr.rel @p0 .LBB2_2-.Ltmp2, $4  }
0x108: {  	v12 =	vsub.f32 $0.0e+00, v28;
	v27 =	vmul.f32 v42, v1;
	v1 =	vmovc v40;
	(erf) = vpow2.f32 v52  }
0x109: {  	v28 =	vmul.f32 v45, v2;
	v2 =	vmov v47;
	(erf) = vpow2.f32 v49  }
0x10a: {  	v40 =	vmul.f32 v37, v3;
	v27 =	vpack.i.f32.bf16 v27, v42;
	v3 =	vmovc v24;
	(erf) = vrcp.f32 v46  }
0x10b: {  	s0 =	sshra.s32 s3, $0x2;
	s3 =	sadd.s32 $0x200, s3;
	v43 =	vpack.i.f32.bf16 v28, v45;
	v42 =	vmul.f32 v38, v25;
	v41 =	vpop (erf);
	[tilespmem:s30+$0x800] =	vst v27;
	v27 =	vmul.f32 v36, v26  }
0x10c: {  	v28 =	vld [tilespmem:s0+$0x470];
	_ =	sdelay $0x3  }
0x10d: {  	[tilespmem:s30+$0x810] =	vst v43  }
0x10e: {  	v26 =	vpack.i.f32.bf16 v40, v37;
	v45 =	vsub.f32 $0.0e+00, v39;
	v46 =	vpop (erf);
	v24 =	vld [tilespmem:s0+$0x400];
	v47 =	vand.u32 $0x7FFFFFFF, v28  }
0x10f: {  	v25 =	vld [tilespmem:s0+$0x410];
	[tilespmem:s30+$0x820] =	vst v26;
	v48 =	vpop (erf);
	v49 =	vsub.f32 $0.0e+00, v47  }
0x110: {  	v38 =	vpack.i.f32.bf16 v42, v38;
	v26 =	vld [tilespmem:s0+$0x420];
	v37 =	vmul.f32 v48, v45  }
0x111: {  	v36 =	vpack.i.f32.bf16 v27, v36;
	[tilespmem:s30+$0x830] =	vst v38;
	v50 =	vmul.f32 $1.442695020e+00, v49  }
0x112: {  	v15 =	vmul.f32 v41, v15;
	v51 =	vmul.f32 v35, v10;
	v27 =	vld [tilespmem:s0+$0x430];
	[tilespmem:s30+$0x840] =	vst v36;
	v37 =	vpack.i.f32.bf16 v37, v48  }
0x113: {  	v39 =	vmul.f32 v46, v16;
	v10 =	vld [tilespmem:s0+$0x440];
	[tilespmem:s31+$0x870] =	vst v37;
	(erf) = vpow2.f32 v50  }
0x114: {  	v34 =	vadd.f32 v15, v34;
	v52 =	vpop (erf);
	v35 =	vpack.i.f32.bf16 v51, v35;
	v53 =	vand.u32 $0x7FFFFFFF, v24;
	v15 =	vld [tilespmem:s0+$0x450]  }
0x115: {  	v54 =	vmul.f32 v52, v14;
	v55 =	vpop (erf);
	v56 =	vsub.f32 $0.0e+00, v53;
	v58 =	vand.u32 $0x7FFFFFFF, v26  }
0x116: {  	v23 =	vmul.f32 v55, v23;
	v57 =	vand.u32 $0x7FFFFFFF, v25;
	v36 =	vsub.f32 $0.0e+00, v58  }
0x117: {  	[tilespmem:s30+$0x850] =	vst v35;
	v35 =	vsub.f32 $0.0e+00, v57;
	v59 =	vand.u32 $0x7FFFFFFF, v27;
	v16 =	vmul.f32 $1.442695020e+00, v56  }
0x118: {  	v60 =	vpop (erf);
	v38 =	vsub.f32 $0.0e+00, v59;
	v61 =	vand.u32 $0x7FFFFFFF, v10;
	v36 =	vmul.f32 $1.442695020e+00, v36  }
0x119: {  	v62 =	vpop (erf);
	v14 =	vld [tilespmem:s0+$0x460];
	v35 =	vmul.f32 $1.442695020e+00, v35;
	v41 =	vsub.f32 $0.0e+00, v61;
	v63 =	vand.u32 $0x7FFFFFFF, v15  }
0x11a: {  	v44 =	vpop (erf);
	v38 =	vmul.f32 $1.442695020e+00, v38;
	(erf) = vpow2.f32 v16;
	v43 =	vsub.f32 $0.0e+00, v63  }
0x11b: {  	v32 =	vadd.f32 v39, v32;
	v41 =	vmul.f32 $1.442695020e+00, v41;
	(erf) = vpow2.f32 v35;
	v16 =	vpop (erf)  }
0x11c: {  	v11 =	vadd.f32 v34, v11;
	(erf) = vpow2.f32 v36;
	v43 =	vmul.f32 $1.442695020e+00, v43;
	v36 =	vpop (erf)  }
0x11d: {  	v33 =	vadd.f32 v54, v33;
	(erf) = vpow2.f32 v38;
	v49 =	vmul.f32 $1.560245010e-01, v36  }
0x11e: {  	v21 =	vmul.f32 v62, v21;
	v45 =	vand.u32 $0x7FFFFFFF, v14;
	(erf) = vpow2.f32 v41  }
0x11f: {  	v48 =	vsub.f32 $0.0e+00, v45;
	(erf) = vpow2.f32 v43;
	v51 =	vadd.f32 $-4.899596870e-01, v49  }
0x120: {  	v22 =	vmul.f32 v60, v22;
	v23 =	vadd.f32 v23, v31;
	v11 =	vadd.f32 $9.999999970e-07, v11  }
0x121: {  	v21 =	vadd.f32 v21, v29;
	v50 =	vmul.f32 $1.442695020e+00, v48;
	v52 =	vmul.f32 v51, v36  }
0x122: {  	v22 =	vadd.f32 v22, v30;
	v7 =	vadd.f32 v33, v7  }
0x123: {  	v29 =	vadd.f32 v32, v5;
	(erf) = vpow2.f32 v50;
	v53 =	vpop (erf);
	v54 =	vadd.f32 $9.991149900e-01, v52  }
0x124: {  	v23 =	vadd.f32 v23, v6;
	v8 =	vadd.f32 v22, v8;
	v55 =	vmul.f32 $1.560245010e-01, v53;
	v56 =	vpop (erf)  }
0x125: {  	v9 =	vadd.f32 v21, v9;
	v6 =	vadd.f32 $1.000000000e+00, v53;
	v21 =	vpop (erf);
	v32 =	vmul.f32 v54, v36  }
0x126: {  	v5 =	vadd.f32 $1.000000000e+00, v56;
	v57 =	vmul.f32 $1.560245010e-01, v56;
	v22 =	vadd.f32 $-4.899596870e-01, v55;
	v34 =	vpop (erf)  }
0x127: {  	v58 =	vmul.f32 $1.560245010e-01, v21;
	v59 =	vmul.f32 $1.560245010e-01, v34;
	v38 =	vpop (erf);
	v60 =	vsub.f32 $0.0e+00, v32  }
0x128: {  	v33 =	vadd.f32 $-4.899596870e-01, v57;
	v61 =	vmul.f32 $1.560245010e-01, v38;
	v41 =	vpop (erf);
	v22 =	vmul.f32 v22, v53  }
0x129: {  	v35 =	vadd.f32 $-4.899596870e-01, v58;
	v62 =	vmul.f32 $1.560245010e-01, v41;
	v39 =	vmul.f32 $1.442695020e+00, v60  }
0x12a: {  	v37 =	vadd.f32 $-4.899596870e-01, v59;
	v33 =	vmul.f32 v33, v56;
	v40 =	vadd.f32 $-4.899596870e-01, v61  }
0x12b: {  	v35 =	vmul.f32 v35, v21;
	v22 =	vadd.f32 $9.991149900e-01, v22;
	(erf) = vpow2.f32 v39  }
0x12c: {  	v43 =	vpop (erf);
	v48 =	vadd.f32 $-4.899596870e-01, v62;
	v37 =	vmul.f32 v37, v34;
	v33 =	vadd.f32 $9.991149900e-01, v33  }
0x12d: {  	v36 =	vadd.f32 $1.000000000e+00, v36;
	v63 =	vmul.f32 $1.560245010e-01, v43;
	v40 =	vmul.f32 v40, v38  }
0x12e: {  	v35 =	vadd.f32 $9.991149900e-01, v35;
	v22 =	vmul.f32 v22, v53;
	v50 =	vadd.f32 $9.991149900e-01, v37  }
0x12f: {  	v30 =	vmul.f32 v33, v56;
	v49 =	vadd.f32 $-4.899596870e-01, v63;
	v51 =	vadd.f32 $9.991149900e-01, v40  }
0x130: {  	v35 =	vmul.f32 v35, v21;
	v54 =	vsub.f32 $0.0e+00, v22;
	v31 =	vmul.f32 v50, v34  }
0x131: {  	v55 =	vsub.f32 $0.0e+00, v30;
	v42 =	vmul.f32 v49, v43;
	v39 =	vmul.f32 v48, v41  }
0x132: {  	v33 =	vmul.f32 v51, v38;
	v56 =	vsub.f32 $0.0e+00, v35;
	v40 =	vmul.f32 $1.442695020e+00, v54  }
0x133: {  	v53 =	vadd.f32 $9.991149900e-01, v42;
	v42 =	vmul.f32 $1.442695020e+00, v55;
	v52 =	vadd.f32 $9.991149900e-01, v39  }
0x134: {  	v46 =	vsub.f32 $0.0e+00, v31;
	v45 =	vmul.f32 $1.442695020e+00, v56;
	(erf) = vpow2.f32 v40;
	v48 =	vpop (erf)  }
0x135: {  	v32 =	vadd.f32 $-1.000000000e+00, v32;
	v37 =	vmul.f32 v52, v41;
	v48 =	vmul.f32 v48, v36  }
0x136: {  	v47 =	vsub.f32 $0.0e+00, v33;
	v57 =	vmul.f32 $1.442695020e+00, v46;
	v39 =	vmul.f32 v53, v43  }
0x137: {  	(erf) = vpow2.f32 v42;
	v49 =	vsub.f32 $0.0e+00, v37;
	v32 =	vadd.f32 v48, v32  }
0x138: {  	v59 =	vmul.f32 $1.442695020e+00, v47;
	(erf) = vpow2.f32 v45;
	v58 =	vsub.f32 $0.0e+00, v39  }
0x139: {  	(erf) = vpow2.f32 v57;
	v60 =	vmul.f32 $1.442695020e+00, v49;
	v61 =	vsub.f32 $0.0e+00, v32  }
0x13a: {  	v7 =	vadd.f32 $9.999999970e-07, v7;
	(erf) = vpow2.f32 v59;
	v62 =	vmul.f32 $1.442695020e+00, v58  }
0x13b: {  	v29 =	vadd.f32 $9.999999970e-07, v29;
	(erf) = vpow2.f32 v60;
	v63 =	vmul.f32 $1.442695020e+00, v61  }
0x13c: {  	v23 =	vadd.f32 $9.999999970e-07, v23;
	v8 =	vadd.f32 $9.999999970e-07, v8;
	(erf) = vpow2.f32 v62  }
0x13d: {  	v9 =	vadd.f32 $9.999999970e-07, v9;
	v21 =	vadd.f32 $1.000000000e+00, v21;
	(erf) = vpow2.f32 v63  }
0x13e: {  	v22 =	vadd.f32 $-1.000000000e+00, v22;
	v34 =	vadd.f32 $1.000000000e+00, v34  }
0x13f: {  	v30 =	vadd.f32 $-1.000000000e+00, v30;
	v38 =	vadd.f32 $1.000000000e+00, v38;
	v46 =	vpop (erf)  }
0x140: {  	v28 =	vmax.f32 v28, $0.0e+00;
	v35 =	vadd.f32 $-1.000000000e+00, v35;
	v31 =	vadd.f32 $-1.000000000e+00, v31;
	v47 =	vpop (erf)  }
0x141: {  	v24 =	vmax.f32 v24, $0.0e+00;
	v40 =	vadd.f32 $1.000000000e+00, v43;
	v33 =	vadd.f32 $-1.000000000e+00, v33;
	v48 =	vpop (erf)  }
0x142: {  	v41 =	vadd.f32 $1.000000000e+00, v41;
	v42 =	vmul.f32 v46, v6;
	v49 =	vpop (erf);
	(erf) = vrcp.f32 v11  }
0x143: {  	v39 =	vadd.f32 $-1.000000000e+00, v39;
	v37 =	vadd.f32 $-1.000000000e+00, v37;
	v50 =	vpop (erf);
	(erf) = vrcp.f32 v29  }
0x144: {  	v43 =	vmul.f32 v47, v5;
	v22 =	vadd.f32 v42, v22;
	v51 =	vpop (erf);
	(erf) = vrcp.f32 v7  }
0x145: {  	v32 =	vadd.f32 $-1.000000000e+00, v32;
	v11 =	vmul.f32 v48, v21;
	v52 =	vpop (erf);
	(erf) = vrcp.f32 v23  }
0x146: {  	v30 =	vadd.f32 v43, v30;
	v29 =	vmul.f32 v49, v34;
	(erf) = vrcp.f32 v8;
	v53 =	vpop (erf)  }
0x147: {  	v42 =	vsub.f32 $0.0e+00, v22;
	(erf) = vrcp.f32 v9;
	v9 =	vmul.f32 v53, v36  }
0x148: {  	v54 =	vsub.f32 $0.0e+00, v30;
	v11 =	vadd.f32 v11, v35;
	v7 =	vmul.f32 v50, v38  }
0x149: {  	v29 =	vadd.f32 v29, v31;
	v23 =	vmul.f32 v51, v41;
	v9 =	vadd.f32 v9, v32  }
0x14a: {  	v55 =	vsub.f32 $0.0e+00, v11;
	v7 =	vadd.f32 v7, v33;
	v8 =	vmul.f32 v52, v40  }
0x14b: {  	v56 =	vmul.f32 $1.442695020e+00, v42;
	v23 =	vadd.f32 v23, v37;
	v9 =	vadd.f32 v9, v28  }
0x14c: {  	v58 =	vmul.f32 $1.442695020e+00, v54;
	v57 =	vsub.f32 $0.0e+00, v29;
	v8 =	vadd.f32 v8, v39  }
0x14d: {  	(erf) = vpow2.f32 v56;
	v31 =	vmul.f32 $1.442695020e+00, v55;
	v9 =	vadd.f32 $9.999999970e-07, v9  }
0x14e: {  	v59 =	vsub.f32 $0.0e+00, v7;
	(erf) = vpow2.f32 v58;
	v28 =	vmul.f32 $1.442695020e+00, v57  }
0x14f: {  	v13 =	vmul.f32 v44, v13;
	v60 =	vsub.f32 $0.0e+00, v23;
	(erf) = vrcp.f32 v9  }
0x150: {  	v62 =	vsub.f32 $0.0e+00, v8;
	v61 =	vpop (erf);
	v32 =	vmul.f32 $1.442695020e+00, v59;
	(erf) = vpow2.f32 v31  }
0x151: {  	v13 =	vadd.f32 v13, v20;
	v33 =	vmul.f32 $1.442695020e+00, v60;
	v31 =	vpop (erf);
	(erf) = vpow2.f32 v28  }
0x152: {  	v25 =	vmax.f32 v25, $0.0e+00;
	v35 =	vmul.f32 $1.442695020e+00, v62;
	v28 =	vpop (erf);
	(erf) = vpow2.f32 v32  }
0x153: {  	v26 =	vmax.f32 v26, $0.0e+00;
	v27 =	vmax.f32 v27, $0.0e+00;
	v20 =	vpop (erf);
	(erf) = vpow2.f32 v33  }
0x154: {  	v4 =	vadd.f32 v13, v4;
	v0 =	vmul.f32 v16, v0;
	v32 =	vpop (erf);
	(erf) = vpow2.f32 v35  }
0x155: {  	v10 =	vmax.f32 v10, $0.0e+00;
	v15 =	vmax.f32 v15, $0.0e+00;
	v14 =	vmax.f32 v14, $0.0e+00;
	v13 =	vpop (erf)  }
0x156: {  	v4 =	vadd.f32 $9.999999970e-07, v4;
	v0 =	vpack.i.f32.bf16 v0, v16;
	v22 =	vadd.f32 $-1.000000000e+00, v22;
	v63 =	vpop (erf)  }
0x157: {  	v30 =	vadd.f32 $-1.000000000e+00, v30;
	v11 =	vadd.f32 $-1.000000000e+00, v11;
	v42 =	vpop (erf);
	v6 =	vmul.f32 v63, v6  }
0x158: {  	v29 =	vadd.f32 $-1.000000000e+00, v29;
	v7 =	vadd.f32 $-1.000000000e+00, v7;
	v5 =	vmul.f32 v42, v5;
	v43 =	vpop (erf)  }
0x159: {  	v23 =	vadd.f32 $-1.000000000e+00, v23;
	v1 =	vmul.f32 v61, v1;
	v6 =	vadd.f32 v6, v22;
	v44 =	vpop (erf)  }
0x15a: {  	v46 =	vld [tilespmem:s0+$0x0];
	v8 =	vadd.f32 $-1.000000000e+00, v8;
	v5 =	vadd.f32 v5, v30;
	v45 =	vpop (erf);
	v21 =	vmul.f32 v44, v21  }
0x15b: {  	v48 =	vld [tilespmem:s0+$0x10];
	v1 =	vpack.i.f32.bf16 v1, v61;
	v6 =	vadd.f32 v6, v24;
	v47 =	vpop (erf);
	v49 =	vmul.f32 v45, v34  }
0x15c: {  	v54 =	vld [tilespmem:s0+$0x30];
	v5 =	vadd.f32 v5, v25;
	v50 =	vpop (erf);
	v16 =	vmul.f32 v47, v38;
	v11 =	vadd.f32 v21, v11  }
0x15d: {  	v51 =	vld [tilespmem:s0+$0x20];
	v6 =	vadd.f32 $9.999999970e-07, v6;
	v52 =	vmul.f32 v50, v41;
	v53 =	vpop (erf);
	v29 =	vadd.f32 v49, v29  }
0x15e: {  	v56 =	vld [tilespmem:s0+$0x40];
	v62 =	vadd.f32 $9.999999970e-07, v5;
	v55 =	vmul.f32 v53, v40;
	v7 =	vadd.f32 v16, v7  }
0x15f: {  	v58 =	vld [tilespmem:s0+$0x50];
	v2 =	vmul.f32 v31, v2;
	v60 =	vadd.f32 v11, v26;
	v57 =	vadd.f32 v52, v23  }
0x160: {  	v59 =	vld [tilespmem:s0+$0x60];
	[tilespmem:s30+$0x860] =	vst v0;
	(erf) = vrcp.f32 v4;
	v61 =	vadd.f32 v29, v27;
	v8 =	vadd.f32 v55, v8  }
0x161: {  	v63 =	vld [tilespmem:s0+$0x70];
	(erf) = vrcp.f32 v6;
	v7 =	vadd.f32 v7, v10;
	v9 =	vadd.f32 $9.999999970e-07, v60  }
0x162: {  	(erf) = vrcp.f32 v62;
	v15 =	vadd.f32 v57, v15;
	v0 =	vadd.f32 $9.999999970e-07, v61  }
0x163: {  	v16 =	vadd.f32 v8, v14;
	v7 =	vadd.f32 $9.999999970e-07, v7;
	(erf) = vrcp.f32 v9  }
0x164: {  	v3 =	vmul.f32 v28, v3;
	v6 =	vadd.f32 $9.999999970e-07, v15;
	(erf) = vrcp.f32 v0  }
0x165: {  	v24 =	vpack.i.f32.bf16 v2, v31;
	v25 =	vadd.f32 $9.999999970e-07, v16;
	(erf) = vrcp.f32 v7  }
0x166: {  	[tilespmem:s31+$0x800] =	vst v1;
	v26 =	vmul.f32 v20, v18;
	v27 =	vsub.f32 $0.0e+00, v63;
	(erf) = vrcp.f32 v6  }
0x167: {  	v31 =	vpack.i.f32.bf16 v3, v28;
	[tilespmem:s31+$0x810] =	vst v24;
	v29 =	vmul.f32 v32, v19;
	(erf) = vrcp.f32 v25  }
0x168: {  	[tilespmem:s31+$0x820] =	vst v31;
	v1 =	vpack.i.f32.bf16 v26, v20;
	v33 =	vmul.f32 v43, v27  }
0x169: {  	v39 =	vmul.f32 v13, v17;
	v38 =	vsub.f32 $0.0e+00, v46;
	v40 =	vpack.i.f32.bf16 v29, v32;
	[tilespmem:s31+$0x830] =	vst v1;
	v41 =	vpop (erf)  }
0x16a: {  	v42 =	vsub.f32 $0.0e+00, v48;
	[tilespmem:s31+$0x840] =	vst v40;
	v2 =	vpack.i.f32.bf16 v33, v43;
	v43 =	vmul.f32 v41, v12;
	v44 =	vpop (erf)  }
0x16b: {  	v3 =	vpack.i.f32.bf16 v39, v13;
	v45 =	vsub.f32 $0.0e+00, v51;
	[tilespmem:s0+$0x870] =	vst v2;
	v46 =	vpop (erf);
	v0 =	vmul.f32 v44, v38  }
0x16c: {  	v47 =	vsub.f32 $0.0e+00, v54;
	[tilespmem:s31+$0x850] =	vst v3;
	v1 =	vpack.i.f32.bf16 v43, v41;
	v49 =	vmul.f32 v46, v42;
	v48 =	vpop (erf)  }
0x16d: {  	v50 =	vsub.f32 $0.0e+00, v56;
	[tilespmem:s31+$0x860] =	vst v1;
	v0 =	vpack.i.f32.bf16 v0, v44;
	v51 =	vpop (erf);
	v52 =	vmul.f32 v48, v45  }
0x16e: {  	v53 =	vsub.f32 $0.0e+00, v58;
	[tilespmem:s0+$0x800] =	vst v0;
	v55 =	vpack.i.f32.bf16 v49, v46;
	v54 =	vpop (erf);
	v56 =	vmul.f32 v51, v47  }
0x16f: {  	v57 =	vsub.f32 $0.0e+00, v59;
	[tilespmem:s0+$0x810] =	vst v55;
	v58 =	vpop (erf);
	v5 =	vmul.f32 v54, v50;
	v59 =	vpack.i.f32.bf16 v52, v48  }
0x170: {  	v60 =	vmul.f32 v58, v53;
	v1 =	vpack.i.f32.bf16 v56, v51;
	[tilespmem:s0+$0x820] =	vst v59;
	v61 =	vpop (erf)  }
0x171: {  	v62 =	vpack.i.f32.bf16 v5, v54;
	[tilespmem:s0+$0x830] =	vst v1;
	v63 =	vmul.f32 v61, v57  }
0x172: {  	v3 =	vpack.i.f32.bf16 v60, v58;
	[tilespmem:s0+$0x840] =	vst v62  }
0x173: {  	[tilespmem:s0+$0x850] =	vst v3;
	v0 =	vpack.i.f32.bf16 v63, v61  }
0x174: {  	s30 =	simm.s32 $0x0;
	[tilespmem:s0+$0x860] =	vst v0  }
0x175: {  	[tilespmem:s20], [sflag:$0x2] =	stream.linear.gather [hbm4b:s7+s30], $0x4000, $0x38;
	[tilespmem:$0x10E00] =	vst v63  }
0x176: {  	p0 =	por $0x1, $0x1;
	p1 =	por $0x0, $0x0  }
0x177: {  	[tilespmem:s21], [sflag:$0x2] =	stream.linear.gather [hbm4b:s8+s30], $0x80, $0x38;
	[tilespmem:$0x10E00] =	vst v63  }
.LBB2_4:
0x178: {  	_ =	swait.ge [sflag:s22], $0x4000  }
0x179: {  	[sflag:s22] =	ssyncset.done $0x0  }
0x17a: {  	[sflag:s22] =	ssyncadd.s32 $0xFFFFC000  }
0x17b: {  	_ =	swait.ge [sflag:s22], $0x80  }
0x17c: {  	[sflag:s22] =	ssyncset.done $0x0  }
0x17d: {  	s0 =	simm.s32 @p1 $0x3;
	[sflag:s22] =	ssyncadd.s32 $0xFFFFFF80  }
0x17e: {  	_ =	swait.ge @p1 [sflag:s0], $0x4000  }
0x17f: {  	[sflag:s0] =	ssyncset.done @p1 $0x0  }
0x180: {  	s31 =	simm.s32 $0x0;
	[sflag:s0] =	ssyncadd.s32 @p1 $0xFFFFC000;
	s0 =	simm.s32 $0x10C00  }
.LBB2_5:
0x181: {  	v0 =	vld [tilespmem:s0+$0x0];
	_ =	sdelay $0x4  }
0x182: {  	v0 =	vshll.u32 v0, $0x9  }
0x183: {  	v0 =	vshra.s32 v0, $0x2  }
0x184: {  	(v2sf) =	vpush v0, $0x0;
	_ =	sdelay $0x9  }
0x185: {  	s3 =	sshra.s32 s31, $0x2  }
0x186: {  	v1 =	vld [tilespmem:s3+$0xC00]  }
0x187: {  	v2 =	vld [tilespmem:s3+$0xC10]  }
0x188: {  	v3 =	vld [tilespmem:s3+$0xC20]  }
0x189: {  	v4 =	vld [tilespmem:s3+$0xC30]  }
0x18a: {  	v5 =	vld [tilespmem:s3+$0xC40];
	s1 =	spop (v2sf)  }
0x18b: {  	v6 =	vld [tilespmem:s1+$0x800]  }
0x18c: {  	v7 =	vld [tilespmem:s1+$0x810]  }
0x18d: {  	v8 =	vld [tilespmem:s1+$0x820]  }
0x18e: {  	v9 =	vld [tilespmem:s1+$0x830]  }
0x18f: {  	(v2sf) =	vpush v0, $0x1;
	v10 =	vld [tilespmem:s1+$0x840]  }
0x190: {  	v11 =	vld [tilespmem:s3+$0xC50]  }
0x191: {  	v13 =	vld [tilespmem:s1+$0x850];
	v12 =	vunpack.i.u.bf16.f32 v6;
	v6 =	vunpack.i.l.bf16.f32 v6  }
0x192: {  	v14 =	vld [tilespmem:s3+$0xC60];
	v15 =	vunpack.i.u.bf16.f32 v7;
	v7 =	vunpack.i.l.bf16.f32 v7;
	v16 =	vunpack.i.u.bf16.f32 v8  }
0x193: {  	v18 =	vld [tilespmem:s1+$0x860];
	v8 =	vunpack.i.l.bf16.f32 v8;
	v17 =	vunpack.i.u.bf16.f32 v9;
	v1 =	vmul.f32 v6, v1  }
0x194: {  	v19 =	vld [tilespmem:s1+$0x870];
	v32 =	vunpack.i.l.bf16.f32 v9;
	v33 =	vunpack.i.u.bf16.f32 v10;
	v2 =	vmul.f32 v7, v2  }
0x195: {  	v34 =	vld [tilespmem:s3+$0xC70];
	v10 =	vunpack.i.l.bf16.f32 v10;
	v3 =	vmul.f32 v8, v3;
	v1 =	vadd.f32 v1, v12  }
0x196: {  	v35 =	vunpack.i.u.bf16.f32 v13;
	v4 =	vmul.f32 v32, v4;
	v2 =	vadd.f32 v2, v15  }
0x197: {  	v36 =	vunpack.i.l.bf16.f32 v13;
	v38 =	vmul.f32 v10, v5;
	v37 =	vadd.f32 v3, v16;
	[tilespmem:s3+$0x8C00] =	vst v1  }
0x198: {  	v39 =	vunpack.i.l.bf16.f32 v18;
	v41 =	vmul.f32 v36, v11;
	v40 =	vadd.f32 v4, v17;
	[tilespmem:s3+$0x8C10] =	vst v2  }
0x199: {  	v42 =	vunpack.i.l.bf16.f32 v19;
	v44 =	vmul.f32 v39, v14;
	v43 =	vadd.f32 v38, v33;
	[tilespmem:s3+$0x8C20] =	vst v37  }
0x19a: {  	v48 =	vld [tilespmem:s3+$0xC80];
	v45 =	vunpack.i.u.bf16.f32 v18;
	v47 =	vmul.f32 v42, v34;
	v46 =	vadd.f32 v41, v35;
	[tilespmem:s3+$0x8C30] =	vst v40  }
0x19b: {  	v51 =	vld [tilespmem:s3+$0xC90];
	v49 =	vunpack.i.u.bf16.f32 v19;
	v50 =	vadd.f32 v44, v45;
	[tilespmem:s3+$0x8C40] =	vst v43  }
0x19c: {  	v53 =	vld [tilespmem:s3+$0xCA0];
	v52 =	vadd.f32 v47, v49;
	[tilespmem:s3+$0x8C50] =	vst v46  }
0x19d: {  	v54 =	vld [tilespmem:s3+$0xCB0];
	[tilespmem:s3+$0x8C60] =	vst v50  }
0x19e: {  	v55 =	vld [tilespmem:s3+$0xCC0];
	[tilespmem:s3+$0x8C70] =	vst v52;
	s1 =	spop (v2sf)  }
0x19f: {  	v56 =	vld [tilespmem:s1+$0x800]  }
0x1a0: {  	v57 =	vld [tilespmem:s1+$0x810]  }
0x1a1: {  	v58 =	vld [tilespmem:s1+$0x820]  }
0x1a2: {  	v59 =	vld [tilespmem:s1+$0x830]  }
0x1a3: {  	(v2sf) =	vpush v0, $0x2;
	v60 =	vld [tilespmem:s1+$0x840]  }
0x1a4: {  	v61 =	vld [tilespmem:s3+$0xCD0]  }
0x1a5: {  	v63 =	vld [tilespmem:s1+$0x850];
	v62 =	vunpack.i.u.bf16.f32 v56;
	v5 =	vunpack.i.l.bf16.f32 v56  }
0x1a6: {  	v21 =	vld [tilespmem:s3+$0xCE0];
	v22 =	vunpack.i.u.bf16.f32 v57;
	v7 =	vunpack.i.l.bf16.f32 v57;
	v23 =	vunpack.i.u.bf16.f32 v58  }
0x1a7: {  	v25 =	vld [tilespmem:s1+$0x860];
	v8 =	vunpack.i.l.bf16.f32 v58;
	v24 =	vunpack.i.u.bf16.f32 v59;
	v5 =	vmul.f32 v5, v48  }
0x1a8: {  	v28 =	vld [tilespmem:s1+$0x870];
	v26 =	vunpack.i.l.bf16.f32 v59;
	v27 =	vunpack.i.u.bf16.f32 v60;
	v3 =	vmul.f32 v7, v51  }
0x1a9: {  	v29 =	vld [tilespmem:s3+$0xCF0];
	v10 =	vunpack.i.l.bf16.f32 v60;
	v4 =	vmul.f32 v8, v53;
	v5 =	vadd.f32 v5, v62  }
0x1aa: {  	v30 =	vunpack.i.u.bf16.f32 v63;
	v1 =	vmul.f32 v26, v54;
	v3 =	vadd.f32 v3, v22  }
0x1ab: {  	v31 =	vunpack.i.l.bf16.f32 v63;
	v2 =	vmul.f32 v10, v55;
	v4 =	vadd.f32 v4, v23;
	[tilespmem:s3+$0x8C80] =	vst v5  }
0x1ac: {  	v32 =	vunpack.i.l.bf16.f32 v25;
	v33 =	vmul.f32 v31, v61;
	v1 =	vadd.f32 v1, v24;
	[tilespmem:s3+$0x8C90] =	vst v3  }
0x1ad: {  	v34 =	vunpack.i.l.bf16.f32 v28;
	v35 =	vmul.f32 v32, v21;
	v2 =	vadd.f32 v2, v27;
	[tilespmem:s3+$0x8CA0] =	vst v4  }
0x1ae: {  	v39 =	vld [tilespmem:s3+$0xD00];
	v36 =	vunpack.i.u.bf16.f32 v25;
	v38 =	vmul.f32 v34, v29;
	v37 =	vadd.f32 v33, v30;
	[tilespmem:s3+$0x8CB0] =	vst v1  }
0x1af: {  	v42 =	vld [tilespmem:s3+$0xD10];
	v40 =	vunpack.i.u.bf16.f32 v28;
	v41 =	vadd.f32 v35, v36;
	[tilespmem:s3+$0x8CC0] =	vst v2  }
0x1b0: {  	v44 =	vld [tilespmem:s3+$0xD20];
	v43 =	vadd.f32 v38, v40;
	[tilespmem:s3+$0x8CD0] =	vst v37  }
0x1b1: {  	v45 =	vld [tilespmem:s3+$0xD30];
	[tilespmem:s3+$0x8CE0] =	vst v41  }
0x1b2: {  	v46 =	vld [tilespmem:s3+$0xD40];
	[tilespmem:s3+$0x8CF0] =	vst v43;
	s1 =	spop (v2sf)  }
0x1b3: {  	v47 =	vld [tilespmem:s1+$0x800]  }
0x1b4: {  	v48 =	vld [tilespmem:s1+$0x810]  }
0x1b5: {  	v49 =	vld [tilespmem:s1+$0x820]  }
0x1b6: {  	v50 =	vld [tilespmem:s1+$0x830]  }
0x1b7: {  	(v2sf) =	vpush v0, $0x3;
	v51 =	vld [tilespmem:s1+$0x840]  }
0x1b8: {  	v52 =	vld [tilespmem:s3+$0xD50]  }
0x1b9: {  	v54 =	vld [tilespmem:s1+$0x850];
	v53 =	vunpack.i.u.bf16.f32 v47;
	v5 =	vunpack.i.l.bf16.f32 v47  }
0x1ba: {  	v55 =	vld [tilespmem:s3+$0xD60];
	v56 =	vunpack.i.u.bf16.f32 v48;
	v7 =	vunpack.i.l.bf16.f32 v48;
	v57 =	vunpack.i.u.bf16.f32 v49  }
0x1bb: {  	v59 =	vld [tilespmem:s1+$0x860];
	v8 =	vunpack.i.l.bf16.f32 v49;
	v58 =	vunpack.i.u.bf16.f32 v50;
	v5 =	vmul.f32 v5, v39  }
0x1bc: {  	v62 =	vld [tilespmem:s1+$0x870];
	v60 =	vunpack.i.l.bf16.f32 v50;
	v61 =	vunpack.i.u.bf16.f32 v51;
	v4 =	vmul.f32 v7, v42  }
0x1bd: {  	v63 =	vld [tilespmem:s3+$0xD70];
	v10 =	vunpack.i.l.bf16.f32 v51;
	v3 =	vmul.f32 v8, v44;
	v5 =	vadd.f32 v5, v53  }
0x1be: {  	v12 =	vunpack.i.u.bf16.f32 v54;
	v2 =	vmul.f32 v60, v45;
	v4 =	vadd.f32 v4, v56  }
0x1bf: {  	v13 =	vunpack.i.l.bf16.f32 v54;
	v1 =	vmul.f32 v10, v46;
	v3 =	vadd.f32 v3, v57;
	[tilespmem:s3+$0x8D00] =	vst v5  }
0x1c0: {  	v15 =	vunpack.i.l.bf16.f32 v59;
	v16 =	vmul.f32 v13, v52;
	v2 =	vadd.f32 v2, v58;
	[tilespmem:s3+$0x8D10] =	vst v4  }
0x1c1: {  	v17 =	vunpack.i.l.bf16.f32 v62;
	v20 =	vmul.f32 v15, v55;
	v1 =	vadd.f32 v1, v61;
	[tilespmem:s3+$0x8D20] =	vst v3  }
0x1c2: {  	v29 =	vld [tilespmem:s3+$0xDA0];
	v21 =	vunpack.i.u.bf16.f32 v59;
	v23 =	vmul.f32 v17, v63;
	v22 =	vadd.f32 v16, v12;
	[tilespmem:s3+$0x8D30] =	vst v2  }
0x1c3: {  	v31 =	vld [tilespmem:s3+$0xDC0];
	v25 =	vunpack.i.u.bf16.f32 v62;
	v26 =	vadd.f32 v20, v21;
	[tilespmem:s3+$0x8D40] =	vst v1  }
0x1c4: {  	v24 =	vld [tilespmem:s3+$0xD80];
	v28 =	vadd.f32 v23, v25;
	[tilespmem:s3+$0x8D50] =	vst v22  }
0x1c5: {  	v27 =	vld [tilespmem:s3+$0xD90];
	[tilespmem:s3+$0x8D60] =	vst v26  }
0x1c6: {  	v30 =	vld [tilespmem:s3+$0xDB0];
	[tilespmem:s3+$0x8D70] =	vst v28;
	s1 =	spop (v2sf)  }
0x1c7: {  	v32 =	vld [tilespmem:s1+$0x800]  }
0x1c8: {  	v33 =	vld [tilespmem:s1+$0x810]  }
0x1c9: {  	v34 =	vld [tilespmem:s1+$0x820]  }
0x1ca: {  	v35 =	vld [tilespmem:s1+$0x830]  }
0x1cb: {  	(v2sf) =	vpush v0, $0x4;
	v36 =	vld [tilespmem:s1+$0x840]  }
0x1cc: {  	v40 =	vld [tilespmem:s3+$0xDE0]  }
0x1cd: {  	v39 =	vld [tilespmem:s1+$0x850];
	v38 =	vunpack.i.u.bf16.f32 v32;
	v5 =	vunpack.i.l.bf16.f32 v32  }
0x1ce: {  	v37 =	vld [tilespmem:s3+$0xDD0];
	v41 =	vunpack.i.u.bf16.f32 v33;
	v7 =	vunpack.i.l.bf16.f32 v33;
	v42 =	vunpack.i.u.bf16.f32 v34  }
0x1cf: {  	v44 =	vld [tilespmem:s1+$0x860];
	v8 =	vunpack.i.l.bf16.f32 v34;
	v43 =	vunpack.i.u.bf16.f32 v35;
	v5 =	vmul.f32 v5, v24  }
0x1d0: {  	v47 =	vld [tilespmem:s1+$0x870];
	v45 =	vunpack.i.l.bf16.f32 v35;
	v46 =	vunpack.i.u.bf16.f32 v36;
	v3 =	vmul.f32 v7, v27  }
0x1d1: {  	v48 =	vld [tilespmem:s3+$0xDF0];
	v10 =	vunpack.i.l.bf16.f32 v36;
	v4 =	vmul.f32 v8, v29;
	v5 =	vadd.f32 v5, v38  }
0x1d2: {  	v49 =	vunpack.i.u.bf16.f32 v39;
	v1 =	vmul.f32 v45, v30;
	v3 =	vadd.f32 v3, v41  }
0x1d3: {  	v50 =	vunpack.i.l.bf16.f32 v39;
	v2 =	vmul.f32 v10, v31;
	v4 =	vadd.f32 v4, v42;
	[tilespmem:s3+$0x8D80] =	vst v5  }
0x1d4: {  	v51 =	vunpack.i.l.bf16.f32 v44;
	v52 =	vmul.f32 v50, v37;
	v1 =	vadd.f32 v1, v43;
	[tilespmem:s3+$0x8D90] =	vst v3  }
0x1d5: {  	v53 =	vunpack.i.l.bf16.f32 v47;
	v54 =	vmul.f32 v51, v40;
	v2 =	vadd.f32 v2, v46;
	[tilespmem:s3+$0x8DA0] =	vst v4  }
0x1d6: {  	v63 =	vld [tilespmem:s3+$0xE20];
	v55 =	vunpack.i.u.bf16.f32 v44;
	v57 =	vmul.f32 v53, v48;
	v56 =	vadd.f32 v52, v49;
	[tilespmem:s3+$0x8DB0] =	vst v1  }
0x1d7: {  	v58 =	vld [tilespmem:s3+$0xE00];
	v59 =	vunpack.i.u.bf16.f32 v47;
	v60 =	vadd.f32 v54, v55;
	[tilespmem:s3+$0x8DC0] =	vst v2  }
0x1d8: {  	v61 =	vld [tilespmem:s3+$0xE10];
	v62 =	vadd.f32 v57, v59;
	[tilespmem:s3+$0x8DD0] =	vst v56  }
0x1d9: {  	v21 =	vld [tilespmem:s3+$0xE30];
	[tilespmem:s3+$0x8DE0] =	vst v60  }
0x1da: {  	v22 =	vld [tilespmem:s3+$0xE40];
	[tilespmem:s3+$0x8DF0] =	vst v62;
	s1 =	spop (v2sf)  }
0x1db: {  	v23 =	vld [tilespmem:s1+$0x800]  }
0x1dc: {  	v24 =	vld [tilespmem:s1+$0x810]  }
0x1dd: {  	v25 =	vld [tilespmem:s1+$0x820]  }
0x1de: {  	v26 =	vld [tilespmem:s1+$0x830]  }
0x1df: {  	(v2sf) =	vpush v0, $0x5;
	v27 =	vld [tilespmem:s1+$0x840]  }
0x1e0: {  	v28 =	vld [tilespmem:s3+$0xE50]  }
0x1e1: {  	v30 =	vld [tilespmem:s1+$0x850];
	v29 =	vunpack.i.u.bf16.f32 v23;
	v5 =	vunpack.i.l.bf16.f32 v23  }
0x1e2: {  	v31 =	vld [tilespmem:s3+$0xE60];
	v32 =	vunpack.i.u.bf16.f32 v24;
	v7 =	vunpack.i.l.bf16.f32 v24;
	v33 =	vunpack.i.u.bf16.f32 v25  }
0x1e3: {  	v35 =	vld [tilespmem:s1+$0x860];
	v8 =	vunpack.i.l.bf16.f32 v25;
	v34 =	vunpack.i.u.bf16.f32 v26;
	v5 =	vmul.f32 v5, v58  }
0x1e4: {  	v38 =	vld [tilespmem:s1+$0x870];
	v36 =	vunpack.i.l.bf16.f32 v26;
	v37 =	vunpack.i.u.bf16.f32 v27;
	v4 =	vmul.f32 v7, v61  }
0x1e5: {  	v39 =	vld [tilespmem:s3+$0xE70];
	v10 =	vunpack.i.l.bf16.f32 v27;
	v3 =	vmul.f32 v8, v63;
	v5 =	vadd.f32 v5, v29  }
0x1e6: {  	v40 =	vunpack.i.u.bf16.f32 v30;
	v2 =	vmul.f32 v36, v21;
	v4 =	vadd.f32 v4, v32  }
0x1e7: {  	v41 =	vunpack.i.l.bf16.f32 v30;
	v1 =	vmul.f32 v10, v22;
	v3 =	vadd.f32 v3, v33;
	[tilespmem:s3+$0x8E00] =	vst v5  }
0x1e8: {  	v42 =	vunpack.i.l.bf16.f32 v35;
	v43 =	vmul.f32 v41, v28;
	v2 =	vadd.f32 v2, v34;
	[tilespmem:s3+$0x8E10] =	vst v4  }
0x1e9: {  	v44 =	vunpack.i.l.bf16.f32 v38;
	v45 =	vmul.f32 v42, v31;
	v1 =	vadd.f32 v1, v37;
	[tilespmem:s3+$0x8E20] =	vst v3  }
0x1ea: {  	v49 =	vld [tilespmem:s3+$0xE80];
	v46 =	vunpack.i.u.bf16.f32 v35;
	v48 =	vmul.f32 v44, v39;
	v47 =	vadd.f32 v43, v40;
	[tilespmem:s3+$0x8E30] =	vst v2  }
0x1eb: {  	v52 =	vld [tilespmem:s3+$0xE90];
	v50 =	vunpack.i.u.bf16.f32 v38;
	v51 =	vadd.f32 v45, v46;
	[tilespmem:s3+$0x8E40] =	vst v1  }
0x1ec: {  	v54 =	vld [tilespmem:s3+$0xEA0];
	v53 =	vadd.f32 v48, v50;
	[tilespmem:s3+$0x8E50] =	vst v47  }
0x1ed: {  	v55 =	vld [tilespmem:s3+$0xEB0];
	[tilespmem:s3+$0x8E60] =	vst v51  }
0x1ee: {  	v56 =	vld [tilespmem:s3+$0xEC0];
	[tilespmem:s3+$0x8E70] =	vst v53;
	s1 =	spop (v2sf)  }
0x1ef: {  	v57 =	vld [tilespmem:s1+$0x800]  }
0x1f0: {  	v58 =	vld [tilespmem:s1+$0x810]  }
0x1f1: {  	v59 =	vld [tilespmem:s1+$0x820]  }
0x1f2: {  	v60 =	vld [tilespmem:s1+$0x830]  }
0x1f3: {  	(v2sf) =	vpush v0, $0x6;
	v61 =	vld [tilespmem:s1+$0x840]  }
0x1f4: {  	v62 =	vld [tilespmem:s3+$0xED0]  }
0x1f5: {  	v21 =	vld [tilespmem:s1+$0x850];
	v63 =	vunpack.i.u.bf16.f32 v57;
	v5 =	vunpack.i.l.bf16.f32 v57  }
0x1f6: {  	v22 =	vld [tilespmem:s3+$0xEE0];
	v23 =	vunpack.i.u.bf16.f32 v58;
	v7 =	vunpack.i.l.bf16.f32 v58;
	v24 =	vunpack.i.u.bf16.f32 v59  }
0x1f7: {  	v26 =	vld [tilespmem:s1+$0x860];
	v8 =	vunpack.i.l.bf16.f32 v59;
	v25 =	vunpack.i.u.bf16.f32 v60;
	v5 =	vmul.f32 v5, v49  }
0x1f8: {  	v29 =	vld [tilespmem:s1+$0x870];
	v27 =	vunpack.i.l.bf16.f32 v60;
	v28 =	vunpack.i.u.bf16.f32 v61;
	v3 =	vmul.f32 v7, v52  }
0x1f9: {  	v30 =	vld [tilespmem:s3+$0xEF0];
	v10 =	vunpack.i.l.bf16.f32 v61;
	v4 =	vmul.f32 v8, v54;
	v5 =	vadd.f32 v5, v63  }
0x1fa: {  	v31 =	vunpack.i.u.bf16.f32 v21;
	v1 =	vmul.f32 v27, v55;
	v3 =	vadd.f32 v3, v23  }
0x1fb: {  	v32 =	vunpack.i.l.bf16.f32 v21;
	v2 =	vmul.f32 v10, v56;
	v4 =	vadd.f32 v4, v24;
	[tilespmem:s3+$0x8E80] =	vst v5  }
0x1fc: {  	v33 =	vunpack.i.l.bf16.f32 v26;
	v34 =	vmul.f32 v32, v62;
	v1 =	vadd.f32 v1, v25;
	[tilespmem:s3+$0x8E90] =	vst v3  }
0x1fd: {  	v35 =	vunpack.i.l.bf16.f32 v29;
	v36 =	vmul.f32 v33, v22;
	v2 =	vadd.f32 v2, v28;
	[tilespmem:s3+$0x8EA0] =	vst v4  }
0x1fe: {  	v40 =	vld [tilespmem:s3+$0xF00];
	v37 =	vunpack.i.u.bf16.f32 v26;
	v39 =	vmul.f32 v35, v30;
	v38 =	vadd.f32 v34, v31;
	[tilespmem:s3+$0x8EB0] =	vst v1  }
0x1ff: {  	v43 =	vld [tilespmem:s3+$0xF10];
	v41 =	vunpack.i.u.bf16.f32 v29;
	v42 =	vadd.f32 v36, v37;
	[tilespmem:s3+$0x8EC0] =	vst v2  }
0x200: {  	v45 =	vld [tilespmem:s3+$0xF20];
	v44 =	vadd.f32 v39, v41;
	[tilespmem:s3+$0x8ED0] =	vst v38  }
0x201: {  	v46 =	vld [tilespmem:s3+$0xF30];
	[tilespmem:s3+$0x8EE0] =	vst v42  }
0x202: {  	v47 =	vld [tilespmem:s3+$0xF40];
	[tilespmem:s3+$0x8EF0] =	vst v44;
	s1 =	spop (v2sf)  }
0x203: {  	v48 =	vld [tilespmem:s1+$0x800]  }
0x204: {  	v49 =	vld [tilespmem:s1+$0x810]  }
0x205: {  	v50 =	vld [tilespmem:s1+$0x820]  }
0x206: {  	v51 =	vld [tilespmem:s1+$0x830]  }
0x207: {  	(v2sf) =	vpush v0, $0x7;
	v52 =	vld [tilespmem:s1+$0x840]  }
0x208: {  	v53 =	vld [tilespmem:s3+$0xF50]  }
0x209: {  	v55 =	vld [tilespmem:s1+$0x850];
	v54 =	vunpack.i.u.bf16.f32 v48;
	v5 =	vunpack.i.l.bf16.f32 v48  }
0x20a: {  	v56 =	vld [tilespmem:s3+$0xF60];
	v57 =	vunpack.i.u.bf16.f32 v49;
	v7 =	vunpack.i.l.bf16.f32 v49;
	v58 =	vunpack.i.u.bf16.f32 v50  }
0x20b: {  	v60 =	vld [tilespmem:s1+$0x860];
	v8 =	vunpack.i.l.bf16.f32 v50;
	v59 =	vunpack.i.u.bf16.f32 v51;
	v5 =	vmul.f32 v5, v40  }
0x20c: {  	v63 =	vld [tilespmem:s1+$0x870];
	v61 =	vunpack.i.l.bf16.f32 v51;
	v62 =	vunpack.i.u.bf16.f32 v52;
	v4 =	vmul.f32 v7, v43  }
0x20d: {  	v19 =	vld [tilespmem:s3+$0xF70];
	v10 =	vunpack.i.l.bf16.f32 v52;
	v3 =	vmul.f32 v8, v45;
	v5 =	vadd.f32 v5, v54  }
0x20e: {  	v20 =	vunpack.i.u.bf16.f32 v55;
	v2 =	vmul.f32 v61, v46;
	v4 =	vadd.f32 v4, v57  }
0x20f: {  	v21 =	vunpack.i.l.bf16.f32 v55;
	v1 =	vmul.f32 v10, v47;
	v3 =	vadd.f32 v3, v58;
	[tilespmem:s3+$0x8F00] =	vst v5  }
0x210: {  	v22 =	vunpack.i.l.bf16.f32 v60;
	v0 =	vmul.f32 v21, v53;
	v2 =	vadd.f32 v2, v59;
	[tilespmem:s3+$0x8F10] =	vst v4  }
0x211: {  	v23 =	vunpack.i.l.bf16.f32 v63;
	v24 =	vmul.f32 v22, v56;
	v1 =	vadd.f32 v1, v62;
	[tilespmem:s3+$0x8F20] =	vst v3  }
0x212: {  	v27 =	vld [tilespmem:s3+$0xF80];
	v25 =	vunpack.i.u.bf16.f32 v60;
	v26 =	vmul.f32 v23, v19;
	v0 =	vadd.f32 v0, v20;
	[tilespmem:s3+$0x8F30] =	vst v2  }
0x213: {  	v30 =	vld [tilespmem:s3+$0xF90];
	v28 =	vunpack.i.u.bf16.f32 v63;
	v29 =	vadd.f32 v24, v25;
	[tilespmem:s3+$0x8F40] =	vst v1  }
0x214: {  	v32 =	vld [tilespmem:s3+$0xFA0];
	v31 =	vadd.f32 v26, v28;
	[tilespmem:s3+$0x8F50] =	vst v0  }
0x215: {  	v33 =	vld [tilespmem:s3+$0xFB0];
	[tilespmem:s3+$0x8F60] =	vst v29  }
0x216: {  	v34 =	vld [tilespmem:s3+$0xFC0];
	[tilespmem:s3+$0x8F70] =	vst v31;
	s1 =	spop (v2sf)  }
0x217: {  	v35 =	vld [tilespmem:s1+$0x800]  }
0x218: {  	v36 =	vld [tilespmem:s1+$0x810]  }
0x219: {  	v37 =	vld [tilespmem:s1+$0x820]  }
0x21a: {  	v38 =	vld [tilespmem:s1+$0x830]  }
0x21b: {  	v39 =	vld [tilespmem:s1+$0x840]  }
0x21c: {  	v40 =	vld [tilespmem:s3+$0xFD0]  }
0x21d: {  	v42 =	vld [tilespmem:s1+$0x850];
	v41 =	vunpack.i.u.bf16.f32 v35;
	v5 =	vunpack.i.l.bf16.f32 v35  }
0x21e: {  	v43 =	vld [tilespmem:s3+$0xFE0];
	v44 =	vunpack.i.u.bf16.f32 v36;
	v6 =	vunpack.i.l.bf16.f32 v36;
	v45 =	vunpack.i.u.bf16.f32 v37  }
0x21f: {  	v47 =	vld [tilespmem:s1+$0x860];
	v7 =	vunpack.i.l.bf16.f32 v37;
	v46 =	vunpack.i.u.bf16.f32 v38;
	v4 =	vmul.f32 v5, v27  }
0x220: {  	v50 =	vld [tilespmem:s1+$0x870];
	v48 =	vunpack.i.l.bf16.f32 v38;
	v49 =	vunpack.i.u.bf16.f32 v39;
	v3 =	vmul.f32 v6, v30  }
0x221: {  	v51 =	vld [tilespmem:s3+$0xFF0];
	v9 =	vunpack.i.l.bf16.f32 v39;
	v2 =	vmul.f32 v7, v32;
	v4 =	vadd.f32 v4, v41  }
0x222: {  	v52 =	vunpack.i.u.bf16.f32 v42;
	v1 =	vmul.f32 v48, v33;
	v3 =	vadd.f32 v3, v44  }
0x223: {  	v53 =	vunpack.i.l.bf16.f32 v42;
	v0 =	vmul.f32 v9, v34;
	v2 =	vadd.f32 v2, v45;
	[tilespmem:s3+$0x8F80] =	vst v4  }
0x224: {  	v54 =	vunpack.i.l.bf16.f32 v47;
	v55 =	vmul.f32 v53, v40;
	v1 =	vadd.f32 v1, v46;
	[tilespmem:s3+$0x8F90] =	vst v3  }
0x225: {  	p2 =	sne.s32 s31, $0xF000;
	v56 =	vunpack.i.l.bf16.f32 v50;
	v57 =	vmul.f32 v54, v43;
	v0 =	vadd.f32 v0, v49;
	[tilespmem:s3+$0x8FA0] =	vst v2  }
.Ltmp3:
0x226: {  	v58 =	vunpack.i.u.bf16.f32 v47;
	v60 =	vmul.f32 v56, v51;
	v59 =	vadd.f32 v55, v52;
	[tilespmem:s3+$0x8FB0] =	vst v1;
	(pc) =	sbr.rel @p2 .LBB2_5-.Ltmp3, $4  }
0x227: {  	v61 =	vunpack.i.u.bf16.f32 v50;
	v62 =	vadd.f32 v57, v58;
	[tilespmem:s3+$0x8FC0] =	vst v0  }
0x228: {  	v63 =	vadd.f32 v60, v61;
	[tilespmem:s3+$0x8FD0] =	vst v59  }
0x229: {  	[tilespmem:s3+$0x8FE0] =	vst v62  }
0x22a: {  	s0 =	sadd.s32 $0x8, s0;
	s31 =	sadd.s32 $0x1000, s31;
	[tilespmem:s3+$0x8FF0] =	vst v63  }
0x22b: {  	s0 =	simm.s32 @p0 $0x0;
	s1 =	simm.s32 @p0 $0xC00  }
0x22c: {  	[tilespmem:s1], [sflag:$0x1] =	stream.linear.gather @p0 [hbm4b:s9+s0], $0x4000, $0x38;
	[tilespmem:$0x10E00] =	vst v63  }
0x22d: {  	s1 =	simm.s32 @p0 $0x10C00  }
0x22e: {  	[tilespmem:s1], [sflag:$0x1] =	stream.linear.gather @p0 [hbm4b:s10+s0], $0x80, $0x38;
	[tilespmem:$0x10E00] =	vst v63  }
0x22f: {  	s3 =	sadd.s32 s30, s11  }
0x230: {  	[hbm4b:s3+s4] =	stream.linear.scatter [tilespmem:s23], [sflag:$0x3], $0x4000, $0x38;
	[tilespmem:$0x10E00] =	vst v63  }
0x231: {  	_ =	swait.ge [sflag:s24], $0x4000  }
0x232: {  	[sflag:s24] =	ssyncset.done $0x0  }
0x233: {  	[sflag:s24] =	ssyncadd.s32 $0xFFFFC000  }
0x234: {  	_ =	swait.ge [sflag:s24], $0x80  }
0x235: {  	[sflag:s24] =	ssyncset.done $0x0  }
0x236: {  	s0 =	simm.s32 @p1 $0x4;
	[sflag:s24] =	ssyncadd.s32 $0xFFFFFF80  }
0x237: {  	_ =	swait.ge @p1 [sflag:s0], $0x4000  }
0x238: {  	[sflag:s0] =	ssyncset.done @p1 $0x0  }
0x239: {  	s31 =	simm.s32 $0x10D00;
	[sflag:s0] =	ssyncadd.s32 @p1 $0xFFFFC000;
	s0 =	simm.s32 $0x0  }
.LBB2_7:
0x23a: {  	v0 =	vld [tilespmem:s31+$0x0];
	_ =	sdelay $0x4  }
0x23b: {  	v0 =	vshll.u32 v0, $0x9  }
0x23c: {  	v0 =	vshra.s32 v0, $0x2  }
0x23d: {  	(v2sf) =	vpush v0, $0x0;
	_ =	sdelay $0x9  }
0x23e: {  	s3 =	sshra.s32 s0, $0x2  }
0x23f: {  	v1 =	vld [tilespmem:s3+$0x4C00]  }
0x240: {  	v2 =	vld [tilespmem:s3+$0x4C10]  }
0x241: {  	v3 =	vld [tilespmem:s3+$0x4C20]  }
0x242: {  	v4 =	vld [tilespmem:s3+$0x4C30]  }
0x243: {  	v5 =	vld [tilespmem:s3+$0x4C40];
	s1 =	spop (v2sf)  }
0x244: {  	v6 =	vld [tilespmem:s1+$0x800]  }
0x245: {  	v7 =	vld [tilespmem:s1+$0x810]  }
0x246: {  	v8 =	vld [tilespmem:s1+$0x820]  }
0x247: {  	v9 =	vld [tilespmem:s1+$0x830]  }
0x248: {  	(v2sf) =	vpush v0, $0x1;
	v10 =	vld [tilespmem:s1+$0x840]  }
0x249: {  	v11 =	vld [tilespmem:s3+$0x4C50]  }
0x24a: {  	v13 =	vld [tilespmem:s1+$0x850];
	v12 =	vunpack.i.u.bf16.f32 v6;
	v6 =	vunpack.i.l.bf16.f32 v6  }
0x24b: {  	v14 =	vld [tilespmem:s3+$0x4C60];
	v15 =	vunpack.i.u.bf16.f32 v7;
	v7 =	vunpack.i.l.bf16.f32 v7;
	v16 =	vunpack.i.u.bf16.f32 v8  }
0x24c: {  	v18 =	vld [tilespmem:s1+$0x860];
	v8 =	vunpack.i.l.bf16.f32 v8;
	v17 =	vunpack.i.u.bf16.f32 v9;
	v1 =	vmul.f32 v6, v1  }
0x24d: {  	v19 =	vld [tilespmem:s1+$0x870];
	v32 =	vunpack.i.l.bf16.f32 v9;
	v33 =	vunpack.i.u.bf16.f32 v10;
	v2 =	vmul.f32 v7, v2  }
0x24e: {  	v34 =	vld [tilespmem:s3+$0x4C70];
	v10 =	vunpack.i.l.bf16.f32 v10;
	v3 =	vmul.f32 v8, v3;
	v1 =	vadd.f32 v1, v12  }
0x24f: {  	v35 =	vunpack.i.u.bf16.f32 v13;
	v4 =	vmul.f32 v32, v4;
	v2 =	vadd.f32 v2, v15  }
0x250: {  	v36 =	vunpack.i.l.bf16.f32 v13;
	v38 =	vmul.f32 v10, v5;
	v37 =	vadd.f32 v3, v16;
	[tilespmem:s3+$0xCC00] =	vst v1  }
0x251: {  	v39 =	vunpack.i.l.bf16.f32 v18;
	v41 =	vmul.f32 v36, v11;
	v40 =	vadd.f32 v4, v17;
	[tilespmem:s3+$0xCC10] =	vst v2  }
0x252: {  	v42 =	vunpack.i.l.bf16.f32 v19;
	v44 =	vmul.f32 v39, v14;
	v43 =	vadd.f32 v38, v33;
	[tilespmem:s3+$0xCC20] =	vst v37  }
0x253: {  	v48 =	vld [tilespmem:s3+$0x4C80];
	v45 =	vunpack.i.u.bf16.f32 v18;
	v47 =	vmul.f32 v42, v34;
	v46 =	vadd.f32 v41, v35;
	[tilespmem:s3+$0xCC30] =	vst v40  }
0x254: {  	v51 =	vld [tilespmem:s3+$0x4C90];
	v49 =	vunpack.i.u.bf16.f32 v19;
	v50 =	vadd.f32 v44, v45;
	[tilespmem:s3+$0xCC40] =	vst v43  }
0x255: {  	v53 =	vld [tilespmem:s3+$0x4CA0];
	v52 =	vadd.f32 v47, v49;
	[tilespmem:s3+$0xCC50] =	vst v46  }
0x256: {  	v54 =	vld [tilespmem:s3+$0x4CB0];
	[tilespmem:s3+$0xCC60] =	vst v50  }
0x257: {  	v55 =	vld [tilespmem:s3+$0x4CC0];
	[tilespmem:s3+$0xCC70] =	vst v52;
	s1 =	spop (v2sf)  }
0x258: {  	v56 =	vld [tilespmem:s1+$0x800]  }
0x259: {  	v57 =	vld [tilespmem:s1+$0x810]  }
0x25a: {  	v58 =	vld [tilespmem:s1+$0x820]  }
0x25b: {  	v59 =	vld [tilespmem:s1+$0x830]  }
0x25c: {  	(v2sf) =	vpush v0, $0x2;
	v60 =	vld [tilespmem:s1+$0x840]  }
0x25d: {  	v61 =	vld [tilespmem:s3+$0x4CD0]  }
0x25e: {  	v63 =	vld [tilespmem:s1+$0x850];
	v62 =	vunpack.i.u.bf16.f32 v56;
	v5 =	vunpack.i.l.bf16.f32 v56  }
0x25f: {  	v21 =	vld [tilespmem:s3+$0x4CE0];
	v22 =	vunpack.i.u.bf16.f32 v57;
	v7 =	vunpack.i.l.bf16.f32 v57;
	v23 =	vunpack.i.u.bf16.f32 v58  }
0x260: {  	v25 =	vld [tilespmem:s1+$0x860];
	v8 =	vunpack.i.l.bf16.f32 v58;
	v24 =	vunpack.i.u.bf16.f32 v59;
	v5 =	vmul.f32 v5, v48  }
0x261: {  	v28 =	vld [tilespmem:s1+$0x870];
	v26 =	vunpack.i.l.bf16.f32 v59;
	v27 =	vunpack.i.u.bf16.f32 v60;
	v3 =	vmul.f32 v7, v51  }
0x262: {  	v29 =	vld [tilespmem:s3+$0x4CF0];
	v10 =	vunpack.i.l.bf16.f32 v60;
	v4 =	vmul.f32 v8, v53;
	v5 =	vadd.f32 v5, v62  }
0x263: {  	v30 =	vunpack.i.u.bf16.f32 v63;
	v1 =	vmul.f32 v26, v54;
	v3 =	vadd.f32 v3, v22  }
0x264: {  	v31 =	vunpack.i.l.bf16.f32 v63;
	v2 =	vmul.f32 v10, v55;
	v4 =	vadd.f32 v4, v23;
	[tilespmem:s3+$0xCC80] =	vst v5  }
0x265: {  	v32 =	vunpack.i.l.bf16.f32 v25;
	v33 =	vmul.f32 v31, v61;
	v1 =	vadd.f32 v1, v24;
	[tilespmem:s3+$0xCC90] =	vst v3  }
0x266: {  	v34 =	vunpack.i.l.bf16.f32 v28;
	v35 =	vmul.f32 v32, v21;
	v2 =	vadd.f32 v2, v27;
	[tilespmem:s3+$0xCCA0] =	vst v4  }
0x267: {  	v39 =	vld [tilespmem:s3+$0x4D00];
	v36 =	vunpack.i.u.bf16.f32 v25;
	v38 =	vmul.f32 v34, v29;
	v37 =	vadd.f32 v33, v30;
	[tilespmem:s3+$0xCCB0] =	vst v1  }
0x268: {  	v42 =	vld [tilespmem:s3+$0x4D10];
	v40 =	vunpack.i.u.bf16.f32 v28;
	v41 =	vadd.f32 v35, v36;
	[tilespmem:s3+$0xCCC0] =	vst v2  }
0x269: {  	v44 =	vld [tilespmem:s3+$0x4D20];
	v43 =	vadd.f32 v38, v40;
	[tilespmem:s3+$0xCCD0] =	vst v37  }
0x26a: {  	v45 =	vld [tilespmem:s3+$0x4D30];
	[tilespmem:s3+$0xCCE0] =	vst v41  }
0x26b: {  	v46 =	vld [tilespmem:s3+$0x4D40];
	[tilespmem:s3+$0xCCF0] =	vst v43;
	s1 =	spop (v2sf)  }
0x26c: {  	v47 =	vld [tilespmem:s1+$0x800]  }
0x26d: {  	v48 =	vld [tilespmem:s1+$0x810]  }
0x26e: {  	v49 =	vld [tilespmem:s1+$0x820]  }
0x26f: {  	v50 =	vld [tilespmem:s1+$0x830]  }
0x270: {  	(v2sf) =	vpush v0, $0x3;
	v51 =	vld [tilespmem:s1+$0x840]  }
0x271: {  	v52 =	vld [tilespmem:s3+$0x4D50]  }
0x272: {  	v54 =	vld [tilespmem:s1+$0x850];
	v53 =	vunpack.i.u.bf16.f32 v47;
	v5 =	vunpack.i.l.bf16.f32 v47  }
0x273: {  	v55 =	vld [tilespmem:s3+$0x4D60];
	v56 =	vunpack.i.u.bf16.f32 v48;
	v7 =	vunpack.i.l.bf16.f32 v48;
	v57 =	vunpack.i.u.bf16.f32 v49  }
0x274: {  	v59 =	vld [tilespmem:s1+$0x860];
	v8 =	vunpack.i.l.bf16.f32 v49;
	v58 =	vunpack.i.u.bf16.f32 v50;
	v5 =	vmul.f32 v5, v39  }
0x275: {  	v62 =	vld [tilespmem:s1+$0x870];
	v60 =	vunpack.i.l.bf16.f32 v50;
	v61 =	vunpack.i.u.bf16.f32 v51;
	v4 =	vmul.f32 v7, v42  }
0x276: {  	v63 =	vld [tilespmem:s3+$0x4D70];
	v10 =	vunpack.i.l.bf16.f32 v51;
	v3 =	vmul.f32 v8, v44;
	v5 =	vadd.f32 v5, v53  }
0x277: {  	v12 =	vunpack.i.u.bf16.f32 v54;
	v2 =	vmul.f32 v60, v45;
	v4 =	vadd.f32 v4, v56  }
0x278: {  	v13 =	vunpack.i.l.bf16.f32 v54;
	v1 =	vmul.f32 v10, v46;
	v3 =	vadd.f32 v3, v57;
	[tilespmem:s3+$0xCD00] =	vst v5  }
0x279: {  	v15 =	vunpack.i.l.bf16.f32 v59;
	v16 =	vmul.f32 v13, v52;
	v2 =	vadd.f32 v2, v58;
	[tilespmem:s3+$0xCD10] =	vst v4  }
0x27a: {  	v17 =	vunpack.i.l.bf16.f32 v62;
	v20 =	vmul.f32 v15, v55;
	v1 =	vadd.f32 v1, v61;
	[tilespmem:s3+$0xCD20] =	vst v3  }
0x27b: {  	v29 =	vld [tilespmem:s3+$0x4DA0];
	v21 =	vunpack.i.u.bf16.f32 v59;
	v23 =	vmul.f32 v17, v63;
	v22 =	vadd.f32 v16, v12;
	[tilespmem:s3+$0xCD30] =	vst v2  }
0x27c: {  	v31 =	vld [tilespmem:s3+$0x4DC0];
	v25 =	vunpack.i.u.bf16.f32 v62;
	v26 =	vadd.f32 v20, v21;
	[tilespmem:s3+$0xCD40] =	vst v1  }
0x27d: {  	v24 =	vld [tilespmem:s3+$0x4D80];
	v28 =	vadd.f32 v23, v25;
	[tilespmem:s3+$0xCD50] =	vst v22  }
0x27e: {  	v27 =	vld [tilespmem:s3+$0x4D90];
	[tilespmem:s3+$0xCD60] =	vst v26  }
0x27f: {  	v30 =	vld [tilespmem:s3+$0x4DB0];
	[tilespmem:s3+$0xCD70] =	vst v28;
	s1 =	spop (v2sf)  }
0x280: {  	v32 =	vld [tilespmem:s1+$0x800]  }
0x281: {  	v33 =	vld [tilespmem:s1+$0x810]  }
0x282: {  	v34 =	vld [tilespmem:s1+$0x820]  }
0x283: {  	v35 =	vld [tilespmem:s1+$0x830]  }
0x284: {  	(v2sf) =	vpush v0, $0x4;
	v36 =	vld [tilespmem:s1+$0x840]  }
0x285: {  	v40 =	vld [tilespmem:s3+$0x4DE0]  }
0x286: {  	v39 =	vld [tilespmem:s1+$0x850];
	v38 =	vunpack.i.u.bf16.f32 v32;
	v5 =	vunpack.i.l.bf16.f32 v32  }
0x287: {  	v37 =	vld [tilespmem:s3+$0x4DD0];
	v41 =	vunpack.i.u.bf16.f32 v33;
	v7 =	vunpack.i.l.bf16.f32 v33;
	v42 =	vunpack.i.u.bf16.f32 v34  }
0x288: {  	v44 =	vld [tilespmem:s1+$0x860];
	v8 =	vunpack.i.l.bf16.f32 v34;
	v43 =	vunpack.i.u.bf16.f32 v35;
	v5 =	vmul.f32 v5, v24  }
0x289: {  	v47 =	vld [tilespmem:s1+$0x870];
	v45 =	vunpack.i.l.bf16.f32 v35;
	v46 =	vunpack.i.u.bf16.f32 v36;
	v3 =	vmul.f32 v7, v27  }
0x28a: {  	v48 =	vld [tilespmem:s3+$0x4DF0];
	v10 =	vunpack.i.l.bf16.f32 v36;
	v4 =	vmul.f32 v8, v29;
	v5 =	vadd.f32 v5, v38  }
0x28b: {  	v49 =	vunpack.i.u.bf16.f32 v39;
	v1 =	vmul.f32 v45, v30;
	v3 =	vadd.f32 v3, v41  }
0x28c: {  	v50 =	vunpack.i.l.bf16.f32 v39;
	v2 =	vmul.f32 v10, v31;
	v4 =	vadd.f32 v4, v42;
	[tilespmem:s3+$0xCD80] =	vst v5  }
0x28d: {  	v51 =	vunpack.i.l.bf16.f32 v44;
	v52 =	vmul.f32 v50, v37;
	v1 =	vadd.f32 v1, v43;
	[tilespmem:s3+$0xCD90] =	vst v3  }
0x28e: {  	v53 =	vunpack.i.l.bf16.f32 v47;
	v54 =	vmul.f32 v51, v40;
	v2 =	vadd.f32 v2, v46;
	[tilespmem:s3+$0xCDA0] =	vst v4  }
0x28f: {  	v63 =	vld [tilespmem:s3+$0x4E20];
	v55 =	vunpack.i.u.bf16.f32 v44;
	v57 =	vmul.f32 v53, v48;
	v56 =	vadd.f32 v52, v49;
	[tilespmem:s3+$0xCDB0] =	vst v1  }
0x290: {  	v58 =	vld [tilespmem:s3+$0x4E00];
	v59 =	vunpack.i.u.bf16.f32 v47;
	v60 =	vadd.f32 v54, v55;
	[tilespmem:s3+$0xCDC0] =	vst v2  }
0x291: {  	v61 =	vld [tilespmem:s3+$0x4E10];
	v62 =	vadd.f32 v57, v59;
	[tilespmem:s3+$0xCDD0] =	vst v56  }
0x292: {  	v21 =	vld [tilespmem:s3+$0x4E30];
	[tilespmem:s3+$0xCDE0] =	vst v60  }
0x293: {  	v22 =	vld [tilespmem:s3+$0x4E40];
	[tilespmem:s3+$0xCDF0] =	vst v62;
	s1 =	spop (v2sf)  }
0x294: {  	v23 =	vld [tilespmem:s1+$0x800]  }
0x295: {  	v24 =	vld [tilespmem:s1+$0x810]  }
0x296: {  	v25 =	vld [tilespmem:s1+$0x820]  }
0x297: {  	v26 =	vld [tilespmem:s1+$0x830]  }
0x298: {  	(v2sf) =	vpush v0, $0x5;
	v27 =	vld [tilespmem:s1+$0x840]  }
0x299: {  	v28 =	vld [tilespmem:s3+$0x4E50]  }
0x29a: {  	v30 =	vld [tilespmem:s1+$0x850];
	v29 =	vunpack.i.u.bf16.f32 v23;
	v5 =	vunpack.i.l.bf16.f32 v23  }
0x29b: {  	v31 =	vld [tilespmem:s3+$0x4E60];
	v32 =	vunpack.i.u.bf16.f32 v24;
	v7 =	vunpack.i.l.bf16.f32 v24;
	v33 =	vunpack.i.u.bf16.f32 v25  }
0x29c: {  	v35 =	vld [tilespmem:s1+$0x860];
	v8 =	vunpack.i.l.bf16.f32 v25;
	v34 =	vunpack.i.u.bf16.f32 v26;
	v5 =	vmul.f32 v5, v58  }
0x29d: {  	v38 =	vld [tilespmem:s1+$0x870];
	v36 =	vunpack.i.l.bf16.f32 v26;
	v37 =	vunpack.i.u.bf16.f32 v27;
	v4 =	vmul.f32 v7, v61  }
0x29e: {  	v39 =	vld [tilespmem:s3+$0x4E70];
	v10 =	vunpack.i.l.bf16.f32 v27;
	v3 =	vmul.f32 v8, v63;
	v5 =	vadd.f32 v5, v29  }
0x29f: {  	v40 =	vunpack.i.u.bf16.f32 v30;
	v2 =	vmul.f32 v36, v21;
	v4 =	vadd.f32 v4, v32  }
0x2a0: {  	v41 =	vunpack.i.l.bf16.f32 v30;
	v1 =	vmul.f32 v10, v22;
	v3 =	vadd.f32 v3, v33;
	[tilespmem:s3+$0xCE00] =	vst v5  }
0x2a1: {  	v42 =	vunpack.i.l.bf16.f32 v35;
	v43 =	vmul.f32 v41, v28;
	v2 =	vadd.f32 v2, v34;
	[tilespmem:s3+$0xCE10] =	vst v4  }
0x2a2: {  	v44 =	vunpack.i.l.bf16.f32 v38;
	v45 =	vmul.f32 v42, v31;
	v1 =	vadd.f32 v1, v37;
	[tilespmem:s3+$0xCE20] =	vst v3  }
0x2a3: {  	v49 =	vld [tilespmem:s3+$0x4E80];
	v46 =	vunpack.i.u.bf16.f32 v35;
	v48 =	vmul.f32 v44, v39;
	v47 =	vadd.f32 v43, v40;
	[tilespmem:s3+$0xCE30] =	vst v2  }
0x2a4: {  	v52 =	vld [tilespmem:s3+$0x4E90];
	v50 =	vunpack.i.u.bf16.f32 v38;
	v51 =	vadd.f32 v45, v46;
	[tilespmem:s3+$0xCE40] =	vst v1  }
0x2a5: {  	v54 =	vld [tilespmem:s3+$0x4EA0];
	v53 =	vadd.f32 v48, v50;
	[tilespmem:s3+$0xCE50] =	vst v47  }
0x2a6: {  	v55 =	vld [tilespmem:s3+$0x4EB0];
	[tilespmem:s3+$0xCE60] =	vst v51  }
0x2a7: {  	v56 =	vld [tilespmem:s3+$0x4EC0];
	[tilespmem:s3+$0xCE70] =	vst v53;
	s1 =	spop (v2sf)  }
0x2a8: {  	v57 =	vld [tilespmem:s1+$0x800]  }
0x2a9: {  	v58 =	vld [tilespmem:s1+$0x810]  }
0x2aa: {  	v59 =	vld [tilespmem:s1+$0x820]  }
0x2ab: {  	v60 =	vld [tilespmem:s1+$0x830]  }
0x2ac: {  	(v2sf) =	vpush v0, $0x6;
	v61 =	vld [tilespmem:s1+$0x840]  }
0x2ad: {  	v62 =	vld [tilespmem:s3+$0x4ED0]  }
0x2ae: {  	v21 =	vld [tilespmem:s1+$0x850];
	v63 =	vunpack.i.u.bf16.f32 v57;
	v5 =	vunpack.i.l.bf16.f32 v57  }
0x2af: {  	v22 =	vld [tilespmem:s3+$0x4EE0];
	v23 =	vunpack.i.u.bf16.f32 v58;
	v7 =	vunpack.i.l.bf16.f32 v58;
	v24 =	vunpack.i.u.bf16.f32 v59  }
0x2b0: {  	v26 =	vld [tilespmem:s1+$0x860];
	v8 =	vunpack.i.l.bf16.f32 v59;
	v25 =	vunpack.i.u.bf16.f32 v60;
	v5 =	vmul.f32 v5, v49  }
0x2b1: {  	v29 =	vld [tilespmem:s1+$0x870];
	v27 =	vunpack.i.l.bf16.f32 v60;
	v28 =	vunpack.i.u.bf16.f32 v61;
	v3 =	vmul.f32 v7, v52  }
0x2b2: {  	v30 =	vld [tilespmem:s3+$0x4EF0];
	v10 =	vunpack.i.l.bf16.f32 v61;
	v4 =	vmul.f32 v8, v54;
	v5 =	vadd.f32 v5, v63  }
0x2b3: {  	v31 =	vunpack.i.u.bf16.f32 v21;
	v1 =	vmul.f32 v27, v55;
	v3 =	vadd.f32 v3, v23  }
0x2b4: {  	v32 =	vunpack.i.l.bf16.f32 v21;
	v2 =	vmul.f32 v10, v56;
	v4 =	vadd.f32 v4, v24;
	[tilespmem:s3+$0xCE80] =	vst v5  }
0x2b5: {  	v33 =	vunpack.i.l.bf16.f32 v26;
	v34 =	vmul.f32 v32, v62;
	v1 =	vadd.f32 v1, v25;
	[tilespmem:s3+$0xCE90] =	vst v3  }
0x2b6: {  	v35 =	vunpack.i.l.bf16.f32 v29;
	v36 =	vmul.f32 v33, v22;
	v2 =	vadd.f32 v2, v28;
	[tilespmem:s3+$0xCEA0] =	vst v4  }
0x2b7: {  	v40 =	vld [tilespmem:s3+$0x4F00];
	v37 =	vunpack.i.u.bf16.f32 v26;
	v39 =	vmul.f32 v35, v30;
	v38 =	vadd.f32 v34, v31;
	[tilespmem:s3+$0xCEB0] =	vst v1  }
0x2b8: {  	v43 =	vld [tilespmem:s3+$0x4F10];
	v41 =	vunpack.i.u.bf16.f32 v29;
	v42 =	vadd.f32 v36, v37;
	[tilespmem:s3+$0xCEC0] =	vst v2  }
0x2b9: {  	v45 =	vld [tilespmem:s3+$0x4F20];
	v44 =	vadd.f32 v39, v41;
	[tilespmem:s3+$0xCED0] =	vst v38  }
0x2ba: {  	v46 =	vld [tilespmem:s3+$0x4F30];
	[tilespmem:s3+$0xCEE0] =	vst v42  }
0x2bb: {  	v47 =	vld [tilespmem:s3+$0x4F40];
	[tilespmem:s3+$0xCEF0] =	vst v44;
	s1 =	spop (v2sf)  }
0x2bc: {  	v48 =	vld [tilespmem:s1+$0x800]  }
0x2bd: {  	v49 =	vld [tilespmem:s1+$0x810]  }
0x2be: {  	v50 =	vld [tilespmem:s1+$0x820]  }
0x2bf: {  	v51 =	vld [tilespmem:s1+$0x830]  }
0x2c0: {  	(v2sf) =	vpush v0, $0x7;
	v52 =	vld [tilespmem:s1+$0x840]  }
0x2c1: {  	v53 =	vld [tilespmem:s3+$0x4F50]  }
0x2c2: {  	v55 =	vld [tilespmem:s1+$0x850];
	v54 =	vunpack.i.u.bf16.f32 v48;
	v5 =	vunpack.i.l.bf16.f32 v48  }
0x2c3: {  	v56 =	vld [tilespmem:s3+$0x4F60];
	v57 =	vunpack.i.u.bf16.f32 v49;
	v7 =	vunpack.i.l.bf16.f32 v49;
	v58 =	vunpack.i.u.bf16.f32 v50  }
0x2c4: {  	v60 =	vld [tilespmem:s1+$0x860];
	v8 =	vunpack.i.l.bf16.f32 v50;
	v59 =	vunpack.i.u.bf16.f32 v51;
	v5 =	vmul.f32 v5, v40  }
0x2c5: {  	v63 =	vld [tilespmem:s1+$0x870];
	v61 =	vunpack.i.l.bf16.f32 v51;
	v62 =	vunpack.i.u.bf16.f32 v52;
	v4 =	vmul.f32 v7, v43  }
0x2c6: {  	v19 =	vld [tilespmem:s3+$0x4F70];
	v10 =	vunpack.i.l.bf16.f32 v52;
	v3 =	vmul.f32 v8, v45;
	v5 =	vadd.f32 v5, v54  }
0x2c7: {  	v20 =	vunpack.i.u.bf16.f32 v55;
	v2 =	vmul.f32 v61, v46;
	v4 =	vadd.f32 v4, v57  }
0x2c8: {  	v21 =	vunpack.i.l.bf16.f32 v55;
	v1 =	vmul.f32 v10, v47;
	v3 =	vadd.f32 v3, v58;
	[tilespmem:s3+$0xCF00] =	vst v5  }
0x2c9: {  	v22 =	vunpack.i.l.bf16.f32 v60;
	v0 =	vmul.f32 v21, v53;
	v2 =	vadd.f32 v2, v59;
	[tilespmem:s3+$0xCF10] =	vst v4  }
0x2ca: {  	v23 =	vunpack.i.l.bf16.f32 v63;
	v24 =	vmul.f32 v22, v56;
	v1 =	vadd.f32 v1, v62;
	[tilespmem:s3+$0xCF20] =	vst v3  }
0x2cb: {  	v27 =	vld [tilespmem:s3+$0x4F80];
	v25 =	vunpack.i.u.bf16.f32 v60;
	v26 =	vmul.f32 v23, v19;
	v0 =	vadd.f32 v0, v20;
	[tilespmem:s3+$0xCF30] =	vst v2  }
0x2cc: {  	v30 =	vld [tilespmem:s3+$0x4F90];
	v28 =	vunpack.i.u.bf16.f32 v63;
	v29 =	vadd.f32 v24, v25;
	[tilespmem:s3+$0xCF40] =	vst v1  }
0x2cd: {  	v32 =	vld [tilespmem:s3+$0x4FA0];
	v31 =	vadd.f32 v26, v28;
	[tilespmem:s3+$0xCF50] =	vst v0  }
0x2ce: {  	v33 =	vld [tilespmem:s3+$0x4FB0];
	[tilespmem:s3+$0xCF60] =	vst v29  }
0x2cf: {  	v34 =	vld [tilespmem:s3+$0x4FC0];
	[tilespmem:s3+$0xCF70] =	vst v31;
	s1 =	spop (v2sf)  }
0x2d0: {  	v35 =	vld [tilespmem:s1+$0x800]  }
0x2d1: {  	v36 =	vld [tilespmem:s1+$0x810]  }
0x2d2: {  	v37 =	vld [tilespmem:s1+$0x820]  }
0x2d3: {  	v38 =	vld [tilespmem:s1+$0x830]  }
0x2d4: {  	v39 =	vld [tilespmem:s1+$0x840]  }
0x2d5: {  	v40 =	vld [tilespmem:s3+$0x4FD0]  }
0x2d6: {  	v42 =	vld [tilespmem:s1+$0x850];
	v41 =	vunpack.i.u.bf16.f32 v35;
	v5 =	vunpack.i.l.bf16.f32 v35  }
0x2d7: {  	v43 =	vld [tilespmem:s3+$0x4FE0];
	v44 =	vunpack.i.u.bf16.f32 v36;
	v6 =	vunpack.i.l.bf16.f32 v36;
	v45 =	vunpack.i.u.bf16.f32 v37  }
0x2d8: {  	v47 =	vld [tilespmem:s1+$0x860];
	v7 =	vunpack.i.l.bf16.f32 v37;
	v46 =	vunpack.i.u.bf16.f32 v38;
	v4 =	vmul.f32 v5, v27  }
0x2d9: {  	v50 =	vld [tilespmem:s1+$0x870];
	v48 =	vunpack.i.l.bf16.f32 v38;
	v49 =	vunpack.i.u.bf16.f32 v39;
	v3 =	vmul.f32 v6, v30  }
0x2da: {  	v51 =	vld [tilespmem:s3+$0x4FF0];
	v9 =	vunpack.i.l.bf16.f32 v39;
	v2 =	vmul.f32 v7, v32;
	v4 =	vadd.f32 v4, v41  }
0x2db: {  	v52 =	vunpack.i.u.bf16.f32 v42;
	v1 =	vmul.f32 v48, v33;
	v3 =	vadd.f32 v3, v44  }
0x2dc: {  	v53 =	vunpack.i.l.bf16.f32 v42;
	v0 =	vmul.f32 v9, v34;
	v2 =	vadd.f32 v2, v45;
	[tilespmem:s3+$0xCF80] =	vst v4  }
0x2dd: {  	v54 =	vunpack.i.l.bf16.f32 v47;
	v55 =	vmul.f32 v53, v40;
	v1 =	vadd.f32 v1, v46;
	[tilespmem:s3+$0xCF90] =	vst v3  }
0x2de: {  	p1 =	sne.s32 s0, $0xF000;
	v56 =	vunpack.i.l.bf16.f32 v50;
	v57 =	vmul.f32 v54, v43;
	v0 =	vadd.f32 v0, v49;
	[tilespmem:s3+$0xCFA0] =	vst v2  }
.Ltmp4:
0x2df: {  	v58 =	vunpack.i.u.bf16.f32 v47;
	v60 =	vmul.f32 v56, v51;
	v59 =	vadd.f32 v55, v52;
	[tilespmem:s3+$0xCFB0] =	vst v1;
	(pc) =	sbr.rel @p1 .LBB2_7-.Ltmp4, $4  }
0x2e0: {  	v61 =	vunpack.i.u.bf16.f32 v50;
	v62 =	vadd.f32 v57, v58;
	[tilespmem:s3+$0xCFC0] =	vst v0  }
0x2e1: {  	v63 =	vadd.f32 v60, v61;
	[tilespmem:s3+$0xCFD0] =	vst v59  }
0x2e2: {  	[tilespmem:s3+$0xCFE0] =	vst v62  }
0x2e3: {  	s31 =	sadd.s32 $0x8, s31;
	s0 =	sadd.s32 $0x1000, s0;
	[tilespmem:s3+$0xCFF0] =	vst v63  }
.Ltmp5:
0x2e4: {  	(pc) =	sbr.rel @!p0 .LBB2_10-.Ltmp5, $2  }
0x2e5: {  	_ =	sdelay $0x2  }
0x2e6: {  	s0 =	sadd.s32 s15, s30  }
0x2e7: {  	[tilespmem:s20], [sflag:$0x2] =	stream.linear.gather [hbm4b:s12+s4], $0x4000, $0x38;
	[tilespmem:$0x10E00] =	vst v63  }
.Ltmp6:
0x2e8: {  	_ = 	snop;
	(pc) =	sbr.rel .LBB2_4-.Ltmp6, $4  }
0x2e9: {  	_ = 	snop  }
0x2ea: {  	[tilespmem:s21], [sflag:$0x2] =	stream.linear.gather [hbm4b:s13+s4], $0x80, $0x38;
	[tilespmem:$0x10E00] =	vst v63  }
0x2eb: {  	s30 =	simm.s32 $0x1000;
	p0 =	por $0x0, $0x0;
	p1 =	por $0x1, $0x1  }
0x2ec: {  	[hbm4b:s0+s4] =	stream.linear.scatter [tilespmem:s25], [sflag:$0x4], $0x4000, $0x38;
	[tilespmem:$0x10E00] =	vst v63  }
.LBB2_11:
0x2ed: {  	_ =	sfence.sel $0x180000  }
0x2ee: {  	[bflag:$0x0] =	sbarrier.arrive $0xFFFF  }
0x2ef: {  	_ =	strace $0x90000047  }
0x2f0: {  	s0 =	stileid.u32;
	[bflag:$0x2] =	sbarrier.arrive $0xFFFF  }
0x2f1: {  	p0 =	sne.s32 s0, $0x0;
	s0 =	rddreg [dreg:$0x5]  }
0x2f2: {  	s0 =	sadd.s32 @!p0 $0x100000, s0  }
0x2f3: {  	[sflag:s0] =	ssyncadd.tile.s32 @!p0 $0x1;
	_ =	shalt  }
.Lfunc_end2:
_tile_overlayer_lowered:
.L_overlay_start_2:
0x2f4: {  	(tag) =	ssettag $0x2  }
0x2f5: {  	s0 =	rddreg [dreg:$0x0];
	s2 =	stileid.u32  }
0x2f6: {  	s1 =	rddreg [dreg:$0x1];
	p0 =	sne.s32 s2, $0x0  }
0x2f7: {  	s3 =	rddreg [dreg:$0x2];
	[bflag:$0x3] =	sbarrier.arrive $0xFFFF;
	s2 =	simm.s32 @!p0 $0x1C05  }
0x2f8: {  	[timem:s3], [sflag:s2] =	dma.local @!p0 [hbm:s0], s1  }
0x2f9: {  	s0 =	simm.s32 @!p0 $0x5  }
0x2fa: {  	_ =	swait.ge @!p0 [sflag:s0], s1  }
0x2fb: {  	s1 =	ssub.s32 @!p0 $0x0, s1;
	[sflag:s0] =	ssyncset.done @!p0 $0x0  }
0x2fc: {  	[sflag:s0] =	ssyncadd.s32 @!p0 s1  }
0x2fd: {  	[bflag:$0x3] =	sbarrier.arrive $0xFFFF  }
0x2fe: {  	_ =	shalt  }

</sc_bundles>
